<compile_context>
chip_gen: v7x
topology: tpu7x:2x2x1
jax: 0.10.2.dev20260603
libtpu: 0.0.44.dev20260713+nightly
codegen_flags: <defaults>
</compile_context>

<pallas_src>
import functools

import jax
import jax.numpy as jnp
from jax import lax
from jax.experimental import pallas as pl
from jax.experimental.pallas import tpu as pltpu
from jax.experimental.pallas import tpu_sc as plsc

N = 10000
R = 10240
DIN = 128
H = 64
G = 16
NC = 2
NS = 16
NW = NC * NS
EB = 128
BR = 1024
RPT = R // NS
NBUF = 3


def _make_seg_sum(with_deg: bool, K: int):
    mesh = plsc.VectorSubcoreMesh(
        core_axis_name="c", subcore_axis_name="s", num_cores=NC, num_subcores=NS
    )
    out_type = [jax.ShapeDtypeStruct((NC, R, H), jnp.float32)]
    if with_deg:
        out_type.append(jax.ShapeDtypeStruct((NC, R), jnp.float32))

    scratch = [
        pltpu.VMEM((K, EB), jnp.int32),
        pltpu.VMEM((K, EB), jnp.int32),
        [pltpu.VMEM((EB, H), jnp.float32) for _ in range(NBUF)],
        pltpu.VMEM_SHARED((R, H), jnp.float32),
        pltpu.VMEM_SHARED((R, H), jnp.float32),
        [pltpu.SemaphoreType.DMA for _ in range(NBUF)],
        pltpu.SemaphoreType.DMA,
    ]
    if with_deg:
        scratch += [
            pltpu.VMEM((EB,), jnp.float32),
            pltpu.VMEM((EB,), jnp.float32),
            pltpu.VMEM_SHARED((R,), jnp.float32),
        ]

    def body(*refs):
        if with_deg:
            (h_hbm, src_hbm, dst_hbm, zrows, zdeg, ones_hbm,
             out_s, out_deg,
             src_v, dst_v, rows, acc, h_sp, sems, ssem,
             ones_v, deg_stage, deg_acc) = refs
        else:
            (h_hbm, src_hbm, dst_hbm, zrows,
             out_s,
             src_v, dst_v, rows, acc, h_sp, sems, ssem) = refs

        cid = lax.axis_index("c")
        sid = lax.axis_index("s")
        wid = sid * NC + cid

        pltpu.sync_copy(src_hbm.at[wid], src_v)
        pltpu.sync_copy(dst_hbm.at[wid], dst_v)
        pltpu.sync_copy(zrows, rows[0])
        for c in range(RPT // EB):
            pltpu.sync_copy(rows[0], acc.at[pl.ds(sid * RPT + c * EB, EB)])
        for c in range(RPT // EB):
            csl = pl.ds(sid * RPT + c * EB, EB)
            pltpu.sync_copy(h_hbm.at[csl], rows[1])
            pltpu.sync_copy(rows[1], h_sp.at[csl])
        if with_deg:
            pltpu.sync_copy(zdeg, deg_stage)
            for c in range(RPT // EB):
                pltpu.sync_copy(deg_stage,
                                deg_acc.at[pl.ds(sid * RPT + c * EB, EB)])
            pltpu.sync_copy(ones_hbm, ones_v)
        plsc.subcore_barrier()

        assert K % NBUF == 0 and K // NBUF >= 3

        def g_issue(j, sl):
            pltpu.async_copy(h_sp.at[src_v.at[j]], rows[sl], sems[sl])

        def g_wait(j, sl):
            pltpu.make_async_copy(h_sp.at[src_v.at[j]], rows[sl],
                                  sems[sl]).wait()

        def s_issue(j, sl):
            pltpu.async_copy(rows[sl], acc.at[dst_v.at[j]], ssem,
                             add=True)
            if with_deg:
                pltpu.sync_copy(ones_v, deg_acc.at[dst_v.at[j]], add=True)

        def s_wait(j, sl):
            pltpu.make_async_copy(rows[sl], acc.at[dst_v.at[j]],
                                  ssem).wait()

        g_issue(0, 0)
        g_issue(1, 1)
        g_wait(0, 0); s_issue(0, 0); g_issue(2, 2)
        g_wait(1, 1); s_wait(0, 0); s_issue(1, 1); g_issue(3, 0)
        g_wait(2, 2); s_wait(1, 1); s_issue(2, 2); g_issue(4, 1)

        def step(g, carry):
            for b in range(NBUF):
                j = g * NBUF + b
                g_wait(j, b)
                s_wait(j - 1, (b - 1) % NBUF)
                s_issue(j, b)
                g_issue(j + 2, (b + 2) % NBUF)
            return carry

        lax.fori_loop(1, K // NBUF - 1, step, 0)
        b3 = (K - 3) % NBUF
        g_wait(K - 3, b3); s_wait(K - 4, (b3 - 1) % NBUF)
        s_issue(K - 3, b3); g_issue(K - 1, (b3 + 2) % NBUF)
        g_wait(K - 2, (b3 + 1) % NBUF); s_wait(K - 3, b3)
        s_issue(K - 2, (b3 + 1) % NBUF)
        g_wait(K - 1, (b3 + 2) % NBUF); s_wait(K - 2, (b3 + 1) % NBUF)
        s_issue(K - 1, (b3 + 2) % NBUF)
        s_wait(K - 1, (b3 + 2) % NBUF)
        plsc.subcore_barrier()

        for c in range(RPT // EB):
            csl = pl.ds(sid * RPT + c * EB, EB)
            pltpu.sync_copy(acc.at[csl], rows[c % NBUF])
            pltpu.sync_copy(rows[c % NBUF], out_s.at[cid, csl])
        if with_deg:
            for c in range(RPT // EB):
                csl = pl.ds(sid * RPT + c * EB, EB)
                pltpu.sync_copy(deg_acc.at[csl], deg_stage)
                pltpu.sync_copy(deg_stage, out_deg.at[cid, csl])

    return pl.kernel(body, out_type=tuple(out_type), mesh=mesh,
                     scratch_types=scratch,
                     compiler_params=pltpu.CompilerParams(
                         use_tc_tiling_on_sc=False))


def _proj_body(x_ref, w_ref, b_ref, o_ref):
    o_ref[...] = jnp.maximum(
        jnp.dot(x_ref[...], w_ref[...], preferred_element_type=jnp.float32)
        + b_ref[...][None, :], 0.0)


def _proj(x_pad, fc_W, fc_b):
    return pl.pallas_call(
        _proj_body,
        out_shape=jax.ShapeDtypeStruct((R, H), jnp.float32),
        grid=(R // BR,),
        in_specs=[
            pl.BlockSpec((BR, DIN), lambda i: (i, 0)),
            pl.BlockSpec((DIN, H), lambda i: (0, 0)),
            pl.BlockSpec((H,), lambda i: (0,)),
        ],
        out_specs=pl.BlockSpec((BR, H), lambda i: (i, 0)),
    )(x_pad, fc_W, fc_b)


def _layer_body(norm, s0_ref, s1_ref, d0_ref, d1_ref, h_ref,
                wl_ref, wr_ref, b_ref, g_ref, be_ref, o_ref):
    s = s0_ref[...] + s1_ref[...]
    deg = d0_ref[...] + d1_ref[...]
    recip = 1.0 / jnp.maximum(deg, 1.0)
    mean = s * recip
    z = (jnp.dot(mean, wl_ref[...], preferred_element_type=jnp.float32)
         + jnp.dot(h_ref[...], wr_ref[...], preferred_element_type=jnp.float32)
         + b_ref[...][None, :])
    if norm:
        mu = jnp.mean(z, axis=-1, keepdims=True)
        var = jnp.mean((z - mu) ** 2, axis=-1, keepdims=True)
        z = (z - mu) * lax.rsqrt(var + 1e-5) * g_ref[...][None, :] \
            + be_ref[...][None, :]
        z = jnp.maximum(z, 0.0)
    o_ref[...] = z


def _layer(s_parts, deg_parts, h, Wl, Wr, b, g, be, norm):
    d2 = deg_parts[:, :, None]
    return pl.pallas_call(
        functools.partial(_layer_body, norm),
        out_shape=jax.ShapeDtypeStruct((R, H), jnp.float32),
        grid=(R // BR,),
        in_specs=[
            pl.BlockSpec((BR, H), lambda i: (i, 0)),
            pl.BlockSpec((BR, H), lambda i: (i, 0)),
            pl.BlockSpec((BR, 1), lambda i: (i, 0)),
            pl.BlockSpec((BR, 1), lambda i: (i, 0)),
            pl.BlockSpec((BR, H), lambda i: (i, 0)),
            pl.BlockSpec((H, H), lambda i: (0, 0)),
            pl.BlockSpec((H, H), lambda i: (0, 0)),
            pl.BlockSpec((H,), lambda i: (0,)),
            pl.BlockSpec((H,), lambda i: (0,)),
            pl.BlockSpec((H,), lambda i: (0,)),
        ],
        out_specs=pl.BlockSpec((BR, H), lambda i: (i, 0)),
    )(s_parts[0], s_parts[1], d2[0], d2[1], h, Wl, Wr, b, g, be)


def _final_body(s0_ref, s1_ref, d0_ref, d1_ref, h_ref,
                wl_ref, wr_ref, b_ref, batch_ref, o_ref, g_ref):
    i = pl.program_id(0)
    s = s0_ref[...] + s1_ref[...]
    deg = d0_ref[...] + d1_ref[...]
    recip = 1.0 / jnp.maximum(deg, 1.0)
    mean = s * recip
    z = (jnp.dot(mean, wl_ref[...], preferred_element_type=jnp.float32)
         + jnp.dot(h_ref[...], wr_ref[...], preferred_element_type=jnp.float32)
         + b_ref[...][None, :])
    o_ref[...] = z
    onehot = (lax.broadcasted_iota(jnp.int32, (G, BR), 0)
              == batch_ref[...][None, :]).astype(jnp.float32)
    part = jnp.dot(onehot, z, preferred_element_type=jnp.float32)

    @pl.when(i == 0)
    def _():
        g_ref[...] = jnp.zeros_like(g_ref)

    g_ref[...] += part


def _final(s_parts, deg_parts, h, Wl, Wr, b, batch_pad):
    d2 = deg_parts[:, :, None]
    return pl.pallas_call(
        _final_body,
        out_shape=(jax.ShapeDtypeStruct((R, H), jnp.float32),
                   jax.ShapeDtypeStruct((G, H), jnp.float32)),
        grid=(R // BR,),
        in_specs=[
            pl.BlockSpec((BR, H), lambda i: (i, 0)),
            pl.BlockSpec((BR, H), lambda i: (i, 0)),
            pl.BlockSpec((BR, 1), lambda i: (i, 0)),
            pl.BlockSpec((BR, 1), lambda i: (i, 0)),
            pl.BlockSpec((BR, H), lambda i: (i, 0)),
            pl.BlockSpec((H, H), lambda i: (0, 0)),
            pl.BlockSpec((H, H), lambda i: (0, 0)),
            pl.BlockSpec((H,), lambda i: (0,)),
            pl.BlockSpec((BR,), lambda i: (i,)),
        ],
        out_specs=(pl.BlockSpec((BR, H), lambda i: (i, 0)),
                   pl.BlockSpec((G, H), lambda i: (0, 0))),
    )(s_parts[0], s_parts[1], d2[0], d2[1], h, Wl, Wr, b, batch_pad)


def kernel(x, edge_index, batch, fc_W, fc_b, Wl0, Wr0, b0, g0, be0,
           Wl1, Wr1, b1, g1, be1, Wl2, Wr2, b2):
    E = edge_index.shape[1]
    K = -(-E // (NW * EB))
    K = -(-K // NBUF) * NBUF
    E_pad = NW * EB * K
    pad = E_pad - E

    src = edge_index[0]
    dst = edge_index[1]
    if pad:
        src = jnp.concatenate([src, jnp.zeros((pad,), jnp.int32)])
        dst = jnp.concatenate(
            [dst, N + (jnp.arange(pad, dtype=jnp.int32) % (R - N))])
    src_w = src.reshape(NW, K, EB)
    dst_w = dst.reshape(NW, K, EB)

    x_pad = jnp.pad(x, ((0, R - N), (0, 0)))
    batch_pad = jnp.pad(batch, (0, R - N), constant_values=G)

    zrows = jnp.zeros((EB, H), jnp.float32)
    zdeg = jnp.zeros((EB,), jnp.float32)
    ones = jnp.ones((EB,), jnp.float32)

    seg_deg = _make_seg_sum(True, K)
    seg = _make_seg_sum(False, K)

    h = _proj(x_pad, fc_W, fc_b)

    s_parts, deg_parts = seg_deg(h, src_w, dst_w, zrows, zdeg, ones)
    h = _layer(s_parts, deg_parts, h, Wl0, Wr0, b0, g0, be0, True)

    (s_parts,) = seg(h, src_w, dst_w, zrows)
    h = _layer(s_parts, deg_parts, h, Wl1, Wr1, b1, g1, be1, True)

    (s_parts,) = seg(h, src_w, dst_w, zrows)
    node_full, graph_embed = _final(s_parts, deg_parts, h, Wl2, Wr2, b2,
                                    batch_pad)

    return node_full[:N], graph_embed

# --- scband reference (transcript-rebuilt; emitter-appended) ---
"""Pipeline reference for scband-simple-net-79302276153656 (READ-ONLY COPY).

The authoritative reference and input builder live on the scoring server;
editing this copy changes nothing except your own understanding.
"""

import jax, jax.numpy as jnp
import numpy as np

N = 10000
E = 320000
DIN = 128
H = 64
G = 16


def setup_inputs(seed: int = 0) -> dict:
    key = jax.random.key(seed)
    ks = jax.random.split(key, 24)
    x = jax.random.normal(ks[0], (N, DIN), dtype=jnp.float32)
    edge_index = jax.random.randint(ks[1], (2, E), 0, N, dtype=jnp.int32)
    batch = jnp.sort(jax.random.randint(ks[2], (N,), 0, G, dtype=jnp.int32))
    def lin(k, fan_in, shape):
        return jax.random.normal(k, shape, dtype=jnp.float32) * (1.0 / np.sqrt(fan_in))
    inp = {
        'x': x,
        'edge_index': edge_index,
        'batch': batch,
        'fc_W': lin(ks[3], DIN, (DIN, H)),
        'fc_b': jnp.zeros((H,), jnp.float32),
        'Wl0': lin(ks[4], H, (H, H)), 'Wr0': lin(ks[5], H, (H, H)), 'b0': jnp.zeros((H,), jnp.float32),
        'g0': jnp.ones((H,), jnp.float32), 'be0': jnp.zeros((H,), jnp.float32),
        'Wl1': lin(ks[6], H, (H, H)), 'Wr1': lin(ks[7], H, (H, H)), 'b1': jnp.zeros((H,), jnp.float32),
        'g1': jnp.ones((H,), jnp.float32), 'be1': jnp.zeros((H,), jnp.float32),
        'Wl2': lin(ks[8], H, (H, H)), 'Wr2': lin(ks[9], H, (H, H)), 'b2': jnp.zeros((H,), jnp.float32),
    }
    return inp


def _sage_conv(h, Wl, Wr, b, src, dst):
    # mean aggregation of neighbor messages, then lin_l(aggr) + lin_r(self)
    msg = h[src]
    s = jax.ops.segment_sum(msg, dst, num_segments=N)
    deg = jax.ops.segment_sum(jnp.ones((E, 1), jnp.float32), dst, num_segments=N)
    mean = s / jnp.maximum(deg, 1.0)
    return mean @ Wl + h @ Wr + b


def _layer_norm(h, g, b):
    mu = jnp.mean(h, axis=-1, keepdims=True)
    var = jnp.var(h, axis=-1, keepdims=True)
    return (h - mu) / jnp.sqrt(var + 1e-5) * g + b


def reference(x, edge_index, batch, fc_W, fc_b, Wl0, Wr0, b0, g0, be0, Wl1, Wr1, b1, g1, be1, Wl2, Wr2, b2):
    src = edge_index[0]
    dst = edge_index[1]
    h = jax.nn.relu(x @ fc_W + fc_b)
    # layer 0
    h = _sage_conv(h, Wl0, Wr0, b0, src, dst)
    h = jax.nn.relu(_layer_norm(h, g0, be0))
    # layer 1
    h = _sage_conv(h, Wl1, Wr1, b1, src, dst)
    h = jax.nn.relu(_layer_norm(h, g1, be1))
    # layer 2 (output layer, no norm/act)
    node_embed = _sage_conv(h, Wl2, Wr2, b2, src, dst)
    # graph pooling: 'add'
    graph_embed = jax.ops.segment_sum(node_embed, batch, num_segments=G)
    return node_embed, graph_embed

if __name__ == "__main__":
    import jax
    _d = setup_inputs()
    print(jax.jit(kernel)(*tuple(_d.values())))

</pallas_src>

<mosaic_0001>
#map = affine_map<(d0, d1) -> (0, 0)>
#map1 = affine_map<(d0, d1) -> (0, 0, 0)>
#map2 = affine_map<(d0, d1) -> (0)>
module attributes {stable_mosaic.version = 14 : i64} {
  func.func @body(%arg0: i32, %arg1: i32, %arg2: memref<10240x64xf32, #tpu.memory_space<hbm>>, %arg3: memref<32x81x128xi32, #tpu.memory_space<hbm>>, %arg4: memref<32x81x128xi32, #tpu.memory_space<hbm>>, %arg5: memref<128x64xf32, #tpu.memory_space<hbm>>, %arg6: memref<128xf32, #tpu.memory_space<hbm>>, %arg7: memref<128xf32, #tpu.memory_space<hbm>>, %arg8: memref<2x10240x64xf32, #tpu.memory_space<hbm>>, %arg9: memref<2x10240xf32, #tpu.memory_space<hbm>>, %arg10: memref<81x128xi32, #tpu.memory_space<vmem>>, %arg11: memref<81x128xi32, #tpu.memory_space<vmem>>, %arg12: memref<128x64xf32, #tpu.memory_space<vmem>>, %arg13: memref<128x64xf32, #tpu.memory_space<vmem>>, %arg14: memref<128x64xf32, #tpu.memory_space<vmem>>, %arg15: memref<10240x64xf32, #tpu.memory_space<vmem_shared>>, %arg16: memref<10240x64xf32, #tpu.memory_space<vmem_shared>>, %arg17: memref<!tpu.dma_semaphore, #tpu.memory_space<semaphore_mem>>, %arg18: memref<!tpu.dma_semaphore, #tpu.memory_space<semaphore_mem>>, %arg19: memref<!tpu.dma_semaphore, #tpu.memory_space<semaphore_mem>>, %arg20: memref<!tpu.dma_semaphore, #tpu.memory_space<semaphore_mem>>, %arg21: memref<128xf32, #tpu.memory_space<vmem>>, %arg22: memref<128xf32, #tpu.memory_space<vmem>>, %arg23: memref<10240xf32, #tpu.memory_space<vmem_shared>>) attributes {dimension_semantics = [#tpu.dimension_semantics<core_parallel>, #tpu.dimension_semantics<subcore_parallel>], iteration_bounds = array<i64: 2, 16>, scalar_prefetch = 0 : i64, scratch_operands = 14 : i64, tpu.core_type = #tpu.core_type<sc_vector_subcore>, window_params = [{transform_indices = #map}, {transform_indices = #map1}, {transform_indices = #map1}, {transform_indices = #map}, {transform_indices = #map2}, {transform_indices = #map2}, {transform_indices = #map1}, {transform_indices = #map}]} {
    %mul3A = arith.constant 2 : i32
    %mul3A_0 = arith.muli %arg1, %mul3A : i32
    %add3A = arith.addi %mul3A_0, %arg0 : i32
    "tpu.region"() ({
      %run_scoped3A_278 = tpu.sem_alloc : memref<!tpu.dma_semaphore, #tpu.memory_space<semaphore_mem>>
      %dma_start3A_279 = arith.constant 0 : i32
      %dma_start3A_280 = arith.constant 0 : i32
      %dma_start3A_281 = tpu.memref_slice %arg3[%add3A, %dma_start3A_279, %dma_start3A_280] : memref<32x81x128xi32, #tpu.memory_space<hbm>> -> memref<1x81x128xi32, #tpu.memory_space<hbm>>
      %dma_start3A_282 = tpu.memref_squeeze %dma_start3A_281 : memref<1x81x128xi32, #tpu.memory_space<hbm>> -> memref<81x128xi32, #tpu.memory_space<hbm>>
      %dma_start3A_283 = arith.constant 0 : i32
      %dma_start3A_284 = arith.constant 0 : i32
      %dma_start3A_285 = tpu.memref_slice %arg3[%add3A, %dma_start3A_283, %dma_start3A_284] : memref<32x81x128xi32, #tpu.memory_space<hbm>> -> memref<1x81x128xi32, #tpu.memory_space<hbm>>
      %dma_start3A_286 = tpu.memref_squeeze %dma_start3A_285 : memref<1x81x128xi32, #tpu.memory_space<hbm>> -> memref<81x128xi32, #tpu.memory_space<hbm>>
      tpu.enqueue_dma source(%dma_start3A_286 : memref<81x128xi32, #tpu.memory_space<hbm>>) target(%arg10 : memref<81x128xi32, #tpu.memory_space<vmem>>) target_semaphore(%run_scoped3A_278 : memref<!tpu.dma_semaphore, #tpu.memory_space<semaphore_mem>>)
      %dma_wait3A_287 = arith.constant 0 : i32
      %dma_wait3A_288 = arith.constant 0 : i32
      %dma_wait3A_289 = tpu.memref_slice %arg3[%add3A, %dma_wait3A_287, %dma_wait3A_288] : memref<32x81x128xi32, #tpu.memory_space<hbm>> -> memref<1x81x128xi32, #tpu.memory_space<hbm>>
      %dma_wait3A_290 = tpu.memref_squeeze %dma_wait3A_289 : memref<1x81x128xi32, #tpu.memory_space<hbm>> -> memref<81x128xi32, #tpu.memory_space<hbm>>
      %dma_wait3A_291 = arith.constant 0 : i32
      %dma_wait3A_292 = arith.constant 0 : i32
      %dma_wait3A_293 = tpu.memref_slice %arg3[%add3A, %dma_wait3A_291, %dma_wait3A_292] : memref<32x81x128xi32, #tpu.memory_space<hbm>> -> memref<1x81x128xi32, #tpu.memory_space<hbm>>
      %dma_wait3A_294 = tpu.memref_squeeze %dma_wait3A_293 : memref<1x81x128xi32, #tpu.memory_space<hbm>> -> memref<81x128xi32, #tpu.memory_space<hbm>>
      tpu.wait_dma2 semaphore(%run_scoped3A_278 : memref<!tpu.dma_semaphore, #tpu.memory_space<semaphore_mem>>) src(%dma_wait3A_294 : memref<81x128xi32, #tpu.memory_space<hbm>>) dst(%arg10 : memref<81x128xi32, #tpu.memory_space<vmem>>)
      tpu.yield
    }) : () -> ()
    "tpu.region"() ({
      %run_scoped3A_278 = tpu.sem_alloc : memref<!tpu.dma_semaphore, #tpu.memory_space<semaphore_mem>>
      %dma_start3A_279 = arith.constant 0 : i32
      %dma_start3A_280 = arith.constant 0 : i32
      %dma_start3A_281 = tpu.memref_slice %arg4[%add3A, %dma_start3A_279, %dma_start3A_280] : memref<32x81x128xi32, #tpu.memory_space<hbm>> -> memref<1x81x128xi32, #tpu.memory_space<hbm>>
      %dma_start3A_282 = tpu.memref_squeeze %dma_start3A_281 : memref<1x81x128xi32, #tpu.memory_space<hbm>> -> memref<81x128xi32, #tpu.memory_space<hbm>>
      %dma_start3A_283 = arith.constant 0 : i32
      %dma_start3A_284 = arith.constant 0 : i32
      %dma_start3A_285 = tpu.memref_slice %arg4[%add3A, %dma_start3A_283, %dma_start3A_284] : memref<32x81x128xi32, #tpu.memory_space<hbm>> -> memref<1x81x128xi32, #tpu.memory_space<hbm>>
      %dma_start3A_286 = tpu.memref_squeeze %dma_start3A_285 : memref<1x81x128xi32, #tpu.memory_space<hbm>> -> memref<81x128xi32, #tpu.memory_space<hbm>>
      tpu.enqueue_dma source(%dma_start3A_286 : memref<81x128xi32, #tpu.memory_space<hbm>>) target(%arg11 : memref<81x128xi32, #tpu.memory_space<vmem>>) target_semaphore(%run_scoped3A_278 : memref<!tpu.dma_semaphore, #tpu.memory_space<semaphore_mem>>)
      %dma_wait3A_287 = arith.constant 0 : i32
      %dma_wait3A_288 = arith.constant 0 : i32
      %dma_wait3A_289 = tpu.memref_slice %arg4[%add3A, %dma_wait3A_287, %dma_wait3A_288] : memref<32x81x128xi32, #tpu.memory_space<hbm>> -> memref<1x81x128xi32, #tpu.memory_space<hbm>>
      %dma_wait3A_290 = tpu.memref_squeeze %dma_wait3A_289 : memref<1x81x128xi32, #tpu.memory_space<hbm>> -> memref<81x128xi32, #tpu.memory_space<hbm>>
      %dma_wait3A_291 = arith.constant 0 : i32
      %dma_wait3A_292 = arith.constant 0 : i32
      %dma_wait3A_293 = tpu.memref_slice %arg4[%add3A, %dma_wait3A_291, %dma_wait3A_292] : memref<32x81x128xi32, #tpu.memory_space<hbm>> -> memref<1x81x128xi32, #tpu.memory_space<hbm>>
      %dma_wait3A_294 = tpu.memref_squeeze %dma_wait3A_293 : memref<1x81x128xi32, #tpu.memory_space<hbm>> -> memref<81x128xi32, #tpu.memory_space<hbm>>
      tpu.wait_dma2 semaphore(%run_scoped3A_278 : memref<!tpu.dma_semaphore, #tpu.memory_space<semaphore_mem>>) src(%dma_wait3A_294 : memref<81x128xi32, #tpu.memory_space<hbm>>) dst(%arg11 : memref<81x128xi32, #tpu.memory_space<vmem>>)
      tpu.yield
    }) : () -> ()
    "tpu.region"() ({
      %run_scoped3A_278 = tpu.sem_alloc : memref<!tpu.dma_semaphore, #tpu.memory_space<semaphore_mem>>
      tpu.enqueue_dma source(%arg5 : memref<128x64xf32, #tpu.memory_space<hbm>>) target(%arg12 : memref<128x64xf32, #tpu.memory_space<vmem>>) target_semaphore(%run_scoped3A_278 : memref<!tpu.dma_semaphore, #tpu.memory_space<semaphore_mem>>)
      tpu.wait_dma2 semaphore(%run_scoped3A_278 : memref<!tpu.dma_semaphore, #tpu.memory_space<semaphore_mem>>) src(%arg5 : memref<128x64xf32, #tpu.memory_space<hbm>>) dst(%arg12 : memref<128x64xf32, #tpu.memory_space<vmem>>)
      tpu.yield
    }) : () -> ()
    %mul3A_1 = arith.constant 640 : i32
    %mul3A_2 = arith.muli %arg1, %mul3A_1 : i32
    %add3A_3 = arith.constant 0 : i32
    %add3A_4 = arith.addi %mul3A_2, %add3A_3 : i32
    "tpu.region"() ({
      %run_scoped3A_278 = tpu.sem_alloc : memref<!tpu.dma_semaphore, #tpu.memory_space<semaphore_mem>>
      %dma_start3A_279 = arith.constant 0 : i32
      %dma_start3A_280 = tpu.memref_slice %arg15[%add3A_4, %dma_start3A_279] : memref<10240x64xf32, #tpu.memory_space<vmem_shared>> -> memref<128x64xf32, #tpu.memory_space<vmem_shared>>
      %dma_start3A_281 = arith.constant 0 : i32
      %dma_start3A_282 = tpu.memref_slice %arg15[%add3A_4, %dma_start3A_281] : memref<10240x64xf32, #tpu.memory_space<vmem_shared>> -> memref<128x64xf32, #tpu.memory_space<vmem_shared>>
      tpu.enqueue_dma source(%arg12 : memref<128x64xf32, #tpu.memory_space<vmem>>) target(%dma_start3A_282 : memref<128x64xf32, #tpu.memory_space<vmem_shared>>) target_semaphore(%run_scoped3A_278 : memref<!tpu.dma_semaphore, #tpu.memory_space<semaphore_mem>>)
      %dma_wait3A_283 = arith.constant 0 : i32
      %dma_wait3A_284 = tpu.memref_slice %arg15[%add3A_4, %dma_wait3A_283] : memref<10240x64xf32, #tpu.memory_space<vmem_shared>> -> memref<128x64xf32, #tpu.memory_space<vmem_shared>>
      %dma_wait3A_285 = arith.constant 0 : i32
      %dma_wait3A_286 = tpu.memref_slice %arg15[%add3A_4, %dma_wait3A_285] : memref<10240x64xf32, #tpu.memory_space<vmem_shared>> -> memref<128x64xf32, #tpu.memory_space<vmem_shared>>
      tpu.wait_dma2 semaphore(%run_scoped3A_278 : memref<!tpu.dma_semaphore, #tpu.memory_space<semaphore_mem>>) src(%arg12 : memref<128x64xf32, #tpu.memory_space<vmem>>) dst(%dma_wait3A_286 : memref<128x64xf32, #tpu.memory_space<vmem_shared>>)
      tpu.yield
    }) : () -> ()
    %mul3A_5 = arith.constant 640 : i32
    %mul3A_6 = arith.muli %arg1, %mul3A_5 : i32
    %add3A_7 = arith.constant 128 : i32
    %add3A_8 = arith.addi %mul3A_6, %add3A_7 : i32
    "tpu.region"() ({
      %run_scoped3A_278 = tpu.sem_alloc : memref<!tpu.dma_semaphore, #tpu.memory_space<semaphore_mem>>
      %dma_start3A_279 = arith.constant 0 : i32
      %dma_start3A_280 = tpu.memref_slice %arg15[%add3A_8, %dma_start3A_279] : memref<10240x64xf32, #tpu.memory_space<vmem_shared>> -> memref<128x64xf32, #tpu.memory_space<vmem_shared>>
      %dma_start3A_281 = arith.constant 0 : i32
      %dma_start3A_282 = tpu.memref_slice %arg15[%add3A_8, %dma_start3A_281] : memref<10240x64xf32, #tpu.memory_space<vmem_shared>> -> memref<128x64xf32, #tpu.memory_space<vmem_shared>>
      tpu.enqueue_dma source(%arg12 : memref<128x64xf32, #tpu.memory_space<vmem>>) target(%dma_start3A_282 : memref<128x64xf32, #tpu.memory_space<vmem_shared>>) target_semaphore(%run_scoped3A_278 : memref<!tpu.dma_semaphore, #tpu.memory_space<semaphore_mem>>)
      %dma_wait3A_283 = arith.constant 0 : i32
      %dma_wait3A_284 = tpu.memref_slice %arg15[%add3A_8, %dma_wait3A_283] : memref<10240x64xf32, #tpu.memory_space<vmem_shared>> -> memref<128x64xf32, #tpu.memory_space<vmem_shared>>
      %dma_wait3A_285 = arith.constant 0 : i32
      %dma_wait3A_286 = tpu.memref_slice %arg15[%add3A_8, %dma_wait3A_285] : memref<10240x64xf32, #tpu.memory_space<vmem_shared>> -> memref<128x64xf32, #tpu.memory_space<vmem_shared>>
      tpu.wait_dma2 semaphore(%run_scoped3A_278 : memref<!tpu.dma_semaphore, #tpu.memory_space<semaphore_mem>>) src(%arg12 : memref<128x64xf32, #tpu.memory_space<vmem>>) dst(%dma_wait3A_286 : memref<128x64xf32, #tpu.memory_space<vmem_shared>>)
      tpu.yield
    }) : () -> ()
    %mul3A_9 = arith.constant 640 : i32
    %mul3A_10 = arith.muli %arg1, %mul3A_9 : i32
    %add3A_11 = arith.constant 256 : i32
    %add3A_12 = arith.addi %mul3A_10, %add3A_11 : i32
    "tpu.region"() ({
      %run_scoped3A_278 = tpu.sem_alloc : memref<!tpu.dma_semaphore, #tpu.memory_space<semaphore_mem>>
      %dma_start3A_279 = arith.constant 0 : i32
      %dma_start3A_280 = tpu.memref_slice %arg15[%add3A_12, %dma_start3A_279] : memref<10240x64xf32, #tpu.memory_space<vmem_shared>> -> memref<128x64xf32, #tpu.memory_space<vmem_shared>>
      %dma_start3A_281 = arith.constant 0 : i32
      %dma_start3A_282 = tpu.memref_slice %arg15[%add3A_12, %dma_start3A_281] : memref<10240x64xf32, #tpu.memory_space<vmem_shared>> -> memref<128x64xf32, #tpu.memory_space<vmem_shared>>
      tpu.enqueue_dma source(%arg12 : memref<128x64xf32, #tpu.memory_space<vmem>>) target(%dma_start3A_282 : memref<128x64xf32, #tpu.memory_space<vmem_shared>>) target_semaphore(%run_scoped3A_278 : memref<!tpu.dma_semaphore, #tpu.memory_space<semaphore_mem>>)
      %dma_wait3A_283 = arith.constant 0 : i32
      %dma_wait3A_284 = tpu.memref_slice %arg15[%add3A_12, %dma_wait3A_283] : memref<10240x64xf32, #tpu.memory_space<vmem_shared>> -> memref<128x64xf32, #tpu.memory_space<vmem_shared>>
      %dma_wait3A_285 = arith.constant 0 : i32
      %dma_wait3A_286 = tpu.memref_slice %arg15[%add3A_12, %dma_wait3A_285] : memref<10240x64xf32, #tpu.memory_space<vmem_shared>> -> memref<128x64xf32, #tpu.memory_space<vmem_shared>>
      tpu.wait_dma2 semaphore(%run_scoped3A_278 : memref<!tpu.dma_semaphore, #tpu.memory_space<semaphore_mem>>) src(%arg12 : memref<128x64xf32, #tpu.memory_space<vmem>>) dst(%dma_wait3A_286 : memref<128x64xf32, #tpu.memory_space<vmem_shared>>)
      tpu.yield
    }) : () -> ()
    %mul3A_13 = arith.constant 640 : i32
    %mul3A_14 = arith.muli %arg1, %mul3A_13 : i32
    %add3A_15 = arith.constant 384 : i32
    %add3A_16 = arith.addi %mul3A_14, %add3A_15 : i32
    "tpu.region"() ({
      %run_scoped3A_278 = tpu.sem_alloc : memref<!tpu.dma_semaphore, #tpu.memory_space<semaphore_mem>>
      %dma_start3A_279 = arith.constant 0 : i32
      %dma_start3A_280 = tpu.memref_slice %arg15[%add3A_16, %dma_start3A_279] : memref<10240x64xf32, #tpu.memory_space<vmem_shared>> -> memref<128x64xf32, #tpu.memory_space<vmem_shared>>
      %dma_start3A_281 = arith.constant 0 : i32
      %dma_start3A_282 = tpu.memref_slice %arg15[%add3A_16, %dma_start3A_281] : memref<10240x64xf32, #tpu.memory_space<vmem_shared>> -> memref<128x64xf32, #tpu.memory_space<vmem_shared>>
      tpu.enqueue_dma source(%arg12 : memref<128x64xf32, #tpu.memory_space<vmem>>) target(%dma_start3A_282 : memref<128x64xf32, #tpu.memory_space<vmem_shared>>) target_semaphore(%run_scoped3A_278 : memref<!tpu.dma_semaphore, #tpu.memory_space<semaphore_mem>>)
      %dma_wait3A_283 = arith.constant 0 : i32
      %dma_wait3A_284 = tpu.memref_slice %arg15[%add3A_16, %dma_wait3A_283] : memref<10240x64xf32, #tpu.memory_space<vmem_shared>> -> memref<128x64xf32, #tpu.memory_space<vmem_shared>>
      %dma_wait3A_285 = arith.constant 0 : i32
      %dma_wait3A_286 = tpu.memref_slice %arg15[%add3A_16, %dma_wait3A_285] : memref<10240x64xf32, #tpu.memory_space<vmem_shared>> -> memref<128x64xf32, #tpu.memory_space<vmem_shared>>
      tpu.wait_dma2 semaphore(%run_scoped3A_278 : memref<!tpu.dma_semaphore, #tpu.memory_space<semaphore_mem>>) src(%arg12 : memref<128x64xf32, #tpu.memory_space<vmem>>) dst(%dma_wait3A_286 : memref<128x64xf32, #tpu.memory_space<vmem_shared>>)
      tpu.yield
    }) : () -> ()
    %mul3A_17 = arith.constant 640 : i32
    %mul3A_18 = arith.muli %arg1, %mul3A_17 : i32
    %add3A_19 = arith.constant 512 : i32
    %add3A_20 = arith.addi %mul3A_18, %add3A_19 : i32
    "tpu.region"() ({
      %run_scoped3A_278 = tpu.sem_alloc : memref<!tpu.dma_semaphore, #tpu.memory_space<semaphore_mem>>
      %dma_start3A_279 = arith.constant 0 : i32
      %dma_start3A_280 = tpu.memref_slice %arg15[%add3A_20, %dma_start3A_279] : memref<10240x64xf32, #tpu.memory_space<vmem_shared>> -> memref<128x64xf32, #tpu.memory_space<vmem_shared>>
      %dma_start3A_281 = arith.constant 0 : i32
      %dma_start3A_282 = tpu.memref_slice %arg15[%add3A_20, %dma_start3A_281] : memref<10240x64xf32, #tpu.memory_space<vmem_shared>> -> memref<128x64xf32, #tpu.memory_space<vmem_shared>>
      tpu.enqueue_dma source(%arg12 : memref<128x64xf32, #tpu.memory_space<vmem>>) target(%dma_start3A_282 : memref<128x64xf32, #tpu.memory_space<vmem_shared>>) target_semaphore(%run_scoped3A_278 : memref<!tpu.dma_semaphore, #tpu.memory_space<semaphore_mem>>)
      %dma_wait3A_283 = arith.constant 0 : i32
      %dma_wait3A_284 = tpu.memref_slice %arg15[%add3A_20, %dma_wait3A_283] : memref<10240x64xf32, #tpu.memory_space<vmem_shared>> -> memref<128x64xf32, #tpu.memory_space<vmem_shared>>
      %dma_wait3A_285 = arith.constant 0 : i32
      %dma_wait3A_286 = tpu.memref_slice %arg15[%add3A_20, %dma_wait3A_285] : memref<10240x64xf32, #tpu.memory_space<vmem_shared>> -> memref<128x64xf32, #tpu.memory_space<vmem_shared>>
      tpu.wait_dma2 semaphore(%run_scoped3A_278 : memref<!tpu.dma_semaphore, #tpu.memory_space<semaphore_mem>>) src(%arg12 : memref<128x64xf32, #tpu.memory_space<vmem>>) dst(%dma_wait3A_286 : memref<128x64xf32, #tpu.memory_space<vmem_shared>>)
      tpu.yield
    }) : () -> ()
    %mul3A_21 = arith.constant 640 : i32
    %mul3A_22 = arith.muli %arg1, %mul3A_21 : i32
    %add3A_23 = arith.constant 0 : i32
    %add3A_24 = arith.addi %mul3A_22, %add3A_23 : i32
    "tpu.region"() ({
      %run_scoped3A_278 = tpu.sem_alloc : memref<!tpu.dma_semaphore, #tpu.memory_space<semaphore_mem>>
      %dma_start3A_279 = arith.constant 0 : i32
      %dma_start3A_280 = tpu.memref_slice %arg2[%add3A_24, %dma_start3A_279] : memref<10240x64xf32, #tpu.memory_space<hbm>> -> memref<128x64xf32, #tpu.memory_space<hbm>>
      %dma_start3A_281 = arith.constant 0 : i32
      %dma_start3A_282 = tpu.memref_slice %arg2[%add3A_24, %dma_start3A_281] : memref<10240x64xf32, #tpu.memory_space<hbm>> -> memref<128x64xf32, #tpu.memory_space<hbm>>
      tpu.enqueue_dma source(%dma_start3A_282 : memref<128x64xf32, #tpu.memory_space<hbm>>) target(%arg13 : memref<128x64xf32, #tpu.memory_space<vmem>>) target_semaphore(%run_scoped3A_278 : memref<!tpu.dma_semaphore, #tpu.memory_space<semaphore_mem>>)
      %dma_wait3A_283 = arith.constant 0 : i32
      %dma_wait3A_284 = tpu.memref_slice %arg2[%add3A_24, %dma_wait3A_283] : memref<10240x64xf32, #tpu.memory_space<hbm>> -> memref<128x64xf32, #tpu.memory_space<hbm>>
      %dma_wait3A_285 = arith.constant 0 : i32
      %dma_wait3A_286 = tpu.memref_slice %arg2[%add3A_24, %dma_wait3A_285] : memref<10240x64xf32, #tpu.memory_space<hbm>> -> memref<128x64xf32, #tpu.memory_space<hbm>>
      tpu.wait_dma2 semaphore(%run_scoped3A_278 : memref<!tpu.dma_semaphore, #tpu.memory_space<semaphore_mem>>) src(%dma_wait3A_286 : memref<128x64xf32, #tpu.memory_space<hbm>>) dst(%arg13 : memref<128x64xf32, #tpu.memory_space<vmem>>)
      tpu.yield
    }) : () -> ()
    "tpu.region"() ({
      %run_scoped3A_278 = tpu.sem_alloc : memref<!tpu.dma_semaphore, #tpu.memory_space<semaphore_mem>>
      %dma_start3A_279 = arith.constant 0 : i32
      %dma_start3A_280 = tpu.memref_slice %arg16[%add3A_24, %dma_start3A_279] : memref<10240x64xf32, #tpu.memory_space<vmem_shared>> -> memref<128x64xf32, #tpu.memory_space<vmem_shared>>
      %dma_start3A_281 = arith.constant 0 : i32
      %dma_start3A_282 = tpu.memref_slice %arg16[%add3A_24, %dma_start3A_281] : memref<10240x64xf32, #tpu.memory_space<vmem_shared>> -> memref<128x64xf32, #tpu.memory_space<vmem_shared>>
      tpu.enqueue_dma source(%arg13 : memref<128x64xf32, #tpu.memory_space<vmem>>) target(%dma_start3A_282 : memref<128x64xf32, #tpu.memory_space<vmem_shared>>) target_semaphore(%run_scoped3A_278 : memref<!tpu.dma_semaphore, #tpu.memory_space<semaphore_mem>>)
      %dma_wait3A_283 = arith.constant 0 : i32
      %dma_wait3A_284 = tpu.memref_slice %arg16[%add3A_24, %dma_wait3A_283] : memref<10240x64xf32, #tpu.memory_space<vmem_shared>> -> memref<128x64xf32, #tpu.memory_space<vmem_shared>>
      %dma_wait3A_285 = arith.constant 0 : i32
      %dma_wait3A_286 = tpu.memref_slice %arg16[%add3A_24, %dma_wait3A_285] : memref<10240x64xf32, #tpu.memory_space<vmem_shared>> -> memref<128x64xf32, #tpu.memory_space<vmem_shared>>
      tpu.wait_dma2 semaphore(%run_scoped3A_278 : memref<!tpu.dma_semaphore, #tpu.memory_space<semaphore_mem>>) src(%arg13 : memref<128x64xf32, #tpu.memory_space<vmem>>) dst(%dma_wait3A_286 : memref<128x64xf32, #tpu.memory_space<vmem_shared>>)
      tpu.yield
    }) : () -> ()
    %mul3A_25 = arith.constant 640 : i32
    %mul3A_26 = arith.muli %arg1, %mul3A_25 : i32
    %add3A_27 = arith.constant 128 : i32
    %add3A_28 = arith.addi %mul3A_26, %add3A_27 : i32
    "tpu.region"() ({
      %run_scoped3A_278 = tpu.sem_alloc : memref<!tpu.dma_semaphore, #tpu.memory_space<semaphore_mem>>
      %dma_start3A_279 = arith.constant 0 : i32
      %dma_start3A_280 = tpu.memref_slice %arg2[%add3A_28, %dma_start3A_279] : memref<10240x64xf32, #tpu.memory_space<hbm>> -> memref<128x64xf32, #tpu.memory_space<hbm>>
      %dma_start3A_281 = arith.constant 0 : i32
      %dma_start3A_282 = tpu.memref_slice %arg2[%add3A_28, %dma_start3A_281] : memref<10240x64xf32, #tpu.memory_space<hbm>> -> memref<128x64xf32, #tpu.memory_space<hbm>>
      tpu.enqueue_dma source(%dma_start3A_282 : memref<128x64xf32, #tpu.memory_space<hbm>>) target(%arg13 : memref<128x64xf32, #tpu.memory_space<vmem>>) target_semaphore(%run_scoped3A_278 : memref<!tpu.dma_semaphore, #tpu.memory_space<semaphore_mem>>)
      %dma_wait3A_283 = arith.constant 0 : i32
      %dma_wait3A_284 = tpu.memref_slice %arg2[%add3A_28, %dma_wait3A_283] : memref<10240x64xf32, #tpu.memory_space<hbm>> -> memref<128x64xf32, #tpu.memory_space<hbm>>
      %dma_wait3A_285 = arith.constant 0 : i32
      %dma_wait3A_286 = tpu.memref_slice %arg2[%add3A_28, %dma_wait3A_285] : memref<10240x64xf32, #tpu.memory_space<hbm>> -> memref<128x64xf32, #tpu.memory_space<hbm>>
      tpu.wait_dma2 semaphore(%run_scoped3A_278 : memref<!tpu.dma_semaphore, #tpu.memory_space<semaphore_mem>>) src(%dma_wait3A_286 : memref<128x64xf32, #tpu.memory_space<hbm>>) dst(%arg13 : memref<128x64xf32, #tpu.memory_space<vmem>>)
      tpu.yield
    }) : () -> ()
    "tpu.region"() ({
      %run_scoped3A_278 = tpu.sem_alloc : memref<!tpu.dma_semaphore, #tpu.memory_space<semaphore_mem>>
      %dma_start3A_279 = arith.constant 0 : i32
      %dma_start3A_280 = tpu.memref_slice %arg16[%add3A_28, %dma_start3A_279] : memref<10240x64xf32, #tpu.memory_space<vmem_shared>> -> memref<128x64xf32, #tpu.memory_space<vmem_shared>>
      %dma_start3A_281 = arith.constant 0 : i32
      %dma_start3A_282 = tpu.memref_slice %arg16[%add3A_28, %dma_start3A_281] : memref<10240x64xf32, #tpu.memory_space<vmem_shared>> -> memref<128x64xf32, #tpu.memory_space<vmem_shared>>
      tpu.enqueue_dma source(%arg13 : memref<128x64xf32, #tpu.memory_space<vmem>>) target(%dma_start3A_282 : memref<128x64xf32, #tpu.memory_space<vmem_shared>>) target_semaphore(%run_scoped3A_278 : memref<!tpu.dma_semaphore, #tpu.memory_space<semaphore_mem>>)
      %dma_wait3A_283 = arith.constant 0 : i32
      %dma_wait3A_284 = tpu.memref_slice %arg16[%add3A_28, %dma_wait3A_283] : memref<10240x64xf32, #tpu.memory_space<vmem_shared>> -> memref<128x64xf32, #tpu.memory_space<vmem_shared>>
      %dma_wait3A_285 = arith.constant 0 : i32
      %dma_wait3A_286 = tpu.memref_slice %arg16[%add3A_28, %dma_wait3A_285] : memref<10240x64xf32, #tpu.memory_space<vmem_shared>> -> memref<128x64xf32, #tpu.memory_space<vmem_shared>>
      tpu.wait_dma2 semaphore(%run_scoped3A_278 : memref<!tpu.dma_semaphore, #tpu.memory_space<semaphore_mem>>) src(%arg13 : memref<128x64xf32, #tpu.memory_space<vmem>>) dst(%dma_wait3A_286 : memref<128x64xf32, #tpu.memory_space<vmem_shared>>)
      tpu.yield
    }) : () -> ()
    %mul3A_29 = arith.constant 640 : i32
    %mul3A_30 = arith.muli %arg1, %mul3A_29 : i32
    %add3A_31 = arith.constant 256 : i32
    %add3A_32 = arith.addi %mul3A_30, %add3A_31 : i32
    "tpu.region"() ({
      %run_scoped3A_278 = tpu.sem_alloc : memref<!tpu.dma_semaphore, #tpu.memory_space<semaphore_mem>>
      %dma_start3A_279 = arith.constant 0 : i32
      %dma_start3A_280 = tpu.memref_slice %arg2[%add3A_32, %dma_start3A_279] : memref<10240x64xf32, #tpu.memory_space<hbm>> -> memref<128x64xf32, #tpu.memory_space<hbm>>
      %dma_start3A_281 = arith.constant 0 : i32
      %dma_start3A_282 = tpu.memref_slice %arg2[%add3A_32, %dma_start3A_281] : memref<10240x64xf32, #tpu.memory_space<hbm>> -> memref<128x64xf32, #tpu.memory_space<hbm>>
      tpu.enqueue_dma source(%dma_start3A_282 : memref<128x64xf32, #tpu.memory_space<hbm>>) target(%arg13 : memref<128x64xf32, #tpu.memory_space<vmem>>) target_semaphore(%run_scoped3A_278 : memref<!tpu.dma_semaphore, #tpu.memory_space<semaphore_mem>>)
      %dma_wait3A_283 = arith.constant 0 : i32
      %dma_wait3A_284 = tpu.memref_slice %arg2[%add3A_32, %dma_wait3A_283] : memref<10240x64xf32, #tpu.memory_space<hbm>> -> memref<128x64xf32, #tpu.memory_space<hbm>>
      %dma_wait3A_285 = arith.constant 0 : i32
      %dma_wait3A_286 = tpu.memref_slice %arg2[%add3A_32, %dma_wait3A_285] : memref<10240x64xf32, #tpu.memory_space<hbm>> -> memref<128x64xf32, #tpu.memory_space<hbm>>
      tpu.wait_dma2 semaphore(%run_scoped3A_278 : memref<!tpu.dma_semaphore, #tpu.memory_space<semaphore_mem>>) src(%dma_wait3A_286 : memref<128x64xf32, #tpu.memory_space<hbm>>) dst(%arg13 : memref<128x64xf32, #tpu.memory_space<vmem>>)
      tpu.yield
    }) : () -> ()
    "tpu.region"() ({
      %run_scoped3A_278 = tpu.sem_alloc : memref<!tpu.dma_semaphore, #tpu.memory_space<semaphore_mem>>
      %dma_start3A_279 = arith.constant 0 : i32
      %dma_start3A_280 = tpu.memref_slice %arg16[%add3A_32, %dma_start3A_279] : memref<10240x64xf32, #tpu.memory_space<vmem_shared>> -> memref<128x64xf32, #tpu.memory_space<vmem_shared>>
      %dma_start3A_281 = arith.constant 0 : i32
      %dma_start3A_282 = tpu.memref_slice %arg16[%add3A_32, %dma_start3A_281] : memref<10240x64xf32, #tpu.memory_space<vmem_shared>> -> memref<128x64xf32, #tpu.memory_space<vmem_shared>>
      tpu.enqueue_dma source(%arg13 : memref<128x64xf32, #tpu.memory_space<vmem>>) target(%dma_start3A_282 : memref<128x64xf32, #tpu.memory_space<vmem_shared>>) target_semaphore(%run_scoped3A_278 : memref<!tpu.dma_semaphore, #tpu.memory_space<semaphore_mem>>)
      %dma_wait3A_283 = arith.constant 0 : i32
      %dma_wait3A_284 = tpu.memref_slice %arg16[%add3A_32, %dma_wait3A_283] : memref<10240x64xf32, #tpu.memory_space<vmem_shared>> -> memref<128x64xf32, #tpu.memory_space<vmem_shared>>
      %dma_wait3A_285 = arith.constant 0 : i32
      %dma_wait3A_286 = tpu.memref_slice %arg16[%add3A_32, %dma_wait3A_285] : memref<10240x64xf32, #tpu.memory_space<vmem_shared>> -> memref<128x64xf32, #tpu.memory_space<vmem_shared>>
      tpu.wait_dma2 semaphore(%run_scoped3A_278 : memref<!tpu.dma_semaphore, #tpu.memory_space<semaphore_mem>>) src(%arg13 : memref<128x64xf32, #tpu.memory_space<vmem>>) dst(%dma_wait3A_286 : memref<128x64xf32, #tpu.memory_space<vmem_shared>>)
      tpu.yield
    }) : () -> ()
    %mul3A_33 = arith.constant 640 : i32
    %mul3A_34 = arith.muli %arg1, %mul3A_33 : i32
    %add3A_35 = arith.constant 384 : i32
    %add3A_36 = arith.addi %mul3A_34, %add3A_35 : i32
    "tpu.region"() ({
      %run_scoped3A_278 = tpu.sem_alloc : memref<!tpu.dma_semaphore, #tpu.memory_space<semaphore_mem>>
      %dma_start3A_279 = arith.constant 0 : i32
      %dma_start3A_280 = tpu.memref_slice %arg2[%add3A_36, %dma_start3A_279] : memref<10240x64xf32, #tpu.memory_space<hbm>> -> memref<128x64xf32, #tpu.memory_space<hbm>>
      %dma_start3A_281 = arith.constant 0 : i32
      %dma_start3A_282 = tpu.memref_slice %arg2[%add3A_36, %dma_start3A_281] : memref<10240x64xf32, #tpu.memory_space<hbm>> -> memref<128x64xf32, #tpu.memory_space<hbm>>
      tpu.enqueue_dma source(%dma_start3A_282 : memref<128x64xf32, #tpu.memory_space<hbm>>) target(%arg13 : memref<128x64xf32, #tpu.memory_space<vmem>>) target_semaphore(%run_scoped3A_278 : memref<!tpu.dma_semaphore, #tpu.memory_space<semaphore_mem>>)
      %dma_wait3A_283 = arith.constant 0 : i32
      %dma_wait3A_284 = tpu.memref_slice %arg2[%add3A_36, %dma_wait3A_283] : memref<10240x64xf32, #tpu.memory_space<hbm>> -> memref<128x64xf32, #tpu.memory_space<hbm>>
      %dma_wait3A_285 = arith.constant 0 : i32
      %dma_wait3A_286 = tpu.memref_slice %arg2[%add3A_36, %dma_wait3A_285] : memref<10240x64xf32, #tpu.memory_space<hbm>> -> memref<128x64xf32, #tpu.memory_space<hbm>>
      tpu.wait_dma2 semaphore(%run_scoped3A_278 : memref<!tpu.dma_semaphore, #tpu.memory_space<semaphore_mem>>) src(%dma_wait3A_286 : memref<128x64xf32, #tpu.memory_space<hbm>>) dst(%arg13 : memref<128x64xf32, #tpu.memory_space<vmem>>)
      tpu.yield
    }) : () -> ()
    "tpu.region"() ({
      %run_scoped3A_278 = tpu.sem_alloc : memref<!tpu.dma_semaphore, #tpu.memory_space<semaphore_mem>>
      %dma_start3A_279 = arith.constant 0 : i32
      %dma_start3A_280 = tpu.memref_slice %arg16[%add3A_36, %dma_start3A_279] : memref<10240x64xf32, #tpu.memory_space<vmem_shared>> -> memref<128x64xf32, #tpu.memory_space<vmem_shared>>
      %dma_start3A_281 = arith.constant 0 : i32
      %dma_start3A_282 = tpu.memref_slice %arg16[%add3A_36, %dma_start3A_281] : memref<10240x64xf32, #tpu.memory_space<vmem_shared>> -> memref<128x64xf32, #tpu.memory_space<vmem_shared>>
      tpu.enqueue_dma source(%arg13 : memref<128x64xf32, #tpu.memory_space<vmem>>) target(%dma_start3A_282 : memref<128x64xf32, #tpu.memory_space<vmem_shared>>) target_semaphore(%run_scoped3A_278 : memref<!tpu.dma_semaphore, #tpu.memory_space<semaphore_mem>>)
      %dma_wait3A_283 = arith.constant 0 : i32
      %dma_wait3A_284 = tpu.memref_slice %arg16[%add3A_36, %dma_wait3A_283] : memref<10240x64xf32, #tpu.memory_space<vmem_shared>> -> memref<128x64xf32, #tpu.memory_space<vmem_shared>>
      %dma_wait3A_285 = arith.constant 0 : i32
      %dma_wait3A_286 = tpu.memref_slice %arg16[%add3A_36, %dma_wait3A_285] : memref<10240x64xf32, #tpu.memory_space<vmem_shared>> -> memref<128x64xf32, #tpu.memory_space<vmem_shared>>
      tpu.wait_dma2 semaphore(%run_scoped3A_278 : memref<!tpu.dma_semaphore, #tpu.memory_space<semaphore_mem>>) src(%arg13 : memref<128x64xf32, #tpu.memory_space<vmem>>) dst(%dma_wait3A_286 : memref<128x64xf32, #tpu.memory_space<vmem_shared>>)
      tpu.yield
    }) : () -> ()
    %mul3A_37 = arith.constant 640 : i32
    %mul3A_38 = arith.muli %arg1, %mul3A_37 : i32
    %add3A_39 = arith.constant 512 : i32
    %add3A_40 = arith.addi %mul3A_38, %add3A_39 : i32
    "tpu.region"() ({
      %run_scoped3A_278 = tpu.sem_alloc : memref<!tpu.dma_semaphore, #tpu.memory_space<semaphore_mem>>
      %dma_start3A_279 = arith.constant 0 : i32
      %dma_start3A_280 = tpu.memref_slice %arg2[%add3A_40, %dma_start3A_279] : memref<10240x64xf32, #tpu.memory_space<hbm>> -> memref<128x64xf32, #tpu.memory_space<hbm>>
      %dma_start3A_281 = arith.constant 0 : i32
      %dma_start3A_282 = tpu.memref_slice %arg2[%add3A_40, %dma_start3A_281] : memref<10240x64xf32, #tpu.memory_space<hbm>> -> memref<128x64xf32, #tpu.memory_space<hbm>>
      tpu.enqueue_dma source(%dma_start3A_282 : memref<128x64xf32, #tpu.memory_space<hbm>>) target(%arg13 : memref<128x64xf32, #tpu.memory_space<vmem>>) target_semaphore(%run_scoped3A_278 : memref<!tpu.dma_semaphore, #tpu.memory_space<semaphore_mem>>)
      %dma_wait3A_283 = arith.constant 0 : i32
      %dma_wait3A_284 = tpu.memref_slice %arg2[%add3A_40, %dma_wait3A_283] : memref<10240x64xf32, #tpu.memory_space<hbm>> -> memref<128x64xf32, #tpu.memory_space<hbm>>
      %dma_wait3A_285 = arith.constant 0 : i32
      %dma_wait3A_286 = tpu.memref_slice %arg2[%add3A_40, %dma_wait3A_285] : memref<10240x64xf32, #tpu.memory_space<hbm>> -> memref<128x64xf32, #tpu.memory_space<hbm>>
      tpu.wait_dma2 semaphore(%run_scoped3A_278 : memref<!tpu.dma_semaphore, #tpu.memory_space<semaphore_mem>>) src(%dma_wait3A_286 : memref<128x64xf32, #tpu.memory_space<hbm>>) dst(%arg13 : memref<128x64xf32, #tpu.memory_space<vmem>>)
      tpu.yield
    }) : () -> ()
    "tpu.region"() ({
      %run_scoped3A_278 = tpu.sem_alloc : memref<!tpu.dma_semaphore, #tpu.memory_space<semaphore_mem>>
      %dma_start3A_279 = arith.constant 0 : i32
      %dma_start3A_280 = tpu.memref_slice %arg16[%add3A_40, %dma_start3A_279] : memref<10240x64xf32, #tpu.memory_space<vmem_shared>> -> memref<128x64xf32, #tpu.memory_space<vmem_shared>>
      %dma_start3A_281 = arith.constant 0 : i32
      %dma_start3A_282 = tpu.memref_slice %arg16[%add3A_40, %dma_start3A_281] : memref<10240x64xf32, #tpu.memory_space<vmem_shared>> -> memref<128x64xf32, #tpu.memory_space<vmem_shared>>
      tpu.enqueue_dma source(%arg13 : memref<128x64xf32, #tpu.memory_space<vmem>>) target(%dma_start3A_282 : memref<128x64xf32, #tpu.memory_space<vmem_shared>>) target_semaphore(%run_scoped3A_278 : memref<!tpu.dma_semaphore, #tpu.memory_space<semaphore_mem>>)
      %dma_wait3A_283 = arith.constant 0 : i32
      %dma_wait3A_284 = tpu.memref_slice %arg16[%add3A_40, %dma_wait3A_283] : memref<10240x64xf32, #tpu.memory_space<vmem_shared>> -> memref<128x64xf32, #tpu.memory_space<vmem_shared>>
      %dma_wait3A_285 = arith.constant 0 : i32
      %dma_wait3A_286 = tpu.memref_slice %arg16[%add3A_40, %dma_wait3A_285] : memref<10240x64xf32, #tpu.memory_space<vmem_shared>> -> memref<128x64xf32, #tpu.memory_space<vmem_shared>>
      tpu.wait_dma2 semaphore(%run_scoped3A_278 : memref<!tpu.dma_semaphore, #tpu.memory_space<semaphore_mem>>) src(%arg13 : memref<128x64xf32, #tpu.memory_space<vmem>>) dst(%dma_wait3A_286 : memref<128x64xf32, #tpu.memory_space<vmem_shared>>)
      tpu.yield
    }) : () -> ()
    "tpu.region"() ({
      %run_scoped3A_278 = tpu.sem_alloc : memref<!tpu.dma_semaphore, #tpu.memory_space<semaphore_mem>>
      tpu.enqueue_dma source(%arg6 : memref<128xf32, #tpu.memory_space<hbm>>) target(%arg22 : memref<128xf32, #tpu.memory_space<vmem>>) target_semaphore(%run_scoped3A_278 : memref<!tpu.dma_semaphore, #tpu.memory_space<semaphore_mem>>)
      tpu.wait_dma2 semaphore(%run_scoped3A_278 : memref<!tpu.dma_semaphore, #tpu.memory_space<semaphore_mem>>) src(%arg6 : memref<128xf32, #tpu.memory_space<hbm>>) dst(%arg22 : memref<128xf32, #tpu.memory_space<vmem>>)
      tpu.yield
    }) : () -> ()
    %mul3A_41 = arith.constant 640 : i32
    %mul3A_42 = arith.muli %arg1, %mul3A_41 : i32
    %add3A_43 = arith.constant 0 : i32
    %add3A_44 = arith.addi %mul3A_42, %add3A_43 : i32
    "tpu.region"() ({
      %run_scoped3A_278 = tpu.sem_alloc : memref<!tpu.dma_semaphore, #tpu.memory_space<semaphore_mem>>
      %dma_start3A_279 = tpu.memref_slice %arg23[%add3A_44] : memref<10240xf32, #tpu.memory_space<vmem_shared>> -> memref<128xf32, #tpu.memory_space<vmem_shared>>
      %dma_start3A_280 = tpu.memref_slice %arg23[%add3A_44] : memref<10240xf32, #tpu.memory_space<vmem_shared>> -> memref<128xf32, #tpu.memory_space<vmem_shared>>
      tpu.enqueue_dma source(%arg22 : memref<128xf32, #tpu.memory_space<vmem>>) target(%dma_start3A_280 : memref<128xf32, #tpu.memory_space<vmem_shared>>) target_semaphore(%run_scoped3A_278 : memref<!tpu.dma_semaphore, #tpu.memory_space<semaphore_mem>>)
      %dma_wait3A_281 = tpu.memref_slice %arg23[%add3A_44] : memref<10240xf32, #tpu.memory_space<vmem_shared>> -> memref<128xf32, #tpu.memory_space<vmem_shared>>
      %dma_wait3A_282 = tpu.memref_slice %arg23[%add3A_44] : memref<10240xf32, #tpu.memory_space<vmem_shared>> -> memref<128xf32, #tpu.memory_space<vmem_shared>>
      tpu.wait_dma2 semaphore(%run_scoped3A_278 : memref<!tpu.dma_semaphore, #tpu.memory_space<semaphore_mem>>) src(%arg22 : memref<128xf32, #tpu.memory_space<vmem>>) dst(%dma_wait3A_282 : memref<128xf32, #tpu.memory_space<vmem_shared>>)
      tpu.yield
    }) : () -> ()
    %mul3A_45 = arith.constant 640 : i32
    %mul3A_46 = arith.muli %arg1, %mul3A_45 : i32
    %add3A_47 = arith.constant 128 : i32
    %add3A_48 = arith.addi %mul3A_46, %add3A_47 : i32
    "tpu.region"() ({
      %run_scoped3A_278 = tpu.sem_alloc : memref<!tpu.dma_semaphore, #tpu.memory_space<semaphore_mem>>
      %dma_start3A_279 = tpu.memref_slice %arg23[%add3A_48] : memref<10240xf32, #tpu.memory_space<vmem_shared>> -> memref<128xf32, #tpu.memory_space<vmem_shared>>
      %dma_start3A_280 = tpu.memref_slice %arg23[%add3A_48] : memref<10240xf32, #tpu.memory_space<vmem_shared>> -> memref<128xf32, #tpu.memory_space<vmem_shared>>
      tpu.enqueue_dma source(%arg22 : memref<128xf32, #tpu.memory_space<vmem>>) target(%dma_start3A_280 : memref<128xf32, #tpu.memory_space<vmem_shared>>) target_semaphore(%run_scoped3A_278 : memref<!tpu.dma_semaphore, #tpu.memory_space<semaphore_mem>>)
      %dma_wait3A_281 = tpu.memref_slice %arg23[%add3A_48] : memref<10240xf32, #tpu.memory_space<vmem_shared>> -> memref<128xf32, #tpu.memory_space<vmem_shared>>
      %dma_wait3A_282 = tpu.memref_slice %arg23[%add3A_48] : memref<10240xf32, #tpu.memory_space<vmem_shared>> -> memref<128xf32, #tpu.memory_space<vmem_shared>>
      tpu.wait_dma2 semaphore(%run_scoped3A_278 : memref<!tpu.dma_semaphore, #tpu.memory_space<semaphore_mem>>) src(%arg22 : memref<128xf32, #tpu.memory_space<vmem>>) dst(%dma_wait3A_282 : memref<128xf32, #tpu.memory_space<vmem_shared>>)
      tpu.yield
    }) : () -> ()
    %mul3A_49 = arith.constant 640 : i32
    %mul3A_50 = arith.muli %arg1, %mul3A_49 : i32
    %add3A_51 = arith.constant 256 : i32
    %add3A_52 = arith.addi %mul3A_50, %add3A_51 : i32
    "tpu.region"() ({
      %run_scoped3A_278 = tpu.sem_alloc : memref<!tpu.dma_semaphore, #tpu.memory_space<semaphore_mem>>
      %dma_start3A_279 = tpu.memref_slice %arg23[%add3A_52] : memref<10240xf32, #tpu.memory_space<vmem_shared>> -> memref<128xf32, #tpu.memory_space<vmem_shared>>
      %dma_start3A_280 = tpu.memref_slice %arg23[%add3A_52] : memref<10240xf32, #tpu.memory_space<vmem_shared>> -> memref<128xf32, #tpu.memory_space<vmem_shared>>
      tpu.enqueue_dma source(%arg22 : memref<128xf32, #tpu.memory_space<vmem>>) target(%dma_start3A_280 : memref<128xf32, #tpu.memory_space<vmem_shared>>) target_semaphore(%run_scoped3A_278 : memref<!tpu.dma_semaphore, #tpu.memory_space<semaphore_mem>>)
      %dma_wait3A_281 = tpu.memref_slice %arg23[%add3A_52] : memref<10240xf32, #tpu.memory_space<vmem_shared>> -> memref<128xf32, #tpu.memory_space<vmem_shared>>
      %dma_wait3A_282 = tpu.memref_slice %arg23[%add3A_52] : memref<10240xf32, #tpu.memory_space<vmem_shared>> -> memref<128xf32, #tpu.memory_space<vmem_shared>>
      tpu.wait_dma2 semaphore(%run_scoped3A_278 : memref<!tpu.dma_semaphore, #tpu.memory_space<semaphore_mem>>) src(%arg22 : memref<128xf32, #tpu.memory_space<vmem>>) dst(%dma_wait3A_282 : memref<128xf32, #tpu.memory_space<vmem_shared>>)
      tpu.yield
    }) : () -> ()
    %mul3A_53 = arith.constant 640 : i32
    %mul3A_54 = arith.muli %arg1, %mul3A_53 : i32
    %add3A_55 = arith.constant 384 : i32
    %add3A_56 = arith.addi %mul3A_54, %add3A_55 : i32
    "tpu.region"() ({
      %run_scoped3A_278 = tpu.sem_alloc : memref<!tpu.dma_semaphore, #tpu.memory_space<semaphore_mem>>
      %dma_start3A_279 = tpu.memref_slice %arg23[%add3A_56] : memref<10240xf32, #tpu.memory_space<vmem_shared>> -> memref<128xf32, #tpu.memory_space<vmem_shared>>
      %dma_start3A_280 = tpu.memref_slice %arg23[%add3A_56] : memref<10240xf32, #tpu.memory_space<vmem_shared>> -> memref<128xf32, #tpu.memory_space<vmem_shared>>
      tpu.enqueue_dma source(%arg22 : memref<128xf32, #tpu.memory_space<vmem>>) target(%dma_start3A_280 : memref<128xf32, #tpu.memory_space<vmem_shared>>) target_semaphore(%run_scoped3A_278 : memref<!tpu.dma_semaphore, #tpu.memory_space<semaphore_mem>>)
      %dma_wait3A_281 = tpu.memref_slice %arg23[%add3A_56] : memref<10240xf32, #tpu.memory_space<vmem_shared>> -> memref<128xf32, #tpu.memory_space<vmem_shared>>
      %dma_wait3A_282 = tpu.memref_slice %arg23[%add3A_56] : memref<10240xf32, #tpu.memory_space<vmem_shared>> -> memref<128xf32, #tpu.memory_space<vmem_shared>>
      tpu.wait_dma2 semaphore(%run_scoped3A_278 : memref<!tpu.dma_semaphore, #tpu.memory_space<semaphore_mem>>) src(%arg22 : memref<128xf32, #tpu.memory_space<vmem>>) dst(%dma_wait3A_282 : memref<128xf32, #tpu.memory_space<vmem_shared>>)
      tpu.yield
    }) : () -> ()
    %mul3A_57 = arith.constant 640 : i32
    %mul3A_58 = arith.muli %arg1, %mul3A_57 : i32
    %add3A_59 = arith.constant 512 : i32
    %add3A_60 = arith.addi %mul3A_58, %add3A_59 : i32
    "tpu.region"() ({
      %run_scoped3A_278 = tpu.sem_alloc : memref<!tpu.dma_semaphore, #tpu.memory_space<semaphore_mem>>
      %dma_start3A_279 = tpu.memref_slice %arg23[%add3A_60] : memref<10240xf32, #tpu.memory_space<vmem_shared>> -> memref<128xf32, #tpu.memory_space<vmem_shared>>
      %dma_start3A_280 = tpu.memref_slice %arg23[%add3A_60] : memref<10240xf32, #tpu.memory_space<vmem_shared>> -> memref<128xf32, #tpu.memory_space<vmem_shared>>
      tpu.enqueue_dma source(%arg22 : memref<128xf32, #tpu.memory_space<vmem>>) target(%dma_start3A_280 : memref<128xf32, #tpu.memory_space<vmem_shared>>) target_semaphore(%run_scoped3A_278 : memref<!tpu.dma_semaphore, #tpu.memory_space<semaphore_mem>>)
      %dma_wait3A_281 = tpu.memref_slice %arg23[%add3A_60] : memref<10240xf32, #tpu.memory_space<vmem_shared>> -> memref<128xf32, #tpu.memory_space<vmem_shared>>
      %dma_wait3A_282 = tpu.memref_slice %arg23[%add3A_60] : memref<10240xf32, #tpu.memory_space<vmem_shared>> -> memref<128xf32, #tpu.memory_space<vmem_shared>>
      tpu.wait_dma2 semaphore(%run_scoped3A_278 : memref<!tpu.dma_semaphore, #tpu.memory_space<semaphore_mem>>) src(%arg22 : memref<128xf32, #tpu.memory_space<vmem>>) dst(%dma_wait3A_282 : memref<128xf32, #tpu.memory_space<vmem_shared>>)
      tpu.yield
    }) : () -> ()
    "tpu.region"() ({
      %run_scoped3A_278 = tpu.sem_alloc : memref<!tpu.dma_semaphore, #tpu.memory_space<semaphore_mem>>
      tpu.enqueue_dma source(%arg7 : memref<128xf32, #tpu.memory_space<hbm>>) target(%arg21 : memref<128xf32, #tpu.memory_space<vmem>>) target_semaphore(%run_scoped3A_278 : memref<!tpu.dma_semaphore, #tpu.memory_space<semaphore_mem>>)
      tpu.wait_dma2 semaphore(%run_scoped3A_278 : memref<!tpu.dma_semaphore, #tpu.memory_space<semaphore_mem>>) src(%arg7 : memref<128xf32, #tpu.memory_space<hbm>>) dst(%arg21 : memref<128xf32, #tpu.memory_space<vmem>>)
      tpu.yield
    }) : () -> ()
    %barrier3A = arith.constant 0 : index
    tpu.barrier barrier_id(%barrier3A)
    %dma_start3A = arith.constant 0 : i32
    %dma_start3A_61 = arith.constant 0 : i32
    %dma_start3A_62 = tpu.memref_slice %arg10[%dma_start3A, %dma_start3A_61] : memref<81x128xi32, #tpu.memory_space<vmem>> -> memref<1x128xi32, #tpu.memory_space<vmem>>
    %dma_start3A_63 = tpu.memref_squeeze %dma_start3A_62 : memref<1x128xi32, #tpu.memory_space<vmem>> -> memref<128xi32, #tpu.memory_space<vmem>>
    %dma_start3A_64 = arith.constant 0 : i32
    %dma_start3A_65 = arith.constant 0 : i32
    %dma_start3A_66 = tpu.memref_slice %arg16[%dma_start3A_64, %dma_start3A_65] : memref<10240x64xf32, #tpu.memory_space<vmem_shared>> -> memref<10240x64xf32, #tpu.memory_space<vmem_shared>>
    tpu.enqueue_indirect_dma source(%dma_start3A_66 : memref<10240x64xf32, #tpu.memory_space<vmem_shared>>) target(%arg12 : memref<128x64xf32, #tpu.memory_space<vmem>>) offsets(%dma_start3A_63 : memref<128xi32, #tpu.memory_space<vmem>>) semaphore(%arg17 : memref<!tpu.dma_semaphore, #tpu.memory_space<semaphore_mem>>)
    %dma_start3A_67 = arith.constant 1 : i32
    %dma_start3A_68 = arith.constant 0 : i32
    %dma_start3A_69 = tpu.memref_slice %arg10[%dma_start3A_67, %dma_start3A_68] : memref<81x128xi32, #tpu.memory_space<vmem>> -> memref<1x128xi32, #tpu.memory_space<vmem>>
    %dma_start3A_70 = tpu.memref_squeeze %dma_start3A_69 : memref<1x128xi32, #tpu.memory_space<vmem>> -> memref<128xi32, #tpu.memory_space<vmem>>
    %dma_start3A_71 = arith.constant 0 : i32
    %dma_start3A_72 = arith.constant 0 : i32
    %dma_start3A_73 = tpu.memref_slice %arg16[%dma_start3A_71, %dma_start3A_72] : memref<10240x64xf32, #tpu.memory_space<vmem_shared>> -> memref<10240x64xf32, #tpu.memory_space<vmem_shared>>
    tpu.enqueue_indirect_dma source(%dma_start3A_73 : memref<10240x64xf32, #tpu.memory_space<vmem_shared>>) target(%arg13 : memref<128x64xf32, #tpu.memory_space<vmem>>) offsets(%dma_start3A_70 : memref<128xi32, #tpu.memory_space<vmem>>) semaphore(%arg18 : memref<!tpu.dma_semaphore, #tpu.memory_space<semaphore_mem>>)
    %dma_wait3A = arith.constant 0 : i32
    %dma_wait3A_74 = arith.constant 0 : i32
    %dma_wait3A_75 = tpu.memref_slice %arg10[%dma_wait3A, %dma_wait3A_74] : memref<81x128xi32, #tpu.memory_space<vmem>> -> memref<1x128xi32, #tpu.memory_space<vmem>>
    %dma_wait3A_76 = tpu.memref_squeeze %dma_wait3A_75 : memref<1x128xi32, #tpu.memory_space<vmem>> -> memref<128xi32, #tpu.memory_space<vmem>>
    %dma_wait3A_77 = arith.constant 0 : i32
    %dma_wait3A_78 = arith.constant 0 : i32
    %dma_wait3A_79 = tpu.memref_slice %arg16[%dma_wait3A_77, %dma_wait3A_78] : memref<10240x64xf32, #tpu.memory_space<vmem_shared>> -> memref<10240x64xf32, #tpu.memory_space<vmem_shared>>
    tpu.wait_indirect_dma semaphore(%arg17 : memref<!tpu.dma_semaphore, #tpu.memory_space<semaphore_mem>>) src(%dma_wait3A_79 : memref<10240x64xf32, #tpu.memory_space<vmem_shared>>) dst(%arg12 : memref<128x64xf32, #tpu.memory_space<vmem>>)
    %dma_start3A_80 = arith.constant 0 : i32
    %dma_start3A_81 = arith.constant 0 : i32
    %dma_start3A_82 = tpu.memref_slice %arg11[%dma_start3A_80, %dma_start3A_81] : memref<81x128xi32, #tpu.memory_space<vmem>> -> memref<1x128xi32, #tpu.memory_space<vmem>>
    %dma_start3A_83 = tpu.memref_squeeze %dma_start3A_82 : memref<1x128xi32, #tpu.memory_space<vmem>> -> memref<128xi32, #tpu.memory_space<vmem>>
    %dma_start3A_84 = arith.constant 0 : i32
    %dma_start3A_85 = arith.constant 0 : i32
    %dma_start3A_86 = tpu.memref_slice %arg15[%dma_start3A_84, %dma_start3A_85] : memref<10240x64xf32, #tpu.memory_space<vmem_shared>> -> memref<10240x64xf32, #tpu.memory_space<vmem_shared>>
    tpu.enqueue_indirect_dma source(%arg12 : memref<128x64xf32, #tpu.memory_space<vmem>>) target(%dma_start3A_86 : memref<10240x64xf32, #tpu.memory_space<vmem_shared>>) offsets(%dma_start3A_83 : memref<128xi32, #tpu.memory_space<vmem>>) semaphore(%arg20 : memref<!tpu.dma_semaphore, #tpu.memory_space<semaphore_mem>>) {add = true}
    %run_scoped3A = arith.constant 0 : i32
    "tpu.region"() ({
      %run_scoped3A_278 = tpu.sem_alloc : memref<!tpu.dma_semaphore, #tpu.memory_space<semaphore_mem>>
      %dma_start3A_279 = arith.constant 0 : i32
      %dma_start3A_280 = tpu.memref_slice %arg11[%run_scoped3A, %dma_start3A_279] : memref<81x128xi32, #tpu.memory_space<vmem>> -> memref<1x128xi32, #tpu.memory_space<vmem>>
      %dma_start3A_281 = tpu.memref_squeeze %dma_start3A_280 : memref<1x128xi32, #tpu.memory_space<vmem>> -> memref<128xi32, #tpu.memory_space<vmem>>
      %dma_start3A_282 = arith.constant 0 : i32
      %dma_start3A_283 = tpu.memref_slice %arg23[%dma_start3A_282] : memref<10240xf32, #tpu.memory_space<vmem_shared>> -> memref<10240xf32, #tpu.memory_space<vmem_shared>>
      tpu.enqueue_indirect_dma source(%arg21 : memref<128xf32, #tpu.memory_space<vmem>>) target(%dma_start3A_283 : memref<10240xf32, #tpu.memory_space<vmem_shared>>) offsets(%dma_start3A_281 : memref<128xi32, #tpu.memory_space<vmem>>) semaphore(%run_scoped3A_278 : memref<!tpu.dma_semaphore, #tpu.memory_space<semaphore_mem>>) {add = true}
      %dma_wait3A_284 = arith.constant 0 : i32
      %dma_wait3A_285 = tpu.memref_slice %arg11[%run_scoped3A, %dma_wait3A_284] : memref<81x128xi32, #tpu.memory_space<vmem>> -> memref<1x128xi32, #tpu.memory_space<vmem>>
      %dma_wait3A_286 = tpu.memref_squeeze %dma_wait3A_285 : memref<1x128xi32, #tpu.memory_space<vmem>> -> memref<128xi32, #tpu.memory_space<vmem>>
      %dma_wait3A_287 = arith.constant 0 : i32
      %dma_wait3A_288 = tpu.memref_slice %arg23[%dma_wait3A_287] : memref<10240xf32, #tpu.memory_space<vmem_shared>> -> memref<10240xf32, #tpu.memory_space<vmem_shared>>
      tpu.wait_indirect_dma semaphore(%run_scoped3A_278 : memref<!tpu.dma_semaphore, #tpu.memory_space<semaphore_mem>>) src(%arg21 : memref<128xf32, #tpu.memory_space<vmem>>) dst(%dma_wait3A_288 : memref<10240xf32, #tpu.memory_space<vmem_shared>>)
      tpu.yield
    }) : () -> ()
    %dma_start3A_87 = arith.constant 2 : i32
    %dma_start3A_88 = arith.constant 0 : i32
    %dma_start3A_89 = tpu.memref_slice %arg10[%dma_start3A_87, %dma_start3A_88] : memref<81x128xi32, #tpu.memory_space<vmem>> -> memref<1x128xi32, #tpu.memory_space<vmem>>
    %dma_start3A_90 = tpu.memref_squeeze %dma_start3A_89 : memref<1x128xi32, #tpu.memory_space<vmem>> -> memref<128xi32, #tpu.memory_space<vmem>>
    %dma_start3A_91 = arith.constant 0 : i32
    %dma_start3A_92 = arith.constant 0 : i32
    %dma_start3A_93 = tpu.memref_slice %arg16[%dma_start3A_91, %dma_start3A_92] : memref<10240x64xf32, #tpu.memory_space<vmem_shared>> -> memref<10240x64xf32, #tpu.memory_space<vmem_shared>>
    tpu.enqueue_indirect_dma source(%dma_start3A_93 : memref<10240x64xf32, #tpu.memory_space<vmem_shared>>) target(%arg14 : memref<128x64xf32, #tpu.memory_space<vmem>>) offsets(%dma_start3A_90 : memref<128xi32, #tpu.memory_space<vmem>>) semaphore(%arg19 : memref<!tpu.dma_semaphore, #tpu.memory_space<semaphore_mem>>)
    %dma_wait3A_94 = arith.constant 1 : i32
    %dma_wait3A_95 = arith.constant 0 : i32
    %dma_wait3A_96 = tpu.memref_slice %arg10[%dma_wait3A_94, %dma_wait3A_95] : memref<81x128xi32, #tpu.memory_space<vmem>> -> memref<1x128xi32, #tpu.memory_space<vmem>>
    %dma_wait3A_97 = tpu.memref_squeeze %dma_wait3A_96 : memref<1x128xi32, #tpu.memory_space<vmem>> -> memref<128xi32, #tpu.memory_space<vmem>>
    %dma_wait3A_98 = arith.constant 0 : i32
    %dma_wait3A_99 = arith.constant 0 : i32
    %dma_wait3A_100 = tpu.memref_slice %arg16[%dma_wait3A_98, %dma_wait3A_99] : memref<10240x64xf32, #tpu.memory_space<vmem_shared>> -> memref<10240x64xf32, #tpu.memory_space<vmem_shared>>
    tpu.wait_indirect_dma semaphore(%arg18 : memref<!tpu.dma_semaphore, #tpu.memory_space<semaphore_mem>>) src(%dma_wait3A_100 : memref<10240x64xf32, #tpu.memory_space<vmem_shared>>) dst(%arg13 : memref<128x64xf32, #tpu.memory_space<vmem>>)
    %dma_wait3A_101 = arith.constant 0 : i32
    %dma_wait3A_102 = arith.constant 0 : i32
    %dma_wait3A_103 = tpu.memref_slice %arg11[%dma_wait3A_101, %dma_wait3A_102] : memref<81x128xi32, #tpu.memory_space<vmem>> -> memref<1x128xi32, #tpu.memory_space<vmem>>
    %dma_wait3A_104 = tpu.memref_squeeze %dma_wait3A_103 : memref<1x128xi32, #tpu.memory_space<vmem>> -> memref<128xi32, #tpu.memory_space<vmem>>
    %dma_wait3A_105 = arith.constant 0 : i32
    %dma_wait3A_106 = arith.constant 0 : i32
    %dma_wait3A_107 = tpu.memref_slice %arg15[%dma_wait3A_105, %dma_wait3A_106] : memref<10240x64xf32, #tpu.memory_space<vmem_shared>> -> memref<10240x64xf32, #tpu.memory_space<vmem_shared>>
    tpu.wait_indirect_dma semaphore(%arg20 : memref<!tpu.dma_semaphore, #tpu.memory_space<semaphore_mem>>) src(%arg12 : memref<128x64xf32, #tpu.memory_space<vmem>>) dst(%dma_wait3A_107 : memref<10240x64xf32, #tpu.memory_space<vmem_shared>>)
    %dma_start3A_108 = arith.constant 1 : i32
    %dma_start3A_109 = arith.constant 0 : i32
    %dma_start3A_110 = tpu.memref_slice %arg11[%dma_start3A_108, %dma_start3A_109] : memref<81x128xi32, #tpu.memory_space<vmem>> -> memref<1x128xi32, #tpu.memory_space<vmem>>
    %dma_start3A_111 = tpu.memref_squeeze %dma_start3A_110 : memref<1x128xi32, #tpu.memory_space<vmem>> -> memref<128xi32, #tpu.memory_space<vmem>>
    %dma_start3A_112 = arith.constant 0 : i32
    %dma_start3A_113 = arith.constant 0 : i32
    %dma_start3A_114 = tpu.memref_slice %arg15[%dma_start3A_112, %dma_start3A_113] : memref<10240x64xf32, #tpu.memory_space<vmem_shared>> -> memref<10240x64xf32, #tpu.memory_space<vmem_shared>>
    tpu.enqueue_indirect_dma source(%arg13 : memref<128x64xf32, #tpu.memory_space<vmem>>) target(%dma_start3A_114 : memref<10240x64xf32, #tpu.memory_space<vmem_shared>>) offsets(%dma_start3A_111 : memref<128xi32, #tpu.memory_space<vmem>>) semaphore(%arg20 : memref<!tpu.dma_semaphore, #tpu.memory_space<semaphore_mem>>) {add = true}
    %run_scoped3A_115 = arith.constant 1 : i32
    "tpu.region"() ({
      %run_scoped3A_278 = tpu.sem_alloc : memref<!tpu.dma_semaphore, #tpu.memory_space<semaphore_mem>>
      %dma_start3A_279 = arith.constant 0 : i32
      %dma_start3A_280 = tpu.memref_slice %arg11[%run_scoped3A_115, %dma_start3A_279] : memref<81x128xi32, #tpu.memory_space<vmem>> -> memref<1x128xi32, #tpu.memory_space<vmem>>
      %dma_start3A_281 = tpu.memref_squeeze %dma_start3A_280 : memref<1x128xi32, #tpu.memory_space<vmem>> -> memref<128xi32, #tpu.memory_space<vmem>>
      %dma_start3A_282 = arith.constant 0 : i32
      %dma_start3A_283 = tpu.memref_slice %arg23[%dma_start3A_282] : memref<10240xf32, #tpu.memory_space<vmem_shared>> -> memref<10240xf32, #tpu.memory_space<vmem_shared>>
      tpu.enqueue_indirect_dma source(%arg21 : memref<128xf32, #tpu.memory_space<vmem>>) target(%dma_start3A_283 : memref<10240xf32, #tpu.memory_space<vmem_shared>>) offsets(%dma_start3A_281 : memref<128xi32, #tpu.memory_space<vmem>>) semaphore(%run_scoped3A_278 : memref<!tpu.dma_semaphore, #tpu.memory_space<semaphore_mem>>) {add = true}
      %dma_wait3A_284 = arith.constant 0 : i32
      %dma_wait3A_285 = tpu.memref_slice %arg11[%run_scoped3A_115, %dma_wait3A_284] : memref<81x128xi32, #tpu.memory_space<vmem>> -> memref<1x128xi32, #tpu.memory_space<vmem>>
      %dma_wait3A_286 = tpu.memref_squeeze %dma_wait3A_285 : memref<1x128xi32, #tpu.memory_space<vmem>> -> memref<128xi32, #tpu.memory_space<vmem>>
      %dma_wait3A_287 = arith.constant 0 : i32
      %dma_wait3A_288 = tpu.memref_slice %arg23[%dma_wait3A_287] : memref<10240xf32, #tpu.memory_space<vmem_shared>> -> memref<10240xf32, #tpu.memory_space<vmem_shared>>
      tpu.wait_indirect_dma semaphore(%run_scoped3A_278 : memref<!tpu.dma_semaphore, #tpu.memory_space<semaphore_mem>>) src(%arg21 : memref<128xf32, #tpu.memory_space<vmem>>) dst(%dma_wait3A_288 : memref<10240xf32, #tpu.memory_space<vmem_shared>>)
      tpu.yield
    }) : () -> ()
    %dma_start3A_116 = arith.constant 3 : i32
    %dma_start3A_117 = arith.constant 0 : i32
    %dma_start3A_118 = tpu.memref_slice %arg10[%dma_start3A_116, %dma_start3A_117] : memref<81x128xi32, #tpu.memory_space<vmem>> -> memref<1x128xi32, #tpu.memory_space<vmem>>
    %dma_start3A_119 = tpu.memref_squeeze %dma_start3A_118 : memref<1x128xi32, #tpu.memory_space<vmem>> -> memref<128xi32, #tpu.memory_space<vmem>>
    %dma_start3A_120 = arith.constant 0 : i32
    %dma_start3A_121 = arith.constant 0 : i32
    %dma_start3A_122 = tpu.memref_slice %arg16[%dma_start3A_120, %dma_start3A_121] : memref<10240x64xf32, #tpu.memory_space<vmem_shared>> -> memref<10240x64xf32, #tpu.memory_space<vmem_shared>>
    tpu.enqueue_indirect_dma source(%dma_start3A_122 : memref<10240x64xf32, #tpu.memory_space<vmem_shared>>) target(%arg12 : memref<128x64xf32, #tpu.memory_space<vmem>>) offsets(%dma_start3A_119 : memref<128xi32, #tpu.memory_space<vmem>>) semaphore(%arg17 : memref<!tpu.dma_semaphore, #tpu.memory_space<semaphore_mem>>)
    %dma_wait3A_123 = arith.constant 2 : i32
    %dma_wait3A_124 = arith.constant 0 : i32
    %dma_wait3A_125 = tpu.memref_slice %arg10[%dma_wait3A_123, %dma_wait3A_124] : memref<81x128xi32, #tpu.memory_space<vmem>> -> memref<1x128xi32, #tpu.memory_space<vmem>>
    %dma_wait3A_126 = tpu.memref_squeeze %dma_wait3A_125 : memref<1x128xi32, #tpu.memory_space<vmem>> -> memref<128xi32, #tpu.memory_space<vmem>>
    %dma_wait3A_127 = arith.constant 0 : i32
    %dma_wait3A_128 = arith.constant 0 : i32
    %dma_wait3A_129 = tpu.memref_slice %arg16[%dma_wait3A_127, %dma_wait3A_128] : memref<10240x64xf32, #tpu.memory_space<vmem_shared>> -> memref<10240x64xf32, #tpu.memory_space<vmem_shared>>
    tpu.wait_indirect_dma semaphore(%arg19 : memref<!tpu.dma_semaphore, #tpu.memory_space<semaphore_mem>>) src(%dma_wait3A_129 : memref<10240x64xf32, #tpu.memory_space<vmem_shared>>) dst(%arg14 : memref<128x64xf32, #tpu.memory_space<vmem>>)
    %dma_wait3A_130 = arith.constant 1 : i32
    %dma_wait3A_131 = arith.constant 0 : i32
    %dma_wait3A_132 = tpu.memref_slice %arg11[%dma_wait3A_130, %dma_wait3A_131] : memref<81x128xi32, #tpu.memory_space<vmem>> -> memref<1x128xi32, #tpu.memory_space<vmem>>
    %dma_wait3A_133 = tpu.memref_squeeze %dma_wait3A_132 : memref<1x128xi32, #tpu.memory_space<vmem>> -> memref<128xi32, #tpu.memory_space<vmem>>
    %dma_wait3A_134 = arith.constant 0 : i32
    %dma_wait3A_135 = arith.constant 0 : i32
    %dma_wait3A_136 = tpu.memref_slice %arg15[%dma_wait3A_134, %dma_wait3A_135] : memref<10240x64xf32, #tpu.memory_space<vmem_shared>> -> memref<10240x64xf32, #tpu.memory_space<vmem_shared>>
    tpu.wait_indirect_dma semaphore(%arg20 : memref<!tpu.dma_semaphore, #tpu.memory_space<semaphore_mem>>) src(%arg13 : memref<128x64xf32, #tpu.memory_space<vmem>>) dst(%dma_wait3A_136 : memref<10240x64xf32, #tpu.memory_space<vmem_shared>>)
    %dma_start3A_137 = arith.constant 2 : i32
    %dma_start3A_138 = arith.constant 0 : i32
    %dma_start3A_139 = tpu.memref_slice %arg11[%dma_start3A_137, %dma_start3A_138] : memref<81x128xi32, #tpu.memory_space<vmem>> -> memref<1x128xi32, #tpu.memory_space<vmem>>
    %dma_start3A_140 = tpu.memref_squeeze %dma_start3A_139 : memref<1x128xi32, #tpu.memory_space<vmem>> -> memref<128xi32, #tpu.memory_space<vmem>>
    %dma_start3A_141 = arith.constant 0 : i32
    %dma_start3A_142 = arith.constant 0 : i32
    %dma_start3A_143 = tpu.memref_slice %arg15[%dma_start3A_141, %dma_start3A_142] : memref<10240x64xf32, #tpu.memory_space<vmem_shared>> -> memref<10240x64xf32, #tpu.memory_space<vmem_shared>>
    tpu.enqueue_indirect_dma source(%arg14 : memref<128x64xf32, #tpu.memory_space<vmem>>) target(%dma_start3A_143 : memref<10240x64xf32, #tpu.memory_space<vmem_shared>>) offsets(%dma_start3A_140 : memref<128xi32, #tpu.memory_space<vmem>>) semaphore(%arg20 : memref<!tpu.dma_semaphore, #tpu.memory_space<semaphore_mem>>) {add = true}
    %run_scoped3A_144 = arith.constant 2 : i32
    "tpu.region"() ({
      %run_scoped3A_278 = tpu.sem_alloc : memref<!tpu.dma_semaphore, #tpu.memory_space<semaphore_mem>>
      %dma_start3A_279 = arith.constant 0 : i32
      %dma_start3A_280 = tpu.memref_slice %arg11[%run_scoped3A_144, %dma_start3A_279] : memref<81x128xi32, #tpu.memory_space<vmem>> -> memref<1x128xi32, #tpu.memory_space<vmem>>
      %dma_start3A_281 = tpu.memref_squeeze %dma_start3A_280 : memref<1x128xi32, #tpu.memory_space<vmem>> -> memref<128xi32, #tpu.memory_space<vmem>>
      %dma_start3A_282 = arith.constant 0 : i32
      %dma_start3A_283 = tpu.memref_slice %arg23[%dma_start3A_282] : memref<10240xf32, #tpu.memory_space<vmem_shared>> -> memref<10240xf32, #tpu.memory_space<vmem_shared>>
      tpu.enqueue_indirect_dma source(%arg21 : memref<128xf32, #tpu.memory_space<vmem>>) target(%dma_start3A_283 : memref<10240xf32, #tpu.memory_space<vmem_shared>>) offsets(%dma_start3A_281 : memref<128xi32, #tpu.memory_space<vmem>>) semaphore(%run_scoped3A_278 : memref<!tpu.dma_semaphore, #tpu.memory_space<semaphore_mem>>) {add = true}
      %dma_wait3A_284 = arith.constant 0 : i32
      %dma_wait3A_285 = tpu.memref_slice %arg11[%run_scoped3A_144, %dma_wait3A_284] : memref<81x128xi32, #tpu.memory_space<vmem>> -> memref<1x128xi32, #tpu.memory_space<vmem>>
      %dma_wait3A_286 = tpu.memref_squeeze %dma_wait3A_285 : memref<1x128xi32, #tpu.memory_space<vmem>> -> memref<128xi32, #tpu.memory_space<vmem>>
      %dma_wait3A_287 = arith.constant 0 : i32
      %dma_wait3A_288 = tpu.memref_slice %arg23[%dma_wait3A_287] : memref<10240xf32, #tpu.memory_space<vmem_shared>> -> memref<10240xf32, #tpu.memory_space<vmem_shared>>
      tpu.wait_indirect_dma semaphore(%run_scoped3A_278 : memref<!tpu.dma_semaphore, #tpu.memory_space<semaphore_mem>>) src(%arg21 : memref<128xf32, #tpu.memory_space<vmem>>) dst(%dma_wait3A_288 : memref<10240xf32, #tpu.memory_space<vmem_shared>>)
      tpu.yield
    }) : () -> ()
    %dma_start3A_145 = arith.constant 4 : i32
    %dma_start3A_146 = arith.constant 0 : i32
    %dma_start3A_147 = tpu.memref_slice %arg10[%dma_start3A_145, %dma_start3A_146] : memref<81x128xi32, #tpu.memory_space<vmem>> -> memref<1x128xi32, #tpu.memory_space<vmem>>
    %dma_start3A_148 = tpu.memref_squeeze %dma_start3A_147 : memref<1x128xi32, #tpu.memory_space<vmem>> -> memref<128xi32, #tpu.memory_space<vmem>>
    %dma_start3A_149 = arith.constant 0 : i32
    %dma_start3A_150 = arith.constant 0 : i32
    %dma_start3A_151 = tpu.memref_slice %arg16[%dma_start3A_149, %dma_start3A_150] : memref<10240x64xf32, #tpu.memory_space<vmem_shared>> -> memref<10240x64xf32, #tpu.memory_space<vmem_shared>>
    tpu.enqueue_indirect_dma source(%dma_start3A_151 : memref<10240x64xf32, #tpu.memory_space<vmem_shared>>) target(%arg13 : memref<128x64xf32, #tpu.memory_space<vmem>>) offsets(%dma_start3A_148 : memref<128xi32, #tpu.memory_space<vmem>>) semaphore(%arg18 : memref<!tpu.dma_semaphore, #tpu.memory_space<semaphore_mem>>)
    %scan3A = arith.constant 0 : i32
    %scan3A_152 = arith.constant 1 : i32
    %scan3A_153 = arith.constant 25 : i32
    %scan3A_154 = arith.addi %scan3A_152, %scan3A_153 : i32
    %scan3A_155 = arith.constant 1 : i32
    scf.for %scan3A_278 = %scan3A_152 to %scan3A_154 step %scan3A_155  : i32 {
      %mul3A_279 = arith.constant 3 : i32
      %mul3A_280 = arith.muli %scan3A_278, %mul3A_279 : i32
      %add3A_281 = arith.constant 0 : i32
      %add3A_282 = arith.addi %mul3A_280, %add3A_281 : i32
      %dma_wait3A_283 = arith.constant 0 : i32
      %dma_wait3A_284 = tpu.memref_slice %arg10[%add3A_282, %dma_wait3A_283] : memref<81x128xi32, #tpu.memory_space<vmem>> -> memref<1x128xi32, #tpu.memory_space<vmem>>
      %dma_wait3A_285 = tpu.memref_squeeze %dma_wait3A_284 : memref<1x128xi32, #tpu.memory_space<vmem>> -> memref<128xi32, #tpu.memory_space<vmem>>
      %dma_wait3A_286 = arith.constant 0 : i32
      %dma_wait3A_287 = arith.constant 0 : i32
      %dma_wait3A_288 = tpu.memref_slice %arg16[%dma_wait3A_286, %dma_wait3A_287] : memref<10240x64xf32, #tpu.memory_space<vmem_shared>> -> memref<10240x64xf32, #tpu.memory_space<vmem_shared>>
      tpu.wait_indirect_dma semaphore(%arg17 : memref<!tpu.dma_semaphore, #tpu.memory_space<semaphore_mem>>) src(%dma_wait3A_288 : memref<10240x64xf32, #tpu.memory_space<vmem_shared>>) dst(%arg12 : memref<128x64xf32, #tpu.memory_space<vmem>>)
      %sub3A = arith.constant 1 : i32
      %sub3A_289 = arith.subi %add3A_282, %sub3A : i32
      %dma_wait3A_290 = arith.constant 0 : i32
      %dma_wait3A_291 = tpu.memref_slice %arg11[%sub3A_289, %dma_wait3A_290] : memref<81x128xi32, #tpu.memory_space<vmem>> -> memref<1x128xi32, #tpu.memory_space<vmem>>
      %dma_wait3A_292 = tpu.memref_squeeze %dma_wait3A_291 : memref<1x128xi32, #tpu.memory_space<vmem>> -> memref<128xi32, #tpu.memory_space<vmem>>
      %dma_wait3A_293 = arith.constant 0 : i32
      %dma_wait3A_294 = arith.constant 0 : i32
      %dma_wait3A_295 = tpu.memref_slice %arg15[%dma_wait3A_293, %dma_wait3A_294] : memref<10240x64xf32, #tpu.memory_space<vmem_shared>> -> memref<10240x64xf32, #tpu.memory_space<vmem_shared>>
      tpu.wait_indirect_dma semaphore(%arg20 : memref<!tpu.dma_semaphore, #tpu.memory_space<semaphore_mem>>) src(%arg14 : memref<128x64xf32, #tpu.memory_space<vmem>>) dst(%dma_wait3A_295 : memref<10240x64xf32, #tpu.memory_space<vmem_shared>>)
      %dma_start3A_296 = arith.constant 0 : i32
      %dma_start3A_297 = tpu.memref_slice %arg11[%add3A_282, %dma_start3A_296] : memref<81x128xi32, #tpu.memory_space<vmem>> -> memref<1x128xi32, #tpu.memory_space<vmem>>
      %dma_start3A_298 = tpu.memref_squeeze %dma_start3A_297 : memref<1x128xi32, #tpu.memory_space<vmem>> -> memref<128xi32, #tpu.memory_space<vmem>>
      %dma_start3A_299 = arith.constant 0 : i32
      %dma_start3A_300 = arith.constant 0 : i32
      %dma_start3A_301 = tpu.memref_slice %arg15[%dma_start3A_299, %dma_start3A_300] : memref<10240x64xf32, #tpu.memory_space<vmem_shared>> -> memref<10240x64xf32, #tpu.memory_space<vmem_shared>>
      tpu.enqueue_indirect_dma source(%arg12 : memref<128x64xf32, #tpu.memory_space<vmem>>) target(%dma_start3A_301 : memref<10240x64xf32, #tpu.memory_space<vmem_shared>>) offsets(%dma_start3A_298 : memref<128xi32, #tpu.memory_space<vmem>>) semaphore(%arg20 : memref<!tpu.dma_semaphore, #tpu.memory_space<semaphore_mem>>) {add = true}
      "tpu.region"() ({
        %run_scoped3A_374 = tpu.sem_alloc : memref<!tpu.dma_semaphore, #tpu.memory_space<semaphore_mem>>
        %dma_start3A_375 = arith.constant 0 : i32
        %dma_start3A_376 = tpu.memref_slice %arg11[%add3A_282, %dma_start3A_375] : memref<81x128xi32, #tpu.memory_space<vmem>> -> memref<1x128xi32, #tpu.memory_space<vmem>>
        %dma_start3A_377 = tpu.memref_squeeze %dma_start3A_376 : memref<1x128xi32, #tpu.memory_space<vmem>> -> memref<128xi32, #tpu.memory_space<vmem>>
        %dma_start3A_378 = arith.constant 0 : i32
        %dma_start3A_379 = tpu.memref_slice %arg23[%dma_start3A_378] : memref<10240xf32, #tpu.memory_space<vmem_shared>> -> memref<10240xf32, #tpu.memory_space<vmem_shared>>
        tpu.enqueue_indirect_dma source(%arg21 : memref<128xf32, #tpu.memory_space<vmem>>) target(%dma_start3A_379 : memref<10240xf32, #tpu.memory_space<vmem_shared>>) offsets(%dma_start3A_377 : memref<128xi32, #tpu.memory_space<vmem>>) semaphore(%run_scoped3A_374 : memref<!tpu.dma_semaphore, #tpu.memory_space<semaphore_mem>>) {add = true}
        %dma_wait3A_380 = arith.constant 0 : i32
        %dma_wait3A_381 = tpu.memref_slice %arg11[%add3A_282, %dma_wait3A_380] : memref<81x128xi32, #tpu.memory_space<vmem>> -> memref<1x128xi32, #tpu.memory_space<vmem>>
        %dma_wait3A_382 = tpu.memref_squeeze %dma_wait3A_381 : memref<1x128xi32, #tpu.memory_space<vmem>> -> memref<128xi32, #tpu.memory_space<vmem>>
        %dma_wait3A_383 = arith.constant 0 : i32
        %dma_wait3A_384 = tpu.memref_slice %arg23[%dma_wait3A_383] : memref<10240xf32, #tpu.memory_space<vmem_shared>> -> memref<10240xf32, #tpu.memory_space<vmem_shared>>
        tpu.wait_indirect_dma semaphore(%run_scoped3A_374 : memref<!tpu.dma_semaphore, #tpu.memory_space<semaphore_mem>>) src(%arg21 : memref<128xf32, #tpu.memory_space<vmem>>) dst(%dma_wait3A_384 : memref<10240xf32, #tpu.memory_space<vmem_shared>>)
        tpu.yield
      }) : () -> ()
      %add3A_302 = arith.constant 2 : i32
      %add3A_303 = arith.addi %add3A_282, %add3A_302 : i32
      %dma_start3A_304 = arith.constant 0 : i32
      %dma_start3A_305 = tpu.memref_slice %arg10[%add3A_303, %dma_start3A_304] : memref<81x128xi32, #tpu.memory_space<vmem>> -> memref<1x128xi32, #tpu.memory_space<vmem>>
      %dma_start3A_306 = tpu.memref_squeeze %dma_start3A_305 : memref<1x128xi32, #tpu.memory_space<vmem>> -> memref<128xi32, #tpu.memory_space<vmem>>
      %dma_start3A_307 = arith.constant 0 : i32
      %dma_start3A_308 = arith.constant 0 : i32
      %dma_start3A_309 = tpu.memref_slice %arg16[%dma_start3A_307, %dma_start3A_308] : memref<10240x64xf32, #tpu.memory_space<vmem_shared>> -> memref<10240x64xf32, #tpu.memory_space<vmem_shared>>
      tpu.enqueue_indirect_dma source(%dma_start3A_309 : memref<10240x64xf32, #tpu.memory_space<vmem_shared>>) target(%arg14 : memref<128x64xf32, #tpu.memory_space<vmem>>) offsets(%dma_start3A_306 : memref<128xi32, #tpu.memory_space<vmem>>) semaphore(%arg19 : memref<!tpu.dma_semaphore, #tpu.memory_space<semaphore_mem>>)
      %mul3A_310 = arith.constant 3 : i32
      %mul3A_311 = arith.muli %scan3A_278, %mul3A_310 : i32
      %add3A_312 = arith.constant 1 : i32
      %add3A_313 = arith.addi %mul3A_311, %add3A_312 : i32
      %dma_wait3A_314 = arith.constant 0 : i32
      %dma_wait3A_315 = tpu.memref_slice %arg10[%add3A_313, %dma_wait3A_314] : memref<81x128xi32, #tpu.memory_space<vmem>> -> memref<1x128xi32, #tpu.memory_space<vmem>>
      %dma_wait3A_316 = tpu.memref_squeeze %dma_wait3A_315 : memref<1x128xi32, #tpu.memory_space<vmem>> -> memref<128xi32, #tpu.memory_space<vmem>>
      %dma_wait3A_317 = arith.constant 0 : i32
      %dma_wait3A_318 = arith.constant 0 : i32
      %dma_wait3A_319 = tpu.memref_slice %arg16[%dma_wait3A_317, %dma_wait3A_318] : memref<10240x64xf32, #tpu.memory_space<vmem_shared>> -> memref<10240x64xf32, #tpu.memory_space<vmem_shared>>
      tpu.wait_indirect_dma semaphore(%arg18 : memref<!tpu.dma_semaphore, #tpu.memory_space<semaphore_mem>>) src(%dma_wait3A_319 : memref<10240x64xf32, #tpu.memory_space<vmem_shared>>) dst(%arg13 : memref<128x64xf32, #tpu.memory_space<vmem>>)
      %sub3A_320 = arith.constant 1 : i32
      %sub3A_321 = arith.subi %add3A_313, %sub3A_320 : i32
      %dma_wait3A_322 = arith.constant 0 : i32
      %dma_wait3A_323 = tpu.memref_slice %arg11[%sub3A_321, %dma_wait3A_322] : memref<81x128xi32, #tpu.memory_space<vmem>> -> memref<1x128xi32, #tpu.memory_space<vmem>>
      %dma_wait3A_324 = tpu.memref_squeeze %dma_wait3A_323 : memref<1x128xi32, #tpu.memory_space<vmem>> -> memref<128xi32, #tpu.memory_space<vmem>>
      %dma_wait3A_325 = arith.constant 0 : i32
      %dma_wait3A_326 = arith.constant 0 : i32
      %dma_wait3A_327 = tpu.memref_slice %arg15[%dma_wait3A_325, %dma_wait3A_326] : memref<10240x64xf32, #tpu.memory_space<vmem_shared>> -> memref<10240x64xf32, #tpu.memory_space<vmem_shared>>
      tpu.wait_indirect_dma semaphore(%arg20 : memref<!tpu.dma_semaphore, #tpu.memory_space<semaphore_mem>>) src(%arg12 : memref<128x64xf32, #tpu.memory_space<vmem>>) dst(%dma_wait3A_327 : memref<10240x64xf32, #tpu.memory_space<vmem_shared>>)
      %dma_start3A_328 = arith.constant 0 : i32
      %dma_start3A_329 = tpu.memref_slice %arg11[%add3A_313, %dma_start3A_328] : memref<81x128xi32, #tpu.memory_space<vmem>> -> memref<1x128xi32, #tpu.memory_space<vmem>>
      %dma_start3A_330 = tpu.memref_squeeze %dma_start3A_329 : memref<1x128xi32, #tpu.memory_space<vmem>> -> memref<128xi32, #tpu.memory_space<vmem>>
      %dma_start3A_331 = arith.constant 0 : i32
      %dma_start3A_332 = arith.constant 0 : i32
      %dma_start3A_333 = tpu.memref_slice %arg15[%dma_start3A_331, %dma_start3A_332] : memref<10240x64xf32, #tpu.memory_space<vmem_shared>> -> memref<10240x64xf32, #tpu.memory_space<vmem_shared>>
      tpu.enqueue_indirect_dma source(%arg13 : memref<128x64xf32, #tpu.memory_space<vmem>>) target(%dma_start3A_333 : memref<10240x64xf32, #tpu.memory_space<vmem_shared>>) offsets(%dma_start3A_330 : memref<128xi32, #tpu.memory_space<vmem>>) semaphore(%arg20 : memref<!tpu.dma_semaphore, #tpu.memory_space<semaphore_mem>>) {add = true}
      "tpu.region"() ({
        %run_scoped3A_374 = tpu.sem_alloc : memref<!tpu.dma_semaphore, #tpu.memory_space<semaphore_mem>>
        %dma_start3A_375 = arith.constant 0 : i32
        %dma_start3A_376 = tpu.memref_slice %arg11[%add3A_313, %dma_start3A_375] : memref<81x128xi32, #tpu.memory_space<vmem>> -> memref<1x128xi32, #tpu.memory_space<vmem>>
        %dma_start3A_377 = tpu.memref_squeeze %dma_start3A_376 : memref<1x128xi32, #tpu.memory_space<vmem>> -> memref<128xi32, #tpu.memory_space<vmem>>
        %dma_start3A_378 = arith.constant 0 : i32
        %dma_start3A_379 = tpu.memref_slice %arg23[%dma_start3A_378] : memref<10240xf32, #tpu.memory_space<vmem_shared>> -> memref<10240xf32, #tpu.memory_space<vmem_shared>>
        tpu.enqueue_indirect_dma source(%arg21 : memref<128xf32, #tpu.memory_space<vmem>>) target(%dma_start3A_379 : memref<10240xf32, #tpu.memory_space<vmem_shared>>) offsets(%dma_start3A_377 : memref<128xi32, #tpu.memory_space<vmem>>) semaphore(%run_scoped3A_374 : memref<!tpu.dma_semaphore, #tpu.memory_space<semaphore_mem>>) {add = true}
        %dma_wait3A_380 = arith.constant 0 : i32
        %dma_wait3A_381 = tpu.memref_slice %arg11[%add3A_313, %dma_wait3A_380] : memref<81x128xi32, #tpu.memory_space<vmem>> -> memref<1x128xi32, #tpu.memory_space<vmem>>
        %dma_wait3A_382 = tpu.memref_squeeze %dma_wait3A_381 : memref<1x128xi32, #tpu.memory_space<vmem>> -> memref<128xi32, #tpu.memory_space<vmem>>
        %dma_wait3A_383 = arith.constant 0 : i32
        %dma_wait3A_384 = tpu.memref_slice %arg23[%dma_wait3A_383] : memref<10240xf32, #tpu.memory_space<vmem_shared>> -> memref<10240xf32, #tpu.memory_space<vmem_shared>>
        tpu.wait_indirect_dma semaphore(%run_scoped3A_374 : memref<!tpu.dma_semaphore, #tpu.memory_space<semaphore_mem>>) src(%arg21 : memref<128xf32, #tpu.memory_space<vmem>>) dst(%dma_wait3A_384 : memref<10240xf32, #tpu.memory_space<vmem_shared>>)
        tpu.yield
      }) : () -> ()
      %add3A_334 = arith.constant 2 : i32
      %add3A_335 = arith.addi %add3A_313, %add3A_334 : i32
      %dma_start3A_336 = arith.constant 0 : i32
      %dma_start3A_337 = tpu.memref_slice %arg10[%add3A_335, %dma_start3A_336] : memref<81x128xi32, #tpu.memory_space<vmem>> -> memref<1x128xi32, #tpu.memory_space<vmem>>
      %dma_start3A_338 = tpu.memref_squeeze %dma_start3A_337 : memref<1x128xi32, #tpu.memory_space<vmem>> -> memref<128xi32, #tpu.memory_space<vmem>>
      %dma_start3A_339 = arith.constant 0 : i32
      %dma_start3A_340 = arith.constant 0 : i32
      %dma_start3A_341 = tpu.memref_slice %arg16[%dma_start3A_339, %dma_start3A_340] : memref<10240x64xf32, #tpu.memory_space<vmem_shared>> -> memref<10240x64xf32, #tpu.memory_space<vmem_shared>>
      tpu.enqueue_indirect_dma source(%dma_start3A_341 : memref<10240x64xf32, #tpu.memory_space<vmem_shared>>) target(%arg12 : memref<128x64xf32, #tpu.memory_space<vmem>>) offsets(%dma_start3A_338 : memref<128xi32, #tpu.memory_space<vmem>>) semaphore(%arg17 : memref<!tpu.dma_semaphore, #tpu.memory_space<semaphore_mem>>)
      %mul3A_342 = arith.constant 3 : i32
      %mul3A_343 = arith.muli %scan3A_278, %mul3A_342 : i32
      %add3A_344 = arith.constant 2 : i32
      %add3A_345 = arith.addi %mul3A_343, %add3A_344 : i32
      %dma_wait3A_346 = arith.constant 0 : i32
      %dma_wait3A_347 = tpu.memref_slice %arg10[%add3A_345, %dma_wait3A_346] : memref<81x128xi32, #tpu.memory_space<vmem>> -> memref<1x128xi32, #tpu.memory_space<vmem>>
      %dma_wait3A_348 = tpu.memref_squeeze %dma_wait3A_347 : memref<1x128xi32, #tpu.memory_space<vmem>> -> memref<128xi32, #tpu.memory_space<vmem>>
      %dma_wait3A_349 = arith.constant 0 : i32
      %dma_wait3A_350 = arith.constant 0 : i32
      %dma_wait3A_351 = tpu.memref_slice %arg16[%dma_wait3A_349, %dma_wait3A_350] : memref<10240x64xf32, #tpu.memory_space<vmem_shared>> -> memref<10240x64xf32, #tpu.memory_space<vmem_shared>>
      tpu.wait_indirect_dma semaphore(%arg19 : memref<!tpu.dma_semaphore, #tpu.memory_space<semaphore_mem>>) src(%dma_wait3A_351 : memref<10240x64xf32, #tpu.memory_space<vmem_shared>>) dst(%arg14 : memref<128x64xf32, #tpu.memory_space<vmem>>)
      %sub3A_352 = arith.constant 1 : i32
      %sub3A_353 = arith.subi %add3A_345, %sub3A_352 : i32
      %dma_wait3A_354 = arith.constant 0 : i32
      %dma_wait3A_355 = tpu.memref_slice %arg11[%sub3A_353, %dma_wait3A_354] : memref<81x128xi32, #tpu.memory_space<vmem>> -> memref<1x128xi32, #tpu.memory_space<vmem>>
      %dma_wait3A_356 = tpu.memref_squeeze %dma_wait3A_355 : memref<1x128xi32, #tpu.memory_space<vmem>> -> memref<128xi32, #tpu.memory_space<vmem>>
      %dma_wait3A_357 = arith.constant 0 : i32
      %dma_wait3A_358 = arith.constant 0 : i32
      %dma_wait3A_359 = tpu.memref_slice %arg15[%dma_wait3A_357, %dma_wait3A_358] : memref<10240x64xf32, #tpu.memory_space<vmem_shared>> -> memref<10240x64xf32, #tpu.memory_space<vmem_shared>>
      tpu.wait_indirect_dma semaphore(%arg20 : memref<!tpu.dma_semaphore, #tpu.memory_space<semaphore_mem>>) src(%arg13 : memref<128x64xf32, #tpu.memory_space<vmem>>) dst(%dma_wait3A_359 : memref<10240x64xf32, #tpu.memory_space<vmem_shared>>)
      %dma_start3A_360 = arith.constant 0 : i32
      %dma_start3A_361 = tpu.memref_slice %arg11[%add3A_345, %dma_start3A_360] : memref<81x128xi32, #tpu.memory_space<vmem>> -> memref<1x128xi32, #tpu.memory_space<vmem>>
      %dma_start3A_362 = tpu.memref_squeeze %dma_start3A_361 : memref<1x128xi32, #tpu.memory_space<vmem>> -> memref<128xi32, #tpu.memory_space<vmem>>
      %dma_start3A_363 = arith.constant 0 : i32
      %dma_start3A_364 = arith.constant 0 : i32
      %dma_start3A_365 = tpu.memref_slice %arg15[%dma_start3A_363, %dma_start3A_364] : memref<10240x64xf32, #tpu.memory_space<vmem_shared>> -> memref<10240x64xf32, #tpu.memory_space<vmem_shared>>
      tpu.enqueue_indirect_dma source(%arg14 : memref<128x64xf32, #tpu.memory_space<vmem>>) target(%dma_start3A_365 : memref<10240x64xf32, #tpu.memory_space<vmem_shared>>) offsets(%dma_start3A_362 : memref<128xi32, #tpu.memory_space<vmem>>) semaphore(%arg20 : memref<!tpu.dma_semaphore, #tpu.memory_space<semaphore_mem>>) {add = true}
      "tpu.region"() ({
        %run_scoped3A_374 = tpu.sem_alloc : memref<!tpu.dma_semaphore, #tpu.memory_space<semaphore_mem>>
        %dma_start3A_375 = arith.constant 0 : i32
        %dma_start3A_376 = tpu.memref_slice %arg11[%add3A_345, %dma_start3A_375] : memref<81x128xi32, #tpu.memory_space<vmem>> -> memref<1x128xi32, #tpu.memory_space<vmem>>
        %dma_start3A_377 = tpu.memref_squeeze %dma_start3A_376 : memref<1x128xi32, #tpu.memory_space<vmem>> -> memref<128xi32, #tpu.memory_space<vmem>>
        %dma_start3A_378 = arith.constant 0 : i32
        %dma_start3A_379 = tpu.memref_slice %arg23[%dma_start3A_378] : memref<10240xf32, #tpu.memory_space<vmem_shared>> -> memref<10240xf32, #tpu.memory_space<vmem_shared>>
        tpu.enqueue_indirect_dma source(%arg21 : memref<128xf32, #tpu.memory_space<vmem>>) target(%dma_start3A_379 : memref<10240xf32, #tpu.memory_space<vmem_shared>>) offsets(%dma_start3A_377 : memref<128xi32, #tpu.memory_space<vmem>>) semaphore(%run_scoped3A_374 : memref<!tpu.dma_semaphore, #tpu.memory_space<semaphore_mem>>) {add = true}
        %dma_wait3A_380 = arith.constant 0 : i32
        %dma_wait3A_381 = tpu.memref_slice %arg11[%add3A_345, %dma_wait3A_380] : memref<81x128xi32, #tpu.memory_space<vmem>> -> memref<1x128xi32, #tpu.memory_space<vmem>>
        %dma_wait3A_382 = tpu.memref_squeeze %dma_wait3A_381 : memref<1x128xi32, #tpu.memory_space<vmem>> -> memref<128xi32, #tpu.memory_space<vmem>>
        %dma_wait3A_383 = arith.constant 0 : i32
        %dma_wait3A_384 = tpu.memref_slice %arg23[%dma_wait3A_383] : memref<10240xf32, #tpu.memory_space<vmem_shared>> -> memref<10240xf32, #tpu.memory_space<vmem_shared>>
        tpu.wait_indirect_dma semaphore(%run_scoped3A_374 : memref<!tpu.dma_semaphore, #tpu.memory_space<semaphore_mem>>) src(%arg21 : memref<128xf32, #tpu.memory_space<vmem>>) dst(%dma_wait3A_384 : memref<10240xf32, #tpu.memory_space<vmem_shared>>)
        tpu.yield
      }) : () -> ()
      %add3A_366 = arith.constant 2 : i32
      %add3A_367 = arith.addi %add3A_345, %add3A_366 : i32
      %dma_start3A_368 = arith.constant 0 : i32
      %dma_start3A_369 = tpu.memref_slice %arg10[%add3A_367, %dma_start3A_368] : memref<81x128xi32, #tpu.memory_space<vmem>> -> memref<1x128xi32, #tpu.memory_space<vmem>>
      %dma_start3A_370 = tpu.memref_squeeze %dma_start3A_369 : memref<1x128xi32, #tpu.memory_space<vmem>> -> memref<128xi32, #tpu.memory_space<vmem>>
      %dma_start3A_371 = arith.constant 0 : i32
      %dma_start3A_372 = arith.constant 0 : i32
      %dma_start3A_373 = tpu.memref_slice %arg16[%dma_start3A_371, %dma_start3A_372] : memref<10240x64xf32, #tpu.memory_space<vmem_shared>> -> memref<10240x64xf32, #tpu.memory_space<vmem_shared>>
      tpu.enqueue_indirect_dma source(%dma_start3A_373 : memref<10240x64xf32, #tpu.memory_space<vmem_shared>>) target(%arg13 : memref<128x64xf32, #tpu.memory_space<vmem>>) offsets(%dma_start3A_370 : memref<128xi32, #tpu.memory_space<vmem>>) semaphore(%arg18 : memref<!tpu.dma_semaphore, #tpu.memory_space<semaphore_mem>>)
    }
    %scan3A_156 = arith.constant 25 : i32
    %dma_wait3A_157 = arith.constant 78 : i32
    %dma_wait3A_158 = arith.constant 0 : i32
    %dma_wait3A_159 = tpu.memref_slice %arg10[%dma_wait3A_157, %dma_wait3A_158] : memref<81x128xi32, #tpu.memory_space<vmem>> -> memref<1x128xi32, #tpu.memory_space<vmem>>
    %dma_wait3A_160 = tpu.memref_squeeze %dma_wait3A_159 : memref<1x128xi32, #tpu.memory_space<vmem>> -> memref<128xi32, #tpu.memory_space<vmem>>
    %dma_wait3A_161 = arith.constant 0 : i32
    %dma_wait3A_162 = arith.constant 0 : i32
    %dma_wait3A_163 = tpu.memref_slice %arg16[%dma_wait3A_161, %dma_wait3A_162] : memref<10240x64xf32, #tpu.memory_space<vmem_shared>> -> memref<10240x64xf32, #tpu.memory_space<vmem_shared>>
    tpu.wait_indirect_dma semaphore(%arg17 : memref<!tpu.dma_semaphore, #tpu.memory_space<semaphore_mem>>) src(%dma_wait3A_163 : memref<10240x64xf32, #tpu.memory_space<vmem_shared>>) dst(%arg12 : memref<128x64xf32, #tpu.memory_space<vmem>>)
    %dma_wait3A_164 = arith.constant 77 : i32
    %dma_wait3A_165 = arith.constant 0 : i32
    %dma_wait3A_166 = tpu.memref_slice %arg11[%dma_wait3A_164, %dma_wait3A_165] : memref<81x128xi32, #tpu.memory_space<vmem>> -> memref<1x128xi32, #tpu.memory_space<vmem>>
    %dma_wait3A_167 = tpu.memref_squeeze %dma_wait3A_166 : memref<1x128xi32, #tpu.memory_space<vmem>> -> memref<128xi32, #tpu.memory_space<vmem>>
    %dma_wait3A_168 = arith.constant 0 : i32
    %dma_wait3A_169 = arith.constant 0 : i32
    %dma_wait3A_170 = tpu.memref_slice %arg15[%dma_wait3A_168, %dma_wait3A_169] : memref<10240x64xf32, #tpu.memory_space<vmem_shared>> -> memref<10240x64xf32, #tpu.memory_space<vmem_shared>>
    tpu.wait_indirect_dma semaphore(%arg20 : memref<!tpu.dma_semaphore, #tpu.memory_space<semaphore_mem>>) src(%arg14 : memref<128x64xf32, #tpu.memory_space<vmem>>) dst(%dma_wait3A_170 : memref<10240x64xf32, #tpu.memory_space<vmem_shared>>)
    %dma_start3A_171 = arith.constant 78 : i32
    %dma_start3A_172 = arith.constant 0 : i32
    %dma_start3A_173 = tpu.memref_slice %arg11[%dma_start3A_171, %dma_start3A_172] : memref<81x128xi32, #tpu.memory_space<vmem>> -> memref<1x128xi32, #tpu.memory_space<vmem>>
    %dma_start3A_174 = tpu.memref_squeeze %dma_start3A_173 : memref<1x128xi32, #tpu.memory_space<vmem>> -> memref<128xi32, #tpu.memory_space<vmem>>
    %dma_start3A_175 = arith.constant 0 : i32
    %dma_start3A_176 = arith.constant 0 : i32
    %dma_start3A_177 = tpu.memref_slice %arg15[%dma_start3A_175, %dma_start3A_176] : memref<10240x64xf32, #tpu.memory_space<vmem_shared>> -> memref<10240x64xf32, #tpu.memory_space<vmem_shared>>
    tpu.enqueue_indirect_dma source(%arg12 : memref<128x64xf32, #tpu.memory_space<vmem>>) target(%dma_start3A_177 : memref<10240x64xf32, #tpu.memory_space<vmem_shared>>) offsets(%dma_start3A_174 : memref<128xi32, #tpu.memory_space<vmem>>) semaphore(%arg20 : memref<!tpu.dma_semaphore, #tpu.memory_space<semaphore_mem>>) {add = true}
    %run_scoped3A_178 = arith.constant 78 : i32
    "tpu.region"() ({
      %run_scoped3A_278 = tpu.sem_alloc : memref<!tpu.dma_semaphore, #tpu.memory_space<semaphore_mem>>
      %dma_start3A_279 = arith.constant 0 : i32
      %dma_start3A_280 = tpu.memref_slice %arg11[%run_scoped3A_178, %dma_start3A_279] : memref<81x128xi32, #tpu.memory_space<vmem>> -> memref<1x128xi32, #tpu.memory_space<vmem>>
      %dma_start3A_281 = tpu.memref_squeeze %dma_start3A_280 : memref<1x128xi32, #tpu.memory_space<vmem>> -> memref<128xi32, #tpu.memory_space<vmem>>
      %dma_start3A_282 = arith.constant 0 : i32
      %dma_start3A_283 = tpu.memref_slice %arg23[%dma_start3A_282] : memref<10240xf32, #tpu.memory_space<vmem_shared>> -> memref<10240xf32, #tpu.memory_space<vmem_shared>>
      tpu.enqueue_indirect_dma source(%arg21 : memref<128xf32, #tpu.memory_space<vmem>>) target(%dma_start3A_283 : memref<10240xf32, #tpu.memory_space<vmem_shared>>) offsets(%dma_start3A_281 : memref<128xi32, #tpu.memory_space<vmem>>) semaphore(%run_scoped3A_278 : memref<!tpu.dma_semaphore, #tpu.memory_space<semaphore_mem>>) {add = true}
      %dma_wait3A_284 = arith.constant 0 : i32
      %dma_wait3A_285 = tpu.memref_slice %arg11[%run_scoped3A_178, %dma_wait3A_284] : memref<81x128xi32, #tpu.memory_space<vmem>> -> memref<1x128xi32, #tpu.memory_space<vmem>>
      %dma_wait3A_286 = tpu.memref_squeeze %dma_wait3A_285 : memref<1x128xi32, #tpu.memory_space<vmem>> -> memref<128xi32, #tpu.memory_space<vmem>>
      %dma_wait3A_287 = arith.constant 0 : i32
      %dma_wait3A_288 = tpu.memref_slice %arg23[%dma_wait3A_287] : memref<10240xf32, #tpu.memory_space<vmem_shared>> -> memref<10240xf32, #tpu.memory_space<vmem_shared>>
      tpu.wait_indirect_dma semaphore(%run_scoped3A_278 : memref<!tpu.dma_semaphore, #tpu.memory_space<semaphore_mem>>) src(%arg21 : memref<128xf32, #tpu.memory_space<vmem>>) dst(%dma_wait3A_288 : memref<10240xf32, #tpu.memory_space<vmem_shared>>)
      tpu.yield
    }) : () -> ()
    %dma_start3A_179 = arith.constant 80 : i32
    %dma_start3A_180 = arith.constant 0 : i32
    %dma_start3A_181 = tpu.memref_slice %arg10[%dma_start3A_179, %dma_start3A_180] : memref<81x128xi32, #tpu.memory_space<vmem>> -> memref<1x128xi32, #tpu.memory_space<vmem>>
    %dma_start3A_182 = tpu.memref_squeeze %dma_start3A_181 : memref<1x128xi32, #tpu.memory_space<vmem>> -> memref<128xi32, #tpu.memory_space<vmem>>
    %dma_start3A_183 = arith.constant 0 : i32
    %dma_start3A_184 = arith.constant 0 : i32
    %dma_start3A_185 = tpu.memref_slice %arg16[%dma_start3A_183, %dma_start3A_184] : memref<10240x64xf32, #tpu.memory_space<vmem_shared>> -> memref<10240x64xf32, #tpu.memory_space<vmem_shared>>
    tpu.enqueue_indirect_dma source(%dma_start3A_185 : memref<10240x64xf32, #tpu.memory_space<vmem_shared>>) target(%arg14 : memref<128x64xf32, #tpu.memory_space<vmem>>) offsets(%dma_start3A_182 : memref<128xi32, #tpu.memory_space<vmem>>) semaphore(%arg19 : memref<!tpu.dma_semaphore, #tpu.memory_space<semaphore_mem>>)
    %dma_wait3A_186 = arith.constant 79 : i32
    %dma_wait3A_187 = arith.constant 0 : i32
    %dma_wait3A_188 = tpu.memref_slice %arg10[%dma_wait3A_186, %dma_wait3A_187] : memref<81x128xi32, #tpu.memory_space<vmem>> -> memref<1x128xi32, #tpu.memory_space<vmem>>
    %dma_wait3A_189 = tpu.memref_squeeze %dma_wait3A_188 : memref<1x128xi32, #tpu.memory_space<vmem>> -> memref<128xi32, #tpu.memory_space<vmem>>
    %dma_wait3A_190 = arith.constant 0 : i32
    %dma_wait3A_191 = arith.constant 0 : i32
    %dma_wait3A_192 = tpu.memref_slice %arg16[%dma_wait3A_190, %dma_wait3A_191] : memref<10240x64xf32, #tpu.memory_space<vmem_shared>> -> memref<10240x64xf32, #tpu.memory_space<vmem_shared>>
    tpu.wait_indirect_dma semaphore(%arg18 : memref<!tpu.dma_semaphore, #tpu.memory_space<semaphore_mem>>) src(%dma_wait3A_192 : memref<10240x64xf32, #tpu.memory_space<vmem_shared>>) dst(%arg13 : memref<128x64xf32, #tpu.memory_space<vmem>>)
    %dma_wait3A_193 = arith.constant 78 : i32
    %dma_wait3A_194 = arith.constant 0 : i32
    %dma_wait3A_195 = tpu.memref_slice %arg11[%dma_wait3A_193, %dma_wait3A_194] : memref<81x128xi32, #tpu.memory_space<vmem>> -> memref<1x128xi32, #tpu.memory_space<vmem>>
    %dma_wait3A_196 = tpu.memref_squeeze %dma_wait3A_195 : memref<1x128xi32, #tpu.memory_space<vmem>> -> memref<128xi32, #tpu.memory_space<vmem>>
    %dma_wait3A_197 = arith.constant 0 : i32
    %dma_wait3A_198 = arith.constant 0 : i32
    %dma_wait3A_199 = tpu.memref_slice %arg15[%dma_wait3A_197, %dma_wait3A_198] : memref<10240x64xf32, #tpu.memory_space<vmem_shared>> -> memref<10240x64xf32, #tpu.memory_space<vmem_shared>>
    tpu.wait_indirect_dma semaphore(%arg20 : memref<!tpu.dma_semaphore, #tpu.memory_space<semaphore_mem>>) src(%arg12 : memref<128x64xf32, #tpu.memory_space<vmem>>) dst(%dma_wait3A_199 : memref<10240x64xf32, #tpu.memory_space<vmem_shared>>)
    %dma_start3A_200 = arith.constant 79 : i32
    %dma_start3A_201 = arith.constant 0 : i32
    %dma_start3A_202 = tpu.memref_slice %arg11[%dma_start3A_200, %dma_start3A_201] : memref<81x128xi32, #tpu.memory_space<vmem>> -> memref<1x128xi32, #tpu.memory_space<vmem>>
    %dma_start3A_203 = tpu.memref_squeeze %dma_start3A_202 : memref<1x128xi32, #tpu.memory_space<vmem>> -> memref<128xi32, #tpu.memory_space<vmem>>
    %dma_start3A_204 = arith.constant 0 : i32
    %dma_start3A_205 = arith.constant 0 : i32
    %dma_start3A_206 = tpu.memref_slice %arg15[%dma_start3A_204, %dma_start3A_205] : memref<10240x64xf32, #tpu.memory_space<vmem_shared>> -> memref<10240x64xf32, #tpu.memory_space<vmem_shared>>
    tpu.enqueue_indirect_dma source(%arg13 : memref<128x64xf32, #tpu.memory_space<vmem>>) target(%dma_start3A_206 : memref<10240x64xf32, #tpu.memory_space<vmem_shared>>) offsets(%dma_start3A_203 : memref<128xi32, #tpu.memory_space<vmem>>) semaphore(%arg20 : memref<!tpu.dma_semaphore, #tpu.memory_space<semaphore_mem>>) {add = true}
    %run_scoped3A_207 = arith.constant 79 : i32
    "tpu.region"() ({
      %run_scoped3A_278 = tpu.sem_alloc : memref<!tpu.dma_semaphore, #tpu.memory_space<semaphore_mem>>
      %dma_start3A_279 = arith.constant 0 : i32
      %dma_start3A_280 = tpu.memref_slice %arg11[%run_scoped3A_207, %dma_start3A_279] : memref<81x128xi32, #tpu.memory_space<vmem>> -> memref<1x128xi32, #tpu.memory_space<vmem>>
      %dma_start3A_281 = tpu.memref_squeeze %dma_start3A_280 : memref<1x128xi32, #tpu.memory_space<vmem>> -> memref<128xi32, #tpu.memory_space<vmem>>
      %dma_start3A_282 = arith.constant 0 : i32
      %dma_start3A_283 = tpu.memref_slice %arg23[%dma_start3A_282] : memref<10240xf32, #tpu.memory_space<vmem_shared>> -> memref<10240xf32, #tpu.memory_space<vmem_shared>>
      tpu.enqueue_indirect_dma source(%arg21 : memref<128xf32, #tpu.memory_space<vmem>>) target(%dma_start3A_283 : memref<10240xf32, #tpu.memory_space<vmem_shared>>) offsets(%dma_start3A_281 : memref<128xi32, #tpu.memory_space<vmem>>) semaphore(%run_scoped3A_278 : memref<!tpu.dma_semaphore, #tpu.memory_space<semaphore_mem>>) {add = true}
      %dma_wait3A_284 = arith.constant 0 : i32
      %dma_wait3A_285 = tpu.memref_slice %arg11[%run_scoped3A_207, %dma_wait3A_284] : memref<81x128xi32, #tpu.memory_space<vmem>> -> memref<1x128xi32, #tpu.memory_space<vmem>>
      %dma_wait3A_286 = tpu.memref_squeeze %dma_wait3A_285 : memref<1x128xi32, #tpu.memory_space<vmem>> -> memref<128xi32, #tpu.memory_space<vmem>>
      %dma_wait3A_287 = arith.constant 0 : i32
      %dma_wait3A_288 = tpu.memref_slice %arg23[%dma_wait3A_287] : memref<10240xf32, #tpu.memory_space<vmem_shared>> -> memref<10240xf32, #tpu.memory_space<vmem_shared>>
      tpu.wait_indirect_dma semaphore(%run_scoped3A_278 : memref<!tpu.dma_semaphore, #tpu.memory_space<semaphore_mem>>) src(%arg21 : memref<128xf32, #tpu.memory_space<vmem>>) dst(%dma_wait3A_288 : memref<10240xf32, #tpu.memory_space<vmem_shared>>)
      tpu.yield
    }) : () -> ()
    %dma_wait3A_208 = arith.constant 80 : i32
    %dma_wait3A_209 = arith.constant 0 : i32
    %dma_wait3A_210 = tpu.memref_slice %arg10[%dma_wait3A_208, %dma_wait3A_209] : memref<81x128xi32, #tpu.memory_space<vmem>> -> memref<1x128xi32, #tpu.memory_space<vmem>>
    %dma_wait3A_211 = tpu.memref_squeeze %dma_wait3A_210 : memref<1x128xi32, #tpu.memory_space<vmem>> -> memref<128xi32, #tpu.memory_space<vmem>>
    %dma_wait3A_212 = arith.constant 0 : i32
    %dma_wait3A_213 = arith.constant 0 : i32
    %dma_wait3A_214 = tpu.memref_slice %arg16[%dma_wait3A_212, %dma_wait3A_213] : memref<10240x64xf32, #tpu.memory_space<vmem_shared>> -> memref<10240x64xf32, #tpu.memory_space<vmem_shared>>
    tpu.wait_indirect_dma semaphore(%arg19 : memref<!tpu.dma_semaphore, #tpu.memory_space<semaphore_mem>>) src(%dma_wait3A_214 : memref<10240x64xf32, #tpu.memory_space<vmem_shared>>) dst(%arg14 : memref<128x64xf32, #tpu.memory_space<vmem>>)
    %dma_wait3A_215 = arith.constant 79 : i32
    %dma_wait3A_216 = arith.constant 0 : i32
    %dma_wait3A_217 = tpu.memref_slice %arg11[%dma_wait3A_215, %dma_wait3A_216] : memref<81x128xi32, #tpu.memory_space<vmem>> -> memref<1x128xi32, #tpu.memory_space<vmem>>
    %dma_wait3A_218 = tpu.memref_squeeze %dma_wait3A_217 : memref<1x128xi32, #tpu.memory_space<vmem>> -> memref<128xi32, #tpu.memory_space<vmem>>
    %dma_wait3A_219 = arith.constant 0 : i32
    %dma_wait3A_220 = arith.constant 0 : i32
    %dma_wait3A_221 = tpu.memref_slice %arg15[%dma_wait3A_219, %dma_wait3A_220] : memref<10240x64xf32, #tpu.memory_space<vmem_shared>> -> memref<10240x64xf32, #tpu.memory_space<vmem_shared>>
    tpu.wait_indirect_dma semaphore(%arg20 : memref<!tpu.dma_semaphore, #tpu.memory_space<semaphore_mem>>) src(%arg13 : memref<128x64xf32, #tpu.memory_space<vmem>>) dst(%dma_wait3A_221 : memref<10240x64xf32, #tpu.memory_space<vmem_shared>>)
    %dma_start3A_222 = arith.constant 80 : i32
    %dma_start3A_223 = arith.constant 0 : i32
    %dma_start3A_224 = tpu.memref_slice %arg11[%dma_start3A_222, %dma_start3A_223] : memref<81x128xi32, #tpu.memory_space<vmem>> -> memref<1x128xi32, #tpu.memory_space<vmem>>
    %dma_start3A_225 = tpu.memref_squeeze %dma_start3A_224 : memref<1x128xi32, #tpu.memory_space<vmem>> -> memref<128xi32, #tpu.memory_space<vmem>>
    %dma_start3A_226 = arith.constant 0 : i32
    %dma_start3A_227 = arith.constant 0 : i32
    %dma_start3A_228 = tpu.memref_slice %arg15[%dma_start3A_226, %dma_start3A_227] : memref<10240x64xf32, #tpu.memory_space<vmem_shared>> -> memref<10240x64xf32, #tpu.memory_space<vmem_shared>>
    tpu.enqueue_indirect_dma source(%arg14 : memref<128x64xf32, #tpu.memory_space<vmem>>) target(%dma_start3A_228 : memref<10240x64xf32, #tpu.memory_space<vmem_shared>>) offsets(%dma_start3A_225 : memref<128xi32, #tpu.memory_space<vmem>>) semaphore(%arg20 : memref<!tpu.dma_semaphore, #tpu.memory_space<semaphore_mem>>) {add = true}
    %run_scoped3A_229 = arith.constant 80 : i32
    "tpu.region"() ({
      %run_scoped3A_278 = tpu.sem_alloc : memref<!tpu.dma_semaphore, #tpu.memory_space<semaphore_mem>>
      %dma_start3A_279 = arith.constant 0 : i32
      %dma_start3A_280 = tpu.memref_slice %arg11[%run_scoped3A_229, %dma_start3A_279] : memref<81x128xi32, #tpu.memory_space<vmem>> -> memref<1x128xi32, #tpu.memory_space<vmem>>
      %dma_start3A_281 = tpu.memref_squeeze %dma_start3A_280 : memref<1x128xi32, #tpu.memory_space<vmem>> -> memref<128xi32, #tpu.memory_space<vmem>>
      %dma_start3A_282 = arith.constant 0 : i32
      %dma_start3A_283 = tpu.memref_slice %arg23[%dma_start3A_282] : memref<10240xf32, #tpu.memory_space<vmem_shared>> -> memref<10240xf32, #tpu.memory_space<vmem_shared>>
      tpu.enqueue_indirect_dma source(%arg21 : memref<128xf32, #tpu.memory_space<vmem>>) target(%dma_start3A_283 : memref<10240xf32, #tpu.memory_space<vmem_shared>>) offsets(%dma_start3A_281 : memref<128xi32, #tpu.memory_space<vmem>>) semaphore(%run_scoped3A_278 : memref<!tpu.dma_semaphore, #tpu.memory_space<semaphore_mem>>) {add = true}
      %dma_wait3A_284 = arith.constant 0 : i32
      %dma_wait3A_285 = tpu.memref_slice %arg11[%run_scoped3A_229, %dma_wait3A_284] : memref<81x128xi32, #tpu.memory_space<vmem>> -> memref<1x128xi32, #tpu.memory_space<vmem>>
      %dma_wait3A_286 = tpu.memref_squeeze %dma_wait3A_285 : memref<1x128xi32, #tpu.memory_space<vmem>> -> memref<128xi32, #tpu.memory_space<vmem>>
      %dma_wait3A_287 = arith.constant 0 : i32
      %dma_wait3A_288 = tpu.memref_slice %arg23[%dma_wait3A_287] : memref<10240xf32, #tpu.memory_space<vmem_shared>> -> memref<10240xf32, #tpu.memory_space<vmem_shared>>
      tpu.wait_indirect_dma semaphore(%run_scoped3A_278 : memref<!tpu.dma_semaphore, #tpu.memory_space<semaphore_mem>>) src(%arg21 : memref<128xf32, #tpu.memory_space<vmem>>) dst(%dma_wait3A_288 : memref<10240xf32, #tpu.memory_space<vmem_shared>>)
      tpu.yield
    }) : () -> ()
    %dma_wait3A_230 = arith.constant 80 : i32
    %dma_wait3A_231 = arith.constant 0 : i32
    %dma_wait3A_232 = tpu.memref_slice %arg11[%dma_wait3A_230, %dma_wait3A_231] : memref<81x128xi32, #tpu.memory_space<vmem>> -> memref<1x128xi32, #tpu.memory_space<vmem>>
    %dma_wait3A_233 = tpu.memref_squeeze %dma_wait3A_232 : memref<1x128xi32, #tpu.memory_space<vmem>> -> memref<128xi32, #tpu.memory_space<vmem>>
    %dma_wait3A_234 = arith.constant 0 : i32
    %dma_wait3A_235 = arith.constant 0 : i32
    %dma_wait3A_236 = tpu.memref_slice %arg15[%dma_wait3A_234, %dma_wait3A_235] : memref<10240x64xf32, #tpu.memory_space<vmem_shared>> -> memref<10240x64xf32, #tpu.memory_space<vmem_shared>>
    tpu.wait_indirect_dma semaphore(%arg20 : memref<!tpu.dma_semaphore, #tpu.memory_space<semaphore_mem>>) src(%arg14 : memref<128x64xf32, #tpu.memory_space<vmem>>) dst(%dma_wait3A_236 : memref<10240x64xf32, #tpu.memory_space<vmem_shared>>)
    %barrier3A_237 = arith.constant 0 : index
    tpu.barrier barrier_id(%barrier3A_237)
    %mul3A_238 = arith.constant 640 : i32
    %mul3A_239 = arith.muli %arg1, %mul3A_238 : i32
    %add3A_240 = arith.constant 0 : i32
    %add3A_241 = arith.addi %mul3A_239, %add3A_240 : i32
    "tpu.region"() ({
      %run_scoped3A_278 = tpu.sem_alloc : memref<!tpu.dma_semaphore, #tpu.memory_space<semaphore_mem>>
      %dma_start3A_279 = arith.constant 0 : i32
      %dma_start3A_280 = tpu.memref_slice %arg15[%add3A_241, %dma_start3A_279] : memref<10240x64xf32, #tpu.memory_space<vmem_shared>> -> memref<128x64xf32, #tpu.memory_space<vmem_shared>>
      %dma_start3A_281 = arith.constant 0 : i32
      %dma_start3A_282 = tpu.memref_slice %arg15[%add3A_241, %dma_start3A_281] : memref<10240x64xf32, #tpu.memory_space<vmem_shared>> -> memref<128x64xf32, #tpu.memory_space<vmem_shared>>
      tpu.enqueue_dma source(%dma_start3A_282 : memref<128x64xf32, #tpu.memory_space<vmem_shared>>) target(%arg12 : memref<128x64xf32, #tpu.memory_space<vmem>>) target_semaphore(%run_scoped3A_278 : memref<!tpu.dma_semaphore, #tpu.memory_space<semaphore_mem>>)
      %dma_wait3A_283 = arith.constant 0 : i32
      %dma_wait3A_284 = tpu.memref_slice %arg15[%add3A_241, %dma_wait3A_283] : memref<10240x64xf32, #tpu.memory_space<vmem_shared>> -> memref<128x64xf32, #tpu.memory_space<vmem_shared>>
      %dma_wait3A_285 = arith.constant 0 : i32
      %dma_wait3A_286 = tpu.memref_slice %arg15[%add3A_241, %dma_wait3A_285] : memref<10240x64xf32, #tpu.memory_space<vmem_shared>> -> memref<128x64xf32, #tpu.memory_space<vmem_shared>>
      tpu.wait_dma2 semaphore(%run_scoped3A_278 : memref<!tpu.dma_semaphore, #tpu.memory_space<semaphore_mem>>) src(%dma_wait3A_286 : memref<128x64xf32, #tpu.memory_space<vmem_shared>>) dst(%arg12 : memref<128x64xf32, #tpu.memory_space<vmem>>)
      tpu.yield
    }) : () -> ()
    "tpu.region"() ({
      %run_scoped3A_278 = tpu.sem_alloc : memref<!tpu.dma_semaphore, #tpu.memory_space<semaphore_mem>>
      %dma_start3A_279 = arith.constant 0 : i32
      %dma_start3A_280 = tpu.memref_slice %arg8[%arg0, %add3A_241, %dma_start3A_279] : memref<2x10240x64xf32, #tpu.memory_space<hbm>> -> memref<1x128x64xf32, #tpu.memory_space<hbm>>
      %dma_start3A_281 = tpu.memref_squeeze %dma_start3A_280 : memref<1x128x64xf32, #tpu.memory_space<hbm>> -> memref<128x64xf32, #tpu.memory_space<hbm>>
      %dma_start3A_282 = arith.constant 0 : i32
      %dma_start3A_283 = tpu.memref_slice %arg8[%arg0, %add3A_241, %dma_start3A_282] : memref<2x10240x64xf32, #tpu.memory_space<hbm>> -> memref<1x128x64xf32, #tpu.memory_space<hbm>>
      %dma_start3A_284 = tpu.memref_squeeze %dma_start3A_283 : memref<1x128x64xf32, #tpu.memory_space<hbm>> -> memref<128x64xf32, #tpu.memory_space<hbm>>
      tpu.enqueue_dma source(%arg12 : memref<128x64xf32, #tpu.memory_space<vmem>>) target(%dma_start3A_284 : memref<128x64xf32, #tpu.memory_space<hbm>>) target_semaphore(%run_scoped3A_278 : memref<!tpu.dma_semaphore, #tpu.memory_space<semaphore_mem>>)
      %dma_wait3A_285 = arith.constant 0 : i32
      %dma_wait3A_286 = tpu.memref_slice %arg8[%arg0, %add3A_241, %dma_wait3A_285] : memref<2x10240x64xf32, #tpu.memory_space<hbm>> -> memref<1x128x64xf32, #tpu.memory_space<hbm>>
      %dma_wait3A_287 = tpu.memref_squeeze %dma_wait3A_286 : memref<1x128x64xf32, #tpu.memory_space<hbm>> -> memref<128x64xf32, #tpu.memory_space<hbm>>
      %dma_wait3A_288 = arith.constant 0 : i32
      %dma_wait3A_289 = tpu.memref_slice %arg8[%arg0, %add3A_241, %dma_wait3A_288] : memref<2x10240x64xf32, #tpu.memory_space<hbm>> -> memref<1x128x64xf32, #tpu.memory_space<hbm>>
      %dma_wait3A_290 = tpu.memref_squeeze %dma_wait3A_289 : memref<1x128x64xf32, #tpu.memory_space<hbm>> -> memref<128x64xf32, #tpu.memory_space<hbm>>
      tpu.wait_dma2 semaphore(%run_scoped3A_278 : memref<!tpu.dma_semaphore, #tpu.memory_space<semaphore_mem>>) src(%arg12 : memref<128x64xf32, #tpu.memory_space<vmem>>) dst(%dma_wait3A_290 : memref<128x64xf32, #tpu.memory_space<hbm>>)
      tpu.yield
    }) : () -> ()
    %mul3A_242 = arith.constant 640 : i32
    %mul3A_243 = arith.muli %arg1, %mul3A_242 : i32
    %add3A_244 = arith.constant 128 : i32
    %add3A_245 = arith.addi %mul3A_243, %add3A_244 : i32
    "tpu.region"() ({
      %run_scoped3A_278 = tpu.sem_alloc : memref<!tpu.dma_semaphore, #tpu.memory_space<semaphore_mem>>
      %dma_start3A_279 = arith.constant 0 : i32
      %dma_start3A_280 = tpu.memref_slice %arg15[%add3A_245, %dma_start3A_279] : memref<10240x64xf32, #tpu.memory_space<vmem_shared>> -> memref<128x64xf32, #tpu.memory_space<vmem_shared>>
      %dma_start3A_281 = arith.constant 0 : i32
      %dma_start3A_282 = tpu.memref_slice %arg15[%add3A_245, %dma_start3A_281] : memref<10240x64xf32, #tpu.memory_space<vmem_shared>> -> memref<128x64xf32, #tpu.memory_space<vmem_shared>>
      tpu.enqueue_dma source(%dma_start3A_282 : memref<128x64xf32, #tpu.memory_space<vmem_shared>>) target(%arg13 : memref<128x64xf32, #tpu.memory_space<vmem>>) target_semaphore(%run_scoped3A_278 : memref<!tpu.dma_semaphore, #tpu.memory_space<semaphore_mem>>)
      %dma_wait3A_283 = arith.constant 0 : i32
      %dma_wait3A_284 = tpu.memref_slice %arg15[%add3A_245, %dma_wait3A_283] : memref<10240x64xf32, #tpu.memory_space<vmem_shared>> -> memref<128x64xf32, #tpu.memory_space<vmem_shared>>
      %dma_wait3A_285 = arith.constant 0 : i32
      %dma_wait3A_286 = tpu.memref_slice %arg15[%add3A_245, %dma_wait3A_285] : memref<10240x64xf32, #tpu.memory_space<vmem_shared>> -> memref<128x64xf32, #tpu.memory_space<vmem_shared>>
      tpu.wait_dma2 semaphore(%run_scoped3A_278 : memref<!tpu.dma_semaphore, #tpu.memory_space<semaphore_mem>>) src(%dma_wait3A_286 : memref<128x64xf32, #tpu.memory_space<vmem_shared>>) dst(%arg13 : memref<128x64xf32, #tpu.memory_space<vmem>>)
      tpu.yield
    }) : () -> ()
    "tpu.region"() ({
      %run_scoped3A_278 = tpu.sem_alloc : memref<!tpu.dma_semaphore, #tpu.memory_space<semaphore_mem>>
      %dma_start3A_279 = arith.constant 0 : i32
      %dma_start3A_280 = tpu.memref_slice %arg8[%arg0, %add3A_245, %dma_start3A_279] : memref<2x10240x64xf32, #tpu.memory_space<hbm>> -> memref<1x128x64xf32, #tpu.memory_space<hbm>>
      %dma_start3A_281 = tpu.memref_squeeze %dma_start3A_280 : memref<1x128x64xf32, #tpu.memory_space<hbm>> -> memref<128x64xf32, #tpu.memory_space<hbm>>
      %dma_start3A_282 = arith.constant 0 : i32
      %dma_start3A_283 = tpu.memref_slice %arg8[%arg0, %add3A_245, %dma_start3A_282] : memref<2x10240x64xf32, #tpu.memory_space<hbm>> -> memref<1x128x64xf32, #tpu.memory_space<hbm>>
      %dma_start3A_284 = tpu.memref_squeeze %dma_start3A_283 : memref<1x128x64xf32, #tpu.memory_space<hbm>> -> memref<128x64xf32, #tpu.memory_space<hbm>>
      tpu.enqueue_dma source(%arg13 : memref<128x64xf32, #tpu.memory_space<vmem>>) target(%dma_start3A_284 : memref<128x64xf32, #tpu.memory_space<hbm>>) target_semaphore(%run_scoped3A_278 : memref<!tpu.dma_semaphore, #tpu.memory_space<semaphore_mem>>)
      %dma_wait3A_285 = arith.constant 0 : i32
      %dma_wait3A_286 = tpu.memref_slice %arg8[%arg0, %add3A_245, %dma_wait3A_285] : memref<2x10240x64xf32, #tpu.memory_space<hbm>> -> memref<1x128x64xf32, #tpu.memory_space<hbm>>
      %dma_wait3A_287 = tpu.memref_squeeze %dma_wait3A_286 : memref<1x128x64xf32, #tpu.memory_space<hbm>> -> memref<128x64xf32, #tpu.memory_space<hbm>>
      %dma_wait3A_288 = arith.constant 0 : i32
      %dma_wait3A_289 = tpu.memref_slice %arg8[%arg0, %add3A_245, %dma_wait3A_288] : memref<2x10240x64xf32, #tpu.memory_space<hbm>> -> memref<1x128x64xf32, #tpu.memory_space<hbm>>
      %dma_wait3A_290 = tpu.memref_squeeze %dma_wait3A_289 : memref<1x128x64xf32, #tpu.memory_space<hbm>> -> memref<128x64xf32, #tpu.memory_space<hbm>>
      tpu.wait_dma2 semaphore(%run_scoped3A_278 : memref<!tpu.dma_semaphore, #tpu.memory_space<semaphore_mem>>) src(%arg13 : memref<128x64xf32, #tpu.memory_space<vmem>>) dst(%dma_wait3A_290 : memref<128x64xf32, #tpu.memory_space<hbm>>)
      tpu.yield
    }) : () -> ()
    %mul3A_246 = arith.constant 640 : i32
    %mul3A_247 = arith.muli %arg1, %mul3A_246 : i32
    %add3A_248 = arith.constant 256 : i32
    %add3A_249 = arith.addi %mul3A_247, %add3A_248 : i32
    "tpu.region"() ({
      %run_scoped3A_278 = tpu.sem_alloc : memref<!tpu.dma_semaphore, #tpu.memory_space<semaphore_mem>>
      %dma_start3A_279 = arith.constant 0 : i32
      %dma_start3A_280 = tpu.memref_slice %arg15[%add3A_249, %dma_start3A_279] : memref<10240x64xf32, #tpu.memory_space<vmem_shared>> -> memref<128x64xf32, #tpu.memory_space<vmem_shared>>
      %dma_start3A_281 = arith.constant 0 : i32
      %dma_start3A_282 = tpu.memref_slice %arg15[%add3A_249, %dma_start3A_281] : memref<10240x64xf32, #tpu.memory_space<vmem_shared>> -> memref<128x64xf32, #tpu.memory_space<vmem_shared>>
      tpu.enqueue_dma source(%dma_start3A_282 : memref<128x64xf32, #tpu.memory_space<vmem_shared>>) target(%arg14 : memref<128x64xf32, #tpu.memory_space<vmem>>) target_semaphore(%run_scoped3A_278 : memref<!tpu.dma_semaphore, #tpu.memory_space<semaphore_mem>>)
      %dma_wait3A_283 = arith.constant 0 : i32
      %dma_wait3A_284 = tpu.memref_slice %arg15[%add3A_249, %dma_wait3A_283] : memref<10240x64xf32, #tpu.memory_space<vmem_shared>> -> memref<128x64xf32, #tpu.memory_space<vmem_shared>>
      %dma_wait3A_285 = arith.constant 0 : i32
      %dma_wait3A_286 = tpu.memref_slice %arg15[%add3A_249, %dma_wait3A_285] : memref<10240x64xf32, #tpu.memory_space<vmem_shared>> -> memref<128x64xf32, #tpu.memory_space<vmem_shared>>
      tpu.wait_dma2 semaphore(%run_scoped3A_278 : memref<!tpu.dma_semaphore, #tpu.memory_space<semaphore_mem>>) src(%dma_wait3A_286 : memref<128x64xf32, #tpu.memory_space<vmem_shared>>) dst(%arg14 : memref<128x64xf32, #tpu.memory_space<vmem>>)
      tpu.yield
    }) : () -> ()
    "tpu.region"() ({
      %run_scoped3A_278 = tpu.sem_alloc : memref<!tpu.dma_semaphore, #tpu.memory_space<semaphore_mem>>
      %dma_start3A_279 = arith.constant 0 : i32
      %dma_start3A_280 = tpu.memref_slice %arg8[%arg0, %add3A_249, %dma_start3A_279] : memref<2x10240x64xf32, #tpu.memory_space<hbm>> -> memref<1x128x64xf32, #tpu.memory_space<hbm>>
      %dma_start3A_281 = tpu.memref_squeeze %dma_start3A_280 : memref<1x128x64xf32, #tpu.memory_space<hbm>> -> memref<128x64xf32, #tpu.memory_space<hbm>>
      %dma_start3A_282 = arith.constant 0 : i32
      %dma_start3A_283 = tpu.memref_slice %arg8[%arg0, %add3A_249, %dma_start3A_282] : memref<2x10240x64xf32, #tpu.memory_space<hbm>> -> memref<1x128x64xf32, #tpu.memory_space<hbm>>
      %dma_start3A_284 = tpu.memref_squeeze %dma_start3A_283 : memref<1x128x64xf32, #tpu.memory_space<hbm>> -> memref<128x64xf32, #tpu.memory_space<hbm>>
      tpu.enqueue_dma source(%arg14 : memref<128x64xf32, #tpu.memory_space<vmem>>) target(%dma_start3A_284 : memref<128x64xf32, #tpu.memory_space<hbm>>) target_semaphore(%run_scoped3A_278 : memref<!tpu.dma_semaphore, #tpu.memory_space<semaphore_mem>>)
      %dma_wait3A_285 = arith.constant 0 : i32
      %dma_wait3A_286 = tpu.memref_slice %arg8[%arg0, %add3A_249, %dma_wait3A_285] : memref<2x10240x64xf32, #tpu.memory_space<hbm>> -> memref<1x128x64xf32, #tpu.memory_space<hbm>>
      %dma_wait3A_287 = tpu.memref_squeeze %dma_wait3A_286 : memref<1x128x64xf32, #tpu.memory_space<hbm>> -> memref<128x64xf32, #tpu.memory_space<hbm>>
      %dma_wait3A_288 = arith.constant 0 : i32
      %dma_wait3A_289 = tpu.memref_slice %arg8[%arg0, %add3A_249, %dma_wait3A_288] : memref<2x10240x64xf32, #tpu.memory_space<hbm>> -> memref<1x128x64xf32, #tpu.memory_space<hbm>>
      %dma_wait3A_290 = tpu.memref_squeeze %dma_wait3A_289 : memref<1x128x64xf32, #tpu.memory_space<hbm>> -> memref<128x64xf32, #tpu.memory_space<hbm>>
      tpu.wait_dma2 semaphore(%run_scoped3A_278 : memref<!tpu.dma_semaphore, #tpu.memory_space<semaphore_mem>>) src(%arg14 : memref<128x64xf32, #tpu.memory_space<vmem>>) dst(%dma_wait3A_290 : memref<128x64xf32, #tpu.memory_space<hbm>>)
      tpu.yield
    }) : () -> ()
    %mul3A_250 = arith.constant 640 : i32
    %mul3A_251 = arith.muli %arg1, %mul3A_250 : i32
    %add3A_252 = arith.constant 384 : i32
    %add3A_253 = arith.addi %mul3A_251, %add3A_252 : i32
    "tpu.region"() ({
      %run_scoped3A_278 = tpu.sem_alloc : memref<!tpu.dma_semaphore, #tpu.memory_space<semaphore_mem>>
      %dma_start3A_279 = arith.constant 0 : i32
      %dma_start3A_280 = tpu.memref_slice %arg15[%add3A_253, %dma_start3A_279] : memref<10240x64xf32, #tpu.memory_space<vmem_shared>> -> memref<128x64xf32, #tpu.memory_space<vmem_shared>>
      %dma_start3A_281 = arith.constant 0 : i32
      %dma_start3A_282 = tpu.memref_slice %arg15[%add3A_253, %dma_start3A_281] : memref<10240x64xf32, #tpu.memory_space<vmem_shared>> -> memref<128x64xf32, #tpu.memory_space<vmem_shared>>
      tpu.enqueue_dma source(%dma_start3A_282 : memref<128x64xf32, #tpu.memory_space<vmem_shared>>) target(%arg12 : memref<128x64xf32, #tpu.memory_space<vmem>>) target_semaphore(%run_scoped3A_278 : memref<!tpu.dma_semaphore, #tpu.memory_space<semaphore_mem>>)
      %dma_wait3A_283 = arith.constant 0 : i32
      %dma_wait3A_284 = tpu.memref_slice %arg15[%add3A_253, %dma_wait3A_283] : memref<10240x64xf32, #tpu.memory_space<vmem_shared>> -> memref<128x64xf32, #tpu.memory_space<vmem_shared>>
      %dma_wait3A_285 = arith.constant 0 : i32
      %dma_wait3A_286 = tpu.memref_slice %arg15[%add3A_253, %dma_wait3A_285] : memref<10240x64xf32, #tpu.memory_space<vmem_shared>> -> memref<128x64xf32, #tpu.memory_space<vmem_shared>>
      tpu.wait_dma2 semaphore(%run_scoped3A_278 : memref<!tpu.dma_semaphore, #tpu.memory_space<semaphore_mem>>) src(%dma_wait3A_286 : memref<128x64xf32, #tpu.memory_space<vmem_shared>>) dst(%arg12 : memref<128x64xf32, #tpu.memory_space<vmem>>)
      tpu.yield
    }) : () -> ()
    "tpu.region"() ({
      %run_scoped3A_278 = tpu.sem_alloc : memref<!tpu.dma_semaphore, #tpu.memory_space<semaphore_mem>>
      %dma_start3A_279 = arith.constant 0 : i32
      %dma_start3A_280 = tpu.memref_slice %arg8[%arg0, %add3A_253, %dma_start3A_279] : memref<2x10240x64xf32, #tpu.memory_space<hbm>> -> memref<1x128x64xf32, #tpu.memory_space<hbm>>
      %dma_start3A_281 = tpu.memref_squeeze %dma_start3A_280 : memref<1x128x64xf32, #tpu.memory_space<hbm>> -> memref<128x64xf32, #tpu.memory_space<hbm>>
      %dma_start3A_282 = arith.constant 0 : i32
      %dma_start3A_283 = tpu.memref_slice %arg8[%arg0, %add3A_253, %dma_start3A_282] : memref<2x10240x64xf32, #tpu.memory_space<hbm>> -> memref<1x128x64xf32, #tpu.memory_space<hbm>>
      %dma_start3A_284 = tpu.memref_squeeze %dma_start3A_283 : memref<1x128x64xf32, #tpu.memory_space<hbm>> -> memref<128x64xf32, #tpu.memory_space<hbm>>
      tpu.enqueue_dma source(%arg12 : memref<128x64xf32, #tpu.memory_space<vmem>>) target(%dma_start3A_284 : memref<128x64xf32, #tpu.memory_space<hbm>>) target_semaphore(%run_scoped3A_278 : memref<!tpu.dma_semaphore, #tpu.memory_space<semaphore_mem>>)
      %dma_wait3A_285 = arith.constant 0 : i32
      %dma_wait3A_286 = tpu.memref_slice %arg8[%arg0, %add3A_253, %dma_wait3A_285] : memref<2x10240x64xf32, #tpu.memory_space<hbm>> -> memref<1x128x64xf32, #tpu.memory_space<hbm>>
      %dma_wait3A_287 = tpu.memref_squeeze %dma_wait3A_286 : memref<1x128x64xf32, #tpu.memory_space<hbm>> -> memref<128x64xf32, #tpu.memory_space<hbm>>
      %dma_wait3A_288 = arith.constant 0 : i32
      %dma_wait3A_289 = tpu.memref_slice %arg8[%arg0, %add3A_253, %dma_wait3A_288] : memref<2x10240x64xf32, #tpu.memory_space<hbm>> -> memref<1x128x64xf32, #tpu.memory_space<hbm>>
      %dma_wait3A_290 = tpu.memref_squeeze %dma_wait3A_289 : memref<1x128x64xf32, #tpu.memory_space<hbm>> -> memref<128x64xf32, #tpu.memory_space<hbm>>
      tpu.wait_dma2 semaphore(%run_scoped3A_278 : memref<!tpu.dma_semaphore, #tpu.memory_space<semaphore_mem>>) src(%arg12 : memref<128x64xf32, #tpu.memory_space<vmem>>) dst(%dma_wait3A_290 : memref<128x64xf32, #tpu.memory_space<hbm>>)
      tpu.yield
    }) : () -> ()
    %mul3A_254 = arith.constant 640 : i32
    %mul3A_255 = arith.muli %arg1, %mul3A_254 : i32
    %add3A_256 = arith.constant 512 : i32
    %add3A_257 = arith.addi %mul3A_255, %add3A_256 : i32
    "tpu.region"() ({
      %run_scoped3A_278 = tpu.sem_alloc : memref<!tpu.dma_semaphore, #tpu.memory_space<semaphore_mem>>
      %dma_start3A_279 = arith.constant 0 : i32
      %dma_start3A_280 = tpu.memref_slice %arg15[%add3A_257, %dma_start3A_279] : memref<10240x64xf32, #tpu.memory_space<vmem_shared>> -> memref<128x64xf32, #tpu.memory_space<vmem_shared>>
      %dma_start3A_281 = arith.constant 0 : i32
      %dma_start3A_282 = tpu.memref_slice %arg15[%add3A_257, %dma_start3A_281] : memref<10240x64xf32, #tpu.memory_space<vmem_shared>> -> memref<128x64xf32, #tpu.memory_space<vmem_shared>>
      tpu.enqueue_dma source(%dma_start3A_282 : memref<128x64xf32, #tpu.memory_space<vmem_shared>>) target(%arg13 : memref<128x64xf32, #tpu.memory_space<vmem>>) target_semaphore(%run_scoped3A_278 : memref<!tpu.dma_semaphore, #tpu.memory_space<semaphore_mem>>)
      %dma_wait3A_283 = arith.constant 0 : i32
      %dma_wait3A_284 = tpu.memref_slice %arg15[%add3A_257, %dma_wait3A_283] : memref<10240x64xf32, #tpu.memory_space<vmem_shared>> -> memref<128x64xf32, #tpu.memory_space<vmem_shared>>
      %dma_wait3A_285 = arith.constant 0 : i32
      %dma_wait3A_286 = tpu.memref_slice %arg15[%add3A_257, %dma_wait3A_285] : memref<10240x64xf32, #tpu.memory_space<vmem_shared>> -> memref<128x64xf32, #tpu.memory_space<vmem_shared>>
      tpu.wait_dma2 semaphore(%run_scoped3A_278 : memref<!tpu.dma_semaphore, #tpu.memory_space<semaphore_mem>>) src(%dma_wait3A_286 : memref<128x64xf32, #tpu.memory_space<vmem_shared>>) dst(%arg13 : memref<128x64xf32, #tpu.memory_space<vmem>>)
      tpu.yield
    }) : () -> ()
    "tpu.region"() ({
      %run_scoped3A_278 = tpu.sem_alloc : memref<!tpu.dma_semaphore, #tpu.memory_space<semaphore_mem>>
      %dma_start3A_279 = arith.constant 0 : i32
      %dma_start3A_280 = tpu.memref_slice %arg8[%arg0, %add3A_257, %dma_start3A_279] : memref<2x10240x64xf32, #tpu.memory_space<hbm>> -> memref<1x128x64xf32, #tpu.memory_space<hbm>>
      %dma_start3A_281 = tpu.memref_squeeze %dma_start3A_280 : memref<1x128x64xf32, #tpu.memory_space<hbm>> -> memref<128x64xf32, #tpu.memory_space<hbm>>
      %dma_start3A_282 = arith.constant 0 : i32
      %dma_start3A_283 = tpu.memref_slice %arg8[%arg0, %add3A_257, %dma_start3A_282] : memref<2x10240x64xf32, #tpu.memory_space<hbm>> -> memref<1x128x64xf32, #tpu.memory_space<hbm>>
      %dma_start3A_284 = tpu.memref_squeeze %dma_start3A_283 : memref<1x128x64xf32, #tpu.memory_space<hbm>> -> memref<128x64xf32, #tpu.memory_space<hbm>>
      tpu.enqueue_dma source(%arg13 : memref<128x64xf32, #tpu.memory_space<vmem>>) target(%dma_start3A_284 : memref<128x64xf32, #tpu.memory_space<hbm>>) target_semaphore(%run_scoped3A_278 : memref<!tpu.dma_semaphore, #tpu.memory_space<semaphore_mem>>)
      %dma_wait3A_285 = arith.constant 0 : i32
      %dma_wait3A_286 = tpu.memref_slice %arg8[%arg0, %add3A_257, %dma_wait3A_285] : memref<2x10240x64xf32, #tpu.memory_space<hbm>> -> memref<1x128x64xf32, #tpu.memory_space<hbm>>
      %dma_wait3A_287 = tpu.memref_squeeze %dma_wait3A_286 : memref<1x128x64xf32, #tpu.memory_space<hbm>> -> memref<128x64xf32, #tpu.memory_space<hbm>>
      %dma_wait3A_288 = arith.constant 0 : i32
      %dma_wait3A_289 = tpu.memref_slice %arg8[%arg0, %add3A_257, %dma_wait3A_288] : memref<2x10240x64xf32, #tpu.memory_space<hbm>> -> memref<1x128x64xf32, #tpu.memory_space<hbm>>
      %dma_wait3A_290 = tpu.memref_squeeze %dma_wait3A_289 : memref<1x128x64xf32, #tpu.memory_space<hbm>> -> memref<128x64xf32, #tpu.memory_space<hbm>>
      tpu.wait_dma2 semaphore(%run_scoped3A_278 : memref<!tpu.dma_semaphore, #tpu.memory_space<semaphore_mem>>) src(%arg13 : memref<128x64xf32, #tpu.memory_space<vmem>>) dst(%dma_wait3A_290 : memref<128x64xf32, #tpu.memory_space<hbm>>)
      tpu.yield
    }) : () -> ()
    %mul3A_258 = arith.constant 640 : i32
    %mul3A_259 = arith.muli %arg1, %mul3A_258 : i32
    %add3A_260 = arith.constant 0 : i32
    %add3A_261 = arith.addi %mul3A_259, %add3A_260 : i32
    "tpu.region"() ({
      %run_scoped3A_278 = tpu.sem_alloc : memref<!tpu.dma_semaphore, #tpu.memory_space<semaphore_mem>>
      %dma_start3A_279 = tpu.memref_slice %arg23[%add3A_261] : memref<10240xf32, #tpu.memory_space<vmem_shared>> -> memref<128xf32, #tpu.memory_space<vmem_shared>>
      %dma_start3A_280 = tpu.memref_slice %arg23[%add3A_261] : memref<10240xf32, #tpu.memory_space<vmem_shared>> -> memref<128xf32, #tpu.memory_space<vmem_shared>>
      tpu.enqueue_dma source(%dma_start3A_280 : memref<128xf32, #tpu.memory_space<vmem_shared>>) target(%arg22 : memref<128xf32, #tpu.memory_space<vmem>>) target_semaphore(%run_scoped3A_278 : memref<!tpu.dma_semaphore, #tpu.memory_space<semaphore_mem>>)
      %dma_wait3A_281 = tpu.memref_slice %arg23[%add3A_261] : memref<10240xf32, #tpu.memory_space<vmem_shared>> -> memref<128xf32, #tpu.memory_space<vmem_shared>>
      %dma_wait3A_282 = tpu.memref_slice %arg23[%add3A_261] : memref<10240xf32, #tpu.memory_space<vmem_shared>> -> memref<128xf32, #tpu.memory_space<vmem_shared>>
      tpu.wait_dma2 semaphore(%run_scoped3A_278 : memref<!tpu.dma_semaphore, #tpu.memory_space<semaphore_mem>>) src(%dma_wait3A_282 : memref<128xf32, #tpu.memory_space<vmem_shared>>) dst(%arg22 : memref<128xf32, #tpu.memory_space<vmem>>)
      tpu.yield
    }) : () -> ()
    "tpu.region"() ({
      %run_scoped3A_278 = tpu.sem_alloc : memref<!tpu.dma_semaphore, #tpu.memory_space<semaphore_mem>>
      %dma_start3A_279 = tpu.memref_slice %arg9[%arg0, %add3A_261] : memref<2x10240xf32, #tpu.memory_space<hbm>> -> memref<1x128xf32, #tpu.memory_space<hbm>>
      %dma_start3A_280 = tpu.memref_squeeze %dma_start3A_279 : memref<1x128xf32, #tpu.memory_space<hbm>> -> memref<128xf32, #tpu.memory_space<hbm>>
      %dma_start3A_281 = tpu.memref_slice %arg9[%arg0, %add3A_261] : memref<2x10240xf32, #tpu.memory_space<hbm>> -> memref<1x128xf32, #tpu.memory_space<hbm>>
      %dma_start3A_282 = tpu.memref_squeeze %dma_start3A_281 : memref<1x128xf32, #tpu.memory_space<hbm>> -> memref<128xf32, #tpu.memory_space<hbm>>
      tpu.enqueue_dma source(%arg22 : memref<128xf32, #tpu.memory_space<vmem>>) target(%dma_start3A_282 : memref<128xf32, #tpu.memory_space<hbm>>) target_semaphore(%run_scoped3A_278 : memref<!tpu.dma_semaphore, #tpu.memory_space<semaphore_mem>>)
      %dma_wait3A_283 = tpu.memref_slice %arg9[%arg0, %add3A_261] : memref<2x10240xf32, #tpu.memory_space<hbm>> -> memref<1x128xf32, #tpu.memory_space<hbm>>
      %dma_wait3A_284 = tpu.memref_squeeze %dma_wait3A_283 : memref<1x128xf32, #tpu.memory_space<hbm>> -> memref<128xf32, #tpu.memory_space<hbm>>
      %dma_wait3A_285 = tpu.memref_slice %arg9[%arg0, %add3A_261] : memref<2x10240xf32, #tpu.memory_space<hbm>> -> memref<1x128xf32, #tpu.memory_space<hbm>>
      %dma_wait3A_286 = tpu.memref_squeeze %dma_wait3A_285 : memref<1x128xf32, #tpu.memory_space<hbm>> -> memref<128xf32, #tpu.memory_space<hbm>>
      tpu.wait_dma2 semaphore(%run_scoped3A_278 : memref<!tpu.dma_semaphore, #tpu.memory_space<semaphore_mem>>) src(%arg22 : memref<128xf32, #tpu.memory_space<vmem>>) dst(%dma_wait3A_286 : memref<128xf32, #tpu.memory_space<hbm>>)
      tpu.yield
    }) : () -> ()
    %mul3A_262 = arith.constant 640 : i32
    %mul3A_263 = arith.muli %arg1, %mul3A_262 : i32
    %add3A_264 = arith.constant 128 : i32
    %add3A_265 = arith.addi %mul3A_263, %add3A_264 : i32
    "tpu.region"() ({
      %run_scoped3A_278 = tpu.sem_alloc : memref<!tpu.dma_semaphore, #tpu.memory_space<semaphore_mem>>
      %dma_start3A_279 = tpu.memref_slice %arg23[%add3A_265] : memref<10240xf32, #tpu.memory_space<vmem_shared>> -> memref<128xf32, #tpu.memory_space<vmem_shared>>
      %dma_start3A_280 = tpu.memref_slice %arg23[%add3A_265] : memref<10240xf32, #tpu.memory_space<vmem_shared>> -> memref<128xf32, #tpu.memory_space<vmem_shared>>
      tpu.enqueue_dma source(%dma_start3A_280 : memref<128xf32, #tpu.memory_space<vmem_shared>>) target(%arg22 : memref<128xf32, #tpu.memory_space<vmem>>) target_semaphore(%run_scoped3A_278 : memref<!tpu.dma_semaphore, #tpu.memory_space<semaphore_mem>>)
      %dma_wait3A_281 = tpu.memref_slice %arg23[%add3A_265] : memref<10240xf32, #tpu.memory_space<vmem_shared>> -> memref<128xf32, #tpu.memory_space<vmem_shared>>
      %dma_wait3A_282 = tpu.memref_slice %arg23[%add3A_265] : memref<10240xf32, #tpu.memory_space<vmem_shared>> -> memref<128xf32, #tpu.memory_space<vmem_shared>>
      tpu.wait_dma2 semaphore(%run_scoped3A_278 : memref<!tpu.dma_semaphore, #tpu.memory_space<semaphore_mem>>) src(%dma_wait3A_282 : memref<128xf32, #tpu.memory_space<vmem_shared>>) dst(%arg22 : memref<128xf32, #tpu.memory_space<vmem>>)
      tpu.yield
    }) : () -> ()
    "tpu.region"() ({
      %run_scoped3A_278 = tpu.sem_alloc : memref<!tpu.dma_semaphore, #tpu.memory_space<semaphore_mem>>
      %dma_start3A_279 = tpu.memref_slice %arg9[%arg0, %add3A_265] : memref<2x10240xf32, #tpu.memory_space<hbm>> -> memref<1x128xf32, #tpu.memory_space<hbm>>
      %dma_start3A_280 = tpu.memref_squeeze %dma_start3A_279 : memref<1x128xf32, #tpu.memory_space<hbm>> -> memref<128xf32, #tpu.memory_space<hbm>>
      %dma_start3A_281 = tpu.memref_slice %arg9[%arg0, %add3A_265] : memref<2x10240xf32, #tpu.memory_space<hbm>> -> memref<1x128xf32, #tpu.memory_space<hbm>>
      %dma_start3A_282 = tpu.memref_squeeze %dma_start3A_281 : memref<1x128xf32, #tpu.memory_space<hbm>> -> memref<128xf32, #tpu.memory_space<hbm>>
      tpu.enqueue_dma source(%arg22 : memref<128xf32, #tpu.memory_space<vmem>>) target(%dma_start3A_282 : memref<128xf32, #tpu.memory_space<hbm>>) target_semaphore(%run_scoped3A_278 : memref<!tpu.dma_semaphore, #tpu.memory_space<semaphore_mem>>)
      %dma_wait3A_283 = tpu.memref_slice %arg9[%arg0, %add3A_265] : memref<2x10240xf32, #tpu.memory_space<hbm>> -> memref<1x128xf32, #tpu.memory_space<hbm>>
      %dma_wait3A_284 = tpu.memref_squeeze %dma_wait3A_283 : memref<1x128xf32, #tpu.memory_space<hbm>> -> memref<128xf32, #tpu.memory_space<hbm>>
      %dma_wait3A_285 = tpu.memref_slice %arg9[%arg0, %add3A_265] : memref<2x10240xf32, #tpu.memory_space<hbm>> -> memref<1x128xf32, #tpu.memory_space<hbm>>
      %dma_wait3A_286 = tpu.memref_squeeze %dma_wait3A_285 : memref<1x128xf32, #tpu.memory_space<hbm>> -> memref<128xf32, #tpu.memory_space<hbm>>
      tpu.wait_dma2 semaphore(%run_scoped3A_278 : memref<!tpu.dma_semaphore, #tpu.memory_space<semaphore_mem>>) src(%arg22 : memref<128xf32, #tpu.memory_space<vmem>>) dst(%dma_wait3A_286 : memref<128xf32, #tpu.memory_space<hbm>>)
      tpu.yield
    }) : () -> ()
    %mul3A_266 = arith.constant 640 : i32
    %mul3A_267 = arith.muli %arg1, %mul3A_266 : i32
    %add3A_268 = arith.constant 256 : i32
    %add3A_269 = arith.addi %mul3A_267, %add3A_268 : i32
    "tpu.region"() ({
      %run_scoped3A_278 = tpu.sem_alloc : memref<!tpu.dma_semaphore, #tpu.memory_space<semaphore_mem>>
      %dma_start3A_279 = tpu.memref_slice %arg23[%add3A_269] : memref<10240xf32, #tpu.memory_space<vmem_shared>> -> memref<128xf32, #tpu.memory_space<vmem_shared>>
      %dma_start3A_280 = tpu.memref_slice %arg23[%add3A_269] : memref<10240xf32, #tpu.memory_space<vmem_shared>> -> memref<128xf32, #tpu.memory_space<vmem_shared>>
      tpu.enqueue_dma source(%dma_start3A_280 : memref<128xf32, #tpu.memory_space<vmem_shared>>) target(%arg22 : memref<128xf32, #tpu.memory_space<vmem>>) target_semaphore(%run_scoped3A_278 : memref<!tpu.dma_semaphore, #tpu.memory_space<semaphore_mem>>)
      %dma_wait3A_281 = tpu.memref_slice %arg23[%add3A_269] : memref<10240xf32, #tpu.memory_space<vmem_shared>> -> memref<128xf32, #tpu.memory_space<vmem_shared>>
      %dma_wait3A_282 = tpu.memref_slice %arg23[%add3A_269] : memref<10240xf32, #tpu.memory_space<vmem_shared>> -> memref<128xf32, #tpu.memory_space<vmem_shared>>
      tpu.wait_dma2 semaphore(%run_scoped3A_278 : memref<!tpu.dma_semaphore, #tpu.memory_space<semaphore_mem>>) src(%dma_wait3A_282 : memref<128xf32, #tpu.memory_space<vmem_shared>>) dst(%arg22 : memref<128xf32, #tpu.memory_space<vmem>>)
      tpu.yield
    }) : () -> ()
    "tpu.region"() ({
      %run_scoped3A_278 = tpu.sem_alloc : memref<!tpu.dma_semaphore, #tpu.memory_space<semaphore_mem>>
      %dma_start3A_279 = tpu.memref_slice %arg9[%arg0, %add3A_269] : memref<2x10240xf32, #tpu.memory_space<hbm>> -> memref<1x128xf32, #tpu.memory_space<hbm>>
      %dma_start3A_280 = tpu.memref_squeeze %dma_start3A_279 : memref<1x128xf32, #tpu.memory_space<hbm>> -> memref<128xf32, #tpu.memory_space<hbm>>
      %dma_start3A_281 = tpu.memref_slice %arg9[%arg0, %add3A_269] : memref<2x10240xf32, #tpu.memory_space<hbm>> -> memref<1x128xf32, #tpu.memory_space<hbm>>
      %dma_start3A_282 = tpu.memref_squeeze %dma_start3A_281 : memref<1x128xf32, #tpu.memory_space<hbm>> -> memref<128xf32, #tpu.memory_space<hbm>>
      tpu.enqueue_dma source(%arg22 : memref<128xf32, #tpu.memory_space<vmem>>) target(%dma_start3A_282 : memref<128xf32, #tpu.memory_space<hbm>>) target_semaphore(%run_scoped3A_278 : memref<!tpu.dma_semaphore, #tpu.memory_space<semaphore_mem>>)
      %dma_wait3A_283 = tpu.memref_slice %arg9[%arg0, %add3A_269] : memref<2x10240xf32, #tpu.memory_space<hbm>> -> memref<1x128xf32, #tpu.memory_space<hbm>>
      %dma_wait3A_284 = tpu.memref_squeeze %dma_wait3A_283 : memref<1x128xf32, #tpu.memory_space<hbm>> -> memref<128xf32, #tpu.memory_space<hbm>>
      %dma_wait3A_285 = tpu.memref_slice %arg9[%arg0, %add3A_269] : memref<2x10240xf32, #tpu.memory_space<hbm>> -> memref<1x128xf32, #tpu.memory_space<hbm>>
      %dma_wait3A_286 = tpu.memref_squeeze %dma_wait3A_285 : memref<1x128xf32, #tpu.memory_space<hbm>> -> memref<128xf32, #tpu.memory_space<hbm>>
      tpu.wait_dma2 semaphore(%run_scoped3A_278 : memref<!tpu.dma_semaphore, #tpu.memory_space<semaphore_mem>>) src(%arg22 : memref<128xf32, #tpu.memory_space<vmem>>) dst(%dma_wait3A_286 : memref<128xf32, #tpu.memory_space<hbm>>)
      tpu.yield
    }) : () -> ()
    %mul3A_270 = arith.constant 640 : i32
    %mul3A_271 = arith.muli %arg1, %mul3A_270 : i32
    %add3A_272 = arith.constant 384 : i32
    %add3A_273 = arith.addi %mul3A_271, %add3A_272 : i32
    "tpu.region"() ({
      %run_scoped3A_278 = tpu.sem_alloc : memref<!tpu.dma_semaphore, #tpu.memory_space<semaphore_mem>>
      %dma_start3A_279 = tpu.memref_slice %arg23[%add3A_273] : memref<10240xf32, #tpu.memory_space<vmem_shared>> -> memref<128xf32, #tpu.memory_space<vmem_shared>>
      %dma_start3A_280 = tpu.memref_slice %arg23[%add3A_273] : memref<10240xf32, #tpu.memory_space<vmem_shared>> -> memref<128xf32, #tpu.memory_space<vmem_shared>>
      tpu.enqueue_dma source(%dma_start3A_280 : memref<128xf32, #tpu.memory_space<vmem_shared>>) target(%arg22 : memref<128xf32, #tpu.memory_space<vmem>>) target_semaphore(%run_scoped3A_278 : memref<!tpu.dma_semaphore, #tpu.memory_space<semaphore_mem>>)
      %dma_wait3A_281 = tpu.memref_slice %arg23[%add3A_273] : memref<10240xf32, #tpu.memory_space<vmem_shared>> -> memref<128xf32, #tpu.memory_space<vmem_shared>>
      %dma_wait3A_282 = tpu.memref_slice %arg23[%add3A_273] : memref<10240xf32, #tpu.memory_space<vmem_shared>> -> memref<128xf32, #tpu.memory_space<vmem_shared>>
      tpu.wait_dma2 semaphore(%run_scoped3A_278 : memref<!tpu.dma_semaphore, #tpu.memory_space<semaphore_mem>>) src(%dma_wait3A_282 : memref<128xf32, #tpu.memory_space<vmem_shared>>) dst(%arg22 : memref<128xf32, #tpu.memory_space<vmem>>)
      tpu.yield
    }) : () -> ()
    "tpu.region"() ({
      %run_scoped3A_278 = tpu.sem_alloc : memref<!tpu.dma_semaphore, #tpu.memory_space<semaphore_mem>>
      %dma_start3A_279 = tpu.memref_slice %arg9[%arg0, %add3A_273] : memref<2x10240xf32, #tpu.memory_space<hbm>> -> memref<1x128xf32, #tpu.memory_space<hbm>>
      %dma_start3A_280 = tpu.memref_squeeze %dma_start3A_279 : memref<1x128xf32, #tpu.memory_space<hbm>> -> memref<128xf32, #tpu.memory_space<hbm>>
      %dma_start3A_281 = tpu.memref_slice %arg9[%arg0, %add3A_273] : memref<2x10240xf32, #tpu.memory_space<hbm>> -> memref<1x128xf32, #tpu.memory_space<hbm>>
      %dma_start3A_282 = tpu.memref_squeeze %dma_start3A_281 : memref<1x128xf32, #tpu.memory_space<hbm>> -> memref<128xf32, #tpu.memory_space<hbm>>
      tpu.enqueue_dma source(%arg22 : memref<128xf32, #tpu.memory_space<vmem>>) target(%dma_start3A_282 : memref<128xf32, #tpu.memory_space<hbm>>) target_semaphore(%run_scoped3A_278 : memref<!tpu.dma_semaphore, #tpu.memory_space<semaphore_mem>>)
      %dma_wait3A_283 = tpu.memref_slice %arg9[%arg0, %add3A_273] : memref<2x10240xf32, #tpu.memory_space<hbm>> -> memref<1x128xf32, #tpu.memory_space<hbm>>
      %dma_wait3A_284 = tpu.memref_squeeze %dma_wait3A_283 : memref<1x128xf32, #tpu.memory_space<hbm>> -> memref<128xf32, #tpu.memory_space<hbm>>
      %dma_wait3A_285 = tpu.memref_slice %arg9[%arg0, %add3A_273] : memref<2x10240xf32, #tpu.memory_space<hbm>> -> memref<1x128xf32, #tpu.memory_space<hbm>>
      %dma_wait3A_286 = tpu.memref_squeeze %dma_wait3A_285 : memref<1x128xf32, #tpu.memory_space<hbm>> -> memref<128xf32, #tpu.memory_space<hbm>>
      tpu.wait_dma2 semaphore(%run_scoped3A_278 : memref<!tpu.dma_semaphore, #tpu.memory_space<semaphore_mem>>) src(%arg22 : memref<128xf32, #tpu.memory_space<vmem>>) dst(%dma_wait3A_286 : memref<128xf32, #tpu.memory_space<hbm>>)
      tpu.yield
    }) : () -> ()
    %mul3A_274 = arith.constant 640 : i32
    %mul3A_275 = arith.muli %arg1, %mul3A_274 : i32
    %add3A_276 = arith.constant 512 : i32
    %add3A_277 = arith.addi %mul3A_275, %add3A_276 : i32
    "tpu.region"() ({
      %run_scoped3A_278 = tpu.sem_alloc : memref<!tpu.dma_semaphore, #tpu.memory_space<semaphore_mem>>
      %dma_start3A_279 = tpu.memref_slice %arg23[%add3A_277] : memref<10240xf32, #tpu.memory_space<vmem_shared>> -> memref<128xf32, #tpu.memory_space<vmem_shared>>
      %dma_start3A_280 = tpu.memref_slice %arg23[%add3A_277] : memref<10240xf32, #tpu.memory_space<vmem_shared>> -> memref<128xf32, #tpu.memory_space<vmem_shared>>
      tpu.enqueue_dma source(%dma_start3A_280 : memref<128xf32, #tpu.memory_space<vmem_shared>>) target(%arg22 : memref<128xf32, #tpu.memory_space<vmem>>) target_semaphore(%run_scoped3A_278 : memref<!tpu.dma_semaphore, #tpu.memory_space<semaphore_mem>>)
      %dma_wait3A_281 = tpu.memref_slice %arg23[%add3A_277] : memref<10240xf32, #tpu.memory_space<vmem_shared>> -> memref<128xf32, #tpu.memory_space<vmem_shared>>
      %dma_wait3A_282 = tpu.memref_slice %arg23[%add3A_277] : memref<10240xf32, #tpu.memory_space<vmem_shared>> -> memref<128xf32, #tpu.memory_space<vmem_shared>>
      tpu.wait_dma2 semaphore(%run_scoped3A_278 : memref<!tpu.dma_semaphore, #tpu.memory_space<semaphore_mem>>) src(%dma_wait3A_282 : memref<128xf32, #tpu.memory_space<vmem_shared>>) dst(%arg22 : memref<128xf32, #tpu.memory_space<vmem>>)
      tpu.yield
    }) : () -> ()
    "tpu.region"() ({
      %run_scoped3A_278 = tpu.sem_alloc : memref<!tpu.dma_semaphore, #tpu.memory_space<semaphore_mem>>
      %dma_start3A_279 = tpu.memref_slice %arg9[%arg0, %add3A_277] : memref<2x10240xf32, #tpu.memory_space<hbm>> -> memref<1x128xf32, #tpu.memory_space<hbm>>
      %dma_start3A_280 = tpu.memref_squeeze %dma_start3A_279 : memref<1x128xf32, #tpu.memory_space<hbm>> -> memref<128xf32, #tpu.memory_space<hbm>>
      %dma_start3A_281 = tpu.memref_slice %arg9[%arg0, %add3A_277] : memref<2x10240xf32, #tpu.memory_space<hbm>> -> memref<1x128xf32, #tpu.memory_space<hbm>>
      %dma_start3A_282 = tpu.memref_squeeze %dma_start3A_281 : memref<1x128xf32, #tpu.memory_space<hbm>> -> memref<128xf32, #tpu.memory_space<hbm>>
      tpu.enqueue_dma source(%arg22 : memref<128xf32, #tpu.memory_space<vmem>>) target(%dma_start3A_282 : memref<128xf32, #tpu.memory_space<hbm>>) target_semaphore(%run_scoped3A_278 : memref<!tpu.dma_semaphore, #tpu.memory_space<semaphore_mem>>)
      %dma_wait3A_283 = tpu.memref_slice %arg9[%arg0, %add3A_277] : memref<2x10240xf32, #tpu.memory_space<hbm>> -> memref<1x128xf32, #tpu.memory_space<hbm>>
      %dma_wait3A_284 = tpu.memref_squeeze %dma_wait3A_283 : memref<1x128xf32, #tpu.memory_space<hbm>> -> memref<128xf32, #tpu.memory_space<hbm>>
      %dma_wait3A_285 = tpu.memref_slice %arg9[%arg0, %add3A_277] : memref<2x10240xf32, #tpu.memory_space<hbm>> -> memref<1x128xf32, #tpu.memory_space<hbm>>
      %dma_wait3A_286 = tpu.memref_squeeze %dma_wait3A_285 : memref<1x128xf32, #tpu.memory_space<hbm>> -> memref<128xf32, #tpu.memory_space<hbm>>
      tpu.wait_dma2 semaphore(%run_scoped3A_278 : memref<!tpu.dma_semaphore, #tpu.memory_space<semaphore_mem>>) src(%arg22 : memref<128xf32, #tpu.memory_space<vmem>>) dst(%dma_wait3A_286 : memref<128xf32, #tpu.memory_space<hbm>>)
      tpu.yield
    }) : () -> ()
    return
  }
}

#map = affine_map<(d0, d1) -> (0, 0)>
#map1 = affine_map<(d0, d1) -> (0, 0, 0)>
module attributes {stable_mosaic.version = 14 : i64} {
  func.func @body(%arg0: i32, %arg1: i32, %arg2: memref<10240x64xf32, #tpu.memory_space<hbm>>, %arg3: memref<32x81x128xi32, #tpu.memory_space<hbm>>, %arg4: memref<32x81x128xi32, #tpu.memory_space<hbm>>, %arg5: memref<128x64xf32, #tpu.memory_space<hbm>>, %arg6: memref<2x10240x64xf32, #tpu.memory_space<hbm>>, %arg7: memref<81x128xi32, #tpu.memory_space<vmem>>, %arg8: memref<81x128xi32, #tpu.memory_space<vmem>>, %arg9: memref<128x64xf32, #tpu.memory_space<vmem>>, %arg10: memref<128x64xf32, #tpu.memory_space<vmem>>, %arg11: memref<128x64xf32, #tpu.memory_space<vmem>>, %arg12: memref<10240x64xf32, #tpu.memory_space<vmem_shared>>, %arg13: memref<10240x64xf32, #tpu.memory_space<vmem_shared>>, %arg14: memref<!tpu.dma_semaphore, #tpu.memory_space<semaphore_mem>>, %arg15: memref<!tpu.dma_semaphore, #tpu.memory_space<semaphore_mem>>, %arg16: memref<!tpu.dma_semaphore, #tpu.memory_space<semaphore_mem>>, %arg17: memref<!tpu.dma_semaphore, #tpu.memory_space<semaphore_mem>>) attributes {dimension_semantics = [#tpu.dimension_semantics<core_parallel>, #tpu.dimension_semantics<subcore_parallel>], iteration_bounds = array<i64: 2, 16>, scalar_prefetch = 0 : i64, scratch_operands = 11 : i64, tpu.core_type = #tpu.core_type<sc_vector_subcore>, window_params = [{transform_indices = #map}, {transform_indices = #map1}, {transform_indices = #map1}, {transform_indices = #map}, {transform_indices = #map1}]} {
    %mul3A = arith.constant 2 : i32
    %mul3A_0 = arith.muli %arg1, %mul3A : i32
    %add3A = arith.addi %mul3A_0, %arg0 : i32
    "tpu.region"() ({
      %run_scoped3A = tpu.sem_alloc : memref<!tpu.dma_semaphore, #tpu.memory_space<semaphore_mem>>
      %dma_start3A_233 = arith.constant 0 : i32
      %dma_start3A_234 = arith.constant 0 : i32
      %dma_start3A_235 = tpu.memref_slice %arg3[%add3A, %dma_start3A_233, %dma_start3A_234] : memref<32x81x128xi32, #tpu.memory_space<hbm>> -> memref<1x81x128xi32, #tpu.memory_space<hbm>>
      %dma_start3A_236 = tpu.memref_squeeze %dma_start3A_235 : memref<1x81x128xi32, #tpu.memory_space<hbm>> -> memref<81x128xi32, #tpu.memory_space<hbm>>
      %dma_start3A_237 = arith.constant 0 : i32
      %dma_start3A_238 = arith.constant 0 : i32
      %dma_start3A_239 = tpu.memref_slice %arg3[%add3A, %dma_start3A_237, %dma_start3A_238] : memref<32x81x128xi32, #tpu.memory_space<hbm>> -> memref<1x81x128xi32, #tpu.memory_space<hbm>>
      %dma_start3A_240 = tpu.memref_squeeze %dma_start3A_239 : memref<1x81x128xi32, #tpu.memory_space<hbm>> -> memref<81x128xi32, #tpu.memory_space<hbm>>
      tpu.enqueue_dma source(%dma_start3A_240 : memref<81x128xi32, #tpu.memory_space<hbm>>) target(%arg7 : memref<81x128xi32, #tpu.memory_space<vmem>>) target_semaphore(%run_scoped3A : memref<!tpu.dma_semaphore, #tpu.memory_space<semaphore_mem>>)
      %dma_wait3A_241 = arith.constant 0 : i32
      %dma_wait3A_242 = arith.constant 0 : i32
      %dma_wait3A_243 = tpu.memref_slice %arg3[%add3A, %dma_wait3A_241, %dma_wait3A_242] : memref<32x81x128xi32, #tpu.memory_space<hbm>> -> memref<1x81x128xi32, #tpu.memory_space<hbm>>
      %dma_wait3A_244 = tpu.memref_squeeze %dma_wait3A_243 : memref<1x81x128xi32, #tpu.memory_space<hbm>> -> memref<81x128xi32, #tpu.memory_space<hbm>>
      %dma_wait3A_245 = arith.constant 0 : i32
      %dma_wait3A_246 = arith.constant 0 : i32
      %dma_wait3A_247 = tpu.memref_slice %arg3[%add3A, %dma_wait3A_245, %dma_wait3A_246] : memref<32x81x128xi32, #tpu.memory_space<hbm>> -> memref<1x81x128xi32, #tpu.memory_space<hbm>>
      %dma_wait3A_248 = tpu.memref_squeeze %dma_wait3A_247 : memref<1x81x128xi32, #tpu.memory_space<hbm>> -> memref<81x128xi32, #tpu.memory_space<hbm>>
      tpu.wait_dma2 semaphore(%run_scoped3A : memref<!tpu.dma_semaphore, #tpu.memory_space<semaphore_mem>>) src(%dma_wait3A_248 : memref<81x128xi32, #tpu.memory_space<hbm>>) dst(%arg7 : memref<81x128xi32, #tpu.memory_space<vmem>>)
      tpu.yield
    }) : () -> ()
    "tpu.region"() ({
      %run_scoped3A = tpu.sem_alloc : memref<!tpu.dma_semaphore, #tpu.memory_space<semaphore_mem>>
      %dma_start3A_233 = arith.constant 0 : i32
      %dma_start3A_234 = arith.constant 0 : i32
      %dma_start3A_235 = tpu.memref_slice %arg4[%add3A, %dma_start3A_233, %dma_start3A_234] : memref<32x81x128xi32, #tpu.memory_space<hbm>> -> memref<1x81x128xi32, #tpu.memory_space<hbm>>
      %dma_start3A_236 = tpu.memref_squeeze %dma_start3A_235 : memref<1x81x128xi32, #tpu.memory_space<hbm>> -> memref<81x128xi32, #tpu.memory_space<hbm>>
      %dma_start3A_237 = arith.constant 0 : i32
      %dma_start3A_238 = arith.constant 0 : i32
      %dma_start3A_239 = tpu.memref_slice %arg4[%add3A, %dma_start3A_237, %dma_start3A_238] : memref<32x81x128xi32, #tpu.memory_space<hbm>> -> memref<1x81x128xi32, #tpu.memory_space<hbm>>
      %dma_start3A_240 = tpu.memref_squeeze %dma_start3A_239 : memref<1x81x128xi32, #tpu.memory_space<hbm>> -> memref<81x128xi32, #tpu.memory_space<hbm>>
      tpu.enqueue_dma source(%dma_start3A_240 : memref<81x128xi32, #tpu.memory_space<hbm>>) target(%arg8 : memref<81x128xi32, #tpu.memory_space<vmem>>) target_semaphore(%run_scoped3A : memref<!tpu.dma_semaphore, #tpu.memory_space<semaphore_mem>>)
      %dma_wait3A_241 = arith.constant 0 : i32
      %dma_wait3A_242 = arith.constant 0 : i32
      %dma_wait3A_243 = tpu.memref_slice %arg4[%add3A, %dma_wait3A_241, %dma_wait3A_242] : memref<32x81x128xi32, #tpu.memory_space<hbm>> -> memref<1x81x128xi32, #tpu.memory_space<hbm>>
      %dma_wait3A_244 = tpu.memref_squeeze %dma_wait3A_243 : memref<1x81x128xi32, #tpu.memory_space<hbm>> -> memref<81x128xi32, #tpu.memory_space<hbm>>
      %dma_wait3A_245 = arith.constant 0 : i32
      %dma_wait3A_246 = arith.constant 0 : i32
      %dma_wait3A_247 = tpu.memref_slice %arg4[%add3A, %dma_wait3A_245, %dma_wait3A_246] : memref<32x81x128xi32, #tpu.memory_space<hbm>> -> memref<1x81x128xi32, #tpu.memory_space<hbm>>
      %dma_wait3A_248 = tpu.memref_squeeze %dma_wait3A_247 : memref<1x81x128xi32, #tpu.memory_space<hbm>> -> memref<81x128xi32, #tpu.memory_space<hbm>>
      tpu.wait_dma2 semaphore(%run_scoped3A : memref<!tpu.dma_semaphore, #tpu.memory_space<semaphore_mem>>) src(%dma_wait3A_248 : memref<81x128xi32, #tpu.memory_space<hbm>>) dst(%arg8 : memref<81x128xi32, #tpu.memory_space<vmem>>)
      tpu.yield
    }) : () -> ()
    "tpu.region"() ({
      %run_scoped3A = tpu.sem_alloc : memref<!tpu.dma_semaphore, #tpu.memory_space<semaphore_mem>>
      tpu.enqueue_dma source(%arg5 : memref<128x64xf32, #tpu.memory_space<hbm>>) target(%arg9 : memref<128x64xf32, #tpu.memory_space<vmem>>) target_semaphore(%run_scoped3A : memref<!tpu.dma_semaphore, #tpu.memory_space<semaphore_mem>>)
      tpu.wait_dma2 semaphore(%run_scoped3A : memref<!tpu.dma_semaphore, #tpu.memory_space<semaphore_mem>>) src(%arg5 : memref<128x64xf32, #tpu.memory_space<hbm>>) dst(%arg9 : memref<128x64xf32, #tpu.memory_space<vmem>>)
      tpu.yield
    }) : () -> ()
    %mul3A_1 = arith.constant 640 : i32
    %mul3A_2 = arith.muli %arg1, %mul3A_1 : i32
    %add3A_3 = arith.constant 0 : i32
    %add3A_4 = arith.addi %mul3A_2, %add3A_3 : i32
    "tpu.region"() ({
      %run_scoped3A = tpu.sem_alloc : memref<!tpu.dma_semaphore, #tpu.memory_space<semaphore_mem>>
      %dma_start3A_233 = arith.constant 0 : i32
      %dma_start3A_234 = tpu.memref_slice %arg12[%add3A_4, %dma_start3A_233] : memref<10240x64xf32, #tpu.memory_space<vmem_shared>> -> memref<128x64xf32, #tpu.memory_space<vmem_shared>>
      %dma_start3A_235 = arith.constant 0 : i32
      %dma_start3A_236 = tpu.memref_slice %arg12[%add3A_4, %dma_start3A_235] : memref<10240x64xf32, #tpu.memory_space<vmem_shared>> -> memref<128x64xf32, #tpu.memory_space<vmem_shared>>
      tpu.enqueue_dma source(%arg9 : memref<128x64xf32, #tpu.memory_space<vmem>>) target(%dma_start3A_236 : memref<128x64xf32, #tpu.memory_space<vmem_shared>>) target_semaphore(%run_scoped3A : memref<!tpu.dma_semaphore, #tpu.memory_space<semaphore_mem>>)
      %dma_wait3A_237 = arith.constant 0 : i32
      %dma_wait3A_238 = tpu.memref_slice %arg12[%add3A_4, %dma_wait3A_237] : memref<10240x64xf32, #tpu.memory_space<vmem_shared>> -> memref<128x64xf32, #tpu.memory_space<vmem_shared>>
      %dma_wait3A_239 = arith.constant 0 : i32
      %dma_wait3A_240 = tpu.memref_slice %arg12[%add3A_4, %dma_wait3A_239] : memref<10240x64xf32, #tpu.memory_space<vmem_shared>> -> memref<128x64xf32, #tpu.memory_space<vmem_shared>>
      tpu.wait_dma2 semaphore(%run_scoped3A : memref<!tpu.dma_semaphore, #tpu.memory_space<semaphore_mem>>) src(%arg9 : memref<128x64xf32, #tpu.memory_space<vmem>>) dst(%dma_wait3A_240 : memref<128x64xf32, #tpu.memory_space<vmem_shared>>)
      tpu.yield
    }) : () -> ()
    %mul3A_5 = arith.constant 640 : i32
    %mul3A_6 = arith.muli %arg1, %mul3A_5 : i32
    %add3A_7 = arith.constant 128 : i32
    %add3A_8 = arith.addi %mul3A_6, %add3A_7 : i32
    "tpu.region"() ({
      %run_scoped3A = tpu.sem_alloc : memref<!tpu.dma_semaphore, #tpu.memory_space<semaphore_mem>>
      %dma_start3A_233 = arith.constant 0 : i32
      %dma_start3A_234 = tpu.memref_slice %arg12[%add3A_8, %dma_start3A_233] : memref<10240x64xf32, #tpu.memory_space<vmem_shared>> -> memref<128x64xf32, #tpu.memory_space<vmem_shared>>
      %dma_start3A_235 = arith.constant 0 : i32
      %dma_start3A_236 = tpu.memref_slice %arg12[%add3A_8, %dma_start3A_235] : memref<10240x64xf32, #tpu.memory_space<vmem_shared>> -> memref<128x64xf32, #tpu.memory_space<vmem_shared>>
      tpu.enqueue_dma source(%arg9 : memref<128x64xf32, #tpu.memory_space<vmem>>) target(%dma_start3A_236 : memref<128x64xf32, #tpu.memory_space<vmem_shared>>) target_semaphore(%run_scoped3A : memref<!tpu.dma_semaphore, #tpu.memory_space<semaphore_mem>>)
      %dma_wait3A_237 = arith.constant 0 : i32
      %dma_wait3A_238 = tpu.memref_slice %arg12[%add3A_8, %dma_wait3A_237] : memref<10240x64xf32, #tpu.memory_space<vmem_shared>> -> memref<128x64xf32, #tpu.memory_space<vmem_shared>>
      %dma_wait3A_239 = arith.constant 0 : i32
      %dma_wait3A_240 = tpu.memref_slice %arg12[%add3A_8, %dma_wait3A_239] : memref<10240x64xf32, #tpu.memory_space<vmem_shared>> -> memref<128x64xf32, #tpu.memory_space<vmem_shared>>
      tpu.wait_dma2 semaphore(%run_scoped3A : memref<!tpu.dma_semaphore, #tpu.memory_space<semaphore_mem>>) src(%arg9 : memref<128x64xf32, #tpu.memory_space<vmem>>) dst(%dma_wait3A_240 : memref<128x64xf32, #tpu.memory_space<vmem_shared>>)
      tpu.yield
    }) : () -> ()
    %mul3A_9 = arith.constant 640 : i32
    %mul3A_10 = arith.muli %arg1, %mul3A_9 : i32
    %add3A_11 = arith.constant 256 : i32
    %add3A_12 = arith.addi %mul3A_10, %add3A_11 : i32
    "tpu.region"() ({
      %run_scoped3A = tpu.sem_alloc : memref<!tpu.dma_semaphore, #tpu.memory_space<semaphore_mem>>
      %dma_start3A_233 = arith.constant 0 : i32
      %dma_start3A_234 = tpu.memref_slice %arg12[%add3A_12, %dma_start3A_233] : memref<10240x64xf32, #tpu.memory_space<vmem_shared>> -> memref<128x64xf32, #tpu.memory_space<vmem_shared>>
      %dma_start3A_235 = arith.constant 0 : i32
      %dma_start3A_236 = tpu.memref_slice %arg12[%add3A_12, %dma_start3A_235] : memref<10240x64xf32, #tpu.memory_space<vmem_shared>> -> memref<128x64xf32, #tpu.memory_space<vmem_shared>>
      tpu.enqueue_dma source(%arg9 : memref<128x64xf32, #tpu.memory_space<vmem>>) target(%dma_start3A_236 : memref<128x64xf32, #tpu.memory_space<vmem_shared>>) target_semaphore(%run_scoped3A : memref<!tpu.dma_semaphore, #tpu.memory_space<semaphore_mem>>)
      %dma_wait3A_237 = arith.constant 0 : i32
      %dma_wait3A_238 = tpu.memref_slice %arg12[%add3A_12, %dma_wait3A_237] : memref<10240x64xf32, #tpu.memory_space<vmem_shared>> -> memref<128x64xf32, #tpu.memory_space<vmem_shared>>
      %dma_wait3A_239 = arith.constant 0 : i32
      %dma_wait3A_240 = tpu.memref_slice %arg12[%add3A_12, %dma_wait3A_239] : memref<10240x64xf32, #tpu.memory_space<vmem_shared>> -> memref<128x64xf32, #tpu.memory_space<vmem_shared>>
      tpu.wait_dma2 semaphore(%run_scoped3A : memref<!tpu.dma_semaphore, #tpu.memory_space<semaphore_mem>>) src(%arg9 : memref<128x64xf32, #tpu.memory_space<vmem>>) dst(%dma_wait3A_240 : memref<128x64xf32, #tpu.memory_space<vmem_shared>>)
      tpu.yield
    }) : () -> ()
    %mul3A_13 = arith.constant 640 : i32
    %mul3A_14 = arith.muli %arg1, %mul3A_13 : i32
    %add3A_15 = arith.constant 384 : i32
    %add3A_16 = arith.addi %mul3A_14, %add3A_15 : i32
    "tpu.region"() ({
      %run_scoped3A = tpu.sem_alloc : memref<!tpu.dma_semaphore, #tpu.memory_space<semaphore_mem>>
      %dma_start3A_233 = arith.constant 0 : i32
      %dma_start3A_234 = tpu.memref_slice %arg12[%add3A_16, %dma_start3A_233] : memref<10240x64xf32, #tpu.memory_space<vmem_shared>> -> memref<128x64xf32, #tpu.memory_space<vmem_shared>>
      %dma_start3A_235 = arith.constant 0 : i32
      %dma_start3A_236 = tpu.memref_slice %arg12[%add3A_16, %dma_start3A_235] : memref<10240x64xf32, #tpu.memory_space<vmem_shared>> -> memref<128x64xf32, #tpu.memory_space<vmem_shared>>
      tpu.enqueue_dma source(%arg9 : memref<128x64xf32, #tpu.memory_space<vmem>>) target(%dma_start3A_236 : memref<128x64xf32, #tpu.memory_space<vmem_shared>>) target_semaphore(%run_scoped3A : memref<!tpu.dma_semaphore, #tpu.memory_space<semaphore_mem>>)
      %dma_wait3A_237 = arith.constant 0 : i32
      %dma_wait3A_238 = tpu.memref_slice %arg12[%add3A_16, %dma_wait3A_237] : memref<10240x64xf32, #tpu.memory_space<vmem_shared>> -> memref<128x64xf32, #tpu.memory_space<vmem_shared>>
      %dma_wait3A_239 = arith.constant 0 : i32
      %dma_wait3A_240 = tpu.memref_slice %arg12[%add3A_16, %dma_wait3A_239] : memref<10240x64xf32, #tpu.memory_space<vmem_shared>> -> memref<128x64xf32, #tpu.memory_space<vmem_shared>>
      tpu.wait_dma2 semaphore(%run_scoped3A : memref<!tpu.dma_semaphore, #tpu.memory_space<semaphore_mem>>) src(%arg9 : memref<128x64xf32, #tpu.memory_space<vmem>>) dst(%dma_wait3A_240 : memref<128x64xf32, #tpu.memory_space<vmem_shared>>)
      tpu.yield
    }) : () -> ()
    %mul3A_17 = arith.constant 640 : i32
    %mul3A_18 = arith.muli %arg1, %mul3A_17 : i32
    %add3A_19 = arith.constant 512 : i32
    %add3A_20 = arith.addi %mul3A_18, %add3A_19 : i32
    "tpu.region"() ({
      %run_scoped3A = tpu.sem_alloc : memref<!tpu.dma_semaphore, #tpu.memory_space<semaphore_mem>>
      %dma_start3A_233 = arith.constant 0 : i32
      %dma_start3A_234 = tpu.memref_slice %arg12[%add3A_20, %dma_start3A_233] : memref<10240x64xf32, #tpu.memory_space<vmem_shared>> -> memref<128x64xf32, #tpu.memory_space<vmem_shared>>
      %dma_start3A_235 = arith.constant 0 : i32
      %dma_start3A_236 = tpu.memref_slice %arg12[%add3A_20, %dma_start3A_235] : memref<10240x64xf32, #tpu.memory_space<vmem_shared>> -> memref<128x64xf32, #tpu.memory_space<vmem_shared>>
      tpu.enqueue_dma source(%arg9 : memref<128x64xf32, #tpu.memory_space<vmem>>) target(%dma_start3A_236 : memref<128x64xf32, #tpu.memory_space<vmem_shared>>) target_semaphore(%run_scoped3A : memref<!tpu.dma_semaphore, #tpu.memory_space<semaphore_mem>>)
      %dma_wait3A_237 = arith.constant 0 : i32
      %dma_wait3A_238 = tpu.memref_slice %arg12[%add3A_20, %dma_wait3A_237] : memref<10240x64xf32, #tpu.memory_space<vmem_shared>> -> memref<128x64xf32, #tpu.memory_space<vmem_shared>>
      %dma_wait3A_239 = arith.constant 0 : i32
      %dma_wait3A_240 = tpu.memref_slice %arg12[%add3A_20, %dma_wait3A_239] : memref<10240x64xf32, #tpu.memory_space<vmem_shared>> -> memref<128x64xf32, #tpu.memory_space<vmem_shared>>
      tpu.wait_dma2 semaphore(%run_scoped3A : memref<!tpu.dma_semaphore, #tpu.memory_space<semaphore_mem>>) src(%arg9 : memref<128x64xf32, #tpu.memory_space<vmem>>) dst(%dma_wait3A_240 : memref<128x64xf32, #tpu.memory_space<vmem_shared>>)
      tpu.yield
    }) : () -> ()
    %mul3A_21 = arith.constant 640 : i32
    %mul3A_22 = arith.muli %arg1, %mul3A_21 : i32
    %add3A_23 = arith.constant 0 : i32
    %add3A_24 = arith.addi %mul3A_22, %add3A_23 : i32
    "tpu.region"() ({
      %run_scoped3A = tpu.sem_alloc : memref<!tpu.dma_semaphore, #tpu.memory_space<semaphore_mem>>
      %dma_start3A_233 = arith.constant 0 : i32
      %dma_start3A_234 = tpu.memref_slice %arg2[%add3A_24, %dma_start3A_233] : memref<10240x64xf32, #tpu.memory_space<hbm>> -> memref<128x64xf32, #tpu.memory_space<hbm>>
      %dma_start3A_235 = arith.constant 0 : i32
      %dma_start3A_236 = tpu.memref_slice %arg2[%add3A_24, %dma_start3A_235] : memref<10240x64xf32, #tpu.memory_space<hbm>> -> memref<128x64xf32, #tpu.memory_space<hbm>>
      tpu.enqueue_dma source(%dma_start3A_236 : memref<128x64xf32, #tpu.memory_space<hbm>>) target(%arg10 : memref<128x64xf32, #tpu.memory_space<vmem>>) target_semaphore(%run_scoped3A : memref<!tpu.dma_semaphore, #tpu.memory_space<semaphore_mem>>)
      %dma_wait3A_237 = arith.constant 0 : i32
      %dma_wait3A_238 = tpu.memref_slice %arg2[%add3A_24, %dma_wait3A_237] : memref<10240x64xf32, #tpu.memory_space<hbm>> -> memref<128x64xf32, #tpu.memory_space<hbm>>
      %dma_wait3A_239 = arith.constant 0 : i32
      %dma_wait3A_240 = tpu.memref_slice %arg2[%add3A_24, %dma_wait3A_239] : memref<10240x64xf32, #tpu.memory_space<hbm>> -> memref<128x64xf32, #tpu.memory_space<hbm>>
      tpu.wait_dma2 semaphore(%run_scoped3A : memref<!tpu.dma_semaphore, #tpu.memory_space<semaphore_mem>>) src(%dma_wait3A_240 : memref<128x64xf32, #tpu.memory_space<hbm>>) dst(%arg10 : memref<128x64xf32, #tpu.memory_space<vmem>>)
      tpu.yield
    }) : () -> ()
    "tpu.region"() ({
      %run_scoped3A = tpu.sem_alloc : memref<!tpu.dma_semaphore, #tpu.memory_space<semaphore_mem>>
      %dma_start3A_233 = arith.constant 0 : i32
      %dma_start3A_234 = tpu.memref_slice %arg13[%add3A_24, %dma_start3A_233] : memref<10240x64xf32, #tpu.memory_space<vmem_shared>> -> memref<128x64xf32, #tpu.memory_space<vmem_shared>>
      %dma_start3A_235 = arith.constant 0 : i32
      %dma_start3A_236 = tpu.memref_slice %arg13[%add3A_24, %dma_start3A_235] : memref<10240x64xf32, #tpu.memory_space<vmem_shared>> -> memref<128x64xf32, #tpu.memory_space<vmem_shared>>
      tpu.enqueue_dma source(%arg10 : memref<128x64xf32, #tpu.memory_space<vmem>>) target(%dma_start3A_236 : memref<128x64xf32, #tpu.memory_space<vmem_shared>>) target_semaphore(%run_scoped3A : memref<!tpu.dma_semaphore, #tpu.memory_space<semaphore_mem>>)
      %dma_wait3A_237 = arith.constant 0 : i32
      %dma_wait3A_238 = tpu.memref_slice %arg13[%add3A_24, %dma_wait3A_237] : memref<10240x64xf32, #tpu.memory_space<vmem_shared>> -> memref<128x64xf32, #tpu.memory_space<vmem_shared>>
      %dma_wait3A_239 = arith.constant 0 : i32
      %dma_wait3A_240 = tpu.memref_slice %arg13[%add3A_24, %dma_wait3A_239] : memref<10240x64xf32, #tpu.memory_space<vmem_shared>> -> memref<128x64xf32, #tpu.memory_space<vmem_shared>>
      tpu.wait_dma2 semaphore(%run_scoped3A : memref<!tpu.dma_semaphore, #tpu.memory_space<semaphore_mem>>) src(%arg10 : memref<128x64xf32, #tpu.memory_space<vmem>>) dst(%dma_wait3A_240 : memref<128x64xf32, #tpu.memory_space<vmem_shared>>)
      tpu.yield
    }) : () -> ()
    %mul3A_25 = arith.constant 640 : i32
    %mul3A_26 = arith.muli %arg1, %mul3A_25 : i32
    %add3A_27 = arith.constant 128 : i32
    %add3A_28 = arith.addi %mul3A_26, %add3A_27 : i32
    "tpu.region"() ({
      %run_scoped3A = tpu.sem_alloc : memref<!tpu.dma_semaphore, #tpu.memory_space<semaphore_mem>>
      %dma_start3A_233 = arith.constant 0 : i32
      %dma_start3A_234 = tpu.memref_slice %arg2[%add3A_28, %dma_start3A_233] : memref<10240x64xf32, #tpu.memory_space<hbm>> -> memref<128x64xf32, #tpu.memory_space<hbm>>
      %dma_start3A_235 = arith.constant 0 : i32
      %dma_start3A_236 = tpu.memref_slice %arg2[%add3A_28, %dma_start3A_235] : memref<10240x64xf32, #tpu.memory_space<hbm>> -> memref<128x64xf32, #tpu.memory_space<hbm>>
      tpu.enqueue_dma source(%dma_start3A_236 : memref<128x64xf32, #tpu.memory_space<hbm>>) target(%arg10 : memref<128x64xf32, #tpu.memory_space<vmem>>) target_semaphore(%run_scoped3A : memref<!tpu.dma_semaphore, #tpu.memory_space<semaphore_mem>>)
      %dma_wait3A_237 = arith.constant 0 : i32
      %dma_wait3A_238 = tpu.memref_slice %arg2[%add3A_28, %dma_wait3A_237] : memref<10240x64xf32, #tpu.memory_space<hbm>> -> memref<128x64xf32, #tpu.memory_space<hbm>>
      %dma_wait3A_239 = arith.constant 0 : i32
      %dma_wait3A_240 = tpu.memref_slice %arg2[%add3A_28, %dma_wait3A_239] : memref<10240x64xf32, #tpu.memory_space<hbm>> -> memref<128x64xf32, #tpu.memory_space<hbm>>
      tpu.wait_dma2 semaphore(%run_scoped3A : memref<!tpu.dma_semaphore, #tpu.memory_space<semaphore_mem>>) src(%dma_wait3A_240 : memref<128x64xf32, #tpu.memory_space<hbm>>) dst(%arg10 : memref<128x64xf32, #tpu.memory_space<vmem>>)
      tpu.yield
    }) : () -> ()
    "tpu.region"() ({
      %run_scoped3A = tpu.sem_alloc : memref<!tpu.dma_semaphore, #tpu.memory_space<semaphore_mem>>
      %dma_start3A_233 = arith.constant 0 : i32
      %dma_start3A_234 = tpu.memref_slice %arg13[%add3A_28, %dma_start3A_233] : memref<10240x64xf32, #tpu.memory_space<vmem_shared>> -> memref<128x64xf32, #tpu.memory_space<vmem_shared>>
      %dma_start3A_235 = arith.constant 0 : i32
      %dma_start3A_236 = tpu.memref_slice %arg13[%add3A_28, %dma_start3A_235] : memref<10240x64xf32, #tpu.memory_space<vmem_shared>> -> memref<128x64xf32, #tpu.memory_space<vmem_shared>>
      tpu.enqueue_dma source(%arg10 : memref<128x64xf32, #tpu.memory_space<vmem>>) target(%dma_start3A_236 : memref<128x64xf32, #tpu.memory_space<vmem_shared>>) target_semaphore(%run_scoped3A : memref<!tpu.dma_semaphore, #tpu.memory_space<semaphore_mem>>)
      %dma_wait3A_237 = arith.constant 0 : i32
      %dma_wait3A_238 = tpu.memref_slice %arg13[%add3A_28, %dma_wait3A_237] : memref<10240x64xf32, #tpu.memory_space<vmem_shared>> -> memref<128x64xf32, #tpu.memory_space<vmem_shared>>
      %dma_wait3A_239 = arith.constant 0 : i32
      %dma_wait3A_240 = tpu.memref_slice %arg13[%add3A_28, %dma_wait3A_239] : memref<10240x64xf32, #tpu.memory_space<vmem_shared>> -> memref<128x64xf32, #tpu.memory_space<vmem_shared>>
      tpu.wait_dma2 semaphore(%run_scoped3A : memref<!tpu.dma_semaphore, #tpu.memory_space<semaphore_mem>>) src(%arg10 : memref<128x64xf32, #tpu.memory_space<vmem>>) dst(%dma_wait3A_240 : memref<128x64xf32, #tpu.memory_space<vmem_shared>>)
      tpu.yield
    }) : () -> ()
    %mul3A_29 = arith.constant 640 : i32
    %mul3A_30 = arith.muli %arg1, %mul3A_29 : i32
    %add3A_31 = arith.constant 256 : i32
    %add3A_32 = arith.addi %mul3A_30, %add3A_31 : i32
    "tpu.region"() ({
      %run_scoped3A = tpu.sem_alloc : memref<!tpu.dma_semaphore, #tpu.memory_space<semaphore_mem>>
      %dma_start3A_233 = arith.constant 0 : i32
      %dma_start3A_234 = tpu.memref_slice %arg2[%add3A_32, %dma_start3A_233] : memref<10240x64xf32, #tpu.memory_space<hbm>> -> memref<128x64xf32, #tpu.memory_space<hbm>>
      %dma_start3A_235 = arith.constant 0 : i32
      %dma_start3A_236 = tpu.memref_slice %arg2[%add3A_32, %dma_start3A_235] : memref<10240x64xf32, #tpu.memory_space<hbm>> -> memref<128x64xf32, #tpu.memory_space<hbm>>
      tpu.enqueue_dma source(%dma_start3A_236 : memref<128x64xf32, #tpu.memory_space<hbm>>) target(%arg10 : memref<128x64xf32, #tpu.memory_space<vmem>>) target_semaphore(%run_scoped3A : memref<!tpu.dma_semaphore, #tpu.memory_space<semaphore_mem>>)
      %dma_wait3A_237 = arith.constant 0 : i32
      %dma_wait3A_238 = tpu.memref_slice %arg2[%add3A_32, %dma_wait3A_237] : memref<10240x64xf32, #tpu.memory_space<hbm>> -> memref<128x64xf32, #tpu.memory_space<hbm>>
      %dma_wait3A_239 = arith.constant 0 : i32
      %dma_wait3A_240 = tpu.memref_slice %arg2[%add3A_32, %dma_wait3A_239] : memref<10240x64xf32, #tpu.memory_space<hbm>> -> memref<128x64xf32, #tpu.memory_space<hbm>>
      tpu.wait_dma2 semaphore(%run_scoped3A : memref<!tpu.dma_semaphore, #tpu.memory_space<semaphore_mem>>) src(%dma_wait3A_240 : memref<128x64xf32, #tpu.memory_space<hbm>>) dst(%arg10 : memref<128x64xf32, #tpu.memory_space<vmem>>)
      tpu.yield
    }) : () -> ()
    "tpu.region"() ({
      %run_scoped3A = tpu.sem_alloc : memref<!tpu.dma_semaphore, #tpu.memory_space<semaphore_mem>>
      %dma_start3A_233 = arith.constant 0 : i32
      %dma_start3A_234 = tpu.memref_slice %arg13[%add3A_32, %dma_start3A_233] : memref<10240x64xf32, #tpu.memory_space<vmem_shared>> -> memref<128x64xf32, #tpu.memory_space<vmem_shared>>
      %dma_start3A_235 = arith.constant 0 : i32
      %dma_start3A_236 = tpu.memref_slice %arg13[%add3A_32, %dma_start3A_235] : memref<10240x64xf32, #tpu.memory_space<vmem_shared>> -> memref<128x64xf32, #tpu.memory_space<vmem_shared>>
      tpu.enqueue_dma source(%arg10 : memref<128x64xf32, #tpu.memory_space<vmem>>) target(%dma_start3A_236 : memref<128x64xf32, #tpu.memory_space<vmem_shared>>) target_semaphore(%run_scoped3A : memref<!tpu.dma_semaphore, #tpu.memory_space<semaphore_mem>>)
      %dma_wait3A_237 = arith.constant 0 : i32
      %dma_wait3A_238 = tpu.memref_slice %arg13[%add3A_32, %dma_wait3A_237] : memref<10240x64xf32, #tpu.memory_space<vmem_shared>> -> memref<128x64xf32, #tpu.memory_space<vmem_shared>>
      %dma_wait3A_239 = arith.constant 0 : i32
      %dma_wait3A_240 = tpu.memref_slice %arg13[%add3A_32, %dma_wait3A_239] : memref<10240x64xf32, #tpu.memory_space<vmem_shared>> -> memref<128x64xf32, #tpu.memory_space<vmem_shared>>
      tpu.wait_dma2 semaphore(%run_scoped3A : memref<!tpu.dma_semaphore, #tpu.memory_space<semaphore_mem>>) src(%arg10 : memref<128x64xf32, #tpu.memory_space<vmem>>) dst(%dma_wait3A_240 : memref<128x64xf32, #tpu.memory_space<vmem_shared>>)
      tpu.yield
    }) : () -> ()
    %mul3A_33 = arith.constant 640 : i32
    %mul3A_34 = arith.muli %arg1, %mul3A_33 : i32
    %add3A_35 = arith.constant 384 : i32
    %add3A_36 = arith.addi %mul3A_34, %add3A_35 : i32
    "tpu.region"() ({
      %run_scoped3A = tpu.sem_alloc : memref<!tpu.dma_semaphore, #tpu.memory_space<semaphore_mem>>
      %dma_start3A_233 = arith.constant 0 : i32
      %dma_start3A_234 = tpu.memref_slice %arg2[%add3A_36, %dma_start3A_233] : memref<10240x64xf32, #tpu.memory_space<hbm>> -> memref<128x64xf32, #tpu.memory_space<hbm>>
      %dma_start3A_235 = arith.constant 0 : i32
      %dma_start3A_236 = tpu.memref_slice %arg2[%add3A_36, %dma_start3A_235] : memref<10240x64xf32, #tpu.memory_space<hbm>> -> memref<128x64xf32, #tpu.memory_space<hbm>>
      tpu.enqueue_dma source(%dma_start3A_236 : memref<128x64xf32, #tpu.memory_space<hbm>>) target(%arg10 : memref<128x64xf32, #tpu.memory_space<vmem>>) target_semaphore(%run_scoped3A : memref<!tpu.dma_semaphore, #tpu.memory_space<semaphore_mem>>)
      %dma_wait3A_237 = arith.constant 0 : i32
      %dma_wait3A_238 = tpu.memref_slice %arg2[%add3A_36, %dma_wait3A_237] : memref<10240x64xf32, #tpu.memory_space<hbm>> -> memref<128x64xf32, #tpu.memory_space<hbm>>
      %dma_wait3A_239 = arith.constant 0 : i32
      %dma_wait3A_240 = tpu.memref_slice %arg2[%add3A_36, %dma_wait3A_239] : memref<10240x64xf32, #tpu.memory_space<hbm>> -> memref<128x64xf32, #tpu.memory_space<hbm>>
      tpu.wait_dma2 semaphore(%run_scoped3A : memref<!tpu.dma_semaphore, #tpu.memory_space<semaphore_mem>>) src(%dma_wait3A_240 : memref<128x64xf32, #tpu.memory_space<hbm>>) dst(%arg10 : memref<128x64xf32, #tpu.memory_space<vmem>>)
      tpu.yield
    }) : () -> ()
    "tpu.region"() ({
      %run_scoped3A = tpu.sem_alloc : memref<!tpu.dma_semaphore, #tpu.memory_space<semaphore_mem>>
      %dma_start3A_233 = arith.constant 0 : i32
      %dma_start3A_234 = tpu.memref_slice %arg13[%add3A_36, %dma_start3A_233] : memref<10240x64xf32, #tpu.memory_space<vmem_shared>> -> memref<128x64xf32, #tpu.memory_space<vmem_shared>>
      %dma_start3A_235 = arith.constant 0 : i32
      %dma_start3A_236 = tpu.memref_slice %arg13[%add3A_36, %dma_start3A_235] : memref<10240x64xf32, #tpu.memory_space<vmem_shared>> -> memref<128x64xf32, #tpu.memory_space<vmem_shared>>
      tpu.enqueue_dma source(%arg10 : memref<128x64xf32, #tpu.memory_space<vmem>>) target(%dma_start3A_236 : memref<128x64xf32, #tpu.memory_space<vmem_shared>>) target_semaphore(%run_scoped3A : memref<!tpu.dma_semaphore, #tpu.memory_space<semaphore_mem>>)
      %dma_wait3A_237 = arith.constant 0 : i32
      %dma_wait3A_238 = tpu.memref_slice %arg13[%add3A_36, %dma_wait3A_237] : memref<10240x64xf32, #tpu.memory_space<vmem_shared>> -> memref<128x64xf32, #tpu.memory_space<vmem_shared>>
      %dma_wait3A_239 = arith.constant 0 : i32
      %dma_wait3A_240 = tpu.memref_slice %arg13[%add3A_36, %dma_wait3A_239] : memref<10240x64xf32, #tpu.memory_space<vmem_shared>> -> memref<128x64xf32, #tpu.memory_space<vmem_shared>>
      tpu.wait_dma2 semaphore(%run_scoped3A : memref<!tpu.dma_semaphore, #tpu.memory_space<semaphore_mem>>) src(%arg10 : memref<128x64xf32, #tpu.memory_space<vmem>>) dst(%dma_wait3A_240 : memref<128x64xf32, #tpu.memory_space<vmem_shared>>)
      tpu.yield
    }) : () -> ()
    %mul3A_37 = arith.constant 640 : i32
    %mul3A_38 = arith.muli %arg1, %mul3A_37 : i32
    %add3A_39 = arith.constant 512 : i32
    %add3A_40 = arith.addi %mul3A_38, %add3A_39 : i32
    "tpu.region"() ({
      %run_scoped3A = tpu.sem_alloc : memref<!tpu.dma_semaphore, #tpu.memory_space<semaphore_mem>>
      %dma_start3A_233 = arith.constant 0 : i32
      %dma_start3A_234 = tpu.memref_slice %arg2[%add3A_40, %dma_start3A_233] : memref<10240x64xf32, #tpu.memory_space<hbm>> -> memref<128x64xf32, #tpu.memory_space<hbm>>
      %dma_start3A_235 = arith.constant 0 : i32
      %dma_start3A_236 = tpu.memref_slice %arg2[%add3A_40, %dma_start3A_235] : memref<10240x64xf32, #tpu.memory_space<hbm>> -> memref<128x64xf32, #tpu.memory_space<hbm>>
      tpu.enqueue_dma source(%dma_start3A_236 : memref<128x64xf32, #tpu.memory_space<hbm>>) target(%arg10 : memref<128x64xf32, #tpu.memory_space<vmem>>) target_semaphore(%run_scoped3A : memref<!tpu.dma_semaphore, #tpu.memory_space<semaphore_mem>>)
      %dma_wait3A_237 = arith.constant 0 : i32
      %dma_wait3A_238 = tpu.memref_slice %arg2[%add3A_40, %dma_wait3A_237] : memref<10240x64xf32, #tpu.memory_space<hbm>> -> memref<128x64xf32, #tpu.memory_space<hbm>>
      %dma_wait3A_239 = arith.constant 0 : i32
      %dma_wait3A_240 = tpu.memref_slice %arg2[%add3A_40, %dma_wait3A_239] : memref<10240x64xf32, #tpu.memory_space<hbm>> -> memref<128x64xf32, #tpu.memory_space<hbm>>
      tpu.wait_dma2 semaphore(%run_scoped3A : memref<!tpu.dma_semaphore, #tpu.memory_space<semaphore_mem>>) src(%dma_wait3A_240 : memref<128x64xf32, #tpu.memory_space<hbm>>) dst(%arg10 : memref<128x64xf32, #tpu.memory_space<vmem>>)
      tpu.yield
    }) : () -> ()
    "tpu.region"() ({
      %run_scoped3A = tpu.sem_alloc : memref<!tpu.dma_semaphore, #tpu.memory_space<semaphore_mem>>
      %dma_start3A_233 = arith.constant 0 : i32
      %dma_start3A_234 = tpu.memref_slice %arg13[%add3A_40, %dma_start3A_233] : memref<10240x64xf32, #tpu.memory_space<vmem_shared>> -> memref<128x64xf32, #tpu.memory_space<vmem_shared>>
      %dma_start3A_235 = arith.constant 0 : i32
      %dma_start3A_236 = tpu.memref_slice %arg13[%add3A_40, %dma_start3A_235] : memref<10240x64xf32, #tpu.memory_space<vmem_shared>> -> memref<128x64xf32, #tpu.memory_space<vmem_shared>>
      tpu.enqueue_dma source(%arg10 : memref<128x64xf32, #tpu.memory_space<vmem>>) target(%dma_start3A_236 : memref<128x64xf32, #tpu.memory_space<vmem_shared>>) target_semaphore(%run_scoped3A : memref<!tpu.dma_semaphore, #tpu.memory_space<semaphore_mem>>)
      %dma_wait3A_237 = arith.constant 0 : i32
      %dma_wait3A_238 = tpu.memref_slice %arg13[%add3A_40, %dma_wait3A_237] : memref<10240x64xf32, #tpu.memory_space<vmem_shared>> -> memref<128x64xf32, #tpu.memory_space<vmem_shared>>
      %dma_wait3A_239 = arith.constant 0 : i32
      %dma_wait3A_240 = tpu.memref_slice %arg13[%add3A_40, %dma_wait3A_239] : memref<10240x64xf32, #tpu.memory_space<vmem_shared>> -> memref<128x64xf32, #tpu.memory_space<vmem_shared>>
      tpu.wait_dma2 semaphore(%run_scoped3A : memref<!tpu.dma_semaphore, #tpu.memory_space<semaphore_mem>>) src(%arg10 : memref<128x64xf32, #tpu.memory_space<vmem>>) dst(%dma_wait3A_240 : memref<128x64xf32, #tpu.memory_space<vmem_shared>>)
      tpu.yield
    }) : () -> ()
    %barrier3A = arith.constant 0 : index
    tpu.barrier barrier_id(%barrier3A)
    %dma_start3A = arith.constant 0 : i32
    %dma_start3A_41 = arith.constant 0 : i32
    %dma_start3A_42 = tpu.memref_slice %arg7[%dma_start3A, %dma_start3A_41] : memref<81x128xi32, #tpu.memory_space<vmem>> -> memref<1x128xi32, #tpu.memory_space<vmem>>
    %dma_start3A_43 = tpu.memref_squeeze %dma_start3A_42 : memref<1x128xi32, #tpu.memory_space<vmem>> -> memref<128xi32, #tpu.memory_space<vmem>>
    %dma_start3A_44 = arith.constant 0 : i32
    %dma_start3A_45 = arith.constant 0 : i32
    %dma_start3A_46 = tpu.memref_slice %arg13[%dma_start3A_44, %dma_start3A_45] : memref<10240x64xf32, #tpu.memory_space<vmem_shared>> -> memref<10240x64xf32, #tpu.memory_space<vmem_shared>>
    tpu.enqueue_indirect_dma source(%dma_start3A_46 : memref<10240x64xf32, #tpu.memory_space<vmem_shared>>) target(%arg9 : memref<128x64xf32, #tpu.memory_space<vmem>>) offsets(%dma_start3A_43 : memref<128xi32, #tpu.memory_space<vmem>>) semaphore(%arg14 : memref<!tpu.dma_semaphore, #tpu.memory_space<semaphore_mem>>)
    %dma_start3A_47 = arith.constant 1 : i32
    %dma_start3A_48 = arith.constant 0 : i32
    %dma_start3A_49 = tpu.memref_slice %arg7[%dma_start3A_47, %dma_start3A_48] : memref<81x128xi32, #tpu.memory_space<vmem>> -> memref<1x128xi32, #tpu.memory_space<vmem>>
    %dma_start3A_50 = tpu.memref_squeeze %dma_start3A_49 : memref<1x128xi32, #tpu.memory_space<vmem>> -> memref<128xi32, #tpu.memory_space<vmem>>
    %dma_start3A_51 = arith.constant 0 : i32
    %dma_start3A_52 = arith.constant 0 : i32
    %dma_start3A_53 = tpu.memref_slice %arg13[%dma_start3A_51, %dma_start3A_52] : memref<10240x64xf32, #tpu.memory_space<vmem_shared>> -> memref<10240x64xf32, #tpu.memory_space<vmem_shared>>
    tpu.enqueue_indirect_dma source(%dma_start3A_53 : memref<10240x64xf32, #tpu.memory_space<vmem_shared>>) target(%arg10 : memref<128x64xf32, #tpu.memory_space<vmem>>) offsets(%dma_start3A_50 : memref<128xi32, #tpu.memory_space<vmem>>) semaphore(%arg15 : memref<!tpu.dma_semaphore, #tpu.memory_space<semaphore_mem>>)
    %dma_wait3A = arith.constant 0 : i32
    %dma_wait3A_54 = arith.constant 0 : i32
    %dma_wait3A_55 = tpu.memref_slice %arg7[%dma_wait3A, %dma_wait3A_54] : memref<81x128xi32, #tpu.memory_space<vmem>> -> memref<1x128xi32, #tpu.memory_space<vmem>>
    %dma_wait3A_56 = tpu.memref_squeeze %dma_wait3A_55 : memref<1x128xi32, #tpu.memory_space<vmem>> -> memref<128xi32, #tpu.memory_space<vmem>>
    %dma_wait3A_57 = arith.constant 0 : i32
    %dma_wait3A_58 = arith.constant 0 : i32
    %dma_wait3A_59 = tpu.memref_slice %arg13[%dma_wait3A_57, %dma_wait3A_58] : memref<10240x64xf32, #tpu.memory_space<vmem_shared>> -> memref<10240x64xf32, #tpu.memory_space<vmem_shared>>
    tpu.wait_indirect_dma semaphore(%arg14 : memref<!tpu.dma_semaphore, #tpu.memory_space<semaphore_mem>>) src(%dma_wait3A_59 : memref<10240x64xf32, #tpu.memory_space<vmem_shared>>) dst(%arg9 : memref<128x64xf32, #tpu.memory_space<vmem>>)
    %dma_start3A_60 = arith.constant 0 : i32
    %dma_start3A_61 = arith.constant 0 : i32
    %dma_start3A_62 = tpu.memref_slice %arg8[%dma_start3A_60, %dma_start3A_61] : memref<81x128xi32, #tpu.memory_space<vmem>> -> memref<1x128xi32, #tpu.memory_space<vmem>>
    %dma_start3A_63 = tpu.memref_squeeze %dma_start3A_62 : memref<1x128xi32, #tpu.memory_space<vmem>> -> memref<128xi32, #tpu.memory_space<vmem>>
    %dma_start3A_64 = arith.constant 0 : i32
    %dma_start3A_65 = arith.constant 0 : i32
    %dma_start3A_66 = tpu.memref_slice %arg12[%dma_start3A_64, %dma_start3A_65] : memref<10240x64xf32, #tpu.memory_space<vmem_shared>> -> memref<10240x64xf32, #tpu.memory_space<vmem_shared>>
    tpu.enqueue_indirect_dma source(%arg9 : memref<128x64xf32, #tpu.memory_space<vmem>>) target(%dma_start3A_66 : memref<10240x64xf32, #tpu.memory_space<vmem_shared>>) offsets(%dma_start3A_63 : memref<128xi32, #tpu.memory_space<vmem>>) semaphore(%arg17 : memref<!tpu.dma_semaphore, #tpu.memory_space<semaphore_mem>>) {add = true}
    %dma_start3A_67 = arith.constant 2 : i32
    %dma_start3A_68 = arith.constant 0 : i32
    %dma_start3A_69 = tpu.memref_slice %arg7[%dma_start3A_67, %dma_start3A_68] : memref<81x128xi32, #tpu.memory_space<vmem>> -> memref<1x128xi32, #tpu.memory_space<vmem>>
    %dma_start3A_70 = tpu.memref_squeeze %dma_start3A_69 : memref<1x128xi32, #tpu.memory_space<vmem>> -> memref<128xi32, #tpu.memory_space<vmem>>
    %dma_start3A_71 = arith.constant 0 : i32
    %dma_start3A_72 = arith.constant 0 : i32
    %dma_start3A_73 = tpu.memref_slice %arg13[%dma_start3A_71, %dma_start3A_72] : memref<10240x64xf32, #tpu.memory_space<vmem_shared>> -> memref<10240x64xf32, #tpu.memory_space<vmem_shared>>
    tpu.enqueue_indirect_dma source(%dma_start3A_73 : memref<10240x64xf32, #tpu.memory_space<vmem_shared>>) target(%arg11 : memref<128x64xf32, #tpu.memory_space<vmem>>) offsets(%dma_start3A_70 : memref<128xi32, #tpu.memory_space<vmem>>) semaphore(%arg16 : memref<!tpu.dma_semaphore, #tpu.memory_space<semaphore_mem>>)
    %dma_wait3A_74 = arith.constant 1 : i32
    %dma_wait3A_75 = arith.constant 0 : i32
    %dma_wait3A_76 = tpu.memref_slice %arg7[%dma_wait3A_74, %dma_wait3A_75] : memref<81x128xi32, #tpu.memory_space<vmem>> -> memref<1x128xi32, #tpu.memory_space<vmem>>
    %dma_wait3A_77 = tpu.memref_squeeze %dma_wait3A_76 : memref<1x128xi32, #tpu.memory_space<vmem>> -> memref<128xi32, #tpu.memory_space<vmem>>
    %dma_wait3A_78 = arith.constant 0 : i32
    %dma_wait3A_79 = arith.constant 0 : i32
    %dma_wait3A_80 = tpu.memref_slice %arg13[%dma_wait3A_78, %dma_wait3A_79] : memref<10240x64xf32, #tpu.memory_space<vmem_shared>> -> memref<10240x64xf32, #tpu.memory_space<vmem_shared>>
    tpu.wait_indirect_dma semaphore(%arg15 : memref<!tpu.dma_semaphore, #tpu.memory_space<semaphore_mem>>) src(%dma_wait3A_80 : memref<10240x64xf32, #tpu.memory_space<vmem_shared>>) dst(%arg10 : memref<128x64xf32, #tpu.memory_space<vmem>>)
    %dma_wait3A_81 = arith.constant 0 : i32
    %dma_wait3A_82 = arith.constant 0 : i32
    %dma_wait3A_83 = tpu.memref_slice %arg8[%dma_wait3A_81, %dma_wait3A_82] : memref<81x128xi32, #tpu.memory_space<vmem>> -> memref<1x128xi32, #tpu.memory_space<vmem>>
    %dma_wait3A_84 = tpu.memref_squeeze %dma_wait3A_83 : memref<1x128xi32, #tpu.memory_space<vmem>> -> memref<128xi32, #tpu.memory_space<vmem>>
    %dma_wait3A_85 = arith.constant 0 : i32
    %dma_wait3A_86 = arith.constant 0 : i32
    %dma_wait3A_87 = tpu.memref_slice %arg12[%dma_wait3A_85, %dma_wait3A_86] : memref<10240x64xf32, #tpu.memory_space<vmem_shared>> -> memref<10240x64xf32, #tpu.memory_space<vmem_shared>>
    tpu.wait_indirect_dma semaphore(%arg17 : memref<!tpu.dma_semaphore, #tpu.memory_space<semaphore_mem>>) src(%arg9 : memref<128x64xf32, #tpu.memory_space<vmem>>) dst(%dma_wait3A_87 : memref<10240x64xf32, #tpu.memory_space<vmem_shared>>)
    %dma_start3A_88 = arith.constant 1 : i32
    %dma_start3A_89 = arith.constant 0 : i32
    %dma_start3A_90 = tpu.memref_slice %arg8[%dma_start3A_88, %dma_start3A_89] : memref<81x128xi32, #tpu.memory_space<vmem>> -> memref<1x128xi32, #tpu.memory_space<vmem>>
    %dma_start3A_91 = tpu.memref_squeeze %dma_start3A_90 : memref<1x128xi32, #tpu.memory_space<vmem>> -> memref<128xi32, #tpu.memory_space<vmem>>
    %dma_start3A_92 = arith.constant 0 : i32
    %dma_start3A_93 = arith.constant 0 : i32
    %dma_start3A_94 = tpu.memref_slice %arg12[%dma_start3A_92, %dma_start3A_93] : memref<10240x64xf32, #tpu.memory_space<vmem_shared>> -> memref<10240x64xf32, #tpu.memory_space<vmem_shared>>
    tpu.enqueue_indirect_dma source(%arg10 : memref<128x64xf32, #tpu.memory_space<vmem>>) target(%dma_start3A_94 : memref<10240x64xf32, #tpu.memory_space<vmem_shared>>) offsets(%dma_start3A_91 : memref<128xi32, #tpu.memory_space<vmem>>) semaphore(%arg17 : memref<!tpu.dma_semaphore, #tpu.memory_space<semaphore_mem>>) {add = true}
    %dma_start3A_95 = arith.constant 3 : i32
    %dma_start3A_96 = arith.constant 0 : i32
    %dma_start3A_97 = tpu.memref_slice %arg7[%dma_start3A_95, %dma_start3A_96] : memref<81x128xi32, #tpu.memory_space<vmem>> -> memref<1x128xi32, #tpu.memory_space<vmem>>
    %dma_start3A_98 = tpu.memref_squeeze %dma_start3A_97 : memref<1x128xi32, #tpu.memory_space<vmem>> -> memref<128xi32, #tpu.memory_space<vmem>>
    %dma_start3A_99 = arith.constant 0 : i32
    %dma_start3A_100 = arith.constant 0 : i32
    %dma_start3A_101 = tpu.memref_slice %arg13[%dma_start3A_99, %dma_start3A_100] : memref<10240x64xf32, #tpu.memory_space<vmem_shared>> -> memref<10240x64xf32, #tpu.memory_space<vmem_shared>>
    tpu.enqueue_indirect_dma source(%dma_start3A_101 : memref<10240x64xf32, #tpu.memory_space<vmem_shared>>) target(%arg9 : memref<128x64xf32, #tpu.memory_space<vmem>>) offsets(%dma_start3A_98 : memref<128xi32, #tpu.memory_space<vmem>>) semaphore(%arg14 : memref<!tpu.dma_semaphore, #tpu.memory_space<semaphore_mem>>)
    %dma_wait3A_102 = arith.constant 2 : i32
    %dma_wait3A_103 = arith.constant 0 : i32
    %dma_wait3A_104 = tpu.memref_slice %arg7[%dma_wait3A_102, %dma_wait3A_103] : memref<81x128xi32, #tpu.memory_space<vmem>> -> memref<1x128xi32, #tpu.memory_space<vmem>>
    %dma_wait3A_105 = tpu.memref_squeeze %dma_wait3A_104 : memref<1x128xi32, #tpu.memory_space<vmem>> -> memref<128xi32, #tpu.memory_space<vmem>>
    %dma_wait3A_106 = arith.constant 0 : i32
    %dma_wait3A_107 = arith.constant 0 : i32
    %dma_wait3A_108 = tpu.memref_slice %arg13[%dma_wait3A_106, %dma_wait3A_107] : memref<10240x64xf32, #tpu.memory_space<vmem_shared>> -> memref<10240x64xf32, #tpu.memory_space<vmem_shared>>
    tpu.wait_indirect_dma semaphore(%arg16 : memref<!tpu.dma_semaphore, #tpu.memory_space<semaphore_mem>>) src(%dma_wait3A_108 : memref<10240x64xf32, #tpu.memory_space<vmem_shared>>) dst(%arg11 : memref<128x64xf32, #tpu.memory_space<vmem>>)
    %dma_wait3A_109 = arith.constant 1 : i32
    %dma_wait3A_110 = arith.constant 0 : i32
    %dma_wait3A_111 = tpu.memref_slice %arg8[%dma_wait3A_109, %dma_wait3A_110] : memref<81x128xi32, #tpu.memory_space<vmem>> -> memref<1x128xi32, #tpu.memory_space<vmem>>
    %dma_wait3A_112 = tpu.memref_squeeze %dma_wait3A_111 : memref<1x128xi32, #tpu.memory_space<vmem>> -> memref<128xi32, #tpu.memory_space<vmem>>
    %dma_wait3A_113 = arith.constant 0 : i32
    %dma_wait3A_114 = arith.constant 0 : i32
    %dma_wait3A_115 = tpu.memref_slice %arg12[%dma_wait3A_113, %dma_wait3A_114] : memref<10240x64xf32, #tpu.memory_space<vmem_shared>> -> memref<10240x64xf32, #tpu.memory_space<vmem_shared>>
    tpu.wait_indirect_dma semaphore(%arg17 : memref<!tpu.dma_semaphore, #tpu.memory_space<semaphore_mem>>) src(%arg10 : memref<128x64xf32, #tpu.memory_space<vmem>>) dst(%dma_wait3A_115 : memref<10240x64xf32, #tpu.memory_space<vmem_shared>>)
    %dma_start3A_116 = arith.constant 2 : i32
    %dma_start3A_117 = arith.constant 0 : i32
    %dma_start3A_118 = tpu.memref_slice %arg8[%dma_start3A_116, %dma_start3A_117] : memref<81x128xi32, #tpu.memory_space<vmem>> -> memref<1x128xi32, #tpu.memory_space<vmem>>
    %dma_start3A_119 = tpu.memref_squeeze %dma_start3A_118 : memref<1x128xi32, #tpu.memory_space<vmem>> -> memref<128xi32, #tpu.memory_space<vmem>>
    %dma_start3A_120 = arith.constant 0 : i32
    %dma_start3A_121 = arith.constant 0 : i32
    %dma_start3A_122 = tpu.memref_slice %arg12[%dma_start3A_120, %dma_start3A_121] : memref<10240x64xf32, #tpu.memory_space<vmem_shared>> -> memref<10240x64xf32, #tpu.memory_space<vmem_shared>>
    tpu.enqueue_indirect_dma source(%arg11 : memref<128x64xf32, #tpu.memory_space<vmem>>) target(%dma_start3A_122 : memref<10240x64xf32, #tpu.memory_space<vmem_shared>>) offsets(%dma_start3A_119 : memref<128xi32, #tpu.memory_space<vmem>>) semaphore(%arg17 : memref<!tpu.dma_semaphore, #tpu.memory_space<semaphore_mem>>) {add = true}
    %dma_start3A_123 = arith.constant 4 : i32
    %dma_start3A_124 = arith.constant 0 : i32
    %dma_start3A_125 = tpu.memref_slice %arg7[%dma_start3A_123, %dma_start3A_124] : memref<81x128xi32, #tpu.memory_space<vmem>> -> memref<1x128xi32, #tpu.memory_space<vmem>>
    %dma_start3A_126 = tpu.memref_squeeze %dma_start3A_125 : memref<1x128xi32, #tpu.memory_space<vmem>> -> memref<128xi32, #tpu.memory_space<vmem>>
    %dma_start3A_127 = arith.constant 0 : i32
    %dma_start3A_128 = arith.constant 0 : i32
    %dma_start3A_129 = tpu.memref_slice %arg13[%dma_start3A_127, %dma_start3A_128] : memref<10240x64xf32, #tpu.memory_space<vmem_shared>> -> memref<10240x64xf32, #tpu.memory_space<vmem_shared>>
    tpu.enqueue_indirect_dma source(%dma_start3A_129 : memref<10240x64xf32, #tpu.memory_space<vmem_shared>>) target(%arg10 : memref<128x64xf32, #tpu.memory_space<vmem>>) offsets(%dma_start3A_126 : memref<128xi32, #tpu.memory_space<vmem>>) semaphore(%arg15 : memref<!tpu.dma_semaphore, #tpu.memory_space<semaphore_mem>>)
    %scan3A = arith.constant 0 : i32
    %scan3A_130 = arith.constant 1 : i32
    %scan3A_131 = arith.constant 25 : i32
    %scan3A_132 = arith.addi %scan3A_130, %scan3A_131 : i32
    %scan3A_133 = arith.constant 1 : i32
    scf.for %scan3A_233 = %scan3A_130 to %scan3A_132 step %scan3A_133  : i32 {
      %mul3A_234 = arith.constant 3 : i32
      %mul3A_235 = arith.muli %scan3A_233, %mul3A_234 : i32
      %add3A_236 = arith.constant 0 : i32
      %add3A_237 = arith.addi %mul3A_235, %add3A_236 : i32
      %dma_wait3A_238 = arith.constant 0 : i32
      %dma_wait3A_239 = tpu.memref_slice %arg7[%add3A_237, %dma_wait3A_238] : memref<81x128xi32, #tpu.memory_space<vmem>> -> memref<1x128xi32, #tpu.memory_space<vmem>>
      %dma_wait3A_240 = tpu.memref_squeeze %dma_wait3A_239 : memref<1x128xi32, #tpu.memory_space<vmem>> -> memref<128xi32, #tpu.memory_space<vmem>>
      %dma_wait3A_241 = arith.constant 0 : i32
      %dma_wait3A_242 = arith.constant 0 : i32
      %dma_wait3A_243 = tpu.memref_slice %arg13[%dma_wait3A_241, %dma_wait3A_242] : memref<10240x64xf32, #tpu.memory_space<vmem_shared>> -> memref<10240x64xf32, #tpu.memory_space<vmem_shared>>
      tpu.wait_indirect_dma semaphore(%arg14 : memref<!tpu.dma_semaphore, #tpu.memory_space<semaphore_mem>>) src(%dma_wait3A_243 : memref<10240x64xf32, #tpu.memory_space<vmem_shared>>) dst(%arg9 : memref<128x64xf32, #tpu.memory_space<vmem>>)
      %sub3A = arith.constant 1 : i32
      %sub3A_244 = arith.subi %add3A_237, %sub3A : i32
      %dma_wait3A_245 = arith.constant 0 : i32
      %dma_wait3A_246 = tpu.memref_slice %arg8[%sub3A_244, %dma_wait3A_245] : memref<81x128xi32, #tpu.memory_space<vmem>> -> memref<1x128xi32, #tpu.memory_space<vmem>>
      %dma_wait3A_247 = tpu.memref_squeeze %dma_wait3A_246 : memref<1x128xi32, #tpu.memory_space<vmem>> -> memref<128xi32, #tpu.memory_space<vmem>>
      %dma_wait3A_248 = arith.constant 0 : i32
      %dma_wait3A_249 = arith.constant 0 : i32
      %dma_wait3A_250 = tpu.memref_slice %arg12[%dma_wait3A_248, %dma_wait3A_249] : memref<10240x64xf32, #tpu.memory_space<vmem_shared>> -> memref<10240x64xf32, #tpu.memory_space<vmem_shared>>
      tpu.wait_indirect_dma semaphore(%arg17 : memref<!tpu.dma_semaphore, #tpu.memory_space<semaphore_mem>>) src(%arg11 : memref<128x64xf32, #tpu.memory_space<vmem>>) dst(%dma_wait3A_250 : memref<10240x64xf32, #tpu.memory_space<vmem_shared>>)
      %dma_start3A_251 = arith.constant 0 : i32
      %dma_start3A_252 = tpu.memref_slice %arg8[%add3A_237, %dma_start3A_251] : memref<81x128xi32, #tpu.memory_space<vmem>> -> memref<1x128xi32, #tpu.memory_space<vmem>>
      %dma_start3A_253 = tpu.memref_squeeze %dma_start3A_252 : memref<1x128xi32, #tpu.memory_space<vmem>> -> memref<128xi32, #tpu.memory_space<vmem>>
      %dma_start3A_254 = arith.constant 0 : i32
      %dma_start3A_255 = arith.constant 0 : i32
      %dma_start3A_256 = tpu.memref_slice %arg12[%dma_start3A_254, %dma_start3A_255] : memref<10240x64xf32, #tpu.memory_space<vmem_shared>> -> memref<10240x64xf32, #tpu.memory_space<vmem_shared>>
      tpu.enqueue_indirect_dma source(%arg9 : memref<128x64xf32, #tpu.memory_space<vmem>>) target(%dma_start3A_256 : memref<10240x64xf32, #tpu.memory_space<vmem_shared>>) offsets(%dma_start3A_253 : memref<128xi32, #tpu.memory_space<vmem>>) semaphore(%arg17 : memref<!tpu.dma_semaphore, #tpu.memory_space<semaphore_mem>>) {add = true}
      %add3A_257 = arith.constant 2 : i32
      %add3A_258 = arith.addi %add3A_237, %add3A_257 : i32
      %dma_start3A_259 = arith.constant 0 : i32
      %dma_start3A_260 = tpu.memref_slice %arg7[%add3A_258, %dma_start3A_259] : memref<81x128xi32, #tpu.memory_space<vmem>> -> memref<1x128xi32, #tpu.memory_space<vmem>>
      %dma_start3A_261 = tpu.memref_squeeze %dma_start3A_260 : memref<1x128xi32, #tpu.memory_space<vmem>> -> memref<128xi32, #tpu.memory_space<vmem>>
      %dma_start3A_262 = arith.constant 0 : i32
      %dma_start3A_263 = arith.constant 0 : i32
      %dma_start3A_264 = tpu.memref_slice %arg13[%dma_start3A_262, %dma_start3A_263] : memref<10240x64xf32, #tpu.memory_space<vmem_shared>> -> memref<10240x64xf32, #tpu.memory_space<vmem_shared>>
      tpu.enqueue_indirect_dma source(%dma_start3A_264 : memref<10240x64xf32, #tpu.memory_space<vmem_shared>>) target(%arg11 : memref<128x64xf32, #tpu.memory_space<vmem>>) offsets(%dma_start3A_261 : memref<128xi32, #tpu.memory_space<vmem>>) semaphore(%arg16 : memref<!tpu.dma_semaphore, #tpu.memory_space<semaphore_mem>>)
      %mul3A_265 = arith.constant 3 : i32
      %mul3A_266 = arith.muli %scan3A_233, %mul3A_265 : i32
      %add3A_267 = arith.constant 1 : i32
      %add3A_268 = arith.addi %mul3A_266, %add3A_267 : i32
      %dma_wait3A_269 = arith.constant 0 : i32
      %dma_wait3A_270 = tpu.memref_slice %arg7[%add3A_268, %dma_wait3A_269] : memref<81x128xi32, #tpu.memory_space<vmem>> -> memref<1x128xi32, #tpu.memory_space<vmem>>
      %dma_wait3A_271 = tpu.memref_squeeze %dma_wait3A_270 : memref<1x128xi32, #tpu.memory_space<vmem>> -> memref<128xi32, #tpu.memory_space<vmem>>
      %dma_wait3A_272 = arith.constant 0 : i32
      %dma_wait3A_273 = arith.constant 0 : i32
      %dma_wait3A_274 = tpu.memref_slice %arg13[%dma_wait3A_272, %dma_wait3A_273] : memref<10240x64xf32, #tpu.memory_space<vmem_shared>> -> memref<10240x64xf32, #tpu.memory_space<vmem_shared>>
      tpu.wait_indirect_dma semaphore(%arg15 : memref<!tpu.dma_semaphore, #tpu.memory_space<semaphore_mem>>) src(%dma_wait3A_274 : memref<10240x64xf32, #tpu.memory_space<vmem_shared>>) dst(%arg10 : memref<128x64xf32, #tpu.memory_space<vmem>>)
      %sub3A_275 = arith.constant 1 : i32
      %sub3A_276 = arith.subi %add3A_268, %sub3A_275 : i32
      %dma_wait3A_277 = arith.constant 0 : i32
      %dma_wait3A_278 = tpu.memref_slice %arg8[%sub3A_276, %dma_wait3A_277] : memref<81x128xi32, #tpu.memory_space<vmem>> -> memref<1x128xi32, #tpu.memory_space<vmem>>
      %dma_wait3A_279 = tpu.memref_squeeze %dma_wait3A_278 : memref<1x128xi32, #tpu.memory_space<vmem>> -> memref<128xi32, #tpu.memory_space<vmem>>
      %dma_wait3A_280 = arith.constant 0 : i32
      %dma_wait3A_281 = arith.constant 0 : i32
      %dma_wait3A_282 = tpu.memref_slice %arg12[%dma_wait3A_280, %dma_wait3A_281] : memref<10240x64xf32, #tpu.memory_space<vmem_shared>> -> memref<10240x64xf32, #tpu.memory_space<vmem_shared>>
      tpu.wait_indirect_dma semaphore(%arg17 : memref<!tpu.dma_semaphore, #tpu.memory_space<semaphore_mem>>) src(%arg9 : memref<128x64xf32, #tpu.memory_space<vmem>>) dst(%dma_wait3A_282 : memref<10240x64xf32, #tpu.memory_space<vmem_shared>>)
      %dma_start3A_283 = arith.constant 0 : i32
      %dma_start3A_284 = tpu.memref_slice %arg8[%add3A_268, %dma_start3A_283] : memref<81x128xi32, #tpu.memory_space<vmem>> -> memref<1x128xi32, #tpu.memory_space<vmem>>
      %dma_start3A_285 = tpu.memref_squeeze %dma_start3A_284 : memref<1x128xi32, #tpu.memory_space<vmem>> -> memref<128xi32, #tpu.memory_space<vmem>>
      %dma_start3A_286 = arith.constant 0 : i32
      %dma_start3A_287 = arith.constant 0 : i32
      %dma_start3A_288 = tpu.memref_slice %arg12[%dma_start3A_286, %dma_start3A_287] : memref<10240x64xf32, #tpu.memory_space<vmem_shared>> -> memref<10240x64xf32, #tpu.memory_space<vmem_shared>>
      tpu.enqueue_indirect_dma source(%arg10 : memref<128x64xf32, #tpu.memory_space<vmem>>) target(%dma_start3A_288 : memref<10240x64xf32, #tpu.memory_space<vmem_shared>>) offsets(%dma_start3A_285 : memref<128xi32, #tpu.memory_space<vmem>>) semaphore(%arg17 : memref<!tpu.dma_semaphore, #tpu.memory_space<semaphore_mem>>) {add = true}
      %add3A_289 = arith.constant 2 : i32
      %add3A_290 = arith.addi %add3A_268, %add3A_289 : i32
      %dma_start3A_291 = arith.constant 0 : i32
      %dma_start3A_292 = tpu.memref_slice %arg7[%add3A_290, %dma_start3A_291] : memref<81x128xi32, #tpu.memory_space<vmem>> -> memref<1x128xi32, #tpu.memory_space<vmem>>
      %dma_start3A_293 = tpu.memref_squeeze %dma_start3A_292 : memref<1x128xi32, #tpu.memory_space<vmem>> -> memref<128xi32, #tpu.memory_space<vmem>>
      %dma_start3A_294 = arith.constant 0 : i32
      %dma_start3A_295 = arith.constant 0 : i32
      %dma_start3A_296 = tpu.memref_slice %arg13[%dma_start3A_294, %dma_start3A_295] : memref<10240x64xf32, #tpu.memory_space<vmem_shared>> -> memref<10240x64xf32, #tpu.memory_space<vmem_shared>>
      tpu.enqueue_indirect_dma source(%dma_start3A_296 : memref<10240x64xf32, #tpu.memory_space<vmem_shared>>) target(%arg9 : memref<128x64xf32, #tpu.memory_space<vmem>>) offsets(%dma_start3A_293 : memref<128xi32, #tpu.memory_space<vmem>>) semaphore(%arg14 : memref<!tpu.dma_semaphore, #tpu.memory_space<semaphore_mem>>)
      %mul3A_297 = arith.constant 3 : i32
      %mul3A_298 = arith.muli %scan3A_233, %mul3A_297 : i32
      %add3A_299 = arith.constant 2 : i32
      %add3A_300 = arith.addi %mul3A_298, %add3A_299 : i32
      %dma_wait3A_301 = arith.constant 0 : i32
      %dma_wait3A_302 = tpu.memref_slice %arg7[%add3A_300, %dma_wait3A_301] : memref<81x128xi32, #tpu.memory_space<vmem>> -> memref<1x128xi32, #tpu.memory_space<vmem>>
      %dma_wait3A_303 = tpu.memref_squeeze %dma_wait3A_302 : memref<1x128xi32, #tpu.memory_space<vmem>> -> memref<128xi32, #tpu.memory_space<vmem>>
      %dma_wait3A_304 = arith.constant 0 : i32
      %dma_wait3A_305 = arith.constant 0 : i32
      %dma_wait3A_306 = tpu.memref_slice %arg13[%dma_wait3A_304, %dma_wait3A_305] : memref<10240x64xf32, #tpu.memory_space<vmem_shared>> -> memref<10240x64xf32, #tpu.memory_space<vmem_shared>>
      tpu.wait_indirect_dma semaphore(%arg16 : memref<!tpu.dma_semaphore, #tpu.memory_space<semaphore_mem>>) src(%dma_wait3A_306 : memref<10240x64xf32, #tpu.memory_space<vmem_shared>>) dst(%arg11 : memref<128x64xf32, #tpu.memory_space<vmem>>)
      %sub3A_307 = arith.constant 1 : i32
      %sub3A_308 = arith.subi %add3A_300, %sub3A_307 : i32
      %dma_wait3A_309 = arith.constant 0 : i32
      %dma_wait3A_310 = tpu.memref_slice %arg8[%sub3A_308, %dma_wait3A_309] : memref<81x128xi32, #tpu.memory_space<vmem>> -> memref<1x128xi32, #tpu.memory_space<vmem>>
      %dma_wait3A_311 = tpu.memref_squeeze %dma_wait3A_310 : memref<1x128xi32, #tpu.memory_space<vmem>> -> memref<128xi32, #tpu.memory_space<vmem>>
      %dma_wait3A_312 = arith.constant 0 : i32
      %dma_wait3A_313 = arith.constant 0 : i32
      %dma_wait3A_314 = tpu.memref_slice %arg12[%dma_wait3A_312, %dma_wait3A_313] : memref<10240x64xf32, #tpu.memory_space<vmem_shared>> -> memref<10240x64xf32, #tpu.memory_space<vmem_shared>>
      tpu.wait_indirect_dma semaphore(%arg17 : memref<!tpu.dma_semaphore, #tpu.memory_space<semaphore_mem>>) src(%arg10 : memref<128x64xf32, #tpu.memory_space<vmem>>) dst(%dma_wait3A_314 : memref<10240x64xf32, #tpu.memory_space<vmem_shared>>)
      %dma_start3A_315 = arith.constant 0 : i32
      %dma_start3A_316 = tpu.memref_slice %arg8[%add3A_300, %dma_start3A_315] : memref<81x128xi32, #tpu.memory_space<vmem>> -> memref<1x128xi32, #tpu.memory_space<vmem>>
      %dma_start3A_317 = tpu.memref_squeeze %dma_start3A_316 : memref<1x128xi32, #tpu.memory_space<vmem>> -> memref<128xi32, #tpu.memory_space<vmem>>
      %dma_start3A_318 = arith.constant 0 : i32
      %dma_start3A_319 = arith.constant 0 : i32
      %dma_start3A_320 = tpu.memref_slice %arg12[%dma_start3A_318, %dma_start3A_319] : memref<10240x64xf32, #tpu.memory_space<vmem_shared>> -> memref<10240x64xf32, #tpu.memory_space<vmem_shared>>
      tpu.enqueue_indirect_dma source(%arg11 : memref<128x64xf32, #tpu.memory_space<vmem>>) target(%dma_start3A_320 : memref<10240x64xf32, #tpu.memory_space<vmem_shared>>) offsets(%dma_start3A_317 : memref<128xi32, #tpu.memory_space<vmem>>) semaphore(%arg17 : memref<!tpu.dma_semaphore, #tpu.memory_space<semaphore_mem>>) {add = true}
      %add3A_321 = arith.constant 2 : i32
      %add3A_322 = arith.addi %add3A_300, %add3A_321 : i32
      %dma_start3A_323 = arith.constant 0 : i32
      %dma_start3A_324 = tpu.memref_slice %arg7[%add3A_322, %dma_start3A_323] : memref<81x128xi32, #tpu.memory_space<vmem>> -> memref<1x128xi32, #tpu.memory_space<vmem>>
      %dma_start3A_325 = tpu.memref_squeeze %dma_start3A_324 : memref<1x128xi32, #tpu.memory_space<vmem>> -> memref<128xi32, #tpu.memory_space<vmem>>
      %dma_start3A_326 = arith.constant 0 : i32
      %dma_start3A_327 = arith.constant 0 : i32
      %dma_start3A_328 = tpu.memref_slice %arg13[%dma_start3A_326, %dma_start3A_327] : memref<10240x64xf32, #tpu.memory_space<vmem_shared>> -> memref<10240x64xf32, #tpu.memory_space<vmem_shared>>
      tpu.enqueue_indirect_dma source(%dma_start3A_328 : memref<10240x64xf32, #tpu.memory_space<vmem_shared>>) target(%arg10 : memref<128x64xf32, #tpu.memory_space<vmem>>) offsets(%dma_start3A_325 : memref<128xi32, #tpu.memory_space<vmem>>) semaphore(%arg15 : memref<!tpu.dma_semaphore, #tpu.memory_space<semaphore_mem>>)
    }
    %scan3A_134 = arith.constant 25 : i32
    %dma_wait3A_135 = arith.constant 78 : i32
    %dma_wait3A_136 = arith.constant 0 : i32
    %dma_wait3A_137 = tpu.memref_slice %arg7[%dma_wait3A_135, %dma_wait3A_136] : memref<81x128xi32, #tpu.memory_space<vmem>> -> memref<1x128xi32, #tpu.memory_space<vmem>>
    %dma_wait3A_138 = tpu.memref_squeeze %dma_wait3A_137 : memref<1x128xi32, #tpu.memory_space<vmem>> -> memref<128xi32, #tpu.memory_space<vmem>>
    %dma_wait3A_139 = arith.constant 0 : i32
    %dma_wait3A_140 = arith.constant 0 : i32
    %dma_wait3A_141 = tpu.memref_slice %arg13[%dma_wait3A_139, %dma_wait3A_140] : memref<10240x64xf32, #tpu.memory_space<vmem_shared>> -> memref<10240x64xf32, #tpu.memory_space<vmem_shared>>
    tpu.wait_indirect_dma semaphore(%arg14 : memref<!tpu.dma_semaphore, #tpu.memory_space<semaphore_mem>>) src(%dma_wait3A_141 : memref<10240x64xf32, #tpu.memory_space<vmem_shared>>) dst(%arg9 : memref<128x64xf32, #tpu.memory_space<vmem>>)
    %dma_wait3A_142 = arith.constant 77 : i32
    %dma_wait3A_143 = arith.constant 0 : i32
    %dma_wait3A_144 = tpu.memref_slice %arg8[%dma_wait3A_142, %dma_wait3A_143] : memref<81x128xi32, #tpu.memory_space<vmem>> -> memref<1x128xi32, #tpu.memory_space<vmem>>
    %dma_wait3A_145 = tpu.memref_squeeze %dma_wait3A_144 : memref<1x128xi32, #tpu.memory_space<vmem>> -> memref<128xi32, #tpu.memory_space<vmem>>
    %dma_wait3A_146 = arith.constant 0 : i32
    %dma_wait3A_147 = arith.constant 0 : i32
    %dma_wait3A_148 = tpu.memref_slice %arg12[%dma_wait3A_146, %dma_wait3A_147] : memref<10240x64xf32, #tpu.memory_space<vmem_shared>> -> memref<10240x64xf32, #tpu.memory_space<vmem_shared>>
    tpu.wait_indirect_dma semaphore(%arg17 : memref<!tpu.dma_semaphore, #tpu.memory_space<semaphore_mem>>) src(%arg11 : memref<128x64xf32, #tpu.memory_space<vmem>>) dst(%dma_wait3A_148 : memref<10240x64xf32, #tpu.memory_space<vmem_shared>>)
    %dma_start3A_149 = arith.constant 78 : i32
    %dma_start3A_150 = arith.constant 0 : i32
    %dma_start3A_151 = tpu.memref_slice %arg8[%dma_start3A_149, %dma_start3A_150] : memref<81x128xi32, #tpu.memory_space<vmem>> -> memref<1x128xi32, #tpu.memory_space<vmem>>
    %dma_start3A_152 = tpu.memref_squeeze %dma_start3A_151 : memref<1x128xi32, #tpu.memory_space<vmem>> -> memref<128xi32, #tpu.memory_space<vmem>>
    %dma_start3A_153 = arith.constant 0 : i32
    %dma_start3A_154 = arith.constant 0 : i32
    %dma_start3A_155 = tpu.memref_slice %arg12[%dma_start3A_153, %dma_start3A_154] : memref<10240x64xf32, #tpu.memory_space<vmem_shared>> -> memref<10240x64xf32, #tpu.memory_space<vmem_shared>>
    tpu.enqueue_indirect_dma source(%arg9 : memref<128x64xf32, #tpu.memory_space<vmem>>) target(%dma_start3A_155 : memref<10240x64xf32, #tpu.memory_space<vmem_shared>>) offsets(%dma_start3A_152 : memref<128xi32, #tpu.memory_space<vmem>>) semaphore(%arg17 : memref<!tpu.dma_semaphore, #tpu.memory_space<semaphore_mem>>) {add = true}
    %dma_start3A_156 = arith.constant 80 : i32
    %dma_start3A_157 = arith.constant 0 : i32
    %dma_start3A_158 = tpu.memref_slice %arg7[%dma_start3A_156, %dma_start3A_157] : memref<81x128xi32, #tpu.memory_space<vmem>> -> memref<1x128xi32, #tpu.memory_space<vmem>>
    %dma_start3A_159 = tpu.memref_squeeze %dma_start3A_158 : memref<1x128xi32, #tpu.memory_space<vmem>> -> memref<128xi32, #tpu.memory_space<vmem>>
    %dma_start3A_160 = arith.constant 0 : i32
    %dma_start3A_161 = arith.constant 0 : i32
    %dma_start3A_162 = tpu.memref_slice %arg13[%dma_start3A_160, %dma_start3A_161] : memref<10240x64xf32, #tpu.memory_space<vmem_shared>> -> memref<10240x64xf32, #tpu.memory_space<vmem_shared>>
    tpu.enqueue_indirect_dma source(%dma_start3A_162 : memref<10240x64xf32, #tpu.memory_space<vmem_shared>>) target(%arg11 : memref<128x64xf32, #tpu.memory_space<vmem>>) offsets(%dma_start3A_159 : memref<128xi32, #tpu.memory_space<vmem>>) semaphore(%arg16 : memref<!tpu.dma_semaphore, #tpu.memory_space<semaphore_mem>>)
    %dma_wait3A_163 = arith.constant 79 : i32
    %dma_wait3A_164 = arith.constant 0 : i32
    %dma_wait3A_165 = tpu.memref_slice %arg7[%dma_wait3A_163, %dma_wait3A_164] : memref<81x128xi32, #tpu.memory_space<vmem>> -> memref<1x128xi32, #tpu.memory_space<vmem>>
    %dma_wait3A_166 = tpu.memref_squeeze %dma_wait3A_165 : memref<1x128xi32, #tpu.memory_space<vmem>> -> memref<128xi32, #tpu.memory_space<vmem>>
    %dma_wait3A_167 = arith.constant 0 : i32
    %dma_wait3A_168 = arith.constant 0 : i32
    %dma_wait3A_169 = tpu.memref_slice %arg13[%dma_wait3A_167, %dma_wait3A_168] : memref<10240x64xf32, #tpu.memory_space<vmem_shared>> -> memref<10240x64xf32, #tpu.memory_space<vmem_shared>>
    tpu.wait_indirect_dma semaphore(%arg15 : memref<!tpu.dma_semaphore, #tpu.memory_space<semaphore_mem>>) src(%dma_wait3A_169 : memref<10240x64xf32, #tpu.memory_space<vmem_shared>>) dst(%arg10 : memref<128x64xf32, #tpu.memory_space<vmem>>)
    %dma_wait3A_170 = arith.constant 78 : i32
    %dma_wait3A_171 = arith.constant 0 : i32
    %dma_wait3A_172 = tpu.memref_slice %arg8[%dma_wait3A_170, %dma_wait3A_171] : memref<81x128xi32, #tpu.memory_space<vmem>> -> memref<1x128xi32, #tpu.memory_space<vmem>>
    %dma_wait3A_173 = tpu.memref_squeeze %dma_wait3A_172 : memref<1x128xi32, #tpu.memory_space<vmem>> -> memref<128xi32, #tpu.memory_space<vmem>>
    %dma_wait3A_174 = arith.constant 0 : i32
    %dma_wait3A_175 = arith.constant 0 : i32
    %dma_wait3A_176 = tpu.memref_slice %arg12[%dma_wait3A_174, %dma_wait3A_175] : memref<10240x64xf32, #tpu.memory_space<vmem_shared>> -> memref<10240x64xf32, #tpu.memory_space<vmem_shared>>
    tpu.wait_indirect_dma semaphore(%arg17 : memref<!tpu.dma_semaphore, #tpu.memory_space<semaphore_mem>>) src(%arg9 : memref<128x64xf32, #tpu.memory_space<vmem>>) dst(%dma_wait3A_176 : memref<10240x64xf32, #tpu.memory_space<vmem_shared>>)
    %dma_start3A_177 = arith.constant 79 : i32
    %dma_start3A_178 = arith.constant 0 : i32
    %dma_start3A_179 = tpu.memref_slice %arg8[%dma_start3A_177, %dma_start3A_178] : memref<81x128xi32, #tpu.memory_space<vmem>> -> memref<1x128xi32, #tpu.memory_space<vmem>>
    %dma_start3A_180 = tpu.memref_squeeze %dma_start3A_179 : memref<1x128xi32, #tpu.memory_space<vmem>> -> memref<128xi32, #tpu.memory_space<vmem>>
    %dma_start3A_181 = arith.constant 0 : i32
    %dma_start3A_182 = arith.constant 0 : i32
    %dma_start3A_183 = tpu.memref_slice %arg12[%dma_start3A_181, %dma_start3A_182] : memref<10240x64xf32, #tpu.memory_space<vmem_shared>> -> memref<10240x64xf32, #tpu.memory_space<vmem_shared>>
    tpu.enqueue_indirect_dma source(%arg10 : memref<128x64xf32, #tpu.memory_space<vmem>>) target(%dma_start3A_183 : memref<10240x64xf32, #tpu.memory_space<vmem_shared>>) offsets(%dma_start3A_180 : memref<128xi32, #tpu.memory_space<vmem>>) semaphore(%arg17 : memref<!tpu.dma_semaphore, #tpu.memory_space<semaphore_mem>>) {add = true}
    %dma_wait3A_184 = arith.constant 80 : i32
    %dma_wait3A_185 = arith.constant 0 : i32
    %dma_wait3A_186 = tpu.memref_slice %arg7[%dma_wait3A_184, %dma_wait3A_185] : memref<81x128xi32, #tpu.memory_space<vmem>> -> memref<1x128xi32, #tpu.memory_space<vmem>>
    %dma_wait3A_187 = tpu.memref_squeeze %dma_wait3A_186 : memref<1x128xi32, #tpu.memory_space<vmem>> -> memref<128xi32, #tpu.memory_space<vmem>>
    %dma_wait3A_188 = arith.constant 0 : i32
    %dma_wait3A_189 = arith.constant 0 : i32
    %dma_wait3A_190 = tpu.memref_slice %arg13[%dma_wait3A_188, %dma_wait3A_189] : memref<10240x64xf32, #tpu.memory_space<vmem_shared>> -> memref<10240x64xf32, #tpu.memory_space<vmem_shared>>
    tpu.wait_indirect_dma semaphore(%arg16 : memref<!tpu.dma_semaphore, #tpu.memory_space<semaphore_mem>>) src(%dma_wait3A_190 : memref<10240x64xf32, #tpu.memory_space<vmem_shared>>) dst(%arg11 : memref<128x64xf32, #tpu.memory_space<vmem>>)
    %dma_wait3A_191 = arith.constant 79 : i32
    %dma_wait3A_192 = arith.constant 0 : i32
    %dma_wait3A_193 = tpu.memref_slice %arg8[%dma_wait3A_191, %dma_wait3A_192] : memref<81x128xi32, #tpu.memory_space<vmem>> -> memref<1x128xi32, #tpu.memory_space<vmem>>
    %dma_wait3A_194 = tpu.memref_squeeze %dma_wait3A_193 : memref<1x128xi32, #tpu.memory_space<vmem>> -> memref<128xi32, #tpu.memory_space<vmem>>
    %dma_wait3A_195 = arith.constant 0 : i32
    %dma_wait3A_196 = arith.constant 0 : i32
    %dma_wait3A_197 = tpu.memref_slice %arg12[%dma_wait3A_195, %dma_wait3A_196] : memref<10240x64xf32, #tpu.memory_space<vmem_shared>> -> memref<10240x64xf32, #tpu.memory_space<vmem_shared>>
    tpu.wait_indirect_dma semaphore(%arg17 : memref<!tpu.dma_semaphore, #tpu.memory_space<semaphore_mem>>) src(%arg10 : memref<128x64xf32, #tpu.memory_space<vmem>>) dst(%dma_wait3A_197 : memref<10240x64xf32, #tpu.memory_space<vmem_shared>>)
    %dma_start3A_198 = arith.constant 80 : i32
    %dma_start3A_199 = arith.constant 0 : i32
    %dma_start3A_200 = tpu.memref_slice %arg8[%dma_start3A_198, %dma_start3A_199] : memref<81x128xi32, #tpu.memory_space<vmem>> -> memref<1x128xi32, #tpu.memory_space<vmem>>
    %dma_start3A_201 = tpu.memref_squeeze %dma_start3A_200 : memref<1x128xi32, #tpu.memory_space<vmem>> -> memref<128xi32, #tpu.memory_space<vmem>>
    %dma_start3A_202 = arith.constant 0 : i32
    %dma_start3A_203 = arith.constant 0 : i32
    %dma_start3A_204 = tpu.memref_slice %arg12[%dma_start3A_202, %dma_start3A_203] : memref<10240x64xf32, #tpu.memory_space<vmem_shared>> -> memref<10240x64xf32, #tpu.memory_space<vmem_shared>>
    tpu.enqueue_indirect_dma source(%arg11 : memref<128x64xf32, #tpu.memory_space<vmem>>) target(%dma_start3A_204 : memref<10240x64xf32, #tpu.memory_space<vmem_shared>>) offsets(%dma_start3A_201 : memref<128xi32, #tpu.memory_space<vmem>>) semaphore(%arg17 : memref<!tpu.dma_semaphore, #tpu.memory_space<semaphore_mem>>) {add = true}
    %dma_wait3A_205 = arith.constant 80 : i32
    %dma_wait3A_206 = arith.constant 0 : i32
    %dma_wait3A_207 = tpu.memref_slice %arg8[%dma_wait3A_205, %dma_wait3A_206] : memref<81x128xi32, #tpu.memory_space<vmem>> -> memref<1x128xi32, #tpu.memory_space<vmem>>
    %dma_wait3A_208 = tpu.memref_squeeze %dma_wait3A_207 : memref<1x128xi32, #tpu.memory_space<vmem>> -> memref<128xi32, #tpu.memory_space<vmem>>
    %dma_wait3A_209 = arith.constant 0 : i32
    %dma_wait3A_210 = arith.constant 0 : i32
    %dma_wait3A_211 = tpu.memref_slice %arg12[%dma_wait3A_209, %dma_wait3A_210] : memref<10240x64xf32, #tpu.memory_space<vmem_shared>> -> memref<10240x64xf32, #tpu.memory_space<vmem_shared>>
    tpu.wait_indirect_dma semaphore(%arg17 : memref<!tpu.dma_semaphore, #tpu.memory_space<semaphore_mem>>) src(%arg11 : memref<128x64xf32, #tpu.memory_space<vmem>>) dst(%dma_wait3A_211 : memref<10240x64xf32, #tpu.memory_space<vmem_shared>>)
    %barrier3A_212 = arith.constant 0 : index
    tpu.barrier barrier_id(%barrier3A_212)
    %mul3A_213 = arith.constant 640 : i32
    %mul3A_214 = arith.muli %arg1, %mul3A_213 : i32
    %add3A_215 = arith.constant 0 : i32
    %add3A_216 = arith.addi %mul3A_214, %add3A_215 : i32
    "tpu.region"() ({
      %run_scoped3A = tpu.sem_alloc : memref<!tpu.dma_semaphore, #tpu.memory_space<semaphore_mem>>
      %dma_start3A_233 = arith.constant 0 : i32
      %dma_start3A_234 = tpu.memref_slice %arg12[%add3A_216, %dma_start3A_233] : memref<10240x64xf32, #tpu.memory_space<vmem_shared>> -> memref<128x64xf32, #tpu.memory_space<vmem_shared>>
      %dma_start3A_235 = arith.constant 0 : i32
      %dma_start3A_236 = tpu.memref_slice %arg12[%add3A_216, %dma_start3A_235] : memref<10240x64xf32, #tpu.memory_space<vmem_shared>> -> memref<128x64xf32, #tpu.memory_space<vmem_shared>>
      tpu.enqueue_dma source(%dma_start3A_236 : memref<128x64xf32, #tpu.memory_space<vmem_shared>>) target(%arg9 : memref<128x64xf32, #tpu.memory_space<vmem>>) target_semaphore(%run_scoped3A : memref<!tpu.dma_semaphore, #tpu.memory_space<semaphore_mem>>)
      %dma_wait3A_237 = arith.constant 0 : i32
      %dma_wait3A_238 = tpu.memref_slice %arg12[%add3A_216, %dma_wait3A_237] : memref<10240x64xf32, #tpu.memory_space<vmem_shared>> -> memref<128x64xf32, #tpu.memory_space<vmem_shared>>
      %dma_wait3A_239 = arith.constant 0 : i32
      %dma_wait3A_240 = tpu.memref_slice %arg12[%add3A_216, %dma_wait3A_239] : memref<10240x64xf32, #tpu.memory_space<vmem_shared>> -> memref<128x64xf32, #tpu.memory_space<vmem_shared>>
      tpu.wait_dma2 semaphore(%run_scoped3A : memref<!tpu.dma_semaphore, #tpu.memory_space<semaphore_mem>>) src(%dma_wait3A_240 : memref<128x64xf32, #tpu.memory_space<vmem_shared>>) dst(%arg9 : memref<128x64xf32, #tpu.memory_space<vmem>>)
      tpu.yield
    }) : () -> ()
    "tpu.region"() ({
      %run_scoped3A = tpu.sem_alloc : memref<!tpu.dma_semaphore, #tpu.memory_space<semaphore_mem>>
      %dma_start3A_233 = arith.constant 0 : i32
      %dma_start3A_234 = tpu.memref_slice %arg6[%arg0, %add3A_216, %dma_start3A_233] : memref<2x10240x64xf32, #tpu.memory_space<hbm>> -> memref<1x128x64xf32, #tpu.memory_space<hbm>>
      %dma_start3A_235 = tpu.memref_squeeze %dma_start3A_234 : memref<1x128x64xf32, #tpu.memory_space<hbm>> -> memref<128x64xf32, #tpu.memory_space<hbm>>
      %dma_start3A_236 = arith.constant 0 : i32
      %dma_start3A_237 = tpu.memref_slice %arg6[%arg0, %add3A_216, %dma_start3A_236] : memref<2x10240x64xf32, #tpu.memory_space<hbm>> -> memref<1x128x64xf32, #tpu.memory_space<hbm>>
      %dma_start3A_238 = tpu.memref_squeeze %dma_start3A_237 : memref<1x128x64xf32, #tpu.memory_space<hbm>> -> memref<128x64xf32, #tpu.memory_space<hbm>>
      tpu.enqueue_dma source(%arg9 : memref<128x64xf32, #tpu.memory_space<vmem>>) target(%dma_start3A_238 : memref<128x64xf32, #tpu.memory_space<hbm>>) target_semaphore(%run_scoped3A : memref<!tpu.dma_semaphore, #tpu.memory_space<semaphore_mem>>)
      %dma_wait3A_239 = arith.constant 0 : i32
      %dma_wait3A_240 = tpu.memref_slice %arg6[%arg0, %add3A_216, %dma_wait3A_239] : memref<2x10240x64xf32, #tpu.memory_space<hbm>> -> memref<1x128x64xf32, #tpu.memory_space<hbm>>
      %dma_wait3A_241 = tpu.memref_squeeze %dma_wait3A_240 : memref<1x128x64xf32, #tpu.memory_space<hbm>> -> memref<128x64xf32, #tpu.memory_space<hbm>>
      %dma_wait3A_242 = arith.constant 0 : i32
      %dma_wait3A_243 = tpu.memref_slice %arg6[%arg0, %add3A_216, %dma_wait3A_242] : memref<2x10240x64xf32, #tpu.memory_space<hbm>> -> memref<1x128x64xf32, #tpu.memory_space<hbm>>
      %dma_wait3A_244 = tpu.memref_squeeze %dma_wait3A_243 : memref<1x128x64xf32, #tpu.memory_space<hbm>> -> memref<128x64xf32, #tpu.memory_space<hbm>>
      tpu.wait_dma2 semaphore(%run_scoped3A : memref<!tpu.dma_semaphore, #tpu.memory_space<semaphore_mem>>) src(%arg9 : memref<128x64xf32, #tpu.memory_space<vmem>>) dst(%dma_wait3A_244 : memref<128x64xf32, #tpu.memory_space<hbm>>)
      tpu.yield
    }) : () -> ()
    %mul3A_217 = arith.constant 640 : i32
    %mul3A_218 = arith.muli %arg1, %mul3A_217 : i32
    %add3A_219 = arith.constant 128 : i32
    %add3A_220 = arith.addi %mul3A_218, %add3A_219 : i32
    "tpu.region"() ({
      %run_scoped3A = tpu.sem_alloc : memref<!tpu.dma_semaphore, #tpu.memory_space<semaphore_mem>>
      %dma_start3A_233 = arith.constant 0 : i32
      %dma_start3A_234 = tpu.memref_slice %arg12[%add3A_220, %dma_start3A_233] : memref<10240x64xf32, #tpu.memory_space<vmem_shared>> -> memref<128x64xf32, #tpu.memory_space<vmem_shared>>
      %dma_start3A_235 = arith.constant 0 : i32
      %dma_start3A_236 = tpu.memref_slice %arg12[%add3A_220, %dma_start3A_235] : memref<10240x64xf32, #tpu.memory_space<vmem_shared>> -> memref<128x64xf32, #tpu.memory_space<vmem_shared>>
      tpu.enqueue_dma source(%dma_start3A_236 : memref<128x64xf32, #tpu.memory_space<vmem_shared>>) target(%arg10 : memref<128x64xf32, #tpu.memory_space<vmem>>) target_semaphore(%run_scoped3A : memref<!tpu.dma_semaphore, #tpu.memory_space<semaphore_mem>>)
      %dma_wait3A_237 = arith.constant 0 : i32
      %dma_wait3A_238 = tpu.memref_slice %arg12[%add3A_220, %dma_wait3A_237] : memref<10240x64xf32, #tpu.memory_space<vmem_shared>> -> memref<128x64xf32, #tpu.memory_space<vmem_shared>>
      %dma_wait3A_239 = arith.constant 0 : i32
      %dma_wait3A_240 = tpu.memref_slice %arg12[%add3A_220, %dma_wait3A_239] : memref<10240x64xf32, #tpu.memory_space<vmem_shared>> -> memref<128x64xf32, #tpu.memory_space<vmem_shared>>
      tpu.wait_dma2 semaphore(%run_scoped3A : memref<!tpu.dma_semaphore, #tpu.memory_space<semaphore_mem>>) src(%dma_wait3A_240 : memref<128x64xf32, #tpu.memory_space<vmem_shared>>) dst(%arg10 : memref<128x64xf32, #tpu.memory_space<vmem>>)
      tpu.yield
    }) : () -> ()
    "tpu.region"() ({
      %run_scoped3A = tpu.sem_alloc : memref<!tpu.dma_semaphore, #tpu.memory_space<semaphore_mem>>
      %dma_start3A_233 = arith.constant 0 : i32
      %dma_start3A_234 = tpu.memref_slice %arg6[%arg0, %add3A_220, %dma_start3A_233] : memref<2x10240x64xf32, #tpu.memory_space<hbm>> -> memref<1x128x64xf32, #tpu.memory_space<hbm>>
      %dma_start3A_235 = tpu.memref_squeeze %dma_start3A_234 : memref<1x128x64xf32, #tpu.memory_space<hbm>> -> memref<128x64xf32, #tpu.memory_space<hbm>>
      %dma_start3A_236 = arith.constant 0 : i32
      %dma_start3A_237 = tpu.memref_slice %arg6[%arg0, %add3A_220, %dma_start3A_236] : memref<2x10240x64xf32, #tpu.memory_space<hbm>> -> memref<1x128x64xf32, #tpu.memory_space<hbm>>
      %dma_start3A_238 = tpu.memref_squeeze %dma_start3A_237 : memref<1x128x64xf32, #tpu.memory_space<hbm>> -> memref<128x64xf32, #tpu.memory_space<hbm>>
      tpu.enqueue_dma source(%arg10 : memref<128x64xf32, #tpu.memory_space<vmem>>) target(%dma_start3A_238 : memref<128x64xf32, #tpu.memory_space<hbm>>) target_semaphore(%run_scoped3A : memref<!tpu.dma_semaphore, #tpu.memory_space<semaphore_mem>>)
      %dma_wait3A_239 = arith.constant 0 : i32
      %dma_wait3A_240 = tpu.memref_slice %arg6[%arg0, %add3A_220, %dma_wait3A_239] : memref<2x10240x64xf32, #tpu.memory_space<hbm>> -> memref<1x128x64xf32, #tpu.memory_space<hbm>>
      %dma_wait3A_241 = tpu.memref_squeeze %dma_wait3A_240 : memref<1x128x64xf32, #tpu.memory_space<hbm>> -> memref<128x64xf32, #tpu.memory_space<hbm>>
      %dma_wait3A_242 = arith.constant 0 : i32
      %dma_wait3A_243 = tpu.memref_slice %arg6[%arg0, %add3A_220, %dma_wait3A_242] : memref<2x10240x64xf32, #tpu.memory_space<hbm>> -> memref<1x128x64xf32, #tpu.memory_space<hbm>>
      %dma_wait3A_244 = tpu.memref_squeeze %dma_wait3A_243 : memref<1x128x64xf32, #tpu.memory_space<hbm>> -> memref<128x64xf32, #tpu.memory_space<hbm>>
      tpu.wait_dma2 semaphore(%run_scoped3A : memref<!tpu.dma_semaphore, #tpu.memory_space<semaphore_mem>>) src(%arg10 : memref<128x64xf32, #tpu.memory_space<vmem>>) dst(%dma_wait3A_244 : memref<128x64xf32, #tpu.memory_space<hbm>>)
      tpu.yield
    }) : () -> ()
    %mul3A_221 = arith.constant 640 : i32
    %mul3A_222 = arith.muli %arg1, %mul3A_221 : i32
    %add3A_223 = arith.constant 256 : i32
    %add3A_224 = arith.addi %mul3A_222, %add3A_223 : i32
    "tpu.region"() ({
      %run_scoped3A = tpu.sem_alloc : memref<!tpu.dma_semaphore, #tpu.memory_space<semaphore_mem>>
      %dma_start3A_233 = arith.constant 0 : i32
      %dma_start3A_234 = tpu.memref_slice %arg12[%add3A_224, %dma_start3A_233] : memref<10240x64xf32, #tpu.memory_space<vmem_shared>> -> memref<128x64xf32, #tpu.memory_space<vmem_shared>>
      %dma_start3A_235 = arith.constant 0 : i32
      %dma_start3A_236 = tpu.memref_slice %arg12[%add3A_224, %dma_start3A_235] : memref<10240x64xf32, #tpu.memory_space<vmem_shared>> -> memref<128x64xf32, #tpu.memory_space<vmem_shared>>
      tpu.enqueue_dma source(%dma_start3A_236 : memref<128x64xf32, #tpu.memory_space<vmem_shared>>) target(%arg11 : memref<128x64xf32, #tpu.memory_space<vmem>>) target_semaphore(%run_scoped3A : memref<!tpu.dma_semaphore, #tpu.memory_space<semaphore_mem>>)
      %dma_wait3A_237 = arith.constant 0 : i32
      %dma_wait3A_238 = tpu.memref_slice %arg12[%add3A_224, %dma_wait3A_237] : memref<10240x64xf32, #tpu.memory_space<vmem_shared>> -> memref<128x64xf32, #tpu.memory_space<vmem_shared>>
      %dma_wait3A_239 = arith.constant 0 : i32
      %dma_wait3A_240 = tpu.memref_slice %arg12[%add3A_224, %dma_wait3A_239] : memref<10240x64xf32, #tpu.memory_space<vmem_shared>> -> memref<128x64xf32, #tpu.memory_space<vmem_shared>>
      tpu.wait_dma2 semaphore(%run_scoped3A : memref<!tpu.dma_semaphore, #tpu.memory_space<semaphore_mem>>) src(%dma_wait3A_240 : memref<128x64xf32, #tpu.memory_space<vmem_shared>>) dst(%arg11 : memref<128x64xf32, #tpu.memory_space<vmem>>)
      tpu.yield
    }) : () -> ()
    "tpu.region"() ({
      %run_scoped3A = tpu.sem_alloc : memref<!tpu.dma_semaphore, #tpu.memory_space<semaphore_mem>>
      %dma_start3A_233 = arith.constant 0 : i32
      %dma_start3A_234 = tpu.memref_slice %arg6[%arg0, %add3A_224, %dma_start3A_233] : memref<2x10240x64xf32, #tpu.memory_space<hbm>> -> memref<1x128x64xf32, #tpu.memory_space<hbm>>
      %dma_start3A_235 = tpu.memref_squeeze %dma_start3A_234 : memref<1x128x64xf32, #tpu.memory_space<hbm>> -> memref<128x64xf32, #tpu.memory_space<hbm>>
      %dma_start3A_236 = arith.constant 0 : i32
      %dma_start3A_237 = tpu.memref_slice %arg6[%arg0, %add3A_224, %dma_start3A_236] : memref<2x10240x64xf32, #tpu.memory_space<hbm>> -> memref<1x128x64xf32, #tpu.memory_space<hbm>>
      %dma_start3A_238 = tpu.memref_squeeze %dma_start3A_237 : memref<1x128x64xf32, #tpu.memory_space<hbm>> -> memref<128x64xf32, #tpu.memory_space<hbm>>
      tpu.enqueue_dma source(%arg11 : memref<128x64xf32, #tpu.memory_space<vmem>>) target(%dma_start3A_238 : memref<128x64xf32, #tpu.memory_space<hbm>>) target_semaphore(%run_scoped3A : memref<!tpu.dma_semaphore, #tpu.memory_space<semaphore_mem>>)
      %dma_wait3A_239 = arith.constant 0 : i32
      %dma_wait3A_240 = tpu.memref_slice %arg6[%arg0, %add3A_224, %dma_wait3A_239] : memref<2x10240x64xf32, #tpu.memory_space<hbm>> -> memref<1x128x64xf32, #tpu.memory_space<hbm>>
      %dma_wait3A_241 = tpu.memref_squeeze %dma_wait3A_240 : memref<1x128x64xf32, #tpu.memory_space<hbm>> -> memref<128x64xf32, #tpu.memory_space<hbm>>
      %dma_wait3A_242 = arith.constant 0 : i32
      %dma_wait3A_243 = tpu.memref_slice %arg6[%arg0, %add3A_224, %dma_wait3A_242] : memref<2x10240x64xf32, #tpu.memory_space<hbm>> -> memref<1x128x64xf32, #tpu.memory_space<hbm>>
      %dma_wait3A_244 = tpu.memref_squeeze %dma_wait3A_243 : memref<1x128x64xf32, #tpu.memory_space<hbm>> -> memref<128x64xf32, #tpu.memory_space<hbm>>
      tpu.wait_dma2 semaphore(%run_scoped3A : memref<!tpu.dma_semaphore, #tpu.memory_space<semaphore_mem>>) src(%arg11 : memref<128x64xf32, #tpu.memory_space<vmem>>) dst(%dma_wait3A_244 : memref<128x64xf32, #tpu.memory_space<hbm>>)
      tpu.yield
    }) : () -> ()
    %mul3A_225 = arith.constant 640 : i32
    %mul3A_226 = arith.muli %arg1, %mul3A_225 : i32
    %add3A_227 = arith.constant 384 : i32
    %add3A_228 = arith.addi %mul3A_226, %add3A_227 : i32
    "tpu.region"() ({
      %run_scoped3A = tpu.sem_alloc : memref<!tpu.dma_semaphore, #tpu.memory_space<semaphore_mem>>
      %dma_start3A_233 = arith.constant 0 : i32
      %dma_start3A_234 = tpu.memref_slice %arg12[%add3A_228, %dma_start3A_233] : memref<10240x64xf32, #tpu.memory_space<vmem_shared>> -> memref<128x64xf32, #tpu.memory_space<vmem_shared>>
      %dma_start3A_235 = arith.constant 0 : i32
      %dma_start3A_236 = tpu.memref_slice %arg12[%add3A_228, %dma_start3A_235] : memref<10240x64xf32, #tpu.memory_space<vmem_shared>> -> memref<128x64xf32, #tpu.memory_space<vmem_shared>>
      tpu.enqueue_dma source(%dma_start3A_236 : memref<128x64xf32, #tpu.memory_space<vmem_shared>>) target(%arg9 : memref<128x64xf32, #tpu.memory_space<vmem>>) target_semaphore(%run_scoped3A : memref<!tpu.dma_semaphore, #tpu.memory_space<semaphore_mem>>)
      %dma_wait3A_237 = arith.constant 0 : i32
      %dma_wait3A_238 = tpu.memref_slice %arg12[%add3A_228, %dma_wait3A_237] : memref<10240x64xf32, #tpu.memory_space<vmem_shared>> -> memref<128x64xf32, #tpu.memory_space<vmem_shared>>
      %dma_wait3A_239 = arith.constant 0 : i32
      %dma_wait3A_240 = tpu.memref_slice %arg12[%add3A_228, %dma_wait3A_239] : memref<10240x64xf32, #tpu.memory_space<vmem_shared>> -> memref<128x64xf32, #tpu.memory_space<vmem_shared>>
      tpu.wait_dma2 semaphore(%run_scoped3A : memref<!tpu.dma_semaphore, #tpu.memory_space<semaphore_mem>>) src(%dma_wait3A_240 : memref<128x64xf32, #tpu.memory_space<vmem_shared>>) dst(%arg9 : memref<128x64xf32, #tpu.memory_space<vmem>>)
      tpu.yield
    }) : () -> ()
    "tpu.region"() ({
      %run_scoped3A = tpu.sem_alloc : memref<!tpu.dma_semaphore, #tpu.memory_space<semaphore_mem>>
      %dma_start3A_233 = arith.constant 0 : i32
      %dma_start3A_234 = tpu.memref_slice %arg6[%arg0, %add3A_228, %dma_start3A_233] : memref<2x10240x64xf32, #tpu.memory_space<hbm>> -> memref<1x128x64xf32, #tpu.memory_space<hbm>>
      %dma_start3A_235 = tpu.memref_squeeze %dma_start3A_234 : memref<1x128x64xf32, #tpu.memory_space<hbm>> -> memref<128x64xf32, #tpu.memory_space<hbm>>
      %dma_start3A_236 = arith.constant 0 : i32
      %dma_start3A_237 = tpu.memref_slice %arg6[%arg0, %add3A_228, %dma_start3A_236] : memref<2x10240x64xf32, #tpu.memory_space<hbm>> -> memref<1x128x64xf32, #tpu.memory_space<hbm>>
      %dma_start3A_238 = tpu.memref_squeeze %dma_start3A_237 : memref<1x128x64xf32, #tpu.memory_space<hbm>> -> memref<128x64xf32, #tpu.memory_space<hbm>>
      tpu.enqueue_dma source(%arg9 : memref<128x64xf32, #tpu.memory_space<vmem>>) target(%dma_start3A_238 : memref<128x64xf32, #tpu.memory_space<hbm>>) target_semaphore(%run_scoped3A : memref<!tpu.dma_semaphore, #tpu.memory_space<semaphore_mem>>)
      %dma_wait3A_239 = arith.constant 0 : i32
      %dma_wait3A_240 = tpu.memref_slice %arg6[%arg0, %add3A_228, %dma_wait3A_239] : memref<2x10240x64xf32, #tpu.memory_space<hbm>> -> memref<1x128x64xf32, #tpu.memory_space<hbm>>
      %dma_wait3A_241 = tpu.memref_squeeze %dma_wait3A_240 : memref<1x128x64xf32, #tpu.memory_space<hbm>> -> memref<128x64xf32, #tpu.memory_space<hbm>>
      %dma_wait3A_242 = arith.constant 0 : i32
      %dma_wait3A_243 = tpu.memref_slice %arg6[%arg0, %add3A_228, %dma_wait3A_242] : memref<2x10240x64xf32, #tpu.memory_space<hbm>> -> memref<1x128x64xf32, #tpu.memory_space<hbm>>
      %dma_wait3A_244 = tpu.memref_squeeze %dma_wait3A_243 : memref<1x128x64xf32, #tpu.memory_space<hbm>> -> memref<128x64xf32, #tpu.memory_space<hbm>>
      tpu.wait_dma2 semaphore(%run_scoped3A : memref<!tpu.dma_semaphore, #tpu.memory_space<semaphore_mem>>) src(%arg9 : memref<128x64xf32, #tpu.memory_space<vmem>>) dst(%dma_wait3A_244 : memref<128x64xf32, #tpu.memory_space<hbm>>)
      tpu.yield
    }) : () -> ()
    %mul3A_229 = arith.constant 640 : i32
    %mul3A_230 = arith.muli %arg1, %mul3A_229 : i32
    %add3A_231 = arith.constant 512 : i32
    %add3A_232 = arith.addi %mul3A_230, %add3A_231 : i32
    "tpu.region"() ({
      %run_scoped3A = tpu.sem_alloc : memref<!tpu.dma_semaphore, #tpu.memory_space<semaphore_mem>>
      %dma_start3A_233 = arith.constant 0 : i32
      %dma_start3A_234 = tpu.memref_slice %arg12[%add3A_232, %dma_start3A_233] : memref<10240x64xf32, #tpu.memory_space<vmem_shared>> -> memref<128x64xf32, #tpu.memory_space<vmem_shared>>
      %dma_start3A_235 = arith.constant 0 : i32
      %dma_start3A_236 = tpu.memref_slice %arg12[%add3A_232, %dma_start3A_235] : memref<10240x64xf32, #tpu.memory_space<vmem_shared>> -> memref<128x64xf32, #tpu.memory_space<vmem_shared>>
      tpu.enqueue_dma source(%dma_start3A_236 : memref<128x64xf32, #tpu.memory_space<vmem_shared>>) target(%arg10 : memref<128x64xf32, #tpu.memory_space<vmem>>) target_semaphore(%run_scoped3A : memref<!tpu.dma_semaphore, #tpu.memory_space<semaphore_mem>>)
      %dma_wait3A_237 = arith.constant 0 : i32
      %dma_wait3A_238 = tpu.memref_slice %arg12[%add3A_232, %dma_wait3A_237] : memref<10240x64xf32, #tpu.memory_space<vmem_shared>> -> memref<128x64xf32, #tpu.memory_space<vmem_shared>>
      %dma_wait3A_239 = arith.constant 0 : i32
      %dma_wait3A_240 = tpu.memref_slice %arg12[%add3A_232, %dma_wait3A_239] : memref<10240x64xf32, #tpu.memory_space<vmem_shared>> -> memref<128x64xf32, #tpu.memory_space<vmem_shared>>
      tpu.wait_dma2 semaphore(%run_scoped3A : memref<!tpu.dma_semaphore, #tpu.memory_space<semaphore_mem>>) src(%dma_wait3A_240 : memref<128x64xf32, #tpu.memory_space<vmem_shared>>) dst(%arg10 : memref<128x64xf32, #tpu.memory_space<vmem>>)
      tpu.yield
    }) : () -> ()
    "tpu.region"() ({
      %run_scoped3A = tpu.sem_alloc : memref<!tpu.dma_semaphore, #tpu.memory_space<semaphore_mem>>
      %dma_start3A_233 = arith.constant 0 : i32
      %dma_start3A_234 = tpu.memref_slice %arg6[%arg0, %add3A_232, %dma_start3A_233] : memref<2x10240x64xf32, #tpu.memory_space<hbm>> -> memref<1x128x64xf32, #tpu.memory_space<hbm>>
      %dma_start3A_235 = tpu.memref_squeeze %dma_start3A_234 : memref<1x128x64xf32, #tpu.memory_space<hbm>> -> memref<128x64xf32, #tpu.memory_space<hbm>>
      %dma_start3A_236 = arith.constant 0 : i32
      %dma_start3A_237 = tpu.memref_slice %arg6[%arg0, %add3A_232, %dma_start3A_236] : memref<2x10240x64xf32, #tpu.memory_space<hbm>> -> memref<1x128x64xf32, #tpu.memory_space<hbm>>
      %dma_start3A_238 = tpu.memref_squeeze %dma_start3A_237 : memref<1x128x64xf32, #tpu.memory_space<hbm>> -> memref<128x64xf32, #tpu.memory_space<hbm>>
      tpu.enqueue_dma source(%arg10 : memref<128x64xf32, #tpu.memory_space<vmem>>) target(%dma_start3A_238 : memref<128x64xf32, #tpu.memory_space<hbm>>) target_semaphore(%run_scoped3A : memref<!tpu.dma_semaphore, #tpu.memory_space<semaphore_mem>>)
      %dma_wait3A_239 = arith.constant 0 : i32
      %dma_wait3A_240 = tpu.memref_slice %arg6[%arg0, %add3A_232, %dma_wait3A_239] : memref<2x10240x64xf32, #tpu.memory_space<hbm>> -> memref<1x128x64xf32, #tpu.memory_space<hbm>>
      %dma_wait3A_241 = tpu.memref_squeeze %dma_wait3A_240 : memref<1x128x64xf32, #tpu.memory_space<hbm>> -> memref<128x64xf32, #tpu.memory_space<hbm>>
      %dma_wait3A_242 = arith.constant 0 : i32
      %dma_wait3A_243 = tpu.memref_slice %arg6[%arg0, %add3A_232, %dma_wait3A_242] : memref<2x10240x64xf32, #tpu.memory_space<hbm>> -> memref<1x128x64xf32, #tpu.memory_space<hbm>>
      %dma_wait3A_244 = tpu.memref_squeeze %dma_wait3A_243 : memref<1x128x64xf32, #tpu.memory_space<hbm>> -> memref<128x64xf32, #tpu.memory_space<hbm>>
      tpu.wait_dma2 semaphore(%run_scoped3A : memref<!tpu.dma_semaphore, #tpu.memory_space<semaphore_mem>>) src(%arg10 : memref<128x64xf32, #tpu.memory_space<vmem>>) dst(%dma_wait3A_244 : memref<128x64xf32, #tpu.memory_space<hbm>>)
      tpu.yield
    }) : () -> ()
    return
  }
}

#map = affine_map<(d0, d1) -> (0, 0)>
#map1 = affine_map<(d0, d1) -> (0, 0, 0)>
module attributes {stable_mosaic.version = 14 : i64} {
  func.func @body(%arg0: i32, %arg1: i32, %arg2: memref<10240x64xf32, #tpu.memory_space<hbm>>, %arg3: memref<32x81x128xi32, #tpu.memory_space<hbm>>, %arg4: memref<32x81x128xi32, #tpu.memory_space<hbm>>, %arg5: memref<128x64xf32, #tpu.memory_space<hbm>>, %arg6: memref<2x10240x64xf32, #tpu.memory_space<hbm>>, %arg7: memref<81x128xi32, #tpu.memory_space<vmem>>, %arg8: memref<81x128xi32, #tpu.memory_space<vmem>>, %arg9: memref<128x64xf32, #tpu.memory_space<vmem>>, %arg10: memref<128x64xf32, #tpu.memory_space<vmem>>, %arg11: memref<128x64xf32, #tpu.memory_space<vmem>>, %arg12: memref<10240x64xf32, #tpu.memory_space<vmem_shared>>, %arg13: memref<10240x64xf32, #tpu.memory_space<vmem_shared>>, %arg14: memref<!tpu.dma_semaphore, #tpu.memory_space<semaphore_mem>>, %arg15: memref<!tpu.dma_semaphore, #tpu.memory_space<semaphore_mem>>, %arg16: memref<!tpu.dma_semaphore, #tpu.memory_space<semaphore_mem>>, %arg17: memref<!tpu.dma_semaphore, #tpu.memory_space<semaphore_mem>>) attributes {dimension_semantics = [#tpu.dimension_semantics<core_parallel>, #tpu.dimension_semantics<subcore_parallel>], iteration_bounds = array<i64: 2, 16>, scalar_prefetch = 0 : i64, scratch_operands = 11 : i64, tpu.core_type = #tpu.core_type<sc_vector_subcore>, window_params = [{transform_indices = #map}, {transform_indices = #map1}, {transform_indices = #map1}, {transform_indices = #map}, {transform_indices = #map1}]} {
    %mul3A = arith.constant 2 : i32
    %mul3A_0 = arith.muli %arg1, %mul3A : i32
    %add3A = arith.addi %mul3A_0, %arg0 : i32
    "tpu.region"() ({
      %run_scoped3A = tpu.sem_alloc : memref<!tpu.dma_semaphore, #tpu.memory_space<semaphore_mem>>
      %dma_start3A_233 = arith.constant 0 : i32
      %dma_start3A_234 = arith.constant 0 : i32
      %dma_start3A_235 = tpu.memref_slice %arg3[%add3A, %dma_start3A_233, %dma_start3A_234] : memref<32x81x128xi32, #tpu.memory_space<hbm>> -> memref<1x81x128xi32, #tpu.memory_space<hbm>>
      %dma_start3A_236 = tpu.memref_squeeze %dma_start3A_235 : memref<1x81x128xi32, #tpu.memory_space<hbm>> -> memref<81x128xi32, #tpu.memory_space<hbm>>
      %dma_start3A_237 = arith.constant 0 : i32
      %dma_start3A_238 = arith.constant 0 : i32
      %dma_start3A_239 = tpu.memref_slice %arg3[%add3A, %dma_start3A_237, %dma_start3A_238] : memref<32x81x128xi32, #tpu.memory_space<hbm>> -> memref<1x81x128xi32, #tpu.memory_space<hbm>>
      %dma_start3A_240 = tpu.memref_squeeze %dma_start3A_239 : memref<1x81x128xi32, #tpu.memory_space<hbm>> -> memref<81x128xi32, #tpu.memory_space<hbm>>
      tpu.enqueue_dma source(%dma_start3A_240 : memref<81x128xi32, #tpu.memory_space<hbm>>) target(%arg7 : memref<81x128xi32, #tpu.memory_space<vmem>>) target_semaphore(%run_scoped3A : memref<!tpu.dma_semaphore, #tpu.memory_space<semaphore_mem>>)
      %dma_wait3A_241 = arith.constant 0 : i32
      %dma_wait3A_242 = arith.constant 0 : i32
      %dma_wait3A_243 = tpu.memref_slice %arg3[%add3A, %dma_wait3A_241, %dma_wait3A_242] : memref<32x81x128xi32, #tpu.memory_space<hbm>> -> memref<1x81x128xi32, #tpu.memory_space<hbm>>
      %dma_wait3A_244 = tpu.memref_squeeze %dma_wait3A_243 : memref<1x81x128xi32, #tpu.memory_space<hbm>> -> memref<81x128xi32, #tpu.memory_space<hbm>>
      %dma_wait3A_245 = arith.constant 0 : i32
      %dma_wait3A_246 = arith.constant 0 : i32
      %dma_wait3A_247 = tpu.memref_slice %arg3[%add3A, %dma_wait3A_245, %dma_wait3A_246] : memref<32x81x128xi32, #tpu.memory_space<hbm>> -> memref<1x81x128xi32, #tpu.memory_space<hbm>>
      %dma_wait3A_248 = tpu.memref_squeeze %dma_wait3A_247 : memref<1x81x128xi32, #tpu.memory_space<hbm>> -> memref<81x128xi32, #tpu.memory_space<hbm>>
      tpu.wait_dma2 semaphore(%run_scoped3A : memref<!tpu.dma_semaphore, #tpu.memory_space<semaphore_mem>>) src(%dma_wait3A_248 : memref<81x128xi32, #tpu.memory_space<hbm>>) dst(%arg7 : memref<81x128xi32, #tpu.memory_space<vmem>>)
      tpu.yield
    }) : () -> ()
    "tpu.region"() ({
      %run_scoped3A = tpu.sem_alloc : memref<!tpu.dma_semaphore, #tpu.memory_space<semaphore_mem>>
      %dma_start3A_233 = arith.constant 0 : i32
      %dma_start3A_234 = arith.constant 0 : i32
      %dma_start3A_235 = tpu.memref_slice %arg4[%add3A, %dma_start3A_233, %dma_start3A_234] : memref<32x81x128xi32, #tpu.memory_space<hbm>> -> memref<1x81x128xi32, #tpu.memory_space<hbm>>
      %dma_start3A_236 = tpu.memref_squeeze %dma_start3A_235 : memref<1x81x128xi32, #tpu.memory_space<hbm>> -> memref<81x128xi32, #tpu.memory_space<hbm>>
      %dma_start3A_237 = arith.constant 0 : i32
      %dma_start3A_238 = arith.constant 0 : i32
      %dma_start3A_239 = tpu.memref_slice %arg4[%add3A, %dma_start3A_237, %dma_start3A_238] : memref<32x81x128xi32, #tpu.memory_space<hbm>> -> memref<1x81x128xi32, #tpu.memory_space<hbm>>
      %dma_start3A_240 = tpu.memref_squeeze %dma_start3A_239 : memref<1x81x128xi32, #tpu.memory_space<hbm>> -> memref<81x128xi32, #tpu.memory_space<hbm>>
      tpu.enqueue_dma source(%dma_start3A_240 : memref<81x128xi32, #tpu.memory_space<hbm>>) target(%arg8 : memref<81x128xi32, #tpu.memory_space<vmem>>) target_semaphore(%run_scoped3A : memref<!tpu.dma_semaphore, #tpu.memory_space<semaphore_mem>>)
      %dma_wait3A_241 = arith.constant 0 : i32
      %dma_wait3A_242 = arith.constant 0 : i32
      %dma_wait3A_243 = tpu.memref_slice %arg4[%add3A, %dma_wait3A_241, %dma_wait3A_242] : memref<32x81x128xi32, #tpu.memory_space<hbm>> -> memref<1x81x128xi32, #tpu.memory_space<hbm>>
      %dma_wait3A_244 = tpu.memref_squeeze %dma_wait3A_243 : memref<1x81x128xi32, #tpu.memory_space<hbm>> -> memref<81x128xi32, #tpu.memory_space<hbm>>
      %dma_wait3A_245 = arith.constant 0 : i32
      %dma_wait3A_246 = arith.constant 0 : i32
      %dma_wait3A_247 = tpu.memref_slice %arg4[%add3A, %dma_wait3A_245, %dma_wait3A_246] : memref<32x81x128xi32, #tpu.memory_space<hbm>> -> memref<1x81x128xi32, #tpu.memory_space<hbm>>
      %dma_wait3A_248 = tpu.memref_squeeze %dma_wait3A_247 : memref<1x81x128xi32, #tpu.memory_space<hbm>> -> memref<81x128xi32, #tpu.memory_space<hbm>>
      tpu.wait_dma2 semaphore(%run_scoped3A : memref<!tpu.dma_semaphore, #tpu.memory_space<semaphore_mem>>) src(%dma_wait3A_248 : memref<81x128xi32, #tpu.memory_space<hbm>>) dst(%arg8 : memref<81x128xi32, #tpu.memory_space<vmem>>)
      tpu.yield
    }) : () -> ()
    "tpu.region"() ({
      %run_scoped3A = tpu.sem_alloc : memref<!tpu.dma_semaphore, #tpu.memory_space<semaphore_mem>>
      tpu.enqueue_dma source(%arg5 : memref<128x64xf32, #tpu.memory_space<hbm>>) target(%arg9 : memref<128x64xf32, #tpu.memory_space<vmem>>) target_semaphore(%run_scoped3A : memref<!tpu.dma_semaphore, #tpu.memory_space<semaphore_mem>>)
      tpu.wait_dma2 semaphore(%run_scoped3A : memref<!tpu.dma_semaphore, #tpu.memory_space<semaphore_mem>>) src(%arg5 : memref<128x64xf32, #tpu.memory_space<hbm>>) dst(%arg9 : memref<128x64xf32, #tpu.memory_space<vmem>>)
      tpu.yield
    }) : () -> ()
    %mul3A_1 = arith.constant 640 : i32
    %mul3A_2 = arith.muli %arg1, %mul3A_1 : i32
    %add3A_3 = arith.constant 0 : i32
    %add3A_4 = arith.addi %mul3A_2, %add3A_3 : i32
    "tpu.region"() ({
      %run_scoped3A = tpu.sem_alloc : memref<!tpu.dma_semaphore, #tpu.memory_space<semaphore_mem>>
      %dma_start3A_233 = arith.constant 0 : i32
      %dma_start3A_234 = tpu.memref_slice %arg12[%add3A_4, %dma_start3A_233] : memref<10240x64xf32, #tpu.memory_space<vmem_shared>> -> memref<128x64xf32, #tpu.memory_space<vmem_shared>>
      %dma_start3A_235 = arith.constant 0 : i32
      %dma_start3A_236 = tpu.memref_slice %arg12[%add3A_4, %dma_start3A_235] : memref<10240x64xf32, #tpu.memory_space<vmem_shared>> -> memref<128x64xf32, #tpu.memory_space<vmem_shared>>
      tpu.enqueue_dma source(%arg9 : memref<128x64xf32, #tpu.memory_space<vmem>>) target(%dma_start3A_236 : memref<128x64xf32, #tpu.memory_space<vmem_shared>>) target_semaphore(%run_scoped3A : memref<!tpu.dma_semaphore, #tpu.memory_space<semaphore_mem>>)
      %dma_wait3A_237 = arith.constant 0 : i32
      %dma_wait3A_238 = tpu.memref_slice %arg12[%add3A_4, %dma_wait3A_237] : memref<10240x64xf32, #tpu.memory_space<vmem_shared>> -> memref<128x64xf32, #tpu.memory_space<vmem_shared>>
      %dma_wait3A_239 = arith.constant 0 : i32
      %dma_wait3A_240 = tpu.memref_slice %arg12[%add3A_4, %dma_wait3A_239] : memref<10240x64xf32, #tpu.memory_space<vmem_shared>> -> memref<128x64xf32, #tpu.memory_space<vmem_shared>>
      tpu.wait_dma2 semaphore(%run_scoped3A : memref<!tpu.dma_semaphore, #tpu.memory_space<semaphore_mem>>) src(%arg9 : memref<128x64xf32, #tpu.memory_space<vmem>>) dst(%dma_wait3A_240 : memref<128x64xf32, #tpu.memory_space<vmem_shared>>)
      tpu.yield
    }) : () -> ()
    %mul3A_5 = arith.constant 640 : i32
    %mul3A_6 = arith.muli %arg1, %mul3A_5 : i32
    %add3A_7 = arith.constant 128 : i32
    %add3A_8 = arith.addi %mul3A_6, %add3A_7 : i32
    "tpu.region"() ({
      %run_scoped3A = tpu.sem_alloc : memref<!tpu.dma_semaphore, #tpu.memory_space<semaphore_mem>>
      %dma_start3A_233 = arith.constant 0 : i32
      %dma_start3A_234 = tpu.memref_slice %arg12[%add3A_8, %dma_start3A_233] : memref<10240x64xf32, #tpu.memory_space<vmem_shared>> -> memref<128x64xf32, #tpu.memory_space<vmem_shared>>
      %dma_start3A_235 = arith.constant 0 : i32
      %dma_start3A_236 = tpu.memref_slice %arg12[%add3A_8, %dma_start3A_235] : memref<10240x64xf32, #tpu.memory_space<vmem_shared>> -> memref<128x64xf32, #tpu.memory_space<vmem_shared>>
      tpu.enqueue_dma source(%arg9 : memref<128x64xf32, #tpu.memory_space<vmem>>) target(%dma_start3A_236 : memref<128x64xf32, #tpu.memory_space<vmem_shared>>) target_semaphore(%run_scoped3A : memref<!tpu.dma_semaphore, #tpu.memory_space<semaphore_mem>>)
      %dma_wait3A_237 = arith.constant 0 : i32
      %dma_wait3A_238 = tpu.memref_slice %arg12[%add3A_8, %dma_wait3A_237] : memref<10240x64xf32, #tpu.memory_space<vmem_shared>> -> memref<128x64xf32, #tpu.memory_space<vmem_shared>>
      %dma_wait3A_239 = arith.constant 0 : i32
      %dma_wait3A_240 = tpu.memref_slice %arg12[%add3A_8, %dma_wait3A_239] : memref<10240x64xf32, #tpu.memory_space<vmem_shared>> -> memref<128x64xf32, #tpu.memory_space<vmem_shared>>
      tpu.wait_dma2 semaphore(%run_scoped3A : memref<!tpu.dma_semaphore, #tpu.memory_space<semaphore_mem>>) src(%arg9 : memref<128x64xf32, #tpu.memory_space<vmem>>) dst(%dma_wait3A_240 : memref<128x64xf32, #tpu.memory_space<vmem_shared>>)
      tpu.yield
    }) : () -> ()
    %mul3A_9 = arith.constant 640 : i32
    %mul3A_10 = arith.muli %arg1, %mul3A_9 : i32
    %add3A_11 = arith.constant 256 : i32
    %add3A_12 = arith.addi %mul3A_10, %add3A_11 : i32
    "tpu.region"() ({
      %run_scoped3A = tpu.sem_alloc : memref<!tpu.dma_semaphore, #tpu.memory_space<semaphore_mem>>
      %dma_start3A_233 = arith.constant 0 : i32
      %dma_start3A_234 = tpu.memref_slice %arg12[%add3A_12, %dma_start3A_233] : memref<10240x64xf32, #tpu.memory_space<vmem_shared>> -> memref<128x64xf32, #tpu.memory_space<vmem_shared>>
      %dma_start3A_235 = arith.constant 0 : i32
      %dma_start3A_236 = tpu.memref_slice %arg12[%add3A_12, %dma_start3A_235] : memref<10240x64xf32, #tpu.memory_space<vmem_shared>> -> memref<128x64xf32, #tpu.memory_space<vmem_shared>>
      tpu.enqueue_dma source(%arg9 : memref<128x64xf32, #tpu.memory_space<vmem>>) target(%dma_start3A_236 : memref<128x64xf32, #tpu.memory_space<vmem_shared>>) target_semaphore(%run_scoped3A : memref<!tpu.dma_semaphore, #tpu.memory_space<semaphore_mem>>)
      %dma_wait3A_237 = arith.constant 0 : i32
      %dma_wait3A_238 = tpu.memref_slice %arg12[%add3A_12, %dma_wait3A_237] : memref<10240x64xf32, #tpu.memory_space<vmem_shared>> -> memref<128x64xf32, #tpu.memory_space<vmem_shared>>
      %dma_wait3A_239 = arith.constant 0 : i32
      %dma_wait3A_240 = tpu.memref_slice %arg12[%add3A_12, %dma_wait3A_239] : memref<10240x64xf32, #tpu.memory_space<vmem_shared>> -> memref<128x64xf32, #tpu.memory_space<vmem_shared>>
      tpu.wait_dma2 semaphore(%run_scoped3A : memref<!tpu.dma_semaphore, #tpu.memory_space<semaphore_mem>>) src(%arg9 : memref<128x64xf32, #tpu.memory_space<vmem>>) dst(%dma_wait3A_240 : memref<128x64xf32, #tpu.memory_space<vmem_shared>>)
      tpu.yield
    }) : () -> ()
    %mul3A_13 = arith.constant 640 : i32
    %mul3A_14 = arith.muli %arg1, %mul3A_13 : i32
    %add3A_15 = arith.constant 384 : i32
    %add3A_16 = arith.addi %mul3A_14, %add3A_15 : i32
    "tpu.region"() ({
      %run_scoped3A = tpu.sem_alloc : memref<!tpu.dma_semaphore, #tpu.memory_space<semaphore_mem>>
      %dma_start3A_233 = arith.constant 0 : i32
      %dma_start3A_234 = tpu.memref_slice %arg12[%add3A_16, %dma_start3A_233] : memref<10240x64xf32, #tpu.memory_space<vmem_shared>> -> memref<128x64xf32, #tpu.memory_space<vmem_shared>>
      %dma_start3A_235 = arith.constant 0 : i32
      %dma_start3A_236 = tpu.memref_slice %arg12[%add3A_16, %dma_start3A_235] : memref<10240x64xf32, #tpu.memory_space<vmem_shared>> -> memref<128x64xf32, #tpu.memory_space<vmem_shared>>
      tpu.enqueue_dma source(%arg9 : memref<128x64xf32, #tpu.memory_space<vmem>>) target(%dma_start3A_236 : memref<128x64xf32, #tpu.memory_space<vmem_shared>>) target_semaphore(%run_scoped3A : memref<!tpu.dma_semaphore, #tpu.memory_space<semaphore_mem>>)
      %dma_wait3A_237 = arith.constant 0 : i32
      %dma_wait3A_238 = tpu.memref_slice %arg12[%add3A_16, %dma_wait3A_237] : memref<10240x64xf32, #tpu.memory_space<vmem_shared>> -> memref<128x64xf32, #tpu.memory_space<vmem_shared>>
      %dma_wait3A_239 = arith.constant 0 : i32
      %dma_wait3A_240 = tpu.memref_slice %arg12[%add3A_16, %dma_wait3A_239] : memref<10240x64xf32, #tpu.memory_space<vmem_shared>> -> memref<128x64xf32, #tpu.memory_space<vmem_shared>>
      tpu.wait_dma2 semaphore(%run_scoped3A : memref<!tpu.dma_semaphore, #tpu.memory_space<semaphore_mem>>) src(%arg9 : memref<128x64xf32, #tpu.memory_space<vmem>>) dst(%dma_wait3A_240 : memref<128x64xf32, #tpu.memory_space<vmem_shared>>)
      tpu.yield
    }) : () -> ()
    %mul3A_17 = arith.constant 640 : i32
    %mul3A_18 = arith.muli %arg1, %mul3A_17 : i32
    %add3A_19 = arith.constant 512 : i32
    %add3A_20 = arith.addi %mul3A_18, %add3A_19 : i32
    "tpu.region"() ({
      %run_scoped3A = tpu.sem_alloc : memref<!tpu.dma_semaphore, #tpu.memory_space<semaphore_mem>>
      %dma_start3A_233 = arith.constant 0 : i32
      %dma_start3A_234 = tpu.memref_slice %arg12[%add3A_20, %dma_start3A_233] : memref<10240x64xf32, #tpu.memory_space<vmem_shared>> -> memref<128x64xf32, #tpu.memory_space<vmem_shared>>
      %dma_start3A_235 = arith.constant 0 : i32
      %dma_start3A_236 = tpu.memref_slice %arg12[%add3A_20, %dma_start3A_235] : memref<10240x64xf32, #tpu.memory_space<vmem_shared>> -> memref<128x64xf32, #tpu.memory_space<vmem_shared>>
      tpu.enqueue_dma source(%arg9 : memref<128x64xf32, #tpu.memory_space<vmem>>) target(%dma_start3A_236 : memref<128x64xf32, #tpu.memory_space<vmem_shared>>) target_semaphore(%run_scoped3A : memref<!tpu.dma_semaphore, #tpu.memory_space<semaphore_mem>>)
      %dma_wait3A_237 = arith.constant 0 : i32
      %dma_wait3A_238 = tpu.memref_slice %arg12[%add3A_20, %dma_wait3A_237] : memref<10240x64xf32, #tpu.memory_space<vmem_shared>> -> memref<128x64xf32, #tpu.memory_space<vmem_shared>>
      %dma_wait3A_239 = arith.constant 0 : i32
      %dma_wait3A_240 = tpu.memref_slice %arg12[%add3A_20, %dma_wait3A_239] : memref<10240x64xf32, #tpu.memory_space<vmem_shared>> -> memref<128x64xf32, #tpu.memory_space<vmem_shared>>
      tpu.wait_dma2 semaphore(%run_scoped3A : memref<!tpu.dma_semaphore, #tpu.memory_space<semaphore_mem>>) src(%arg9 : memref<128x64xf32, #tpu.memory_space<vmem>>) dst(%dma_wait3A_240 : memref<128x64xf32, #tpu.memory_space<vmem_shared>>)
      tpu.yield
    }) : () -> ()
    %mul3A_21 = arith.constant 640 : i32
    %mul3A_22 = arith.muli %arg1, %mul3A_21 : i32
    %add3A_23 = arith.constant 0 : i32
    %add3A_24 = arith.addi %mul3A_22, %add3A_23 : i32
    "tpu.region"() ({
      %run_scoped3A = tpu.sem_alloc : memref<!tpu.dma_semaphore, #tpu.memory_space<semaphore_mem>>
      %dma_start3A_233 = arith.constant 0 : i32
      %dma_start3A_234 = tpu.memref_slice %arg2[%add3A_24, %dma_start3A_233] : memref<10240x64xf32, #tpu.memory_space<hbm>> -> memref<128x64xf32, #tpu.memory_space<hbm>>
      %dma_start3A_235 = arith.constant 0 : i32
      %dma_start3A_236 = tpu.memref_slice %arg2[%add3A_24, %dma_start3A_235] : memref<10240x64xf32, #tpu.memory_space<hbm>> -> memref<128x64xf32, #tpu.memory_space<hbm>>
      tpu.enqueue_dma source(%dma_start3A_236 : memref<128x64xf32, #tpu.memory_space<hbm>>) target(%arg10 : memref<128x64xf32, #tpu.memory_space<vmem>>) target_semaphore(%run_scoped3A : memref<!tpu.dma_semaphore, #tpu.memory_space<semaphore_mem>>)
      %dma_wait3A_237 = arith.constant 0 : i32
      %dma_wait3A_238 = tpu.memref_slice %arg2[%add3A_24, %dma_wait3A_237] : memref<10240x64xf32, #tpu.memory_space<hbm>> -> memref<128x64xf32, #tpu.memory_space<hbm>>
      %dma_wait3A_239 = arith.constant 0 : i32
      %dma_wait3A_240 = tpu.memref_slice %arg2[%add3A_24, %dma_wait3A_239] : memref<10240x64xf32, #tpu.memory_space<hbm>> -> memref<128x64xf32, #tpu.memory_space<hbm>>
      tpu.wait_dma2 semaphore(%run_scoped3A : memref<!tpu.dma_semaphore, #tpu.memory_space<semaphore_mem>>) src(%dma_wait3A_240 : memref<128x64xf32, #tpu.memory_space<hbm>>) dst(%arg10 : memref<128x64xf32, #tpu.memory_space<vmem>>)
      tpu.yield
    }) : () -> ()
    "tpu.region"() ({
      %run_scoped3A = tpu.sem_alloc : memref<!tpu.dma_semaphore, #tpu.memory_space<semaphore_mem>>
      %dma_start3A_233 = arith.constant 0 : i32
      %dma_start3A_234 = tpu.memref_slice %arg13[%add3A_24, %dma_start3A_233] : memref<10240x64xf32, #tpu.memory_space<vmem_shared>> -> memref<128x64xf32, #tpu.memory_space<vmem_shared>>
      %dma_start3A_235 = arith.constant 0 : i32
      %dma_start3A_236 = tpu.memref_slice %arg13[%add3A_24, %dma_start3A_235] : memref<10240x64xf32, #tpu.memory_space<vmem_shared>> -> memref<128x64xf32, #tpu.memory_space<vmem_shared>>
      tpu.enqueue_dma source(%arg10 : memref<128x64xf32, #tpu.memory_space<vmem>>) target(%dma_start3A_236 : memref<128x64xf32, #tpu.memory_space<vmem_shared>>) target_semaphore(%run_scoped3A : memref<!tpu.dma_semaphore, #tpu.memory_space<semaphore_mem>>)
      %dma_wait3A_237 = arith.constant 0 : i32
      %dma_wait3A_238 = tpu.memref_slice %arg13[%add3A_24, %dma_wait3A_237] : memref<10240x64xf32, #tpu.memory_space<vmem_shared>> -> memref<128x64xf32, #tpu.memory_space<vmem_shared>>
      %dma_wait3A_239 = arith.constant 0 : i32
      %dma_wait3A_240 = tpu.memref_slice %arg13[%add3A_24, %dma_wait3A_239] : memref<10240x64xf32, #tpu.memory_space<vmem_shared>> -> memref<128x64xf32, #tpu.memory_space<vmem_shared>>
      tpu.wait_dma2 semaphore(%run_scoped3A : memref<!tpu.dma_semaphore, #tpu.memory_space<semaphore_mem>>) src(%arg10 : memref<128x64xf32, #tpu.memory_space<vmem>>) dst(%dma_wait3A_240 : memref<128x64xf32, #tpu.memory_space<vmem_shared>>)
      tpu.yield
    }) : () -> ()
    %mul3A_25 = arith.constant 640 : i32
    %mul3A_26 = arith.muli %arg1, %mul3A_25 : i32
    %add3A_27 = arith.constant 128 : i32
    %add3A_28 = arith.addi %mul3A_26, %add3A_27 : i32
    "tpu.region"() ({
      %run_scoped3A = tpu.sem_alloc : memref<!tpu.dma_semaphore, #tpu.memory_space<semaphore_mem>>
      %dma_start3A_233 = arith.constant 0 : i32
      %dma_start3A_234 = tpu.memref_slice %arg2[%add3A_28, %dma_start3A_233] : memref<10240x64xf32, #tpu.memory_space<hbm>> -> memref<128x64xf32, #tpu.memory_space<hbm>>
      %dma_start3A_235 = arith.constant 0 : i32
      %dma_start3A_236 = tpu.memref_slice %arg2[%add3A_28, %dma_start3A_235] : memref<10240x64xf32, #tpu.memory_space<hbm>> -> memref<128x64xf32, #tpu.memory_space<hbm>>
      tpu.enqueue_dma source(%dma_start3A_236 : memref<128x64xf32, #tpu.memory_space<hbm>>) target(%arg10 : memref<128x64xf32, #tpu.memory_space<vmem>>) target_semaphore(%run_scoped3A : memref<!tpu.dma_semaphore, #tpu.memory_space<semaphore_mem>>)
      %dma_wait3A_237 = arith.constant 0 : i32
      %dma_wait3A_238 = tpu.memref_slice %arg2[%add3A_28, %dma_wait3A_237] : memref<10240x64xf32, #tpu.memory_space<hbm>> -> memref<128x64xf32, #tpu.memory_space<hbm>>
      %dma_wait3A_239 = arith.constant 0 : i32
      %dma_wait3A_240 = tpu.memref_slice %arg2[%add3A_28, %dma_wait3A_239] : memref<10240x64xf32, #tpu.memory_space<hbm>> -> memref<128x64xf32, #tpu.memory_space<hbm>>
      tpu.wait_dma2 semaphore(%run_scoped3A : memref<!tpu.dma_semaphore, #tpu.memory_space<semaphore_mem>>) src(%dma_wait3A_240 : memref<128x64xf32, #tpu.memory_space<hbm>>) dst(%arg10 : memref<128x64xf32, #tpu.memory_space<vmem>>)
      tpu.yield
    }) : () -> ()
    "tpu.region"() ({
      %run_scoped3A = tpu.sem_alloc : memref<!tpu.dma_semaphore, #tpu.memory_space<semaphore_mem>>
      %dma_start3A_233 = arith.constant 0 : i32
      %dma_start3A_234 = tpu.memref_slice %arg13[%add3A_28, %dma_start3A_233] : memref<10240x64xf32, #tpu.memory_space<vmem_shared>> -> memref<128x64xf32, #tpu.memory_space<vmem_shared>>
      %dma_start3A_235 = arith.constant 0 : i32
      %dma_start3A_236 = tpu.memref_slice %arg13[%add3A_28, %dma_start3A_235] : memref<10240x64xf32, #tpu.memory_space<vmem_shared>> -> memref<128x64xf32, #tpu.memory_space<vmem_shared>>
      tpu.enqueue_dma source(%arg10 : memref<128x64xf32, #tpu.memory_space<vmem>>) target(%dma_start3A_236 : memref<128x64xf32, #tpu.memory_space<vmem_shared>>) target_semaphore(%run_scoped3A : memref<!tpu.dma_semaphore, #tpu.memory_space<semaphore_mem>>)
      %dma_wait3A_237 = arith.constant 0 : i32
      %dma_wait3A_238 = tpu.memref_slice %arg13[%add3A_28, %dma_wait3A_237] : memref<10240x64xf32, #tpu.memory_space<vmem_shared>> -> memref<128x64xf32, #tpu.memory_space<vmem_shared>>
      %dma_wait3A_239 = arith.constant 0 : i32
      %dma_wait3A_240 = tpu.memref_slice %arg13[%add3A_28, %dma_wait3A_239] : memref<10240x64xf32, #tpu.memory_space<vmem_shared>> -> memref<128x64xf32, #tpu.memory_space<vmem_shared>>
      tpu.wait_dma2 semaphore(%run_scoped3A : memref<!tpu.dma_semaphore, #tpu.memory_space<semaphore_mem>>) src(%arg10 : memref<128x64xf32, #tpu.memory_space<vmem>>) dst(%dma_wait3A_240 : memref<128x64xf32, #tpu.memory_space<vmem_shared>>)
      tpu.yield
    }) : () -> ()
    %mul3A_29 = arith.constant 640 : i32
    %mul3A_30 = arith.muli %arg1, %mul3A_29 : i32
    %add3A_31 = arith.constant 256 : i32
    %add3A_32 = arith.addi %mul3A_30, %add3A_31 : i32
    "tpu.region"() ({
      %run_scoped3A = tpu.sem_alloc : memref<!tpu.dma_semaphore, #tpu.memory_space<semaphore_mem>>
      %dma_start3A_233 = arith.constant 0 : i32
      %dma_start3A_234 = tpu.memref_slice %arg2[%add3A_32, %dma_start3A_233] : memref<10240x64xf32, #tpu.memory_space<hbm>> -> memref<128x64xf32, #tpu.memory_space<hbm>>
      %dma_start3A_235 = arith.constant 0 : i32
      %dma_start3A_236 = tpu.memref_slice %arg2[%add3A_32, %dma_start3A_235] : memref<10240x64xf32, #tpu.memory_space<hbm>> -> memref<128x64xf32, #tpu.memory_space<hbm>>
      tpu.enqueue_dma source(%dma_start3A_236 : memref<128x64xf32, #tpu.memory_space<hbm>>) target(%arg10 : memref<128x64xf32, #tpu.memory_space<vmem>>) target_semaphore(%run_scoped3A : memref<!tpu.dma_semaphore, #tpu.memory_space<semaphore_mem>>)
      %dma_wait3A_237 = arith.constant 0 : i32
      %dma_wait3A_238 = tpu.memref_slice %arg2[%add3A_32, %dma_wait3A_237] : memref<10240x64xf32, #tpu.memory_space<hbm>> -> memref<128x64xf32, #tpu.memory_space<hbm>>
      %dma_wait3A_239 = arith.constant 0 : i32
      %dma_wait3A_240 = tpu.memref_slice %arg2[%add3A_32, %dma_wait3A_239] : memref<10240x64xf32, #tpu.memory_space<hbm>> -> memref<128x64xf32, #tpu.memory_space<hbm>>
      tpu.wait_dma2 semaphore(%run_scoped3A : memref<!tpu.dma_semaphore, #tpu.memory_space<semaphore_mem>>) src(%dma_wait3A_240 : memref<128x64xf32, #tpu.memory_space<hbm>>) dst(%arg10 : memref<128x64xf32, #tpu.memory_space<vmem>>)
      tpu.yield
    }) : () -> ()
    "tpu.region"() ({
      %run_scoped3A = tpu.sem_alloc : memref<!tpu.dma_semaphore, #tpu.memory_space<semaphore_mem>>
      %dma_start3A_233 = arith.constant 0 : i32
      %dma_start3A_234 = tpu.memref_slice %arg13[%add3A_32, %dma_start3A_233] : memref<10240x64xf32, #tpu.memory_space<vmem_shared>> -> memref<128x64xf32, #tpu.memory_space<vmem_shared>>
      %dma_start3A_235 = arith.constant 0 : i32
      %dma_start3A_236 = tpu.memref_slice %arg13[%add3A_32, %dma_start3A_235] : memref<10240x64xf32, #tpu.memory_space<vmem_shared>> -> memref<128x64xf32, #tpu.memory_space<vmem_shared>>
      tpu.enqueue_dma source(%arg10 : memref<128x64xf32, #tpu.memory_space<vmem>>) target(%dma_start3A_236 : memref<128x64xf32, #tpu.memory_space<vmem_shared>>) target_semaphore(%run_scoped3A : memref<!tpu.dma_semaphore, #tpu.memory_space<semaphore_mem>>)
      %dma_wait3A_237 = arith.constant 0 : i32
      %dma_wait3A_238 = tpu.memref_slice %arg13[%add3A_32, %dma_wait3A_237] : memref<10240x64xf32, #tpu.memory_space<vmem_shared>> -> memref<128x64xf32, #tpu.memory_space<vmem_shared>>
      %dma_wait3A_239 = arith.constant 0 : i32
      %dma_wait3A_240 = tpu.memref_slice %arg13[%add3A_32, %dma_wait3A_239] : memref<10240x64xf32, #tpu.memory_space<vmem_shared>> -> memref<128x64xf32, #tpu.memory_space<vmem_shared>>
      tpu.wait_dma2 semaphore(%run_scoped3A : memref<!tpu.dma_semaphore, #tpu.memory_space<semaphore_mem>>) src(%arg10 : memref<128x64xf32, #tpu.memory_space<vmem>>) dst(%dma_wait3A_240 : memref<128x64xf32, #tpu.memory_space<vmem_shared>>)
      tpu.yield
    }) : () -> ()
    %mul3A_33 = arith.constant 640 : i32
    %mul3A_34 = arith.muli %arg1, %mul3A_33 : i32
    %add3A_35 = arith.constant 384 : i32
    %add3A_36 = arith.addi %mul3A_34, %add3A_35 : i32
    "tpu.region"() ({
      %run_scoped3A = tpu.sem_alloc : memref<!tpu.dma_semaphore, #tpu.memory_space<semaphore_mem>>
      %dma_start3A_233 = arith.constant 0 : i32
      %dma_start3A_234 = tpu.memref_slice %arg2[%add3A_36, %dma_start3A_233] : memref<10240x64xf32, #tpu.memory_space<hbm>> -> memref<128x64xf32, #tpu.memory_space<hbm>>
      %dma_start3A_235 = arith.constant 0 : i32
      %dma_start3A_236 = tpu.memref_slice %arg2[%add3A_36, %dma_start3A_235] : memref<10240x64xf32, #tpu.memory_space<hbm>> -> memref<128x64xf32, #tpu.memory_space<hbm>>
      tpu.enqueue_dma source(%dma_start3A_236 : memref<128x64xf32, #tpu.memory_space<hbm>>) target(%arg10 : memref<128x64xf32, #tpu.memory_space<vmem>>) target_semaphore(%run_scoped3A : memref<!tpu.dma_semaphore, #tpu.memory_space<semaphore_mem>>)
      %dma_wait3A_237 = arith.constant 0 : i32
      %dma_wait3A_238 = tpu.memref_slice %arg2[%add3A_36, %dma_wait3A_237] : memref<10240x64xf32, #tpu.memory_space<hbm>> -> memref<128x64xf32, #tpu.memory_space<hbm>>
      %dma_wait3A_239 = arith.constant 0 : i32
      %dma_wait3A_240 = tpu.memref_slice %arg2[%add3A_36, %dma_wait3A_239] : memref<10240x64xf32, #tpu.memory_space<hbm>> -> memref<128x64xf32, #tpu.memory_space<hbm>>
      tpu.wait_dma2 semaphore(%run_scoped3A : memref<!tpu.dma_semaphore, #tpu.memory_space<semaphore_mem>>) src(%dma_wait3A_240 : memref<128x64xf32, #tpu.memory_space<hbm>>) dst(%arg10 : memref<128x64xf32, #tpu.memory_space<vmem>>)
      tpu.yield
    }) : () -> ()
    "tpu.region"() ({
      %run_scoped3A = tpu.sem_alloc : memref<!tpu.dma_semaphore, #tpu.memory_space<semaphore_mem>>
      %dma_start3A_233 = arith.constant 0 : i32
      %dma_start3A_234 = tpu.memref_slice %arg13[%add3A_36, %dma_start3A_233] : memref<10240x64xf32, #tpu.memory_space<vmem_shared>> -> memref<128x64xf32, #tpu.memory_space<vmem_shared>>
      %dma_start3A_235 = arith.constant 0 : i32
      %dma_start3A_236 = tpu.memref_slice %arg13[%add3A_36, %dma_start3A_235] : memref<10240x64xf32, #tpu.memory_space<vmem_shared>> -> memref<128x64xf32, #tpu.memory_space<vmem_shared>>
      tpu.enqueue_dma source(%arg10 : memref<128x64xf32, #tpu.memory_space<vmem>>) target(%dma_start3A_236 : memref<128x64xf32, #tpu.memory_space<vmem_shared>>) target_semaphore(%run_scoped3A : memref<!tpu.dma_semaphore, #tpu.memory_space<semaphore_mem>>)
      %dma_wait3A_237 = arith.constant 0 : i32
      %dma_wait3A_238 = tpu.memref_slice %arg13[%add3A_36, %dma_wait3A_237] : memref<10240x64xf32, #tpu.memory_space<vmem_shared>> -> memref<128x64xf32, #tpu.memory_space<vmem_shared>>
      %dma_wait3A_239 = arith.constant 0 : i32
      %dma_wait3A_240 = tpu.memref_slice %arg13[%add3A_36, %dma_wait3A_239] : memref<10240x64xf32, #tpu.memory_space<vmem_shared>> -> memref<128x64xf32, #tpu.memory_space<vmem_shared>>
      tpu.wait_dma2 semaphore(%run_scoped3A : memref<!tpu.dma_semaphore, #tpu.memory_space<semaphore_mem>>) src(%arg10 : memref<128x64xf32, #tpu.memory_space<vmem>>) dst(%dma_wait3A_240 : memref<128x64xf32, #tpu.memory_space<vmem_shared>>)
      tpu.yield
    }) : () -> ()
    %mul3A_37 = arith.constant 640 : i32
    %mul3A_38 = arith.muli %arg1, %mul3A_37 : i32
    %add3A_39 = arith.constant 512 : i32
    %add3A_40 = arith.addi %mul3A_38, %add3A_39 : i32
    "tpu.region"() ({
      %run_scoped3A = tpu.sem_alloc : memref<!tpu.dma_semaphore, #tpu.memory_space<semaphore_mem>>
      %dma_start3A_233 = arith.constant 0 : i32
      %dma_start3A_234 = tpu.memref_slice %arg2[%add3A_40, %dma_start3A_233] : memref<10240x64xf32, #tpu.memory_space<hbm>> -> memref<128x64xf32, #tpu.memory_space<hbm>>
      %dma_start3A_235 = arith.constant 0 : i32
      %dma_start3A_236 = tpu.memref_slice %arg2[%add3A_40, %dma_start3A_235] : memref<10240x64xf32, #tpu.memory_space<hbm>> -> memref<128x64xf32, #tpu.memory_space<hbm>>
      tpu.enqueue_dma source(%dma_start3A_236 : memref<128x64xf32, #tpu.memory_space<hbm>>) target(%arg10 : memref<128x64xf32, #tpu.memory_space<vmem>>) target_semaphore(%run_scoped3A : memref<!tpu.dma_semaphore, #tpu.memory_space<semaphore_mem>>)
      %dma_wait3A_237 = arith.constant 0 : i32
      %dma_wait3A_238 = tpu.memref_slice %arg2[%add3A_40, %dma_wait3A_237] : memref<10240x64xf32, #tpu.memory_space<hbm>> -> memref<128x64xf32, #tpu.memory_space<hbm>>
      %dma_wait3A_239 = arith.constant 0 : i32
      %dma_wait3A_240 = tpu.memref_slice %arg2[%add3A_40, %dma_wait3A_239] : memref<10240x64xf32, #tpu.memory_space<hbm>> -> memref<128x64xf32, #tpu.memory_space<hbm>>
      tpu.wait_dma2 semaphore(%run_scoped3A : memref<!tpu.dma_semaphore, #tpu.memory_space<semaphore_mem>>) src(%dma_wait3A_240 : memref<128x64xf32, #tpu.memory_space<hbm>>) dst(%arg10 : memref<128x64xf32, #tpu.memory_space<vmem>>)
      tpu.yield
    }) : () -> ()
    "tpu.region"() ({
      %run_scoped3A = tpu.sem_alloc : memref<!tpu.dma_semaphore, #tpu.memory_space<semaphore_mem>>
      %dma_start3A_233 = arith.constant 0 : i32
      %dma_start3A_234 = tpu.memref_slice %arg13[%add3A_40, %dma_start3A_233] : memref<10240x64xf32, #tpu.memory_space<vmem_shared>> -> memref<128x64xf32, #tpu.memory_space<vmem_shared>>
      %dma_start3A_235 = arith.constant 0 : i32
      %dma_start3A_236 = tpu.memref_slice %arg13[%add3A_40, %dma_start3A_235] : memref<10240x64xf32, #tpu.memory_space<vmem_shared>> -> memref<128x64xf32, #tpu.memory_space<vmem_shared>>
      tpu.enqueue_dma source(%arg10 : memref<128x64xf32, #tpu.memory_space<vmem>>) target(%dma_start3A_236 : memref<128x64xf32, #tpu.memory_space<vmem_shared>>) target_semaphore(%run_scoped3A : memref<!tpu.dma_semaphore, #tpu.memory_space<semaphore_mem>>)
      %dma_wait3A_237 = arith.constant 0 : i32
      %dma_wait3A_238 = tpu.memref_slice %arg13[%add3A_40, %dma_wait3A_237] : memref<10240x64xf32, #tpu.memory_space<vmem_shared>> -> memref<128x64xf32, #tpu.memory_space<vmem_shared>>
      %dma_wait3A_239 = arith.constant 0 : i32
      %dma_wait3A_240 = tpu.memref_slice %arg13[%add3A_40, %dma_wait3A_239] : memref<10240x64xf32, #tpu.memory_space<vmem_shared>> -> memref<128x64xf32, #tpu.memory_space<vmem_shared>>
      tpu.wait_dma2 semaphore(%run_scoped3A : memref<!tpu.dma_semaphore, #tpu.memory_space<semaphore_mem>>) src(%arg10 : memref<128x64xf32, #tpu.memory_space<vmem>>) dst(%dma_wait3A_240 : memref<128x64xf32, #tpu.memory_space<vmem_shared>>)
      tpu.yield
    }) : () -> ()
    %barrier3A = arith.constant 0 : index
    tpu.barrier barrier_id(%barrier3A)
    %dma_start3A = arith.constant 0 : i32
    %dma_start3A_41 = arith.constant 0 : i32
    %dma_start3A_42 = tpu.memref_slice %arg7[%dma_start3A, %dma_start3A_41] : memref<81x128xi32, #tpu.memory_space<vmem>> -> memref<1x128xi32, #tpu.memory_space<vmem>>
    %dma_start3A_43 = tpu.memref_squeeze %dma_start3A_42 : memref<1x128xi32, #tpu.memory_space<vmem>> -> memref<128xi32, #tpu.memory_space<vmem>>
    %dma_start3A_44 = arith.constant 0 : i32
    %dma_start3A_45 = arith.constant 0 : i32
    %dma_start3A_46 = tpu.memref_slice %arg13[%dma_start3A_44, %dma_start3A_45] : memref<10240x64xf32, #tpu.memory_space<vmem_shared>> -> memref<10240x64xf32, #tpu.memory_space<vmem_shared>>
    tpu.enqueue_indirect_dma source(%dma_start3A_46 : memref<10240x64xf32, #tpu.memory_space<vmem_shared>>) target(%arg9 : memref<128x64xf32, #tpu.memory_space<vmem>>) offsets(%dma_start3A_43 : memref<128xi32, #tpu.memory_space<vmem>>) semaphore(%arg14 : memref<!tpu.dma_semaphore, #tpu.memory_space<semaphore_mem>>)
    %dma_start3A_47 = arith.constant 1 : i32
    %dma_start3A_48 = arith.constant 0 : i32
    %dma_start3A_49 = tpu.memref_slice %arg7[%dma_start3A_47, %dma_start3A_48] : memref<81x128xi32, #tpu.memory_space<vmem>> -> memref<1x128xi32, #tpu.memory_space<vmem>>
    %dma_start3A_50 = tpu.memref_squeeze %dma_start3A_49 : memref<1x128xi32, #tpu.memory_space<vmem>> -> memref<128xi32, #tpu.memory_space<vmem>>
    %dma_start3A_51 = arith.constant 0 : i32
    %dma_start3A_52 = arith.constant 0 : i32
    %dma_start3A_53 = tpu.memref_slice %arg13[%dma_start3A_51, %dma_start3A_52] : memref<10240x64xf32, #tpu.memory_space<vmem_shared>> -> memref<10240x64xf32, #tpu.memory_space<vmem_shared>>
    tpu.enqueue_indirect_dma source(%dma_start3A_53 : memref<10240x64xf32, #tpu.memory_space<vmem_shared>>) target(%arg10 : memref<128x64xf32, #tpu.memory_space<vmem>>) offsets(%dma_start3A_50 : memref<128xi32, #tpu.memory_space<vmem>>) semaphore(%arg15 : memref<!tpu.dma_semaphore, #tpu.memory_space<semaphore_mem>>)
    %dma_wait3A = arith.constant 0 : i32
    %dma_wait3A_54 = arith.constant 0 : i32
    %dma_wait3A_55 = tpu.memref_slice %arg7[%dma_wait3A, %dma_wait3A_54] : memref<81x128xi32, #tpu.memory_space<vmem>> -> memref<1x128xi32, #tpu.memory_space<vmem>>
    %dma_wait3A_56 = tpu.memref_squeeze %dma_wait3A_55 : memref<1x128xi32, #tpu.memory_space<vmem>> -> memref<128xi32, #tpu.memory_space<vmem>>
    %dma_wait3A_57 = arith.constant 0 : i32
    %dma_wait3A_58 = arith.constant 0 : i32
    %dma_wait3A_59 = tpu.memref_slice %arg13[%dma_wait3A_57, %dma_wait3A_58] : memref<10240x64xf32, #tpu.memory_space<vmem_shared>> -> memref<10240x64xf32, #tpu.memory_space<vmem_shared>>
    tpu.wait_indirect_dma semaphore(%arg14 : memref<!tpu.dma_semaphore, #tpu.memory_space<semaphore_mem>>) src(%dma_wait3A_59 : memref<10240x64xf32, #tpu.memory_space<vmem_shared>>) dst(%arg9 : memref<128x64xf32, #tpu.memory_space<vmem>>)
    %dma_start3A_60 = arith.constant 0 : i32
    %dma_start3A_61 = arith.constant 0 : i32
    %dma_start3A_62 = tpu.memref_slice %arg8[%dma_start3A_60, %dma_start3A_61] : memref<81x128xi32, #tpu.memory_space<vmem>> -> memref<1x128xi32, #tpu.memory_space<vmem>>
    %dma_start3A_63 = tpu.memref_squeeze %dma_start3A_62 : memref<1x128xi32, #tpu.memory_space<vmem>> -> memref<128xi32, #tpu.memory_space<vmem>>
    %dma_start3A_64 = arith.constant 0 : i32
    %dma_start3A_65 = arith.constant 0 : i32
    %dma_start3A_66 = tpu.memref_slice %arg12[%dma_start3A_64, %dma_start3A_65] : memref<10240x64xf32, #tpu.memory_space<vmem_shared>> -> memref<10240x64xf32, #tpu.memory_space<vmem_shared>>
    tpu.enqueue_indirect_dma source(%arg9 : memref<128x64xf32, #tpu.memory_space<vmem>>) target(%dma_start3A_66 : memref<10240x64xf32, #tpu.memory_space<vmem_shared>>) offsets(%dma_start3A_63 : memref<128xi32, #tpu.memory_space<vmem>>) semaphore(%arg17 : memref<!tpu.dma_semaphore, #tpu.memory_space<semaphore_mem>>) {add = true}
    %dma_start3A_67 = arith.constant 2 : i32
    %dma_start3A_68 = arith.constant 0 : i32
    %dma_start3A_69 = tpu.memref_slice %arg7[%dma_start3A_67, %dma_start3A_68] : memref<81x128xi32, #tpu.memory_space<vmem>> -> memref<1x128xi32, #tpu.memory_space<vmem>>
    %dma_start3A_70 = tpu.memref_squeeze %dma_start3A_69 : memref<1x128xi32, #tpu.memory_space<vmem>> -> memref<128xi32, #tpu.memory_space<vmem>>
    %dma_start3A_71 = arith.constant 0 : i32
    %dma_start3A_72 = arith.constant 0 : i32
    %dma_start3A_73 = tpu.memref_slice %arg13[%dma_start3A_71, %dma_start3A_72] : memref<10240x64xf32, #tpu.memory_space<vmem_shared>> -> memref<10240x64xf32, #tpu.memory_space<vmem_shared>>
    tpu.enqueue_indirect_dma source(%dma_start3A_73 : memref<10240x64xf32, #tpu.memory_space<vmem_shared>>) target(%arg11 : memref<128x64xf32, #tpu.memory_space<vmem>>) offsets(%dma_start3A_70 : memref<128xi32, #tpu.memory_space<vmem>>) semaphore(%arg16 : memref<!tpu.dma_semaphore, #tpu.memory_space<semaphore_mem>>)
    %dma_wait3A_74 = arith.constant 1 : i32
    %dma_wait3A_75 = arith.constant 0 : i32
    %dma_wait3A_76 = tpu.memref_slice %arg7[%dma_wait3A_74, %dma_wait3A_75] : memref<81x128xi32, #tpu.memory_space<vmem>> -> memref<1x128xi32, #tpu.memory_space<vmem>>
    %dma_wait3A_77 = tpu.memref_squeeze %dma_wait3A_76 : memref<1x128xi32, #tpu.memory_space<vmem>> -> memref<128xi32, #tpu.memory_space<vmem>>
    %dma_wait3A_78 = arith.constant 0 : i32
    %dma_wait3A_79 = arith.constant 0 : i32
    %dma_wait3A_80 = tpu.memref_slice %arg13[%dma_wait3A_78, %dma_wait3A_79] : memref<10240x64xf32, #tpu.memory_space<vmem_shared>> -> memref<10240x64xf32, #tpu.memory_space<vmem_shared>>
    tpu.wait_indirect_dma semaphore(%arg15 : memref<!tpu.dma_semaphore, #tpu.memory_space<semaphore_mem>>) src(%dma_wait3A_80 : memref<10240x64xf32, #tpu.memory_space<vmem_shared>>) dst(%arg10 : memref<128x64xf32, #tpu.memory_space<vmem>>)
    %dma_wait3A_81 = arith.constant 0 : i32
    %dma_wait3A_82 = arith.constant 0 : i32
    %dma_wait3A_83 = tpu.memref_slice %arg8[%dma_wait3A_81, %dma_wait3A_82] : memref<81x128xi32, #tpu.memory_space<vmem>> -> memref<1x128xi32, #tpu.memory_space<vmem>>
    %dma_wait3A_84 = tpu.memref_squeeze %dma_wait3A_83 : memref<1x128xi32, #tpu.memory_space<vmem>> -> memref<128xi32, #tpu.memory_space<vmem>>
    %dma_wait3A_85 = arith.constant 0 : i32
    %dma_wait3A_86 = arith.constant 0 : i32
    %dma_wait3A_87 = tpu.memref_slice %arg12[%dma_wait3A_85, %dma_wait3A_86] : memref<10240x64xf32, #tpu.memory_space<vmem_shared>> -> memref<10240x64xf32, #tpu.memory_space<vmem_shared>>
    tpu.wait_indirect_dma semaphore(%arg17 : memref<!tpu.dma_semaphore, #tpu.memory_space<semaphore_mem>>) src(%arg9 : memref<128x64xf32, #tpu.memory_space<vmem>>) dst(%dma_wait3A_87 : memref<10240x64xf32, #tpu.memory_space<vmem_shared>>)
    %dma_start3A_88 = arith.constant 1 : i32
    %dma_start3A_89 = arith.constant 0 : i32
    %dma_start3A_90 = tpu.memref_slice %arg8[%dma_start3A_88, %dma_start3A_89] : memref<81x128xi32, #tpu.memory_space<vmem>> -> memref<1x128xi32, #tpu.memory_space<vmem>>
    %dma_start3A_91 = tpu.memref_squeeze %dma_start3A_90 : memref<1x128xi32, #tpu.memory_space<vmem>> -> memref<128xi32, #tpu.memory_space<vmem>>
    %dma_start3A_92 = arith.constant 0 : i32
    %dma_start3A_93 = arith.constant 0 : i32
    %dma_start3A_94 = tpu.memref_slice %arg12[%dma_start3A_92, %dma_start3A_93] : memref<10240x64xf32, #tpu.memory_space<vmem_shared>> -> memref<10240x64xf32, #tpu.memory_space<vmem_shared>>
    tpu.enqueue_indirect_dma source(%arg10 : memref<128x64xf32, #tpu.memory_space<vmem>>) target(%dma_start3A_94 : memref<10240x64xf32, #tpu.memory_space<vmem_shared>>) offsets(%dma_start3A_91 : memref<128xi32, #tpu.memory_space<vmem>>) semaphore(%arg17 : memref<!tpu.dma_semaphore, #tpu.memory_space<semaphore_mem>>) {add = true}
    %dma_start3A_95 = arith.constant 3 : i32
    %dma_start3A_96 = arith.constant 0 : i32
    %dma_start3A_97 = tpu.memref_slice %arg7[%dma_start3A_95, %dma_start3A_96] : memref<81x128xi32, #tpu.memory_space<vmem>> -> memref<1x128xi32, #tpu.memory_space<vmem>>
    %dma_start3A_98 = tpu.memref_squeeze %dma_start3A_97 : memref<1x128xi32, #tpu.memory_space<vmem>> -> memref<128xi32, #tpu.memory_space<vmem>>
    %dma_start3A_99 = arith.constant 0 : i32
    %dma_start3A_100 = arith.constant 0 : i32
    %dma_start3A_101 = tpu.memref_slice %arg13[%dma_start3A_99, %dma_start3A_100] : memref<10240x64xf32, #tpu.memory_space<vmem_shared>> -> memref<10240x64xf32, #tpu.memory_space<vmem_shared>>
    tpu.enqueue_indirect_dma source(%dma_start3A_101 : memref<10240x64xf32, #tpu.memory_space<vmem_shared>>) target(%arg9 : memref<128x64xf32, #tpu.memory_space<vmem>>) offsets(%dma_start3A_98 : memref<128xi32, #tpu.memory_space<vmem>>) semaphore(%arg14 : memref<!tpu.dma_semaphore, #tpu.memory_space<semaphore_mem>>)
    %dma_wait3A_102 = arith.constant 2 : i32
    %dma_wait3A_103 = arith.constant 0 : i32
    %dma_wait3A_104 = tpu.memref_slice %arg7[%dma_wait3A_102, %dma_wait3A_103] : memref<81x128xi32, #tpu.memory_space<vmem>> -> memref<1x128xi32, #tpu.memory_space<vmem>>
    %dma_wait3A_105 = tpu.memref_squeeze %dma_wait3A_104 : memref<1x128xi32, #tpu.memory_space<vmem>> -> memref<128xi32, #tpu.memory_space<vmem>>
    %dma_wait3A_106 = arith.constant 0 : i32
    %dma_wait3A_107 = arith.constant 0 : i32
    %dma_wait3A_108 = tpu.memref_slice %arg13[%dma_wait3A_106, %dma_wait3A_107] : memref<10240x64xf32, #tpu.memory_space<vmem_shared>> -> memref<10240x64xf32, #tpu.memory_space<vmem_shared>>
    tpu.wait_indirect_dma semaphore(%arg16 : memref<!tpu.dma_semaphore, #tpu.memory_space<semaphore_mem>>) src(%dma_wait3A_108 : memref<10240x64xf32, #tpu.memory_space<vmem_shared>>) dst(%arg11 : memref<128x64xf32, #tpu.memory_space<vmem>>)
    %dma_wait3A_109 = arith.constant 1 : i32
    %dma_wait3A_110 = arith.constant 0 : i32
    %dma_wait3A_111 = tpu.memref_slice %arg8[%dma_wait3A_109, %dma_wait3A_110] : memref<81x128xi32, #tpu.memory_space<vmem>> -> memref<1x128xi32, #tpu.memory_space<vmem>>
    %dma_wait3A_112 = tpu.memref_squeeze %dma_wait3A_111 : memref<1x128xi32, #tpu.memory_space<vmem>> -> memref<128xi32, #tpu.memory_space<vmem>>
    %dma_wait3A_113 = arith.constant 0 : i32
    %dma_wait3A_114 = arith.constant 0 : i32
    %dma_wait3A_115 = tpu.memref_slice %arg12[%dma_wait3A_113, %dma_wait3A_114] : memref<10240x64xf32, #tpu.memory_space<vmem_shared>> -> memref<10240x64xf32, #tpu.memory_space<vmem_shared>>
    tpu.wait_indirect_dma semaphore(%arg17 : memref<!tpu.dma_semaphore, #tpu.memory_space<semaphore_mem>>) src(%arg10 : memref<128x64xf32, #tpu.memory_space<vmem>>) dst(%dma_wait3A_115 : memref<10240x64xf32, #tpu.memory_space<vmem_shared>>)
    %dma_start3A_116 = arith.constant 2 : i32
    %dma_start3A_117 = arith.constant 0 : i32
    %dma_start3A_118 = tpu.memref_slice %arg8[%dma_start3A_116, %dma_start3A_117] : memref<81x128xi32, #tpu.memory_space<vmem>> -> memref<1x128xi32, #tpu.memory_space<vmem>>
    %dma_start3A_119 = tpu.memref_squeeze %dma_start3A_118 : memref<1x128xi32, #tpu.memory_space<vmem>> -> memref<128xi32, #tpu.memory_space<vmem>>
    %dma_start3A_120 = arith.constant 0 : i32
    %dma_start3A_121 = arith.constant 0 : i32
    %dma_start3A_122 = tpu.memref_slice %arg12[%dma_start3A_120, %dma_start3A_121] : memref<10240x64xf32, #tpu.memory_space<vmem_shared>> -> memref<10240x64xf32, #tpu.memory_space<vmem_shared>>
    tpu.enqueue_indirect_dma source(%arg11 : memref<128x64xf32, #tpu.memory_space<vmem>>) target(%dma_start3A_122 : memref<10240x64xf32, #tpu.memory_space<vmem_shared>>) offsets(%dma_start3A_119 : memref<128xi32, #tpu.memory_space<vmem>>) semaphore(%arg17 : memref<!tpu.dma_semaphore, #tpu.memory_space<semaphore_mem>>) {add = true}
    %dma_start3A_123 = arith.constant 4 : i32
    %dma_start3A_124 = arith.constant 0 : i32
    %dma_start3A_125 = tpu.memref_slice %arg7[%dma_start3A_123, %dma_start3A_124] : memref<81x128xi32, #tpu.memory_space<vmem>> -> memref<1x128xi32, #tpu.memory_space<vmem>>
    %dma_start3A_126 = tpu.memref_squeeze %dma_start3A_125 : memref<1x128xi32, #tpu.memory_space<vmem>> -> memref<128xi32, #tpu.memory_space<vmem>>
    %dma_start3A_127 = arith.constant 0 : i32
    %dma_start3A_128 = arith.constant 0 : i32
    %dma_start3A_129 = tpu.memref_slice %arg13[%dma_start3A_127, %dma_start3A_128] : memref<10240x64xf32, #tpu.memory_space<vmem_shared>> -> memref<10240x64xf32, #tpu.memory_space<vmem_shared>>
    tpu.enqueue_indirect_dma source(%dma_start3A_129 : memref<10240x64xf32, #tpu.memory_space<vmem_shared>>) target(%arg10 : memref<128x64xf32, #tpu.memory_space<vmem>>) offsets(%dma_start3A_126 : memref<128xi32, #tpu.memory_space<vmem>>) semaphore(%arg15 : memref<!tpu.dma_semaphore, #tpu.memory_space<semaphore_mem>>)
    %scan3A = arith.constant 0 : i32
    %scan3A_130 = arith.constant 1 : i32
    %scan3A_131 = arith.constant 25 : i32
    %scan3A_132 = arith.addi %scan3A_130, %scan3A_131 : i32
    %scan3A_133 = arith.constant 1 : i32
    scf.for %scan3A_233 = %scan3A_130 to %scan3A_132 step %scan3A_133  : i32 {
      %mul3A_234 = arith.constant 3 : i32
      %mul3A_235 = arith.muli %scan3A_233, %mul3A_234 : i32
      %add3A_236 = arith.constant 0 : i32
      %add3A_237 = arith.addi %mul3A_235, %add3A_236 : i32
      %dma_wait3A_238 = arith.constant 0 : i32
      %dma_wait3A_239 = tpu.memref_slice %arg7[%add3A_237, %dma_wait3A_238] : memref<81x128xi32, #tpu.memory_space<vmem>> -> memref<1x128xi32, #tpu.memory_space<vmem>>
      %dma_wait3A_240 = tpu.memref_squeeze %dma_wait3A_239 : memref<1x128xi32, #tpu.memory_space<vmem>> -> memref<128xi32, #tpu.memory_space<vmem>>
      %dma_wait3A_241 = arith.constant 0 : i32
      %dma_wait3A_242 = arith.constant 0 : i32
      %dma_wait3A_243 = tpu.memref_slice %arg13[%dma_wait3A_241, %dma_wait3A_242] : memref<10240x64xf32, #tpu.memory_space<vmem_shared>> -> memref<10240x64xf32, #tpu.memory_space<vmem_shared>>
      tpu.wait_indirect_dma semaphore(%arg14 : memref<!tpu.dma_semaphore, #tpu.memory_space<semaphore_mem>>) src(%dma_wait3A_243 : memref<10240x64xf32, #tpu.memory_space<vmem_shared>>) dst(%arg9 : memref<128x64xf32, #tpu.memory_space<vmem>>)
      %sub3A = arith.constant 1 : i32
      %sub3A_244 = arith.subi %add3A_237, %sub3A : i32
      %dma_wait3A_245 = arith.constant 0 : i32
      %dma_wait3A_246 = tpu.memref_slice %arg8[%sub3A_244, %dma_wait3A_245] : memref<81x128xi32, #tpu.memory_space<vmem>> -> memref<1x128xi32, #tpu.memory_space<vmem>>
      %dma_wait3A_247 = tpu.memref_squeeze %dma_wait3A_246 : memref<1x128xi32, #tpu.memory_space<vmem>> -> memref<128xi32, #tpu.memory_space<vmem>>
      %dma_wait3A_248 = arith.constant 0 : i32
      %dma_wait3A_249 = arith.constant 0 : i32
      %dma_wait3A_250 = tpu.memref_slice %arg12[%dma_wait3A_248, %dma_wait3A_249] : memref<10240x64xf32, #tpu.memory_space<vmem_shared>> -> memref<10240x64xf32, #tpu.memory_space<vmem_shared>>
      tpu.wait_indirect_dma semaphore(%arg17 : memref<!tpu.dma_semaphore, #tpu.memory_space<semaphore_mem>>) src(%arg11 : memref<128x64xf32, #tpu.memory_space<vmem>>) dst(%dma_wait3A_250 : memref<10240x64xf32, #tpu.memory_space<vmem_shared>>)
      %dma_start3A_251 = arith.constant 0 : i32
      %dma_start3A_252 = tpu.memref_slice %arg8[%add3A_237, %dma_start3A_251] : memref<81x128xi32, #tpu.memory_space<vmem>> -> memref<1x128xi32, #tpu.memory_space<vmem>>
      %dma_start3A_253 = tpu.memref_squeeze %dma_start3A_252 : memref<1x128xi32, #tpu.memory_space<vmem>> -> memref<128xi32, #tpu.memory_space<vmem>>
      %dma_start3A_254 = arith.constant 0 : i32
      %dma_start3A_255 = arith.constant 0 : i32
      %dma_start3A_256 = tpu.memref_slice %arg12[%dma_start3A_254, %dma_start3A_255] : memref<10240x64xf32, #tpu.memory_space<vmem_shared>> -> memref<10240x64xf32, #tpu.memory_space<vmem_shared>>
      tpu.enqueue_indirect_dma source(%arg9 : memref<128x64xf32, #tpu.memory_space<vmem>>) target(%dma_start3A_256 : memref<10240x64xf32, #tpu.memory_space<vmem_shared>>) offsets(%dma_start3A_253 : memref<128xi32, #tpu.memory_space<vmem>>) semaphore(%arg17 : memref<!tpu.dma_semaphore, #tpu.memory_space<semaphore_mem>>) {add = true}
      %add3A_257 = arith.constant 2 : i32
      %add3A_258 = arith.addi %add3A_237, %add3A_257 : i32
      %dma_start3A_259 = arith.constant 0 : i32
      %dma_start3A_260 = tpu.memref_slice %arg7[%add3A_258, %dma_start3A_259] : memref<81x128xi32, #tpu.memory_space<vmem>> -> memref<1x128xi32, #tpu.memory_space<vmem>>
      %dma_start3A_261 = tpu.memref_squeeze %dma_start3A_260 : memref<1x128xi32, #tpu.memory_space<vmem>> -> memref<128xi32, #tpu.memory_space<vmem>>
      %dma_start3A_262 = arith.constant 0 : i32
      %dma_start3A_263 = arith.constant 0 : i32
      %dma_start3A_264 = tpu.memref_slice %arg13[%dma_start3A_262, %dma_start3A_263] : memref<10240x64xf32, #tpu.memory_space<vmem_shared>> -> memref<10240x64xf32, #tpu.memory_space<vmem_shared>>
      tpu.enqueue_indirect_dma source(%dma_start3A_264 : memref<10240x64xf32, #tpu.memory_space<vmem_shared>>) target(%arg11 : memref<128x64xf32, #tpu.memory_space<vmem>>) offsets(%dma_start3A_261 : memref<128xi32, #tpu.memory_space<vmem>>) semaphore(%arg16 : memref<!tpu.dma_semaphore, #tpu.memory_space<semaphore_mem>>)
      %mul3A_265 = arith.constant 3 : i32
      %mul3A_266 = arith.muli %scan3A_233, %mul3A_265 : i32
      %add3A_267 = arith.constant 1 : i32
      %add3A_268 = arith.addi %mul3A_266, %add3A_267 : i32
      %dma_wait3A_269 = arith.constant 0 : i32
      %dma_wait3A_270 = tpu.memref_slice %arg7[%add3A_268, %dma_wait3A_269] : memref<81x128xi32, #tpu.memory_space<vmem>> -> memref<1x128xi32, #tpu.memory_space<vmem>>
      %dma_wait3A_271 = tpu.memref_squeeze %dma_wait3A_270 : memref<1x128xi32, #tpu.memory_space<vmem>> -> memref<128xi32, #tpu.memory_space<vmem>>
      %dma_wait3A_272 = arith.constant 0 : i32
      %dma_wait3A_273 = arith.constant 0 : i32
      %dma_wait3A_274 = tpu.memref_slice %arg13[%dma_wait3A_272, %dma_wait3A_273] : memref<10240x64xf32, #tpu.memory_space<vmem_shared>> -> memref<10240x64xf32, #tpu.memory_space<vmem_shared>>
      tpu.wait_indirect_dma semaphore(%arg15 : memref<!tpu.dma_semaphore, #tpu.memory_space<semaphore_mem>>) src(%dma_wait3A_274 : memref<10240x64xf32, #tpu.memory_space<vmem_shared>>) dst(%arg10 : memref<128x64xf32, #tpu.memory_space<vmem>>)
      %sub3A_275 = arith.constant 1 : i32
      %sub3A_276 = arith.subi %add3A_268, %sub3A_275 : i32
      %dma_wait3A_277 = arith.constant 0 : i32
      %dma_wait3A_278 = tpu.memref_slice %arg8[%sub3A_276, %dma_wait3A_277] : memref<81x128xi32, #tpu.memory_space<vmem>> -> memref<1x128xi32, #tpu.memory_space<vmem>>
      %dma_wait3A_279 = tpu.memref_squeeze %dma_wait3A_278 : memref<1x128xi32, #tpu.memory_space<vmem>> -> memref<128xi32, #tpu.memory_space<vmem>>
      %dma_wait3A_280 = arith.constant 0 : i32
      %dma_wait3A_281 = arith.constant 0 : i32
      %dma_wait3A_282 = tpu.memref_slice %arg12[%dma_wait3A_280, %dma_wait3A_281] : memref<10240x64xf32, #tpu.memory_space<vmem_shared>> -> memref<10240x64xf32, #tpu.memory_space<vmem_shared>>
      tpu.wait_indirect_dma semaphore(%arg17 : memref<!tpu.dma_semaphore, #tpu.memory_space<semaphore_mem>>) src(%arg9 : memref<128x64xf32, #tpu.memory_space<vmem>>) dst(%dma_wait3A_282 : memref<10240x64xf32, #tpu.memory_space<vmem_shared>>)
      %dma_start3A_283 = arith.constant 0 : i32
      %dma_start3A_284 = tpu.memref_slice %arg8[%add3A_268, %dma_start3A_283] : memref<81x128xi32, #tpu.memory_space<vmem>> -> memref<1x128xi32, #tpu.memory_space<vmem>>
      %dma_start3A_285 = tpu.memref_squeeze %dma_start3A_284 : memref<1x128xi32, #tpu.memory_space<vmem>> -> memref<128xi32, #tpu.memory_space<vmem>>
      %dma_start3A_286 = arith.constant 0 : i32
      %dma_start3A_287 = arith.constant 0 : i32
      %dma_start3A_288 = tpu.memref_slice %arg12[%dma_start3A_286, %dma_start3A_287] : memref<10240x64xf32, #tpu.memory_space<vmem_shared>> -> memref<10240x64xf32, #tpu.memory_space<vmem_shared>>
      tpu.enqueue_indirect_dma source(%arg10 : memref<128x64xf32, #tpu.memory_space<vmem>>) target(%dma_start3A_288 : memref<10240x64xf32, #tpu.memory_space<vmem_shared>>) offsets(%dma_start3A_285 : memref<128xi32, #tpu.memory_space<vmem>>) semaphore(%arg17 : memref<!tpu.dma_semaphore, #tpu.memory_space<semaphore_mem>>) {add = true}
      %add3A_289 = arith.constant 2 : i32
      %add3A_290 = arith.addi %add3A_268, %add3A_289 : i32
      %dma_start3A_291 = arith.constant 0 : i32
      %dma_start3A_292 = tpu.memref_slice %arg7[%add3A_290, %dma_start3A_291] : memref<81x128xi32, #tpu.memory_space<vmem>> -> memref<1x128xi32, #tpu.memory_space<vmem>>
      %dma_start3A_293 = tpu.memref_squeeze %dma_start3A_292 : memref<1x128xi32, #tpu.memory_space<vmem>> -> memref<128xi32, #tpu.memory_space<vmem>>
      %dma_start3A_294 = arith.constant 0 : i32
      %dma_start3A_295 = arith.constant 0 : i32
      %dma_start3A_296 = tpu.memref_slice %arg13[%dma_start3A_294, %dma_start3A_295] : memref<10240x64xf32, #tpu.memory_space<vmem_shared>> -> memref<10240x64xf32, #tpu.memory_space<vmem_shared>>
      tpu.enqueue_indirect_dma source(%dma_start3A_296 : memref<10240x64xf32, #tpu.memory_space<vmem_shared>>) target(%arg9 : memref<128x64xf32, #tpu.memory_space<vmem>>) offsets(%dma_start3A_293 : memref<128xi32, #tpu.memory_space<vmem>>) semaphore(%arg14 : memref<!tpu.dma_semaphore, #tpu.memory_space<semaphore_mem>>)
      %mul3A_297 = arith.constant 3 : i32
      %mul3A_298 = arith.muli %scan3A_233, %mul3A_297 : i32
      %add3A_299 = arith.constant 2 : i32
      %add3A_300 = arith.addi %mul3A_298, %add3A_299 : i32
      %dma_wait3A_301 = arith.constant 0 : i32
      %dma_wait3A_302 = tpu.memref_slice %arg7[%add3A_300, %dma_wait3A_301] : memref<81x128xi32, #tpu.memory_space<vmem>> -> memref<1x128xi32, #tpu.memory_space<vmem>>
      %dma_wait3A_303 = tpu.memref_squeeze %dma_wait3A_302 : memref<1x128xi32, #tpu.memory_space<vmem>> -> memref<128xi32, #tpu.memory_space<vmem>>
      %dma_wait3A_304 = arith.constant 0 : i32
      %dma_wait3A_305 = arith.constant 0 : i32
      %dma_wait3A_306 = tpu.memref_slice %arg13[%dma_wait3A_304, %dma_wait3A_305] : memref<10240x64xf32, #tpu.memory_space<vmem_shared>> -> memref<10240x64xf32, #tpu.memory_space<vmem_shared>>
      tpu.wait_indirect_dma semaphore(%arg16 : memref<!tpu.dma_semaphore, #tpu.memory_space<semaphore_mem>>) src(%dma_wait3A_306 : memref<10240x64xf32, #tpu.memory_space<vmem_shared>>) dst(%arg11 : memref<128x64xf32, #tpu.memory_space<vmem>>)
      %sub3A_307 = arith.constant 1 : i32
      %sub3A_308 = arith.subi %add3A_300, %sub3A_307 : i32
      %dma_wait3A_309 = arith.constant 0 : i32
      %dma_wait3A_310 = tpu.memref_slice %arg8[%sub3A_308, %dma_wait3A_309] : memref<81x128xi32, #tpu.memory_space<vmem>> -> memref<1x128xi32, #tpu.memory_space<vmem>>
      %dma_wait3A_311 = tpu.memref_squeeze %dma_wait3A_310 : memref<1x128xi32, #tpu.memory_space<vmem>> -> memref<128xi32, #tpu.memory_space<vmem>>
      %dma_wait3A_312 = arith.constant 0 : i32
      %dma_wait3A_313 = arith.constant 0 : i32
      %dma_wait3A_314 = tpu.memref_slice %arg12[%dma_wait3A_312, %dma_wait3A_313] : memref<10240x64xf32, #tpu.memory_space<vmem_shared>> -> memref<10240x64xf32, #tpu.memory_space<vmem_shared>>
      tpu.wait_indirect_dma semaphore(%arg17 : memref<!tpu.dma_semaphore, #tpu.memory_space<semaphore_mem>>) src(%arg10 : memref<128x64xf32, #tpu.memory_space<vmem>>) dst(%dma_wait3A_314 : memref<10240x64xf32, #tpu.memory_space<vmem_shared>>)
      %dma_start3A_315 = arith.constant 0 : i32
      %dma_start3A_316 = tpu.memref_slice %arg8[%add3A_300, %dma_start3A_315] : memref<81x128xi32, #tpu.memory_space<vmem>> -> memref<1x128xi32, #tpu.memory_space<vmem>>
      %dma_start3A_317 = tpu.memref_squeeze %dma_start3A_316 : memref<1x128xi32, #tpu.memory_space<vmem>> -> memref<128xi32, #tpu.memory_space<vmem>>
      %dma_start3A_318 = arith.constant 0 : i32
      %dma_start3A_319 = arith.constant 0 : i32
      %dma_start3A_320 = tpu.memref_slice %arg12[%dma_start3A_318, %dma_start3A_319] : memref<10240x64xf32, #tpu.memory_space<vmem_shared>> -> memref<10240x64xf32, #tpu.memory_space<vmem_shared>>
      tpu.enqueue_indirect_dma source(%arg11 : memref<128x64xf32, #tpu.memory_space<vmem>>) target(%dma_start3A_320 : memref<10240x64xf32, #tpu.memory_space<vmem_shared>>) offsets(%dma_start3A_317 : memref<128xi32, #tpu.memory_space<vmem>>) semaphore(%arg17 : memref<!tpu.dma_semaphore, #tpu.memory_space<semaphore_mem>>) {add = true}
      %add3A_321 = arith.constant 2 : i32
      %add3A_322 = arith.addi %add3A_300, %add3A_321 : i32
      %dma_start3A_323 = arith.constant 0 : i32
      %dma_start3A_324 = tpu.memref_slice %arg7[%add3A_322, %dma_start3A_323] : memref<81x128xi32, #tpu.memory_space<vmem>> -> memref<1x128xi32, #tpu.memory_space<vmem>>
      %dma_start3A_325 = tpu.memref_squeeze %dma_start3A_324 : memref<1x128xi32, #tpu.memory_space<vmem>> -> memref<128xi32, #tpu.memory_space<vmem>>
      %dma_start3A_326 = arith.constant 0 : i32
      %dma_start3A_327 = arith.constant 0 : i32
      %dma_start3A_328 = tpu.memref_slice %arg13[%dma_start3A_326, %dma_start3A_327] : memref<10240x64xf32, #tpu.memory_space<vmem_shared>> -> memref<10240x64xf32, #tpu.memory_space<vmem_shared>>
      tpu.enqueue_indirect_dma source(%dma_start3A_328 : memref<10240x64xf32, #tpu.memory_space<vmem_shared>>) target(%arg10 : memref<128x64xf32, #tpu.memory_space<vmem>>) offsets(%dma_start3A_325 : memref<128xi32, #tpu.memory_space<vmem>>) semaphore(%arg15 : memref<!tpu.dma_semaphore, #tpu.memory_space<semaphore_mem>>)
    }
    %scan3A_134 = arith.constant 25 : i32
    %dma_wait3A_135 = arith.constant 78 : i32
    %dma_wait3A_136 = arith.constant 0 : i32
    %dma_wait3A_137 = tpu.memref_slice %arg7[%dma_wait3A_135, %dma_wait3A_136] : memref<81x128xi32, #tpu.memory_space<vmem>> -> memref<1x128xi32, #tpu.memory_space<vmem>>
    %dma_wait3A_138 = tpu.memref_squeeze %dma_wait3A_137 : memref<1x128xi32, #tpu.memory_space<vmem>> -> memref<128xi32, #tpu.memory_space<vmem>>
    %dma_wait3A_139 = arith.constant 0 : i32
    %dma_wait3A_140 = arith.constant 0 : i32
    %dma_wait3A_141 = tpu.memref_slice %arg13[%dma_wait3A_139, %dma_wait3A_140] : memref<10240x64xf32, #tpu.memory_space<vmem_shared>> -> memref<10240x64xf32, #tpu.memory_space<vmem_shared>>
    tpu.wait_indirect_dma semaphore(%arg14 : memref<!tpu.dma_semaphore, #tpu.memory_space<semaphore_mem>>) src(%dma_wait3A_141 : memref<10240x64xf32, #tpu.memory_space<vmem_shared>>) dst(%arg9 : memref<128x64xf32, #tpu.memory_space<vmem>>)
    %dma_wait3A_142 = arith.constant 77 : i32
    %dma_wait3A_143 = arith.constant 0 : i32
    %dma_wait3A_144 = tpu.memref_slice %arg8[%dma_wait3A_142, %dma_wait3A_143] : memref<81x128xi32, #tpu.memory_space<vmem>> -> memref<1x128xi32, #tpu.memory_space<vmem>>
    %dma_wait3A_145 = tpu.memref_squeeze %dma_wait3A_144 : memref<1x128xi32, #tpu.memory_space<vmem>> -> memref<128xi32, #tpu.memory_space<vmem>>
    %dma_wait3A_146 = arith.constant 0 : i32
    %dma_wait3A_147 = arith.constant 0 : i32
    %dma_wait3A_148 = tpu.memref_slice %arg12[%dma_wait3A_146, %dma_wait3A_147] : memref<10240x64xf32, #tpu.memory_space<vmem_shared>> -> memref<10240x64xf32, #tpu.memory_space<vmem_shared>>
    tpu.wait_indirect_dma semaphore(%arg17 : memref<!tpu.dma_semaphore, #tpu.memory_space<semaphore_mem>>) src(%arg11 : memref<128x64xf32, #tpu.memory_space<vmem>>) dst(%dma_wait3A_148 : memref<10240x64xf32, #tpu.memory_space<vmem_shared>>)
    %dma_start3A_149 = arith.constant 78 : i32
    %dma_start3A_150 = arith.constant 0 : i32
    %dma_start3A_151 = tpu.memref_slice %arg8[%dma_start3A_149, %dma_start3A_150] : memref<81x128xi32, #tpu.memory_space<vmem>> -> memref<1x128xi32, #tpu.memory_space<vmem>>
    %dma_start3A_152 = tpu.memref_squeeze %dma_start3A_151 : memref<1x128xi32, #tpu.memory_space<vmem>> -> memref<128xi32, #tpu.memory_space<vmem>>
    %dma_start3A_153 = arith.constant 0 : i32
    %dma_start3A_154 = arith.constant 0 : i32
    %dma_start3A_155 = tpu.memref_slice %arg12[%dma_start3A_153, %dma_start3A_154] : memref<10240x64xf32, #tpu.memory_space<vmem_shared>> -> memref<10240x64xf32, #tpu.memory_space<vmem_shared>>
    tpu.enqueue_indirect_dma source(%arg9 : memref<128x64xf32, #tpu.memory_space<vmem>>) target(%dma_start3A_155 : memref<10240x64xf32, #tpu.memory_space<vmem_shared>>) offsets(%dma_start3A_152 : memref<128xi32, #tpu.memory_space<vmem>>) semaphore(%arg17 : memref<!tpu.dma_semaphore, #tpu.memory_space<semaphore_mem>>) {add = true}
    %dma_start3A_156 = arith.constant 80 : i32
    %dma_start3A_157 = arith.constant 0 : i32
    %dma_start3A_158 = tpu.memref_slice %arg7[%dma_start3A_156, %dma_start3A_157] : memref<81x128xi32, #tpu.memory_space<vmem>> -> memref<1x128xi32, #tpu.memory_space<vmem>>
    %dma_start3A_159 = tpu.memref_squeeze %dma_start3A_158 : memref<1x128xi32, #tpu.memory_space<vmem>> -> memref<128xi32, #tpu.memory_space<vmem>>
    %dma_start3A_160 = arith.constant 0 : i32
    %dma_start3A_161 = arith.constant 0 : i32
    %dma_start3A_162 = tpu.memref_slice %arg13[%dma_start3A_160, %dma_start3A_161] : memref<10240x64xf32, #tpu.memory_space<vmem_shared>> -> memref<10240x64xf32, #tpu.memory_space<vmem_shared>>
    tpu.enqueue_indirect_dma source(%dma_start3A_162 : memref<10240x64xf32, #tpu.memory_space<vmem_shared>>) target(%arg11 : memref<128x64xf32, #tpu.memory_space<vmem>>) offsets(%dma_start3A_159 : memref<128xi32, #tpu.memory_space<vmem>>) semaphore(%arg16 : memref<!tpu.dma_semaphore, #tpu.memory_space<semaphore_mem>>)
    %dma_wait3A_163 = arith.constant 79 : i32
    %dma_wait3A_164 = arith.constant 0 : i32
    %dma_wait3A_165 = tpu.memref_slice %arg7[%dma_wait3A_163, %dma_wait3A_164] : memref<81x128xi32, #tpu.memory_space<vmem>> -> memref<1x128xi32, #tpu.memory_space<vmem>>
    %dma_wait3A_166 = tpu.memref_squeeze %dma_wait3A_165 : memref<1x128xi32, #tpu.memory_space<vmem>> -> memref<128xi32, #tpu.memory_space<vmem>>
    %dma_wait3A_167 = arith.constant 0 : i32
    %dma_wait3A_168 = arith.constant 0 : i32
    %dma_wait3A_169 = tpu.memref_slice %arg13[%dma_wait3A_167, %dma_wait3A_168] : memref<10240x64xf32, #tpu.memory_space<vmem_shared>> -> memref<10240x64xf32, #tpu.memory_space<vmem_shared>>
    tpu.wait_indirect_dma semaphore(%arg15 : memref<!tpu.dma_semaphore, #tpu.memory_space<semaphore_mem>>) src(%dma_wait3A_169 : memref<10240x64xf32, #tpu.memory_space<vmem_shared>>) dst(%arg10 : memref<128x64xf32, #tpu.memory_space<vmem>>)
    %dma_wait3A_170 = arith.constant 78 : i32
    %dma_wait3A_171 = arith.constant 0 : i32
    %dma_wait3A_172 = tpu.memref_slice %arg8[%dma_wait3A_170, %dma_wait3A_171] : memref<81x128xi32, #tpu.memory_space<vmem>> -> memref<1x128xi32, #tpu.memory_space<vmem>>
    %dma_wait3A_173 = tpu.memref_squeeze %dma_wait3A_172 : memref<1x128xi32, #tpu.memory_space<vmem>> -> memref<128xi32, #tpu.memory_space<vmem>>
    %dma_wait3A_174 = arith.constant 0 : i32
    %dma_wait3A_175 = arith.constant 0 : i32
    %dma_wait3A_176 = tpu.memref_slice %arg12[%dma_wait3A_174, %dma_wait3A_175] : memref<10240x64xf32, #tpu.memory_space<vmem_shared>> -> memref<10240x64xf32, #tpu.memory_space<vmem_shared>>
    tpu.wait_indirect_dma semaphore(%arg17 : memref<!tpu.dma_semaphore, #tpu.memory_space<semaphore_mem>>) src(%arg9 : memref<128x64xf32, #tpu.memory_space<vmem>>) dst(%dma_wait3A_176 : memref<10240x64xf32, #tpu.memory_space<vmem_shared>>)
    %dma_start3A_177 = arith.constant 79 : i32
    %dma_start3A_178 = arith.constant 0 : i32
    %dma_start3A_179 = tpu.memref_slice %arg8[%dma_start3A_177, %dma_start3A_178] : memref<81x128xi32, #tpu.memory_space<vmem>> -> memref<1x128xi32, #tpu.memory_space<vmem>>
    %dma_start3A_180 = tpu.memref_squeeze %dma_start3A_179 : memref<1x128xi32, #tpu.memory_space<vmem>> -> memref<128xi32, #tpu.memory_space<vmem>>
    %dma_start3A_181 = arith.constant 0 : i32
    %dma_start3A_182 = arith.constant 0 : i32
    %dma_start3A_183 = tpu.memref_slice %arg12[%dma_start3A_181, %dma_start3A_182] : memref<10240x64xf32, #tpu.memory_space<vmem_shared>> -> memref<10240x64xf32, #tpu.memory_space<vmem_shared>>
    tpu.enqueue_indirect_dma source(%arg10 : memref<128x64xf32, #tpu.memory_space<vmem>>) target(%dma_start3A_183 : memref<10240x64xf32, #tpu.memory_space<vmem_shared>>) offsets(%dma_start3A_180 : memref<128xi32, #tpu.memory_space<vmem>>) semaphore(%arg17 : memref<!tpu.dma_semaphore, #tpu.memory_space<semaphore_mem>>) {add = true}
    %dma_wait3A_184 = arith.constant 80 : i32
    %dma_wait3A_185 = arith.constant 0 : i32
    %dma_wait3A_186 = tpu.memref_slice %arg7[%dma_wait3A_184, %dma_wait3A_185] : memref<81x128xi32, #tpu.memory_space<vmem>> -> memref<1x128xi32, #tpu.memory_space<vmem>>
    %dma_wait3A_187 = tpu.memref_squeeze %dma_wait3A_186 : memref<1x128xi32, #tpu.memory_space<vmem>> -> memref<128xi32, #tpu.memory_space<vmem>>
    %dma_wait3A_188 = arith.constant 0 : i32
    %dma_wait3A_189 = arith.constant 0 : i32
    %dma_wait3A_190 = tpu.memref_slice %arg13[%dma_wait3A_188, %dma_wait3A_189] : memref<10240x64xf32, #tpu.memory_space<vmem_shared>> -> memref<10240x64xf32, #tpu.memory_space<vmem_shared>>
    tpu.wait_indirect_dma semaphore(%arg16 : memref<!tpu.dma_semaphore, #tpu.memory_space<semaphore_mem>>) src(%dma_wait3A_190 : memref<10240x64xf32, #tpu.memory_space<vmem_shared>>) dst(%arg11 : memref<128x64xf32, #tpu.memory_space<vmem>>)
    %dma_wait3A_191 = arith.constant 79 : i32
    %dma_wait3A_192 = arith.constant 0 : i32
    %dma_wait3A_193 = tpu.memref_slice %arg8[%dma_wait3A_191, %dma_wait3A_192] : memref<81x128xi32, #tpu.memory_space<vmem>> -> memref<1x128xi32, #tpu.memory_space<vmem>>
    %dma_wait3A_194 = tpu.memref_squeeze %dma_wait3A_193 : memref<1x128xi32, #tpu.memory_space<vmem>> -> memref<128xi32, #tpu.memory_space<vmem>>
    %dma_wait3A_195 = arith.constant 0 : i32
    %dma_wait3A_196 = arith.constant 0 : i32
    %dma_wait3A_197 = tpu.memref_slice %arg12[%dma_wait3A_195, %dma_wait3A_196] : memref<10240x64xf32, #tpu.memory_space<vmem_shared>> -> memref<10240x64xf32, #tpu.memory_space<vmem_shared>>
    tpu.wait_indirect_dma semaphore(%arg17 : memref<!tpu.dma_semaphore, #tpu.memory_space<semaphore_mem>>) src(%arg10 : memref<128x64xf32, #tpu.memory_space<vmem>>) dst(%dma_wait3A_197 : memref<10240x64xf32, #tpu.memory_space<vmem_shared>>)
    %dma_start3A_198 = arith.constant 80 : i32
    %dma_start3A_199 = arith.constant 0 : i32
    %dma_start3A_200 = tpu.memref_slice %arg8[%dma_start3A_198, %dma_start3A_199] : memref<81x128xi32, #tpu.memory_space<vmem>> -> memref<1x128xi32, #tpu.memory_space<vmem>>
    %dma_start3A_201 = tpu.memref_squeeze %dma_start3A_200 : memref<1x128xi32, #tpu.memory_space<vmem>> -> memref<128xi32, #tpu.memory_space<vmem>>
    %dma_start3A_202 = arith.constant 0 : i32
    %dma_start3A_203 = arith.constant 0 : i32
    %dma_start3A_204 = tpu.memref_slice %arg12[%dma_start3A_202, %dma_start3A_203] : memref<10240x64xf32, #tpu.memory_space<vmem_shared>> -> memref<10240x64xf32, #tpu.memory_space<vmem_shared>>
    tpu.enqueue_indirect_dma source(%arg11 : memref<128x64xf32, #tpu.memory_space<vmem>>) target(%dma_start3A_204 : memref<10240x64xf32, #tpu.memory_space<vmem_shared>>) offsets(%dma_start3A_201 : memref<128xi32, #tpu.memory_space<vmem>>) semaphore(%arg17 : memref<!tpu.dma_semaphore, #tpu.memory_space<semaphore_mem>>) {add = true}
    %dma_wait3A_205 = arith.constant 80 : i32
    %dma_wait3A_206 = arith.constant 0 : i32
    %dma_wait3A_207 = tpu.memref_slice %arg8[%dma_wait3A_205, %dma_wait3A_206] : memref<81x128xi32, #tpu.memory_space<vmem>> -> memref<1x128xi32, #tpu.memory_space<vmem>>
    %dma_wait3A_208 = tpu.memref_squeeze %dma_wait3A_207 : memref<1x128xi32, #tpu.memory_space<vmem>> -> memref<128xi32, #tpu.memory_space<vmem>>
    %dma_wait3A_209 = arith.constant 0 : i32
    %dma_wait3A_210 = arith.constant 0 : i32
    %dma_wait3A_211 = tpu.memref_slice %arg12[%dma_wait3A_209, %dma_wait3A_210] : memref<10240x64xf32, #tpu.memory_space<vmem_shared>> -> memref<10240x64xf32, #tpu.memory_space<vmem_shared>>
    tpu.wait_indirect_dma semaphore(%arg17 : memref<!tpu.dma_semaphore, #tpu.memory_space<semaphore_mem>>) src(%arg11 : memref<128x64xf32, #tpu.memory_space<vmem>>) dst(%dma_wait3A_211 : memref<10240x64xf32, #tpu.memory_space<vmem_shared>>)
    %barrier3A_212 = arith.constant 0 : index
    tpu.barrier barrier_id(%barrier3A_212)
    %mul3A_213 = arith.constant 640 : i32
    %mul3A_214 = arith.muli %arg1, %mul3A_213 : i32
    %add3A_215 = arith.constant 0 : i32
    %add3A_216 = arith.addi %mul3A_214, %add3A_215 : i32
    "tpu.region"() ({
      %run_scoped3A = tpu.sem_alloc : memref<!tpu.dma_semaphore, #tpu.memory_space<semaphore_mem>>
      %dma_start3A_233 = arith.constant 0 : i32
      %dma_start3A_234 = tpu.memref_slice %arg12[%add3A_216, %dma_start3A_233] : memref<10240x64xf32, #tpu.memory_space<vmem_shared>> -> memref<128x64xf32, #tpu.memory_space<vmem_shared>>
      %dma_start3A_235 = arith.constant 0 : i32
      %dma_start3A_236 = tpu.memref_slice %arg12[%add3A_216, %dma_start3A_235] : memref<10240x64xf32, #tpu.memory_space<vmem_shared>> -> memref<128x64xf32, #tpu.memory_space<vmem_shared>>
      tpu.enqueue_dma source(%dma_start3A_236 : memref<128x64xf32, #tpu.memory_space<vmem_shared>>) target(%arg9 : memref<128x64xf32, #tpu.memory_space<vmem>>) target_semaphore(%run_scoped3A : memref<!tpu.dma_semaphore, #tpu.memory_space<semaphore_mem>>)
      %dma_wait3A_237 = arith.constant 0 : i32
      %dma_wait3A_238 = tpu.memref_slice %arg12[%add3A_216, %dma_wait3A_237] : memref<10240x64xf32, #tpu.memory_space<vmem_shared>> -> memref<128x64xf32, #tpu.memory_space<vmem_shared>>
      %dma_wait3A_239 = arith.constant 0 : i32
      %dma_wait3A_240 = tpu.memref_slice %arg12[%add3A_216, %dma_wait3A_239] : memref<10240x64xf32, #tpu.memory_space<vmem_shared>> -> memref<128x64xf32, #tpu.memory_space<vmem_shared>>
      tpu.wait_dma2 semaphore(%run_scoped3A : memref<!tpu.dma_semaphore, #tpu.memory_space<semaphore_mem>>) src(%dma_wait3A_240 : memref<128x64xf32, #tpu.memory_space<vmem_shared>>) dst(%arg9 : memref<128x64xf32, #tpu.memory_space<vmem>>)
      tpu.yield
    }) : () -> ()
    "tpu.region"() ({
      %run_scoped3A = tpu.sem_alloc : memref<!tpu.dma_semaphore, #tpu.memory_space<semaphore_mem>>
      %dma_start3A_233 = arith.constant 0 : i32
      %dma_start3A_234 = tpu.memref_slice %arg6[%arg0, %add3A_216, %dma_start3A_233] : memref<2x10240x64xf32, #tpu.memory_space<hbm>> -> memref<1x128x64xf32, #tpu.memory_space<hbm>>
      %dma_start3A_235 = tpu.memref_squeeze %dma_start3A_234 : memref<1x128x64xf32, #tpu.memory_space<hbm>> -> memref<128x64xf32, #tpu.memory_space<hbm>>
      %dma_start3A_236 = arith.constant 0 : i32
      %dma_start3A_237 = tpu.memref_slice %arg6[%arg0, %add3A_216, %dma_start3A_236] : memref<2x10240x64xf32, #tpu.memory_space<hbm>> -> memref<1x128x64xf32, #tpu.memory_space<hbm>>
      %dma_start3A_238 = tpu.memref_squeeze %dma_start3A_237 : memref<1x128x64xf32, #tpu.memory_space<hbm>> -> memref<128x64xf32, #tpu.memory_space<hbm>>
      tpu.enqueue_dma source(%arg9 : memref<128x64xf32, #tpu.memory_space<vmem>>) target(%dma_start3A_238 : memref<128x64xf32, #tpu.memory_space<hbm>>) target_semaphore(%run_scoped3A : memref<!tpu.dma_semaphore, #tpu.memory_space<semaphore_mem>>)
      %dma_wait3A_239 = arith.constant 0 : i32
      %dma_wait3A_240 = tpu.memref_slice %arg6[%arg0, %add3A_216, %dma_wait3A_239] : memref<2x10240x64xf32, #tpu.memory_space<hbm>> -> memref<1x128x64xf32, #tpu.memory_space<hbm>>
      %dma_wait3A_241 = tpu.memref_squeeze %dma_wait3A_240 : memref<1x128x64xf32, #tpu.memory_space<hbm>> -> memref<128x64xf32, #tpu.memory_space<hbm>>
      %dma_wait3A_242 = arith.constant 0 : i32
      %dma_wait3A_243 = tpu.memref_slice %arg6[%arg0, %add3A_216, %dma_wait3A_242] : memref<2x10240x64xf32, #tpu.memory_space<hbm>> -> memref<1x128x64xf32, #tpu.memory_space<hbm>>
      %dma_wait3A_244 = tpu.memref_squeeze %dma_wait3A_243 : memref<1x128x64xf32, #tpu.memory_space<hbm>> -> memref<128x64xf32, #tpu.memory_space<hbm>>
      tpu.wait_dma2 semaphore(%run_scoped3A : memref<!tpu.dma_semaphore, #tpu.memory_space<semaphore_mem>>) src(%arg9 : memref<128x64xf32, #tpu.memory_space<vmem>>) dst(%dma_wait3A_244 : memref<128x64xf32, #tpu.memory_space<hbm>>)
      tpu.yield
    }) : () -> ()
    %mul3A_217 = arith.constant 640 : i32
    %mul3A_218 = arith.muli %arg1, %mul3A_217 : i32
    %add3A_219 = arith.constant 128 : i32
    %add3A_220 = arith.addi %mul3A_218, %add3A_219 : i32
    "tpu.region"() ({
      %run_scoped3A = tpu.sem_alloc : memref<!tpu.dma_semaphore, #tpu.memory_space<semaphore_mem>>
      %dma_start3A_233 = arith.constant 0 : i32
      %dma_start3A_234 = tpu.memref_slice %arg12[%add3A_220, %dma_start3A_233] : memref<10240x64xf32, #tpu.memory_space<vmem_shared>> -> memref<128x64xf32, #tpu.memory_space<vmem_shared>>
      %dma_start3A_235 = arith.constant 0 : i32
      %dma_start3A_236 = tpu.memref_slice %arg12[%add3A_220, %dma_start3A_235] : memref<10240x64xf32, #tpu.memory_space<vmem_shared>> -> memref<128x64xf32, #tpu.memory_space<vmem_shared>>
      tpu.enqueue_dma source(%dma_start3A_236 : memref<128x64xf32, #tpu.memory_space<vmem_shared>>) target(%arg10 : memref<128x64xf32, #tpu.memory_space<vmem>>) target_semaphore(%run_scoped3A : memref<!tpu.dma_semaphore, #tpu.memory_space<semaphore_mem>>)
      %dma_wait3A_237 = arith.constant 0 : i32
      %dma_wait3A_238 = tpu.memref_slice %arg12[%add3A_220, %dma_wait3A_237] : memref<10240x64xf32, #tpu.memory_space<vmem_shared>> -> memref<128x64xf32, #tpu.memory_space<vmem_shared>>
      %dma_wait3A_239 = arith.constant 0 : i32
      %dma_wait3A_240 = tpu.memref_slice %arg12[%add3A_220, %dma_wait3A_239] : memref<10240x64xf32, #tpu.memory_space<vmem_shared>> -> memref<128x64xf32, #tpu.memory_space<vmem_shared>>
      tpu.wait_dma2 semaphore(%run_scoped3A : memref<!tpu.dma_semaphore, #tpu.memory_space<semaphore_mem>>) src(%dma_wait3A_240 : memref<128x64xf32, #tpu.memory_space<vmem_shared>>) dst(%arg10 : memref<128x64xf32, #tpu.memory_space<vmem>>)
      tpu.yield
    }) : () -> ()
    "tpu.region"() ({
      %run_scoped3A = tpu.sem_alloc : memref<!tpu.dma_semaphore, #tpu.memory_space<semaphore_mem>>
      %dma_start3A_233 = arith.constant 0 : i32
      %dma_start3A_234 = tpu.memref_slice %arg6[%arg0, %add3A_220, %dma_start3A_233] : memref<2x10240x64xf32, #tpu.memory_space<hbm>> -> memref<1x128x64xf32, #tpu.memory_space<hbm>>
      %dma_start3A_235 = tpu.memref_squeeze %dma_start3A_234 : memref<1x128x64xf32, #tpu.memory_space<hbm>> -> memref<128x64xf32, #tpu.memory_space<hbm>>
      %dma_start3A_236 = arith.constant 0 : i32
      %dma_start3A_237 = tpu.memref_slice %arg6[%arg0, %add3A_220, %dma_start3A_236] : memref<2x10240x64xf32, #tpu.memory_space<hbm>> -> memref<1x128x64xf32, #tpu.memory_space<hbm>>
      %dma_start3A_238 = tpu.memref_squeeze %dma_start3A_237 : memref<1x128x64xf32, #tpu.memory_space<hbm>> -> memref<128x64xf32, #tpu.memory_space<hbm>>
      tpu.enqueue_dma source(%arg10 : memref<128x64xf32, #tpu.memory_space<vmem>>) target(%dma_start3A_238 : memref<128x64xf32, #tpu.memory_space<hbm>>) target_semaphore(%run_scoped3A : memref<!tpu.dma_semaphore, #tpu.memory_space<semaphore_mem>>)
      %dma_wait3A_239 = arith.constant 0 : i32
      %dma_wait3A_240 = tpu.memref_slice %arg6[%arg0, %add3A_220, %dma_wait3A_239] : memref<2x10240x64xf32, #tpu.memory_space<hbm>> -> memref<1x128x64xf32, #tpu.memory_space<hbm>>
      %dma_wait3A_241 = tpu.memref_squeeze %dma_wait3A_240 : memref<1x128x64xf32, #tpu.memory_space<hbm>> -> memref<128x64xf32, #tpu.memory_space<hbm>>
      %dma_wait3A_242 = arith.constant 0 : i32
      %dma_wait3A_243 = tpu.memref_slice %arg6[%arg0, %add3A_220, %dma_wait3A_242] : memref<2x10240x64xf32, #tpu.memory_space<hbm>> -> memref<1x128x64xf32, #tpu.memory_space<hbm>>
      %dma_wait3A_244 = tpu.memref_squeeze %dma_wait3A_243 : memref<1x128x64xf32, #tpu.memory_space<hbm>> -> memref<128x64xf32, #tpu.memory_space<hbm>>
      tpu.wait_dma2 semaphore(%run_scoped3A : memref<!tpu.dma_semaphore, #tpu.memory_space<semaphore_mem>>) src(%arg10 : memref<128x64xf32, #tpu.memory_space<vmem>>) dst(%dma_wait3A_244 : memref<128x64xf32, #tpu.memory_space<hbm>>)
      tpu.yield
    }) : () -> ()
    %mul3A_221 = arith.constant 640 : i32
    %mul3A_222 = arith.muli %arg1, %mul3A_221 : i32
    %add3A_223 = arith.constant 256 : i32
    %add3A_224 = arith.addi %mul3A_222, %add3A_223 : i32
    "tpu.region"() ({
      %run_scoped3A = tpu.sem_alloc : memref<!tpu.dma_semaphore, #tpu.memory_space<semaphore_mem>>
      %dma_start3A_233 = arith.constant 0 : i32
      %dma_start3A_234 = tpu.memref_slice %arg12[%add3A_224, %dma_start3A_233] : memref<10240x64xf32, #tpu.memory_space<vmem_shared>> -> memref<128x64xf32, #tpu.memory_space<vmem_shared>>
      %dma_start3A_235 = arith.constant 0 : i32
      %dma_start3A_236 = tpu.memref_slice %arg12[%add3A_224, %dma_start3A_235] : memref<10240x64xf32, #tpu.memory_space<vmem_shared>> -> memref<128x64xf32, #tpu.memory_space<vmem_shared>>
      tpu.enqueue_dma source(%dma_start3A_236 : memref<128x64xf32, #tpu.memory_space<vmem_shared>>) target(%arg11 : memref<128x64xf32, #tpu.memory_space<vmem>>) target_semaphore(%run_scoped3A : memref<!tpu.dma_semaphore, #tpu.memory_space<semaphore_mem>>)
      %dma_wait3A_237 = arith.constant 0 : i32
      %dma_wait3A_238 = tpu.memref_slice %arg12[%add3A_224, %dma_wait3A_237] : memref<10240x64xf32, #tpu.memory_space<vmem_shared>> -> memref<128x64xf32, #tpu.memory_space<vmem_shared>>
      %dma_wait3A_239 = arith.constant 0 : i32
      %dma_wait3A_240 = tpu.memref_slice %arg12[%add3A_224, %dma_wait3A_239] : memref<10240x64xf32, #tpu.memory_space<vmem_shared>> -> memref<128x64xf32, #tpu.memory_space<vmem_shared>>
      tpu.wait_dma2 semaphore(%run_scoped3A : memref<!tpu.dma_semaphore, #tpu.memory_space<semaphore_mem>>) src(%dma_wait3A_240 : memref<128x64xf32, #tpu.memory_space<vmem_shared>>) dst(%arg11 : memref<128x64xf32, #tpu.memory_space<vmem>>)
      tpu.yield
    }) : () -> ()
    "tpu.region"() ({
      %run_scoped3A = tpu.sem_alloc : memref<!tpu.dma_semaphore, #tpu.memory_space<semaphore_mem>>
      %dma_start3A_233 = arith.constant 0 : i32
      %dma_start3A_234 = tpu.memref_slice %arg6[%arg0, %add3A_224, %dma_start3A_233] : memref<2x10240x64xf32, #tpu.memory_space<hbm>> -> memref<1x128x64xf32, #tpu.memory_space<hbm>>
      %dma_start3A_235 = tpu.memref_squeeze %dma_start3A_234 : memref<1x128x64xf32, #tpu.memory_space<hbm>> -> memref<128x64xf32, #tpu.memory_space<hbm>>
      %dma_start3A_236 = arith.constant 0 : i32
      %dma_start3A_237 = tpu.memref_slice %arg6[%arg0, %add3A_224, %dma_start3A_236] : memref<2x10240x64xf32, #tpu.memory_space<hbm>> -> memref<1x128x64xf32, #tpu.memory_space<hbm>>
      %dma_start3A_238 = tpu.memref_squeeze %dma_start3A_237 : memref<1x128x64xf32, #tpu.memory_space<hbm>> -> memref<128x64xf32, #tpu.memory_space<hbm>>
      tpu.enqueue_dma source(%arg11 : memref<128x64xf32, #tpu.memory_space<vmem>>) target(%dma_start3A_238 : memref<128x64xf32, #tpu.memory_space<hbm>>) target_semaphore(%run_scoped3A : memref<!tpu.dma_semaphore, #tpu.memory_space<semaphore_mem>>)
      %dma_wait3A_239 = arith.constant 0 : i32
      %dma_wait3A_240 = tpu.memref_slice %arg6[%arg0, %add3A_224, %dma_wait3A_239] : memref<2x10240x64xf32, #tpu.memory_space<hbm>> -> memref<1x128x64xf32, #tpu.memory_space<hbm>>
      %dma_wait3A_241 = tpu.memref_squeeze %dma_wait3A_240 : memref<1x128x64xf32, #tpu.memory_space<hbm>> -> memref<128x64xf32, #tpu.memory_space<hbm>>
      %dma_wait3A_242 = arith.constant 0 : i32
      %dma_wait3A_243 = tpu.memref_slice %arg6[%arg0, %add3A_224, %dma_wait3A_242] : memref<2x10240x64xf32, #tpu.memory_space<hbm>> -> memref<1x128x64xf32, #tpu.memory_space<hbm>>
      %dma_wait3A_244 = tpu.memref_squeeze %dma_wait3A_243 : memref<1x128x64xf32, #tpu.memory_space<hbm>> -> memref<128x64xf32, #tpu.memory_space<hbm>>
      tpu.wait_dma2 semaphore(%run_scoped3A : memref<!tpu.dma_semaphore, #tpu.memory_space<semaphore_mem>>) src(%arg11 : memref<128x64xf32, #tpu.memory_space<vmem>>) dst(%dma_wait3A_244 : memref<128x64xf32, #tpu.memory_space<hbm>>)
      tpu.yield
    }) : () -> ()
    %mul3A_225 = arith.constant 640 : i32
    %mul3A_226 = arith.muli %arg1, %mul3A_225 : i32
    %add3A_227 = arith.constant 384 : i32
    %add3A_228 = arith.addi %mul3A_226, %add3A_227 : i32
    "tpu.region"() ({
      %run_scoped3A = tpu.sem_alloc : memref<!tpu.dma_semaphore, #tpu.memory_space<semaphore_mem>>
      %dma_start3A_233 = arith.constant 0 : i32
      %dma_start3A_234 = tpu.memref_slice %arg12[%add3A_228, %dma_start3A_233] : memref<10240x64xf32, #tpu.memory_space<vmem_shared>> -> memref<128x64xf32, #tpu.memory_space<vmem_shared>>
      %dma_start3A_235 = arith.constant 0 : i32
      %dma_start3A_236 = tpu.memref_slice %arg12[%add3A_228, %dma_start3A_235] : memref<10240x64xf32, #tpu.memory_space<vmem_shared>> -> memref<128x64xf32, #tpu.memory_space<vmem_shared>>
      tpu.enqueue_dma source(%dma_start3A_236 : memref<128x64xf32, #tpu.memory_space<vmem_shared>>) target(%arg9 : memref<128x64xf32, #tpu.memory_space<vmem>>) target_semaphore(%run_scoped3A : memref<!tpu.dma_semaphore, #tpu.memory_space<semaphore_mem>>)
      %dma_wait3A_237 = arith.constant 0 : i32
      %dma_wait3A_238 = tpu.memref_slice %arg12[%add3A_228, %dma_wait3A_237] : memref<10240x64xf32, #tpu.memory_space<vmem_shared>> -> memref<128x64xf32, #tpu.memory_space<vmem_shared>>
      %dma_wait3A_239 = arith.constant 0 : i32
      %dma_wait3A_240 = tpu.memref_slice %arg12[%add3A_228, %dma_wait3A_239] : memref<10240x64xf32, #tpu.memory_space<vmem_shared>> -> memref<128x64xf32, #tpu.memory_space<vmem_shared>>
      tpu.wait_dma2 semaphore(%run_scoped3A : memref<!tpu.dma_semaphore, #tpu.memory_space<semaphore_mem>>) src(%dma_wait3A_240 : memref<128x64xf32, #tpu.memory_space<vmem_shared>>) dst(%arg9 : memref<128x64xf32, #tpu.memory_space<vmem>>)
      tpu.yield
    }) : () -> ()
    "tpu.region"() ({
      %run_scoped3A = tpu.sem_alloc : memref<!tpu.dma_semaphore, #tpu.memory_space<semaphore_mem>>
      %dma_start3A_233 = arith.constant 0 : i32
      %dma_start3A_234 = tpu.memref_slice %arg6[%arg0, %add3A_228, %dma_start3A_233] : memref<2x10240x64xf32, #tpu.memory_space<hbm>> -> memref<1x128x64xf32, #tpu.memory_space<hbm>>
      %dma_start3A_235 = tpu.memref_squeeze %dma_start3A_234 : memref<1x128x64xf32, #tpu.memory_space<hbm>> -> memref<128x64xf32, #tpu.memory_space<hbm>>
      %dma_start3A_236 = arith.constant 0 : i32
      %dma_start3A_237 = tpu.memref_slice %arg6[%arg0, %add3A_228, %dma_start3A_236] : memref<2x10240x64xf32, #tpu.memory_space<hbm>> -> memref<1x128x64xf32, #tpu.memory_space<hbm>>
      %dma_start3A_238 = tpu.memref_squeeze %dma_start3A_237 : memref<1x128x64xf32, #tpu.memory_space<hbm>> -> memref<128x64xf32, #tpu.memory_space<hbm>>
      tpu.enqueue_dma source(%arg9 : memref<128x64xf32, #tpu.memory_space<vmem>>) target(%dma_start3A_238 : memref<128x64xf32, #tpu.memory_space<hbm>>) target_semaphore(%run_scoped3A : memref<!tpu.dma_semaphore, #tpu.memory_space<semaphore_mem>>)
      %dma_wait3A_239 = arith.constant 0 : i32
      %dma_wait3A_240 = tpu.memref_slice %arg6[%arg0, %add3A_228, %dma_wait3A_239] : memref<2x10240x64xf32, #tpu.memory_space<hbm>> -> memref<1x128x64xf32, #tpu.memory_space<hbm>>
      %dma_wait3A_241 = tpu.memref_squeeze %dma_wait3A_240 : memref<1x128x64xf32, #tpu.memory_space<hbm>> -> memref<128x64xf32, #tpu.memory_space<hbm>>
      %dma_wait3A_242 = arith.constant 0 : i32
      %dma_wait3A_243 = tpu.memref_slice %arg6[%arg0, %add3A_228, %dma_wait3A_242] : memref<2x10240x64xf32, #tpu.memory_space<hbm>> -> memref<1x128x64xf32, #tpu.memory_space<hbm>>
      %dma_wait3A_244 = tpu.memref_squeeze %dma_wait3A_243 : memref<1x128x64xf32, #tpu.memory_space<hbm>> -> memref<128x64xf32, #tpu.memory_space<hbm>>
      tpu.wait_dma2 semaphore(%run_scoped3A : memref<!tpu.dma_semaphore, #tpu.memory_space<semaphore_mem>>) src(%arg9 : memref<128x64xf32, #tpu.memory_space<vmem>>) dst(%dma_wait3A_244 : memref<128x64xf32, #tpu.memory_space<hbm>>)
      tpu.yield
    }) : () -> ()
    %mul3A_229 = arith.constant 640 : i32
    %mul3A_230 = arith.muli %arg1, %mul3A_229 : i32
    %add3A_231 = arith.constant 512 : i32
    %add3A_232 = arith.addi %mul3A_230, %add3A_231 : i32
    "tpu.region"() ({
      %run_scoped3A = tpu.sem_alloc : memref<!tpu.dma_semaphore, #tpu.memory_space<semaphore_mem>>
      %dma_start3A_233 = arith.constant 0 : i32
      %dma_start3A_234 = tpu.memref_slice %arg12[%add3A_232, %dma_start3A_233] : memref<10240x64xf32, #tpu.memory_space<vmem_shared>> -> memref<128x64xf32, #tpu.memory_space<vmem_shared>>
      %dma_start3A_235 = arith.constant 0 : i32
      %dma_start3A_236 = tpu.memref_slice %arg12[%add3A_232, %dma_start3A_235] : memref<10240x64xf32, #tpu.memory_space<vmem_shared>> -> memref<128x64xf32, #tpu.memory_space<vmem_shared>>
      tpu.enqueue_dma source(%dma_start3A_236 : memref<128x64xf32, #tpu.memory_space<vmem_shared>>) target(%arg10 : memref<128x64xf32, #tpu.memory_space<vmem>>) target_semaphore(%run_scoped3A : memref<!tpu.dma_semaphore, #tpu.memory_space<semaphore_mem>>)
      %dma_wait3A_237 = arith.constant 0 : i32
      %dma_wait3A_238 = tpu.memref_slice %arg12[%add3A_232, %dma_wait3A_237] : memref<10240x64xf32, #tpu.memory_space<vmem_shared>> -> memref<128x64xf32, #tpu.memory_space<vmem_shared>>
      %dma_wait3A_239 = arith.constant 0 : i32
      %dma_wait3A_240 = tpu.memref_slice %arg12[%add3A_232, %dma_wait3A_239] : memref<10240x64xf32, #tpu.memory_space<vmem_shared>> -> memref<128x64xf32, #tpu.memory_space<vmem_shared>>
      tpu.wait_dma2 semaphore(%run_scoped3A : memref<!tpu.dma_semaphore, #tpu.memory_space<semaphore_mem>>) src(%dma_wait3A_240 : memref<128x64xf32, #tpu.memory_space<vmem_shared>>) dst(%arg10 : memref<128x64xf32, #tpu.memory_space<vmem>>)
      tpu.yield
    }) : () -> ()
    "tpu.region"() ({
      %run_scoped3A = tpu.sem_alloc : memref<!tpu.dma_semaphore, #tpu.memory_space<semaphore_mem>>
      %dma_start3A_233 = arith.constant 0 : i32
      %dma_start3A_234 = tpu.memref_slice %arg6[%arg0, %add3A_232, %dma_start3A_233] : memref<2x10240x64xf32, #tpu.memory_space<hbm>> -> memref<1x128x64xf32, #tpu.memory_space<hbm>>
      %dma_start3A_235 = tpu.memref_squeeze %dma_start3A_234 : memref<1x128x64xf32, #tpu.memory_space<hbm>> -> memref<128x64xf32, #tpu.memory_space<hbm>>
      %dma_start3A_236 = arith.constant 0 : i32
      %dma_start3A_237 = tpu.memref_slice %arg6[%arg0, %add3A_232, %dma_start3A_236] : memref<2x10240x64xf32, #tpu.memory_space<hbm>> -> memref<1x128x64xf32, #tpu.memory_space<hbm>>
      %dma_start3A_238 = tpu.memref_squeeze %dma_start3A_237 : memref<1x128x64xf32, #tpu.memory_space<hbm>> -> memref<128x64xf32, #tpu.memory_space<hbm>>
      tpu.enqueue_dma source(%arg10 : memref<128x64xf32, #tpu.memory_space<vmem>>) target(%dma_start3A_238 : memref<128x64xf32, #tpu.memory_space<hbm>>) target_semaphore(%run_scoped3A : memref<!tpu.dma_semaphore, #tpu.memory_space<semaphore_mem>>)
      %dma_wait3A_239 = arith.constant 0 : i32
      %dma_wait3A_240 = tpu.memref_slice %arg6[%arg0, %add3A_232, %dma_wait3A_239] : memref<2x10240x64xf32, #tpu.memory_space<hbm>> -> memref<1x128x64xf32, #tpu.memory_space<hbm>>
      %dma_wait3A_241 = tpu.memref_squeeze %dma_wait3A_240 : memref<1x128x64xf32, #tpu.memory_space<hbm>> -> memref<128x64xf32, #tpu.memory_space<hbm>>
      %dma_wait3A_242 = arith.constant 0 : i32
      %dma_wait3A_243 = tpu.memref_slice %arg6[%arg0, %add3A_232, %dma_wait3A_242] : memref<2x10240x64xf32, #tpu.memory_space<hbm>> -> memref<1x128x64xf32, #tpu.memory_space<hbm>>
      %dma_wait3A_244 = tpu.memref_squeeze %dma_wait3A_243 : memref<1x128x64xf32, #tpu.memory_space<hbm>> -> memref<128x64xf32, #tpu.memory_space<hbm>>
      tpu.wait_dma2 semaphore(%run_scoped3A : memref<!tpu.dma_semaphore, #tpu.memory_space<semaphore_mem>>) src(%arg10 : memref<128x64xf32, #tpu.memory_space<vmem>>) dst(%dma_wait3A_244 : memref<128x64xf32, #tpu.memory_space<hbm>>)
      tpu.yield
    }) : () -> ()
    return
  }
}

module attributes {stable_mosaic.version = 14 : i64} {
  func.func @_proj_body(%arg0: i32, %arg1: memref<1024x128xf32, #tpu.memory_space<vmem>>, %arg2: memref<128x64xf32, #tpu.memory_space<vmem>>, %arg3: memref<64xf32, #tpu.memory_space<vmem>>, %arg4: memref<1024x64xf32, #tpu.memory_space<vmem>>) attributes {dimension_semantics = [#tpu.dimension_semantics<arbitrary>], iteration_bounds = array<i64: 10>, scalar_prefetch = 0 : i64, scratch_operands = 0 : i64, tpu.core_type = #tpu.core_type<tc>, window_params = [{transform_indices = @transform_0, window_bounds = array<i64: 1024, 128>}, {pipeline_mode = #tpu.pipeline_mode<synchronous>, transform_indices = @transform_1, window_bounds = array<i64: 128, 64>}, {pipeline_mode = #tpu.pipeline_mode<synchronous>, transform_indices = @transform_2, window_bounds = array<i64: 64>}, {transform_indices = @transform_3, window_bounds = array<i64: 1024, 64>}]} {
    %get3A = arith.constant 0 : index
    %get3A_0 = arith.constant 0 : index
    %get3A_1 = vector.load %arg1[%get3A, %get3A_0] : memref<1024x128xf32, #tpu.memory_space<vmem>>, vector<1024x128xf32>
    %get3A_2 = arith.constant 0 : index
    %get3A_3 = arith.constant 0 : index
    %get3A_4 = vector.load %arg2[%get3A_2, %get3A_3] : memref<128x64xf32, #tpu.memory_space<vmem>>, vector<128x64xf32>
    %dot_general3A = arith.constant dense<0.000000e+00> : vector<1024x64xf32>
    %dot_general3A_5 = tpu.matmul %get3A_1, %get3A_4, %dot_general3A {dimension_numbers = #tpu.dot_dimension_numbers<[1], [0], [0], [1], [0, 0, 1, 1], [], []>, transpose_lhs_hint = false} : vector<1024x128xf32>, vector<128x64xf32>, vector<1024x64xf32> -> vector<1024x64xf32>
    %get3A_6 = arith.constant 0 : index
    %get3A_7 = vector.load %arg3[%get3A_6] : memref<64xf32, #tpu.memory_space<vmem>>, vector<64xf32>
    %broadcast_in_dim3A = vector.shape_cast %get3A_7 : vector<64xf32> to vector<1x64xf32>
    %add3A = vector.broadcast %broadcast_in_dim3A : vector<1x64xf32> to vector<1024x64xf32>
    %add3A_8 = arith.addf %dot_general3A_5, %add3A : vector<1024x64xf32>
    %max3A = arith.constant 0.000000e+00 : f32
    %max3A_9 = vector.broadcast %max3A : f32 to vector<1024x64xf32>
    %max3A_10 = arith.maximumf %add3A_8, %max3A_9 : vector<1024x64xf32>
    %swap3A = arith.constant 0 : index
    %swap3A_11 = arith.constant 0 : index
    %swap3A_12 = vector.load %arg4[%swap3A, %swap3A_11] : memref<1024x64xf32, #tpu.memory_space<vmem>>, vector<1024x64xf32>
    tpu.vector_store %arg4[%swap3A, %swap3A_11], %max3A_10 {strides = array<i32>} : memref<1024x64xf32, #tpu.memory_space<vmem>>, vector<1024x64xf32>,
    return
  }
  func.func @transform_0(%arg0: i32) -> (i32, i32) {
    %c0_i32 = arith.constant 0 : i32
    %c0_i32_0 = arith.constant 0 : i32
    return %arg0, %c0_i32 : i32, i32
  }
  func.func @transform_1(%arg0: i32) -> (i32, i32) {
    %c0_i32 = arith.constant 0 : i32
    %c0_i32_0 = arith.constant 0 : i32
    %c0_i32_1 = arith.constant 0 : i32
    return %c0_i32, %c0_i32_0 : i32, i32
  }
  func.func @transform_2(%arg0: i32) -> i32 {
    %c0_i32 = arith.constant 0 : i32
    %c0_i32_0 = arith.constant 0 : i32
    return %c0_i32 : i32
  }
  func.func @transform_3(%arg0: i32) -> (i32, i32) {
    %c0_i32 = arith.constant 0 : i32
    %c0_i32_0 = arith.constant 0 : i32
    return %arg0, %c0_i32 : i32, i32
  }
}

module attributes {stable_mosaic.version = 14 : i64} {
  func.func @_layer_body(%arg0: i32, %arg1: memref<1024x64xf32, #tpu.memory_space<vmem>>, %arg2: memref<1024x64xf32, #tpu.memory_space<vmem>>, %arg3: memref<1024x1xf32, #tpu.memory_space<vmem>>, %arg4: memref<1024x1xf32, #tpu.memory_space<vmem>>, %arg5: memref<1024x64xf32, #tpu.memory_space<vmem>>, %arg6: memref<64x64xf32, #tpu.memory_space<vmem>>, %arg7: memref<64x64xf32, #tpu.memory_space<vmem>>, %arg8: memref<64xf32, #tpu.memory_space<vmem>>, %arg9: memref<64xf32, #tpu.memory_space<vmem>>, %arg10: memref<64xf32, #tpu.memory_space<vmem>>, %arg11: memref<1024x64xf32, #tpu.memory_space<vmem>>) attributes {dimension_semantics = [#tpu.dimension_semantics<arbitrary>], iteration_bounds = array<i64: 10>, scalar_prefetch = 0 : i64, scratch_operands = 0 : i64, tpu.core_type = #tpu.core_type<tc>, window_params = [{transform_indices = @transform_0, window_bounds = array<i64: 1024, 64>}, {transform_indices = @transform_1, window_bounds = array<i64: 1024, 64>}, {transform_indices = @transform_2, window_bounds = array<i64: 1024, 1>}, {transform_indices = @transform_3, window_bounds = array<i64: 1024, 1>}, {transform_indices = @transform_4, window_bounds = array<i64: 1024, 64>}, {pipeline_mode = #tpu.pipeline_mode<synchronous>, transform_indices = @transform_5, window_bounds = array<i64: 64, 64>}, {pipeline_mode = #tpu.pipeline_mode<synchronous>, transform_indices = @transform_6, window_bounds = array<i64: 64, 64>}, {pipeline_mode = #tpu.pipeline_mode<synchronous>, transform_indices = @transform_7, window_bounds = array<i64: 64>}, {pipeline_mode = #tpu.pipeline_mode<synchronous>, transform_indices = @transform_8, window_bounds = array<i64: 64>}, {pipeline_mode = #tpu.pipeline_mode<synchronous>, transform_indices = @transform_9, window_bounds = array<i64: 64>}, {transform_indices = @transform_10, window_bounds = array<i64: 1024, 64>}]} {
    %get3A = arith.constant 0 : index
    %get3A_0 = arith.constant 0 : index
    %get3A_1 = vector.load %arg1[%get3A, %get3A_0] : memref<1024x64xf32, #tpu.memory_space<vmem>>, vector<1024x64xf32>
    %get3A_2 = arith.constant 0 : index
    %get3A_3 = arith.constant 0 : index
    %get3A_4 = vector.load %arg2[%get3A_2, %get3A_3] : memref<1024x64xf32, #tpu.memory_space<vmem>>, vector<1024x64xf32>
    %add3A = arith.addf %get3A_1, %get3A_4 : vector<1024x64xf32>
    %get3A_5 = arith.constant 0 : index
    %get3A_6 = arith.constant 0 : index
    %get3A_7 = vector.load %arg3[%get3A_5, %get3A_6] : memref<1024x1xf32, #tpu.memory_space<vmem>>, vector<1024x1xf32>
    %get3A_8 = arith.constant 0 : index
    %get3A_9 = arith.constant 0 : index
    %get3A_10 = vector.load %arg4[%get3A_8, %get3A_9] : memref<1024x1xf32, #tpu.memory_space<vmem>>, vector<1024x1xf32>
    %add3A_11 = arith.addf %get3A_7, %get3A_10 : vector<1024x1xf32>
    %max3A = arith.constant 1.000000e+00 : f32
    %max3A_12 = vector.broadcast %max3A : f32 to vector<1024x1xf32>
    %max3A_13 = arith.maximumf %add3A_11, %max3A_12 : vector<1024x1xf32>
    %div3A = arith.constant 1.000000e+00 : f32
    %div3A_14 = vector.broadcast %div3A : f32 to vector<1024x1xf32>
    %div3A_15 = arith.divf %div3A_14, %max3A_13 : vector<1024x1xf32>
    %mul3A = vector.broadcast %div3A_15 : vector<1024x1xf32> to vector<1024x64xf32>
    %mul3A_16 = arith.mulf %add3A, %mul3A : vector<1024x64xf32>
    %get3A_17 = arith.constant 0 : index
    %get3A_18 = arith.constant 0 : index
    %get3A_19 = vector.load %arg6[%get3A_17, %get3A_18] : memref<64x64xf32, #tpu.memory_space<vmem>>, vector<64x64xf32>
    %dot_general3A = arith.constant dense<0.000000e+00> : vector<1024x64xf32>
    %dot_general3A_20 = tpu.matmul %mul3A_16, %get3A_19, %dot_general3A {dimension_numbers = #tpu.dot_dimension_numbers<[1], [0], [0], [1], [0, 0, 1, 1], [], []>, transpose_lhs_hint = false} : vector<1024x64xf32>, vector<64x64xf32>, vector<1024x64xf32> -> vector<1024x64xf32>
    %get3A_21 = arith.constant 0 : index
    %get3A_22 = arith.constant 0 : index
    %get3A_23 = vector.load %arg5[%get3A_21, %get3A_22] : memref<1024x64xf32, #tpu.memory_space<vmem>>, vector<1024x64xf32>
    %get3A_24 = arith.constant 0 : index
    %get3A_25 = arith.constant 0 : index
    %get3A_26 = vector.load %arg7[%get3A_24, %get3A_25] : memref<64x64xf32, #tpu.memory_space<vmem>>, vector<64x64xf32>
    %dot_general3A_27 = arith.constant dense<0.000000e+00> : vector<1024x64xf32>
    %dot_general3A_28 = tpu.matmul %get3A_23, %get3A_26, %dot_general3A_27 {dimension_numbers = #tpu.dot_dimension_numbers<[1], [0], [0], [1], [0, 0, 1, 1], [], []>, transpose_lhs_hint = false} : vector<1024x64xf32>, vector<64x64xf32>, vector<1024x64xf32> -> vector<1024x64xf32>
    %add3A_29 = arith.addf %dot_general3A_20, %dot_general3A_28 : vector<1024x64xf32>
    %get3A_30 = arith.constant 0 : index
    %get3A_31 = vector.load %arg8[%get3A_30] : memref<64xf32, #tpu.memory_space<vmem>>, vector<64xf32>
    %broadcast_in_dim3A = vector.shape_cast %get3A_31 : vector<64xf32> to vector<1x64xf32>
    %add3A_32 = vector.broadcast %broadcast_in_dim3A : vector<1x64xf32> to vector<1024x64xf32>
    %add3A_33 = arith.addf %add3A_29, %add3A_32 : vector<1024x64xf32>
    %reduce_sum3A = arith.constant dense<0.000000e+00> : vector<1024xf32>
    %reduce_sum3A_34 = vector.multi_reduction <add>, %add3A_33, %reduce_sum3A [1] : vector<1024x64xf32> to vector<1024xf32>
    %broadcast_in_dim3A_35 = vector.shape_cast %reduce_sum3A_34 : vector<1024xf32> to vector<1024x1xf32>
    %div3A_36 = arith.constant 6.400000e+01 : f32
    %div3A_37 = vector.broadcast %div3A_36 : f32 to vector<1024x1xf32>
    %div3A_38 = arith.divf %broadcast_in_dim3A_35, %div3A_37 : vector<1024x1xf32>
    %sub3A = vector.broadcast %div3A_38 : vector<1024x1xf32> to vector<1024x64xf32>
    %sub3A_39 = arith.subf %add3A_33, %sub3A : vector<1024x64xf32>
    %integer_pow3A = arith.mulf %sub3A_39, %sub3A_39 : vector<1024x64xf32>
    %reduce_sum3A_40 = arith.constant dense<0.000000e+00> : vector<1024xf32>
    %reduce_sum3A_41 = vector.multi_reduction <add>, %integer_pow3A, %reduce_sum3A_40 [1] : vector<1024x64xf32> to vector<1024xf32>
    %broadcast_in_dim3A_42 = vector.shape_cast %reduce_sum3A_41 : vector<1024xf32> to vector<1024x1xf32>
    %div3A_43 = arith.constant 6.400000e+01 : f32
    %div3A_44 = vector.broadcast %div3A_43 : f32 to vector<1024x1xf32>
    %div3A_45 = arith.divf %broadcast_in_dim3A_42, %div3A_44 : vector<1024x1xf32>
    %sub3A_46 = vector.broadcast %div3A_38 : vector<1024x1xf32> to vector<1024x64xf32>
    %sub3A_47 = arith.subf %add3A_33, %sub3A_46 : vector<1024x64xf32>
    %add3A_48 = arith.constant 9.99999974E-6 : f32
    %add3A_49 = vector.broadcast %add3A_48 : f32 to vector<1024x1xf32>
    %add3A_50 = arith.addf %div3A_45, %add3A_49 : vector<1024x1xf32>
    %rsqrt3A = math.rsqrt %add3A_50 : vector<1024x1xf32>
    %mul3A_51 = vector.broadcast %rsqrt3A : vector<1024x1xf32> to vector<1024x64xf32>
    %mul3A_52 = arith.mulf %sub3A_47, %mul3A_51 : vector<1024x64xf32>
    %get3A_53 = arith.constant 0 : index
    %get3A_54 = vector.load %arg9[%get3A_53] : memref<64xf32, #tpu.memory_space<vmem>>, vector<64xf32>
    %broadcast_in_dim3A_55 = vector.shape_cast %get3A_54 : vector<64xf32> to vector<1x64xf32>
    %mul3A_56 = vector.broadcast %broadcast_in_dim3A_55 : vector<1x64xf32> to vector<1024x64xf32>
    %mul3A_57 = arith.mulf %mul3A_52, %mul3A_56 : vector<1024x64xf32>
    %get3A_58 = arith.constant 0 : index
    %get3A_59 = vector.load %arg10[%get3A_58] : memref<64xf32, #tpu.memory_space<vmem>>, vector<64xf32>
    %broadcast_in_dim3A_60 = vector.shape_cast %get3A_59 : vector<64xf32> to vector<1x64xf32>
    %add3A_61 = vector.broadcast %broadcast_in_dim3A_60 : vector<1x64xf32> to vector<1024x64xf32>
    %add3A_62 = arith.addf %mul3A_57, %add3A_61 : vector<1024x64xf32>
    %max3A_63 = arith.constant 0.000000e+00 : f32
    %max3A_64 = vector.broadcast %max3A_63 : f32 to vector<1024x64xf32>
    %max3A_65 = arith.maximumf %add3A_62, %max3A_64 : vector<1024x64xf32>
    %swap3A = arith.constant 0 : index
    %swap3A_66 = arith.constant 0 : index
    %swap3A_67 = vector.load %arg11[%swap3A, %swap3A_66] : memref<1024x64xf32, #tpu.memory_space<vmem>>, vector<1024x64xf32>
    tpu.vector_store %arg11[%swap3A, %swap3A_66], %max3A_65 {strides = array<i32>} : memref<1024x64xf32, #tpu.memory_space<vmem>>, vector<1024x64xf32>,
    return
  }
  func.func @transform_0(%arg0: i32) -> (i32, i32) {
    %c0_i32 = arith.constant 0 : i32
    %c0_i32_0 = arith.constant 0 : i32
    return %arg0, %c0_i32 : i32, i32
  }
  func.func @transform_1(%arg0: i32) -> (i32, i32) {
    %c0_i32 = arith.constant 0 : i32
    %c0_i32_0 = arith.constant 0 : i32
    return %arg0, %c0_i32 : i32, i32
  }
  func.func @transform_2(%arg0: i32) -> (i32, i32) {
    %c0_i32 = arith.constant 0 : i32
    %c0_i32_0 = arith.constant 0 : i32
    return %arg0, %c0_i32 : i32, i32
  }
  func.func @transform_3(%arg0: i32) -> (i32, i32) {
    %c0_i32 = arith.constant 0 : i32
    %c0_i32_0 = arith.constant 0 : i32
    return %arg0, %c0_i32 : i32, i32
  }
  func.func @transform_4(%arg0: i32) -> (i32, i32) {
    %c0_i32 = arith.constant 0 : i32
    %c0_i32_0 = arith.constant 0 : i32
    return %arg0, %c0_i32 : i32, i32
  }
  func.func @transform_5(%arg0: i32) -> (i32, i32) {
    %c0_i32 = arith.constant 0 : i32
    %c0_i32_0 = arith.constant 0 : i32
    %c0_i32_1 = arith.constant 0 : i32
    return %c0_i32, %c0_i32_0 : i32, i32
  }
  func.func @transform_6(%arg0: i32) -> (i32, i32) {
    %c0_i32 = arith.constant 0 : i32
    %c0_i32_0 = arith.constant 0 : i32
    %c0_i32_1 = arith.constant 0 : i32
    return %c0_i32, %c0_i32_0 : i32, i32
  }
  func.func @transform_7(%arg0: i32) -> i32 {
    %c0_i32 = arith.constant 0 : i32
    %c0_i32_0 = arith.constant 0 : i32
    return %c0_i32 : i32
  }
  func.func @transform_8(%arg0: i32) -> i32 {
    %c0_i32 = arith.constant 0 : i32
    %c0_i32_0 = arith.constant 0 : i32
    return %c0_i32 : i32
  }
  func.func @transform_9(%arg0: i32) -> i32 {
    %c0_i32 = arith.constant 0 : i32
    %c0_i32_0 = arith.constant 0 : i32
    return %c0_i32 : i32
  }
  func.func @transform_10(%arg0: i32) -> (i32, i32) {
    %c0_i32 = arith.constant 0 : i32
    %c0_i32_0 = arith.constant 0 : i32
    return %arg0, %c0_i32 : i32, i32
  }
}

module attributes {stable_mosaic.version = 14 : i64} {
  func.func @_final_body(%arg0: i32, %arg1: memref<1024x64xf32, #tpu.memory_space<vmem>>, %arg2: memref<1024x64xf32, #tpu.memory_space<vmem>>, %arg3: memref<1024x1xf32, #tpu.memory_space<vmem>>, %arg4: memref<1024x1xf32, #tpu.memory_space<vmem>>, %arg5: memref<1024x64xf32, #tpu.memory_space<vmem>>, %arg6: memref<64x64xf32, #tpu.memory_space<vmem>>, %arg7: memref<64x64xf32, #tpu.memory_space<vmem>>, %arg8: memref<64xf32, #tpu.memory_space<vmem>>, %arg9: memref<1024xi32, #tpu.memory_space<vmem>>, %arg10: memref<1024x64xf32, #tpu.memory_space<vmem>>, %arg11: memref<16x64xf32, #tpu.memory_space<vmem>>) attributes {dimension_semantics = [#tpu.dimension_semantics<arbitrary>], iteration_bounds = array<i64: 10>, scalar_prefetch = 0 : i64, scratch_operands = 0 : i64, tpu.core_type = #tpu.core_type<tc>, window_params = [{transform_indices = @transform_0, window_bounds = array<i64: 1024, 64>}, {transform_indices = @transform_1, window_bounds = array<i64: 1024, 64>}, {transform_indices = @transform_2, window_bounds = array<i64: 1024, 1>}, {transform_indices = @transform_3, window_bounds = array<i64: 1024, 1>}, {transform_indices = @transform_4, window_bounds = array<i64: 1024, 64>}, {pipeline_mode = #tpu.pipeline_mode<synchronous>, transform_indices = @transform_5, window_bounds = array<i64: 64, 64>}, {pipeline_mode = #tpu.pipeline_mode<synchronous>, transform_indices = @transform_6, window_bounds = array<i64: 64, 64>}, {pipeline_mode = #tpu.pipeline_mode<synchronous>, transform_indices = @transform_7, window_bounds = array<i64: 64>}, {transform_indices = @transform_8, window_bounds = array<i64: 1024>}, {transform_indices = @transform_9, window_bounds = array<i64: 1024, 64>}, {pipeline_mode = #tpu.pipeline_mode<synchronous>, transform_indices = @transform_10, window_bounds = array<i64: 16, 64>}]} {
    %get3A = arith.constant 0 : index
    %get3A_0 = arith.constant 0 : index
    %get3A_1 = vector.load %arg1[%get3A, %get3A_0] : memref<1024x64xf32, #tpu.memory_space<vmem>>, vector<1024x64xf32>
    %get3A_2 = arith.constant 0 : index
    %get3A_3 = arith.constant 0 : index
    %get3A_4 = vector.load %arg2[%get3A_2, %get3A_3] : memref<1024x64xf32, #tpu.memory_space<vmem>>, vector<1024x64xf32>
    %add3A = arith.addf %get3A_1, %get3A_4 : vector<1024x64xf32>
    %get3A_5 = arith.constant 0 : index
    %get3A_6 = arith.constant 0 : index
    %get3A_7 = vector.load %arg3[%get3A_5, %get3A_6] : memref<1024x1xf32, #tpu.memory_space<vmem>>, vector<1024x1xf32>
    %get3A_8 = arith.constant 0 : index
    %get3A_9 = arith.constant 0 : index
    %get3A_10 = vector.load %arg4[%get3A_8, %get3A_9] : memref<1024x1xf32, #tpu.memory_space<vmem>>, vector<1024x1xf32>
    %add3A_11 = arith.addf %get3A_7, %get3A_10 : vector<1024x1xf32>
    %max3A = arith.constant 1.000000e+00 : f32
    %max3A_12 = vector.broadcast %max3A : f32 to vector<1024x1xf32>
    %max3A_13 = arith.maximumf %add3A_11, %max3A_12 : vector<1024x1xf32>
    %div3A = arith.constant 1.000000e+00 : f32
    %div3A_14 = vector.broadcast %div3A : f32 to vector<1024x1xf32>
    %div3A_15 = arith.divf %div3A_14, %max3A_13 : vector<1024x1xf32>
    %mul3A = vector.broadcast %div3A_15 : vector<1024x1xf32> to vector<1024x64xf32>
    %mul3A_16 = arith.mulf %add3A, %mul3A : vector<1024x64xf32>
    %get3A_17 = arith.constant 0 : index
    %get3A_18 = arith.constant 0 : index
    %get3A_19 = vector.load %arg6[%get3A_17, %get3A_18] : memref<64x64xf32, #tpu.memory_space<vmem>>, vector<64x64xf32>
    %dot_general3A = arith.constant dense<0.000000e+00> : vector<1024x64xf32>
    %dot_general3A_20 = tpu.matmul %mul3A_16, %get3A_19, %dot_general3A {dimension_numbers = #tpu.dot_dimension_numbers<[1], [0], [0], [1], [0, 0, 1, 1], [], []>, transpose_lhs_hint = false} : vector<1024x64xf32>, vector<64x64xf32>, vector<1024x64xf32> -> vector<1024x64xf32>
    %get3A_21 = arith.constant 0 : index
    %get3A_22 = arith.constant 0 : index
    %get3A_23 = vector.load %arg5[%get3A_21, %get3A_22] : memref<1024x64xf32, #tpu.memory_space<vmem>>, vector<1024x64xf32>
    %get3A_24 = arith.constant 0 : index
    %get3A_25 = arith.constant 0 : index
    %get3A_26 = vector.load %arg7[%get3A_24, %get3A_25] : memref<64x64xf32, #tpu.memory_space<vmem>>, vector<64x64xf32>
    %dot_general3A_27 = arith.constant dense<0.000000e+00> : vector<1024x64xf32>
    %dot_general3A_28 = tpu.matmul %get3A_23, %get3A_26, %dot_general3A_27 {dimension_numbers = #tpu.dot_dimension_numbers<[1], [0], [0], [1], [0, 0, 1, 1], [], []>, transpose_lhs_hint = false} : vector<1024x64xf32>, vector<64x64xf32>, vector<1024x64xf32> -> vector<1024x64xf32>
    %add3A_29 = arith.addf %dot_general3A_20, %dot_general3A_28 : vector<1024x64xf32>
    %get3A_30 = arith.constant 0 : index
    %get3A_31 = vector.load %arg8[%get3A_30] : memref<64xf32, #tpu.memory_space<vmem>>, vector<64xf32>
    %broadcast_in_dim3A = vector.shape_cast %get3A_31 : vector<64xf32> to vector<1x64xf32>
    %add3A_32 = vector.broadcast %broadcast_in_dim3A : vector<1x64xf32> to vector<1024x64xf32>
    %add3A_33 = arith.addf %add3A_29, %add3A_32 : vector<1024x64xf32>
    %swap3A = arith.constant 0 : index
    %swap3A_34 = arith.constant 0 : index
    %swap3A_35 = vector.load %arg10[%swap3A, %swap3A_34] : memref<1024x64xf32, #tpu.memory_space<vmem>>, vector<1024x64xf32>
    tpu.vector_store %arg10[%swap3A, %swap3A_34], %add3A_33 {strides = array<i32>} : memref<1024x64xf32, #tpu.memory_space<vmem>>, vector<1024x64xf32>,
    %iota3A = tpu.iota {dimensions = array<i32: 0>} : vector<16x1024xi32>
    %get3A_36 = arith.constant 0 : index
    %get3A_37 = vector.load %arg9[%get3A_36] : memref<1024xi32, #tpu.memory_space<vmem>>, vector<1024xi32>
    %broadcast_in_dim3A_38 = vector.shape_cast %get3A_37 : vector<1024xi32> to vector<1x1024xi32>
    %eq3A = vector.broadcast %broadcast_in_dim3A_38 : vector<1x1024xi32> to vector<16x1024xi32>
    %eq3A_39 = arith.cmpi eq, %iota3A, %eq3A : vector<16x1024xi32>
    %convert_element_type3A = arith.extui %eq3A_39 : vector<16x1024xi1> to vector<16x1024xi32>
    %convert_element_type3A_40 = arith.sitofp %convert_element_type3A : vector<16x1024xi32> to vector<16x1024xf32>
    %dot_general3A_41 = arith.constant dense<0.000000e+00> : vector<16x64xf32>
    %dot_general3A_42 = tpu.matmul %convert_element_type3A_40, %add3A_33, %dot_general3A_41 {dimension_numbers = #tpu.dot_dimension_numbers<[1], [0], [0], [1], [0, 0, 1, 1], [], []>, transpose_lhs_hint = false} : vector<16x1024xf32>, vector<1024x64xf32>, vector<16x64xf32> -> vector<16x64xf32>
    %eq3A_43 = arith.constant 0 : i32
    %eq3A_44 = arith.cmpi eq, %arg0, %eq3A_43 : i32
    %convert_element_type3A_45 = arith.extui %eq3A_44 : i1 to i32
    %cond3A = arith.constant 0 : i32
    %cond3A_46 = arith.cmpi ne, %convert_element_type3A_45, %cond3A : i32
    scf.if %cond3A_46 {
      %broadcast_in_dim3A_54 = arith.constant 0.000000e+00 : f32
      %broadcast_in_dim3A_55 = vector.broadcast %broadcast_in_dim3A_54 : f32 to vector<16x64xf32>
      %swap3A_56 = arith.constant 0 : index
      %swap3A_57 = arith.constant 0 : index
      %swap3A_58 = vector.load %arg11[%swap3A_56, %swap3A_57] : memref<16x64xf32, #tpu.memory_space<vmem>>, vector<16x64xf32>
      tpu.vector_store %arg11[%swap3A_56, %swap3A_57], %broadcast_in_dim3A_55 {strides = array<i32>} : memref<16x64xf32, #tpu.memory_space<vmem>>, vector<16x64xf32>,
    } else {
    }
    %get3A_47 = arith.constant 0 : index
    %get3A_48 = arith.constant 0 : index
    %get3A_49 = vector.load %arg11[%get3A_47, %get3A_48] : memref<16x64xf32, #tpu.memory_space<vmem>>, vector<16x64xf32>
    %add3A_50 = arith.addf %get3A_49, %dot_general3A_42 : vector<16x64xf32>
    %swap3A_51 = arith.constant 0 : index
    %swap3A_52 = arith.constant 0 : index
    %swap3A_53 = vector.load %arg11[%swap3A_51, %swap3A_52] : memref<16x64xf32, #tpu.memory_space<vmem>>, vector<16x64xf32>
    tpu.vector_store %arg11[%swap3A_51, %swap3A_52], %add3A_50 {strides = array<i32>} : memref<16x64xf32, #tpu.memory_space<vmem>>, vector<16x64xf32>,
    return
  }
  func.func @transform_0(%arg0: i32) -> (i32, i32) {
    %c0_i32 = arith.constant 0 : i32
    %c0_i32_0 = arith.constant 0 : i32
    return %arg0, %c0_i32 : i32, i32
  }
  func.func @transform_1(%arg0: i32) -> (i32, i32) {
    %c0_i32 = arith.constant 0 : i32
    %c0_i32_0 = arith.constant 0 : i32
    return %arg0, %c0_i32 : i32, i32
  }
  func.func @transform_2(%arg0: i32) -> (i32, i32) {
    %c0_i32 = arith.constant 0 : i32
    %c0_i32_0 = arith.constant 0 : i32
    return %arg0, %c0_i32 : i32, i32
  }
  func.func @transform_3(%arg0: i32) -> (i32, i32) {
    %c0_i32 = arith.constant 0 : i32
    %c0_i32_0 = arith.constant 0 : i32
    return %arg0, %c0_i32 : i32, i32
  }
  func.func @transform_4(%arg0: i32) -> (i32, i32) {
    %c0_i32 = arith.constant 0 : i32
    %c0_i32_0 = arith.constant 0 : i32
    return %arg0, %c0_i32 : i32, i32
  }
  func.func @transform_5(%arg0: i32) -> (i32, i32) {
    %c0_i32 = arith.constant 0 : i32
    %c0_i32_0 = arith.constant 0 : i32
    %c0_i32_1 = arith.constant 0 : i32
    return %c0_i32, %c0_i32_0 : i32, i32
  }
  func.func @transform_6(%arg0: i32) -> (i32, i32) {
    %c0_i32 = arith.constant 0 : i32
    %c0_i32_0 = arith.constant 0 : i32
    %c0_i32_1 = arith.constant 0 : i32
    return %c0_i32, %c0_i32_0 : i32, i32
  }
  func.func @transform_7(%arg0: i32) -> i32 {
    %c0_i32 = arith.constant 0 : i32
    %c0_i32_0 = arith.constant 0 : i32
    return %c0_i32 : i32
  }
  func.func @transform_8(%arg0: i32) -> i32 {
    %c0_i32 = arith.constant 0 : i32
    return %arg0 : i32
  }
  func.func @transform_9(%arg0: i32) -> (i32, i32) {
    %c0_i32 = arith.constant 0 : i32
    %c0_i32_0 = arith.constant 0 : i32
    return %arg0, %c0_i32 : i32, i32
  }
  func.func @transform_10(%arg0: i32) -> (i32, i32) {
    %c0_i32 = arith.constant 0 : i32
    %c0_i32_0 = arith.constant 0 : i32
    %c0_i32_1 = arith.constant 0 : i32
    return %c0_i32, %c0_i32_0 : i32, i32
  }
}

</mosaic_0001>

<sc_bundles>
// kernel: kernel.12.cloned.1.call-start
scs
__scs_entry_jumppad:
0x0: {  	(pc) =	sbr.rel $0x88, $3  }
0x1: {  	(tag) =	ssettag $0x0;
	lr =	simm.s32 $0x1  }
0x2: {  	[smem:$0x3F8F] =	sst lr;
	_ =	strace $0xD0000000  }
0x3: {  	_ = 	snop  }
0x4: {  	_ = 	snop  }
0x5: {  	_ = 	snop  }
0x6: {  	_ = 	snop  }
0x7: {  	_ = 	snop  }
__scs_overlays_trampoline_lowered:
0x8: {  	[smem:$0x3F9E] =	sst s0  }
0x9: {  	[smem:$0x3F9F] =	sst s1  }
0xa: {  	[smem:$0x3FA0] =	sst s2  }
0xb: {  	[smem:$0x3FA1] =	sst s3  }
0xc: {  	[smem:$0x3FA2] =	sst s4  }
0xd: {  	[smem:$0x3FA3] =	sst s5  }
0xe: {  	[smem:$0x3FA4] =	sst s6  }
0xf: {  	[smem:$0x3FA5] =	sst s7  }
0x10: {  	[smem:$0x3FA6] =	sst s8  }
0x11: {  	[smem:$0x3FA7] =	sst s9;
	s0 =	simm.s32 @!p0 $0x0  }
0x12: {  	s1 =	sld [smem:$0x3F8D];
	s0 =	simm.s32 @p0 $0x1  }
0x13: {  	[smem:$0x3FA8] =	sst s0;
	s0 =	simm.s32 @!p1 $0x0  }
0x14: {  	s2 =	sld [smem:$0x3F8C];
	s0 =	simm.s32 @p1 $0x1  }
0x15: {  	[smem:$0x3FA9] =	sst s0;
	s0 =	simm.s32 @!p2 $0x0  }
0x16: {  	s3 =	sld [smem:$0x3FDB];
	s0 =	simm.s32 @p2 $0x1  }
0x17: {  	s4 =	simm.s32 $0x1BF5;
	[smem:$0x3FAB] =	sst s0  }
0x18: {  	s0 =	sld [smem:$0x3F8E];
	_ =	swait.ge [sflag:s4], $0x0  }
0x19: {  	s7 =	sld [smem:$0x3F8F]  }
0x1a: {  	s8 =	sadd.s32 $0xFFFFE003, lr  }
0x1b: {  	s9 =	sadd.s32 $0xFFFFFEF7, lr;
	s5 =	simm.s32 $0xFFFFFFFF;
	p2 =	slt.u32 s8, $0xFFFFF086  }
0x1c: {  	p1 =	slt.u32 s9, $0xF7A;
	s5 =	simm.s32 @!p2 $0x0  }
0x1d: {  	s5 =	simm.s32 @p1 $0x1;
	p0 =	seq.s32 s7, s2  }
0x1e: {  	s7 =	smul.u32 @!p0 $0xF7A, s2;
	p2 =	seq.s32 @!p0 s5, $0x0  }
0x1f: {  	s9 =	smul.u32 $0xF7A, s1;
	s8 =	simm.s32 @!p0 $0x1BF5;
	p2 =	por !p2, p0  }
0x20: {  	[sflag:s8] =	ssyncset.s32 @!p0 $0xFFFFF086;
	s6 =	sadd.s32 @!p0 s3, s7;
	s7 =	simm.s32 @!p0 $0x108  }
0x21: {  	s3 =	sadd.s32 s3, s9;
	s6 =	sadd.s32 @!p0 $0x88, s6;
	s7 =	simm.s32 @p2 $0x1082  }
0x22: {  	[simem:s7], [sflag:s8] =	dma.local @!p0 [hbm:s6], $0xF7A  }
0x23: {  	s9 =	sor.u32 $0xD0000000, s2;
	s6 =	simm.s32 $0x108;
	_ =	swait.ge @!p0 [sflag:s8], $0x0  }
0x24: {  	s3 =	sadd.s32 $0x88, s3;
	s6 =	simm.s32 @!p1 $0x1082;
	[sflag:s4] =	ssyncset.s32 $0xFFFFF086  }
0x25: {  	[simem:s6], [sflag:s4] =	dma.local [hbm:s3], $0xF7A  }
0x26: {  	[smem:$0x3F8F] =	sst s1;
	(tag) =	ssettag s2;
	_ =	strace s9  }
0x27: {  	s1 =	sld [smem:$0x3F9F]  }
0x28: {  	s2 =	sld [smem:$0x3FA0]  }
0x29: {  	s4 =	sld [smem:$0x3FA2]  }
0x2a: {  	p0 =	seq.s32 s5, $0x0;
	s5 =	sld [smem:$0x3FA3]  }
0x2b: {  	s6 =	sld [smem:$0x3FA4]  }
0x2c: {  	s7 =	sld [smem:$0x3FA5]  }
0x2d: {  	s3 =	simm.s32 $0x108;
	s8 =	sld [smem:$0x3FA6]  }
0x2e: {  	s3 =	simm.s32 @!p0 $0x1082;
	s9 =	sld [smem:$0x3FA7]  }
0x2f: {  	lr =	sadd.s32 s0, s3;
	s0 =	sld [smem:$0x3F9E]  }
0x30: {  	s3 =	sld [smem:$0x3FA1]  }
0x31: {  	[smem:$0x3FAA] =	sst s10  }
0x32: {  	s10 =	sld [smem:$0x3FA8];
	_ =	sdelay $0x3  }
0x33: {  	p0 =	seq.s32 s10, $0x1;
	s10 =	sld [smem:$0x3FAA];
	_ =	sdelay $0x3  }
0x34: {  	[smem:$0x3FAA] =	sst s10  }
0x35: {  	s10 =	sld [smem:$0x3FA9];
	_ =	sdelay $0x3  }
0x36: {  	p1 =	seq.s32 s10, $0x1;
	s10 =	sld [smem:$0x3FAA];
	_ =	sdelay $0x3  }
0x37: {  	[smem:$0x3FAA] =	sst s10  }
0x38: {  	s10 =	sld [smem:$0x3FAB]  }
0x39: {  	_ = 	snop;
	(pc) =	sbr.ind lr, $3  }
0x3a: {  	_ = 	snop  }
0x3b: {  	_ = 	snop  }
0x3c: {  	p2 =	seq.s32 s10, $0x1;
	s10 =	sld [smem:$0x3FAA]  }
0x3d: {  	_ =	shalt  }
0x3e: {  	_ =	shalt  }
0x3f: {  	_ =	shalt  }
0x40: {  	_ =	shalt  }
0x41: {  	_ =	shalt  }
0x42: {  	_ =	shalt  }
0x43: {  	_ =	shalt  }
0x44: {  	_ =	shalt  }
0x45: {  	_ =	shalt  }
0x46: {  	_ =	shalt  }
0x47: {  	_ =	shalt  }
0x48: {  	_ =	shalt  }
0x49: {  	_ =	shalt  }
0x4a: {  	_ =	shalt  }
0x4b: {  	_ =	shalt  }
0x4c: {  	_ =	shalt  }
0x4d: {  	_ =	shalt  }
0x4e: {  	_ =	shalt  }
0x4f: {  	_ =	shalt  }
0x50: {  	_ =	shalt  }
0x51: {  	_ =	shalt  }
0x52: {  	_ =	shalt  }
0x53: {  	_ =	shalt  }
0x54: {  	_ =	shalt  }
0x55: {  	_ =	shalt  }
0x56: {  	_ =	shalt  }
0x57: {  	_ =	shalt  }
0x58: {  	_ =	shalt  }
0x59: {  	_ =	shalt  }
0x5a: {  	_ =	shalt  }
0x5b: {  	_ =	shalt  }
0x5c: {  	_ =	shalt  }
0x5d: {  	_ =	shalt  }
0x5e: {  	_ =	shalt  }
0x5f: {  	_ =	shalt  }
0x60: {  	_ =	shalt  }
0x61: {  	_ =	shalt  }
0x62: {  	_ =	shalt  }
0x63: {  	_ =	shalt  }
0x64: {  	_ =	shalt  }
0x65: {  	_ =	shalt  }
0x66: {  	_ =	shalt  }
0x67: {  	_ =	shalt  }
0x68: {  	_ =	shalt  }
0x69: {  	_ =	shalt  }
0x6a: {  	_ =	shalt  }
0x6b: {  	_ =	shalt  }
0x6c: {  	_ =	shalt  }
0x6d: {  	_ =	shalt  }
0x6e: {  	_ =	shalt  }
0x6f: {  	_ =	shalt  }
0x70: {  	_ =	shalt  }
0x71: {  	_ =	shalt  }
0x72: {  	_ =	shalt  }
0x73: {  	_ =	shalt  }
0x74: {  	_ =	shalt  }
0x75: {  	_ =	shalt  }
0x76: {  	_ =	shalt  }
0x77: {  	_ =	shalt  }
0x78: {  	_ =	shalt  }
0x79: {  	_ =	shalt  }
0x7a: {  	_ =	shalt  }
0x7b: {  	_ =	shalt  }
0x7c: {  	_ =	shalt  }
0x7d: {  	_ =	shalt  }
0x7e: {  	_ =	shalt  }
0x7f: {  	_ =	shalt  }
0x80: {  	_ =	shalt  }
0x81: {  	_ =	shalt  }
0x82: {  	_ =	shalt  }
0x83: {  	_ =	shalt  }
0x84: {  	_ =	shalt  }
0x85: {  	_ =	shalt  }
0x86: {  	_ =	shalt  }
0x87: {  	_ =	shalt  }
.Lfunc_end0:
.L_simem_size_0:
called_computation.1_lowered:
.L_overlay_start_0:
0x88: {  	s2 =	sld [smem:$0x3FD9]  }
0x89: {  	s3 =	sld [smem:$0x3FFE];
	_ =	sdelay $0x1  }
0x8a: {  	s1 =	srdreg.scid  }
0x8b: {  	s0 =	sand.u32 $0x1, s1  }
0x8c: {  	s14 =	sshll.u32 s0, $0xA;
	s2 =	sadd.s32 s3, s2  }
0x8d: {  	s2 =	sadd.s32 s2, s14  }
0x8e: {  	[smem:$0x3FB6] =	sst s2  }
0x8f: {  	_ = 	snop  }
0x90: {  	s2 =	sld [smem:$0x3FD0];
	_ =	sdelay $0x2  }
0x91: {  	s15 =	simm.s32 $0xA;
	s4 =	simm.s32 $0x10  }
0x92: {  	[smem:s4], [sflag:s15] =	dma.local [hbm:s2], $0x1  }
0x93: {  	_ =	swait.eq [sflag:s15], $0x1  }
0x94: {  	[sflag:s15] =	ssyncset.done $0x0  }
0x95: {  	[sflag:s15] =	ssyncadd.s32 $0xFFFFFFFF  }
0x96: {  	s16 =	sld [smem:$0x10];
	(tm) =	ssettm $0x1  }
0x97: {  	s17 =	sld [smem:$0x3FFB];
	_ =	sdelay $0x3  }
0x98: {  	_ =	strace s17  }
0x99: {  	s3 =	sld [smem:$0x3FFC];
	_ =	sdelay $0x3  }
0x9a: {  	_ =	strace s3  }
0x9b: {  	s3 =	sld [smem:$0x3FFD];
	_ =	sdelay $0x3  }
0x9c: {  	_ =	strace s3  }
0x9d: {  	_ =	strace $0x8FFFFFFF  }
0x9e: {  	s18 =	sld [smem:$0x3FDB];
	_ =	sdelay $0x1  }
0x9f: {  	s19 =	simm.s32 $_scs_section_size  }
0xa0: {  	s5 =	simm.s32 $_size__tile_overlayer_lowered;
	s6 =	simm.s32 $_tile_overlayer_lowered  }
0xa1: {  	s22 =	simm.s32 $0x1BFF;
	s21 =	sshll.u32 s6, $0x1;
	s3 =	sadd.s32 s19, s18  }
0xa2: {  	s7 =	simm.s32 $0x0;
	s20 =	sshll.u32 s5, $0x1;
	s5 =	sadd.s32 s21, s3  }
0xa3: {  	[timem:s7], [sflag:s22] =	dma.local [hbm:s5], s20  }
0xa4: {  	_ =	swait.ge [sflag:s22], s20  }
0xa5: {  	s4 =	ssub.s32 $0x0, s20;
	[sflag:s22] =	ssyncset.done $0x0  }
0xa6: {  	[sflag:s22] =	ssyncadd.s32 s4;
	_ =	sdelay $0x1  }
0xa7: {  	s23 =	simm.s32 $0x1B8B  }
0xa8: {  	_ =	swait.ge [sflag:s23], $0x1  }
0xa9: {  	[sflag:s23] =	ssyncset.done $0x0  }
0xaa: {  	s25 =	simm.s32 $0x1B8E;
	s24 =	sld [smem:$0x3FFE];
	[sflag:s23] =	ssyncadd.s32 $0xFFFFFFFF  }
0xab: {  	s26 =	simm.s32 $execute0_lowered;
	[smem:$0x3FD2] =	sst s25  }
0xac: {  	s5 =	sshll.u32 s26, $0x1;
	_ =	strace $0x80000049;
	[dreg:$0x1] =	wrdreg $0xFFFFFFFF  }
0xad: {  	s28 =	simm.s32 $_size_execute0_lowered;
	s3 =	sadd.s32 s3, s5;
	[dreg:$0x0] =	wrdreg $0x0  }
0xae: {  	s5 =	sshll.u32 s28, $0x1;
	[dreg:$0x2] =	wrdreg s3  }
0xaf: {  	[dreg:$0x3] =	wrdreg s5  }
0xb0: {  	[dreg:$0x4] =	wrdreg $0xC0  }
0xb1: {  	_ =	task [dreg:s7], $0x5FFFF  }
0xb2: {  	[dreg:$0x1] =	wrdreg $0xFFFFFFFF  }
0xb3: {  	[dreg:$0x0] =	wrdreg $0x60  }
0xb4: {  	[dreg:$0x2] =	wrdreg s24  }
0xb5: {  	[dreg:$0x3] =	wrdreg s16  }
0xb6: {  	[dreg:$0x4] =	wrdreg $0xB1000  }
0xb7: {  	[dreg:$0x5] =	wrdreg $0x151000  }
0xb8: {  	[dreg:$0x6] =	wrdreg $0x9  }
0xb9: {  	_ =	task.clear_ibuf [dreg:s7], $0x7FFFF;
	_ =	strace $0x90000049  }
0xba: {  	s29 =	simm.s32 $0x9;
	_ =	strace $0x8000004B  }
0xbb: {  	_ =	swait.ge [sflag:s29], $0x1  }
0xbc: {  	[sflag:s29] =	ssyncadd.s32 $0xFFFFFFFF  }
0xbd: {  	_ =	strace $0x9000004B  }
0xbe: {  	_ =	sfence  }
0xbf: {  	s30 =	sld [smem:$0x0];
	_ =	sdelay $0x2  }
0xc0: {  	s31 =	sshll.u32 s1, $0xD;
	s1 =	sshrl.u32 s1, $0x2  }
0xc1: {  	s3 =	sand.u32 $0x4000, s31;
	s1 =	sadd.s32 s1, s30  }
0xc2: {  	s0 =	sor.u32 s3, s0;
	s1 =	sshll.u32 s1, $0x11  }
0xc3: {  	s0 =	sor.u32 s1, s0  }
0xc4: {  	s0 =	sadd.s32 $0x8F2B, s0  }
0xc5: {  	[sflag:s0] =	ssyncadd.remote.s32 $0x1  }
0xc6: {  	_ =	sfence.sel $0xFFFF  }
0xc7: {  	[dreg:$0x0] =	wrdreg $0xFFFFFFFF;
	(pc) =	sbr.abs _section_cstart, $3  }
0xc8: {  	[dreg:$0x1] =	wrdreg $0xFFFFFFFF  }
0xc9: {  	_ =	task.clear_ibuf [dreg:s7], $0x2FFFF;
	_ =	strace $0x9FFFFFFF  }
0xca: {  	(tm) =	ssettm $0x7FFFFFFF  }
0xcb: {  	_ =	shalt  }
tec
execute0_lowered:
.L_overlay_start_1:
0x0: {  	(tag) =	ssettag $0x1  }
0x1: {  	s0 =	rddreg [dreg:$0x0]  }
0x2: {  	s1 =	rddreg [dreg:$0x1]  }
0x3: {  	s2 =	rddreg [dreg:$0x2];
	s4 =	srdreg.scid  }
0x4: {  	s11 =	stileid.u32;
	s3 =	rddreg [dreg:$0x3];
	s30 =	simm.s32 $0x5  }
0x5: {  	s31 =	simm.s32 $0x2880;
	s5 =	sand.u32 $0x1, s4;
	s6 =	sshll.u32 s11, $0x1  }
0x6: {  	s4 =	simm.s32 $0x0;
	s7 =	sadd.s32 $0x3800, s0;
	s11 =	smul.u32 $0xA000, s11  }
0x7: {  	s6 =	sor.u32 s5, s6;
	s8 =	ssub.s32 $0x2, s5;
	s5 =	smul.u32 $0xA0000, s5  }
0x8: {  	s12 =	sadd.s32 $0x49A00, s0;
	[smem:$0x7FF] =	sst s4;
	s6 =	smul.u32 $0x510, s6  }
0x9: {  	_ =	strace $0x8000004A;
	s10 =	sshrl.u32 s8, $0x1;
	[dreg:$0x5] =	wrdreg s12  }
0xa: {  	s17 =	sshrl.u32 s11, $0x3;
	s12 =	sadd.s32 $0x6000, s11;
	s13 =	sadd.s32 $0x8000, s11  }
0xb: {  	s10 =	ssub.s32 s8, s10;
	s8 =	sadd.s32 s11, s2;
	s20 =	sshrl.u32 s12, $0x3  }
0xc: {  	s21 =	sadd.s32 s11, s5;
	s15 =	sshrl.u32 s13, $0x3;
	s26 =	sadd.s32 s5, s12  }
0xd: {  	s28 =	sadd.s32 s13, s3;
	s9 =	sadd.s32 s6, s0;
	s0 =	sadd.s32 $0x17800, s0  }
0xe: {  	s1 =	sadd.s32 s1, s6;
	s6 =	sadd.s32 $0x4000, s11;
	s29 =	smax.u32 s10, $0x1  }
0xf: {  	s10 =	simm.s32 $0x4;
	[dreg:$0x6] =	wrdreg s1;
	s16 =	sadd.s32 $0x3F800, s9  }
0x10: {  	s1 =	sadd.s32 $0x2000, s11;
	s9 =	sadd.s32 s7, s17;
	[dreg:$0x7] =	wrdreg s16  }
0x11: {  	s14 =	sshrl.u32 s6, $0x3;
	s25 =	sadd.s32 s5, s6;
	[dreg:$0x8] =	wrdreg s9  }
0x12: {  	s18 =	sshrl.u32 s1, $0x3;
	s19 =	sadd.s32 s7, s14;
	s22 =	sadd.s32 s5, s1  }
0x13: {  	s5 =	sadd.s32 s5, s13;
	s9 =	sadd.s32 s7, s18;
	[dreg:$0xa] =	wrdreg s19  }
0x14: {  	s14 =	sshrl.u32 s22, $0x3;
	s5 =	sshrl.u32 s5, $0x3;
	s19 =	sadd.s32 s1, s2  }
0x15: {  	s22 =	sadd.s32 s6, s2;
	[dreg:$0x9] =	wrdreg s9;
	s9 =	sadd.s32 s7, s20  }
0x16: {  	s7 =	sadd.s32 s7, s15;
	s24 =	sadd.s32 s0, s14;
	s18 =	sadd.s32 s0, s5  }
0x17: {  	s20 =	sadd.s32 s11, s3;
	s5 =	simm.s32 $0x80;
	[dreg:$0xb] =	wrdreg s9  }
0x18: {  	s11 =	simm.s32 $0x3;
	s9 =	sshrl.u32 s21, $0x3;
	[dreg:$0xc] =	wrdreg s7  }
0x19: {  	[dreg:$0xe] =	wrdreg s24;
	s7 =	sshrl.u32 s25, $0x3;
	s21 =	sadd.s32 s1, s3  }
0x1a: {  	s24 =	sadd.s32 s12, s2;
	s25 =	sadd.s32 s12, s3;
	s1 =	simm.s32 $0x5100  }
0x1b: {  	s12 =	simm.s32 $0x0;
	s23 =	sadd.s32 s0, s9;
	s9 =	sshrl.u32 s26, $0x3  }
0x1c: {  	s16 =	sadd.s32 s0, s7;
	s26 =	sadd.s32 s13, s2;
	s7 =	simm.s32 $0x9100  }
0x1d: {  	[dreg:$0xd] =	wrdreg s23;
	s17 =	sadd.s32 s0, s9;
	s23 =	sadd.s32 s6, s3  }
0x1e: {  	s0 =	simm.s32 $0x7100;
	s6 =	simm.s32 $0x1;
	s9 =	simm.s32 $0x2  }
.LBB2_1:
0x1f: {  	s13 =	rddreg [dreg:$0x6]  }
0x20: {  	[tilespmem:s4], [sflag:$0x5] =	stream.linear.gather [hbm4b:s13+s4], $0x2880, $0x38;
	[tilespmem:$0x1F100] =	vst v63  }
0x21: {  	_ =	swait.ge [sflag:s30], $0x2880  }
0x22: {  	[sflag:s30] =	ssyncset.done $0x0  }
0x23: {  	s15 =	rddreg [dreg:$0x7];
	[sflag:s30] =	ssyncadd.s32 $0xFFFFD780  }
0x24: {  	[tilespmem:s31], [sflag:$0x5] =	stream.linear.gather [hbm4b:s15+s4], $0x2880, $0x38;
	[tilespmem:$0x1F100] =	vst v63  }
0x25: {  	_ =	swait.ge [sflag:s30], $0x2880  }
0x26: {  	[sflag:s30] =	ssyncset.done $0x0  }
0x27: {  	s14 =	rddreg [dreg:$0x5];
	[sflag:s30] =	ssyncadd.s32 $0xFFFFD780  }
0x28: {  	[tilespmem:s1], [sflag:$0x5] =	stream.linear.gather [hbm4b:s14+s4], $0x2000, $0x38;
	[tilespmem:$0x1F100] =	vst v63  }
0x29: {  	_ =	swait.ge [sflag:s30], $0x2000  }
0x2a: {  	[sflag:s30] =	ssyncset.done $0x0  }
0x2b: {  	[sflag:s30] =	ssyncadd.s32 $0xFFFFE000  }
0x2c: {  	[spmem:s8] =	stream.linear.scatter [tilespmem:s1], [sflag:$0x5], $0x2000, $0x38;
	[tilespmem:$0x1F100] =	vst v63  }
0x2d: {  	_ =	swait.ge [sflag:s30], $0x2000  }
0x2e: {  	[sflag:s30] =	ssyncset.done $0x0  }
0x2f: {  	[sflag:s30] =	ssyncadd.s32 $0xFFFFE000  }
0x30: {  	[spmem:s19] =	stream.linear.scatter [tilespmem:s1], [sflag:$0x5], $0x2000, $0x38;
	[tilespmem:$0x1F100] =	vst v63  }
0x31: {  	_ =	swait.ge [sflag:s30], $0x2000  }
0x32: {  	[sflag:s30] =	ssyncset.done $0x0  }
0x33: {  	[sflag:s30] =	ssyncadd.s32 $0xFFFFE000  }
0x34: {  	[spmem:s22] =	stream.linear.scatter [tilespmem:s1], [sflag:$0x5], $0x2000, $0x38;
	[tilespmem:$0x1F100] =	vst v63  }
0x35: {  	_ =	swait.ge [sflag:s30], $0x2000  }
0x36: {  	[sflag:s30] =	ssyncset.done $0x0  }
0x37: {  	[sflag:s30] =	ssyncadd.s32 $0xFFFFE000  }
0x38: {  	[spmem:s24] =	stream.linear.scatter [tilespmem:s1], [sflag:$0x5], $0x2000, $0x38;
	[tilespmem:$0x1F100] =	vst v63  }
0x39: {  	_ =	swait.ge [sflag:s30], $0x2000  }
0x3a: {  	[sflag:s30] =	ssyncset.done $0x0  }
0x3b: {  	[sflag:s30] =	ssyncadd.s32 $0xFFFFE000  }
0x3c: {  	[spmem:s26] =	stream.linear.scatter [tilespmem:s1], [sflag:$0x5], $0x2000, $0x38;
	[tilespmem:$0x1F100] =	vst v63  }
0x3d: {  	_ =	swait.ge [sflag:s30], $0x2000  }
0x3e: {  	[sflag:s30] =	ssyncset.done $0x0  }
0x3f: {  	s15 =	rddreg [dreg:$0x8];
	[sflag:s30] =	ssyncadd.s32 $0xFFFFE000  }
0x40: {  	[tilespmem:s0], [sflag:$0x5] =	stream.linear.gather [hbm4b:s15+s4], $0x2000, $0x38;
	[tilespmem:$0x1F100] =	vst v63  }
0x41: {  	_ =	swait.ge [sflag:s30], $0x2000  }
0x42: {  	[sflag:s30] =	ssyncset.done $0x0  }
0x43: {  	[sflag:s30] =	ssyncadd.s32 $0xFFFFE000  }
0x44: {  	[spmem:s20] =	stream.linear.scatter [tilespmem:s0], [sflag:$0x5], $0x2000, $0x38;
	[tilespmem:$0x1F100] =	vst v63  }
0x45: {  	_ =	swait.ge [sflag:s30], $0x2000  }
0x46: {  	[sflag:s30] =	ssyncset.done $0x0  }
0x47: {  	s14 =	rddreg [dreg:$0x9];
	[sflag:s30] =	ssyncadd.s32 $0xFFFFE000  }
0x48: {  	[tilespmem:s0], [sflag:$0x5] =	stream.linear.gather [hbm4b:s14+s4], $0x2000, $0x38;
	[tilespmem:$0x1F100] =	vst v63  }
0x49: {  	_ =	swait.ge [sflag:s30], $0x2000  }
0x4a: {  	[sflag:s30] =	ssyncset.done $0x0  }
0x4b: {  	[sflag:s30] =	ssyncadd.s32 $0xFFFFE000  }
0x4c: {  	[spmem:s21] =	stream.linear.scatter [tilespmem:s0], [sflag:$0x5], $0x2000, $0x38;
	[tilespmem:$0x1F100] =	vst v63  }
0x4d: {  	_ =	swait.ge [sflag:s30], $0x2000  }
0x4e: {  	[sflag:s30] =	ssyncset.done $0x0  }
0x4f: {  	s15 =	rddreg [dreg:$0xa];
	[sflag:s30] =	ssyncadd.s32 $0xFFFFE000  }
0x50: {  	[tilespmem:s0], [sflag:$0x5] =	stream.linear.gather [hbm4b:s15+s4], $0x2000, $0x38;
	[tilespmem:$0x1F100] =	vst v63  }
0x51: {  	_ =	swait.ge [sflag:s30], $0x2000  }
0x52: {  	[sflag:s30] =	ssyncset.done $0x0  }
0x53: {  	[sflag:s30] =	ssyncadd.s32 $0xFFFFE000  }
0x54: {  	[spmem:s23] =	stream.linear.scatter [tilespmem:s0], [sflag:$0x5], $0x2000, $0x38;
	[tilespmem:$0x1F100] =	vst v63  }
0x55: {  	_ =	swait.ge [sflag:s30], $0x2000  }
0x56: {  	[sflag:s30] =	ssyncset.done $0x0  }
0x57: {  	s14 =	rddreg [dreg:$0xb];
	[sflag:s30] =	ssyncadd.s32 $0xFFFFE000  }
0x58: {  	[tilespmem:s0], [sflag:$0x5] =	stream.linear.gather [hbm4b:s14+s4], $0x2000, $0x38;
	[tilespmem:$0x1F100] =	vst v63  }
0x59: {  	_ =	swait.ge [sflag:s30], $0x2000  }
0x5a: {  	[sflag:s30] =	ssyncset.done $0x0  }
0x5b: {  	[sflag:s30] =	ssyncadd.s32 $0xFFFFE000  }
0x5c: {  	[spmem:s25] =	stream.linear.scatter [tilespmem:s0], [sflag:$0x5], $0x2000, $0x38;
	[tilespmem:$0x1F100] =	vst v63  }
0x5d: {  	_ =	swait.ge [sflag:s30], $0x2000  }
0x5e: {  	[sflag:s30] =	ssyncset.done $0x0  }
0x5f: {  	s15 =	rddreg [dreg:$0xc];
	[sflag:s30] =	ssyncadd.s32 $0xFFFFE000  }
0x60: {  	[tilespmem:s0], [sflag:$0x5] =	stream.linear.gather [hbm4b:s15+s4], $0x2000, $0x38;
	[tilespmem:$0x1F100] =	vst v63  }
0x61: {  	_ =	swait.ge [sflag:s30], $0x2000  }
0x62: {  	[sflag:s30] =	ssyncset.done $0x0  }
0x63: {  	[sflag:s30] =	ssyncadd.s32 $0xFFFFE000  }
0x64: {  	[spmem:s28] =	stream.linear.scatter [tilespmem:s0], [sflag:$0x5], $0x2000, $0x38;
	[tilespmem:$0x1F100] =	vst v63  }
0x65: {  	_ =	swait.ge [sflag:s30], $0x2000  }
0x66: {  	[sflag:s30] =	ssyncset.done $0x0  }
0x67: {  	[sflag:s30] =	ssyncadd.s32 $0xFFFFE000  }
0x68: {  	[bflag:$0x0] =	sbarrier.arrive $0xFFFF  }
0x69: {  	[tilespmem:s1], [sflag:$0x1] =	stream.indirect.gather [spmem:s3], $0x40, s4, s5, $0xb8;
	[tilespmem:$0x1F100] =	vst v63  }
0x6a: {  	_ = 	snop  }
0x6b: {  	[tilespmem:s0], [sflag:$0x2] =	stream.indirect.gather [spmem:s3], $0x40, s5, s5, $0xb8;
	[tilespmem:$0x1F100] =	vst v63  }
0x6c: {  	_ =	swait.ge [sflag:s6], $0x2000  }
0x6d: {  	[sflag:s6] =	ssyncset.done $0x0  }
0x6e: {  	[sflag:s6] =	ssyncadd.s32 $0xFFFFE000  }
0x6f: {  	[spmem:s2] =	stream.indirect.scatter.add.f32 [tilespmem:s1], [sflag:$0x4], $0x40, s31, s5, $0xb8;
	[tilespmem:$0x1F100] =	vst v63  }
0x70: {  	s14 =	simm.s32 $0x100  }
0x71: {  	[tilespmem:s7], [sflag:$0x3] =	stream.indirect.gather [spmem:s3], $0x40, s14, s5, $0xb8;
	[tilespmem:$0x1F100] =	vst v63  }
0x72: {  	_ =	swait.ge [sflag:s9], $0x2000  }
0x73: {  	[sflag:s9] =	ssyncset.done $0x0  }
0x74: {  	[sflag:s9] =	ssyncadd.s32 $0xFFFFE000  }
0x75: {  	_ =	swait.ge [sflag:s10], $0x2000  }
0x76: {  	[sflag:s10] =	ssyncset.done $0x0  }
0x77: {  	s15 =	simm.s32 $0x2900;
	[sflag:s10] =	ssyncadd.s32 $0xFFFFE000  }
0x78: {  	[spmem:s2] =	stream.indirect.scatter.add.f32 [tilespmem:s0], [sflag:$0x4], $0x40, s15, s5, $0xb8;
	[tilespmem:$0x1F100] =	vst v63  }
0x79: {  	s14 =	simm.s32 $0x180  }
0x7a: {  	[tilespmem:s1], [sflag:$0x1] =	stream.indirect.gather [spmem:s3], $0x40, s14, s5, $0xb8;
	[tilespmem:$0x1F100] =	vst v63  }
0x7b: {  	_ =	swait.ge [sflag:s11], $0x2000  }
0x7c: {  	[sflag:s11] =	ssyncset.done $0x0  }
0x7d: {  	[sflag:s11] =	ssyncadd.s32 $0xFFFFE000  }
0x7e: {  	_ =	swait.ge [sflag:s10], $0x2000  }
0x7f: {  	[sflag:s10] =	ssyncset.done $0x0  }
0x80: {  	s15 =	simm.s32 $0x2980;
	[sflag:s10] =	ssyncadd.s32 $0xFFFFE000  }
0x81: {  	[spmem:s2] =	stream.indirect.scatter.add.f32 [tilespmem:s7], [sflag:$0x4], $0x40, s15, s5, $0xb8;
	[tilespmem:$0x1F100] =	vst v63  }
0x82: {  	s14 =	simm.s32 $0x200  }
0x83: {  	[tilespmem:s0], [sflag:$0x2] =	stream.indirect.gather [spmem:s3], $0x40, s14, s5, $0xb8;
	[tilespmem:$0x1F100] =	vst v63  }
0x84: {  	_ =	swait.ge [sflag:s6], $0x2000  }
0x85: {  	[sflag:s6] =	ssyncset.done $0x0  }
0x86: {  	[sflag:s6] =	ssyncadd.s32 $0xFFFFE000  }
0x87: {  	_ =	swait.ge [sflag:s10], $0x2000  }
0x88: {  	[sflag:s10] =	ssyncset.done $0x0  }
0x89: {  	s15 =	simm.s32 $0x2A00;
	[sflag:s10] =	ssyncadd.s32 $0xFFFFE000  }
0x8a: {  	[spmem:s2] =	stream.indirect.scatter.add.f32 [tilespmem:s1], [sflag:$0x4], $0x40, s15, s5, $0xb8;
	[tilespmem:$0x1F100] =	vst v63  }
0x8b: {  	s14 =	simm.s32 $0x280  }
0x8c: {  	[tilespmem:s7], [sflag:$0x3] =	stream.indirect.gather [spmem:s3], $0x40, s14, s5, $0xb8;
	[tilespmem:$0x1F100] =	vst v63  }
0x8d: {  	_ =	swait.ge [sflag:s9], $0x2000  }
0x8e: {  	[sflag:s9] =	ssyncset.done $0x0  }
0x8f: {  	[sflag:s9] =	ssyncadd.s32 $0xFFFFE000  }
0x90: {  	_ =	swait.ge [sflag:s10], $0x2000  }
0x91: {  	[sflag:s10] =	ssyncset.done $0x0  }
0x92: {  	s15 =	simm.s32 $0x2A80;
	[sflag:s10] =	ssyncadd.s32 $0xFFFFE000  }
0x93: {  	[spmem:s2] =	stream.indirect.scatter.add.f32 [tilespmem:s0], [sflag:$0x4], $0x40, s15, s5, $0xb8;
	[tilespmem:$0x1F100] =	vst v63  }
0x94: {  	s14 =	simm.s32 $0x300  }
0x95: {  	[tilespmem:s1], [sflag:$0x1] =	stream.indirect.gather [spmem:s3], $0x40, s14, s5, $0xb8;
	[tilespmem:$0x1F100] =	vst v63  }
0x96: {  	_ =	swait.ge [sflag:s11], $0x2000  }
0x97: {  	[sflag:s11] =	ssyncset.done $0x0  }
0x98: {  	[sflag:s11] =	ssyncadd.s32 $0xFFFFE000  }
0x99: {  	_ =	swait.ge [sflag:s10], $0x2000  }
0x9a: {  	s13 =	simm.s32 $0x600;
	[sflag:s10] =	ssyncset.done $0x0  }
0x9b: {  	s15 =	simm.s32 $0x2B00;
	s14 =	simm.s32 $0x380;
	[sflag:s10] =	ssyncadd.s32 $0xFFFFE000  }
0x9c: {  	[spmem:s2] =	stream.indirect.scatter.add.f32 [tilespmem:s7], [sflag:$0x4], $0x40, s15, s5, $0xb8;
	[tilespmem:$0x1F100] =	vst v63  }
.LBB2_2:
0x9d: {  	[tilespmem:s0], [sflag:$0x2] =	stream.indirect.gather [spmem:s3], $0x40, s14, s5, $0xb8;
	[tilespmem:$0x1F100] =	vst v63  }
0x9e: {  	s14 =	smov.u32 s13  }
0x9f: {  	p0 =	sne.s32 s13, $0x9000;
	s13 =	sadd.s32 $0x600, s13;
	_ =	swait.ge [sflag:s6], $0x2000  }
0xa0: {  	[sflag:s6] =	ssyncset.done $0x0  }
0xa1: {  	[sflag:s6] =	ssyncadd.s32 $0xFFFFE000  }
0xa2: {  	_ =	swait.ge [sflag:s10], $0x2000  }
0xa3: {  	s14 =	sshra.s32 s14, $0x2;
	[sflag:s10] =	ssyncset.done $0x0  }
0xa4: {  	s15 =	sadd.s32 $0x2A00, s14;
	[sflag:s10] =	ssyncadd.s32 $0xFFFFE000  }
0xa5: {  	[spmem:s2] =	stream.indirect.scatter.add.f32 [tilespmem:s1], [sflag:$0x4], $0x40, s15, s5, $0xb8;
	[tilespmem:$0x1F100] =	vst v63  }
0xa6: {  	s15 =	sadd.s32 $0x280, s14  }
0xa7: {  	[tilespmem:s7], [sflag:$0x3] =	stream.indirect.gather [spmem:s3], $0x40, s15, s5, $0xb8;
	[tilespmem:$0x1F100] =	vst v63  }
0xa8: {  	_ =	swait.ge [sflag:s9], $0x2000  }
0xa9: {  	[sflag:s9] =	ssyncset.done $0x0  }
0xaa: {  	[sflag:s9] =	ssyncadd.s32 $0xFFFFE000  }
0xab: {  	_ =	swait.ge [sflag:s10], $0x2000  }
0xac: {  	[sflag:s10] =	ssyncset.done $0x0  }
0xad: {  	s15 =	sadd.s32 $0x2A80, s14;
	[sflag:s10] =	ssyncadd.s32 $0xFFFFE000  }
0xae: {  	[spmem:s2] =	stream.indirect.scatter.add.f32 [tilespmem:s0], [sflag:$0x4], $0x40, s15, s5, $0xb8;
	[tilespmem:$0x1F100] =	vst v63  }
0xaf: {  	s15 =	sadd.s32 $0x300, s14  }
0xb0: {  	[tilespmem:s1], [sflag:$0x1] =	stream.indirect.gather [spmem:s3], $0x40, s15, s5, $0xb8;
	[tilespmem:$0x1F100] =	vst v63  }
0xb1: {  	_ =	swait.ge [sflag:s11], $0x2000  }
0xb2: {  	[sflag:s11] =	ssyncset.done $0x0  }
0xb3: {  	[sflag:s11] =	ssyncadd.s32 $0xFFFFE000  }
.Ltmp0:
0xb4: {  	_ =	swait.ge [sflag:s10], $0x2000;
	(pc) =	sbr.rel @p0 .LBB2_2-.Ltmp0, $4  }
0xb5: {  	[sflag:s10] =	ssyncset.done $0x0  }
0xb6: {  	s15 =	sadd.s32 $0x2B00, s14;
	[sflag:s10] =	ssyncadd.s32 $0xFFFFE000  }
0xb7: {  	[spmem:s2] =	stream.indirect.scatter.add.f32 [tilespmem:s7], [sflag:$0x4], $0x40, s15, s5, $0xb8;
	[tilespmem:$0x1F100] =	vst v63  }
0xb8: {  	s14 =	sadd.s32 $0x380, s14  }
0xb9: {  	[tilespmem:s0], [sflag:$0x2] =	stream.indirect.gather [spmem:s3], $0x40, s14, s5, $0xb8;
	[tilespmem:$0x1F100] =	vst v63  }
0xba: {  	_ =	swait.ge [sflag:s6], $0x2000  }
0xbb: {  	[sflag:s6] =	ssyncset.done $0x0  }
0xbc: {  	[sflag:s6] =	ssyncadd.s32 $0xFFFFE000  }
0xbd: {  	_ =	swait.ge [sflag:s10], $0x2000  }
0xbe: {  	[sflag:s10] =	ssyncset.done $0x0  }
0xbf: {  	s13 =	simm.s32 $0x4F80;
	[sflag:s10] =	ssyncadd.s32 $0xFFFFE000  }
0xc0: {  	[spmem:s2] =	stream.indirect.scatter.add.f32 [tilespmem:s1], [sflag:$0x4], $0x40, s13, s5, $0xb8;
	[tilespmem:$0x1F100] =	vst v63  }
0xc1: {  	s15 =	simm.s32 $0x2800  }
0xc2: {  	[tilespmem:s7], [sflag:$0x3] =	stream.indirect.gather [spmem:s3], $0x40, s15, s5, $0xb8;
	[tilespmem:$0x1F100] =	vst v63  }
0xc3: {  	_ =	swait.ge [sflag:s9], $0x2000  }
0xc4: {  	[sflag:s9] =	ssyncset.done $0x0  }
0xc5: {  	[sflag:s9] =	ssyncadd.s32 $0xFFFFE000  }
0xc6: {  	_ =	swait.ge [sflag:s10], $0x2000  }
0xc7: {  	[sflag:s10] =	ssyncset.done $0x0  }
0xc8: {  	s14 =	simm.s32 $0x5000;
	[sflag:s10] =	ssyncadd.s32 $0xFFFFE000  }
0xc9: {  	[spmem:s2] =	stream.indirect.scatter.add.f32 [tilespmem:s0], [sflag:$0x4], $0x40, s14, s5, $0xb8;
	[tilespmem:$0x1F100] =	vst v63  }
0xca: {  	_ =	swait.ge [sflag:s11], $0x2000  }
0xcb: {  	[sflag:s11] =	ssyncset.done $0x0  }
0xcc: {  	[sflag:s11] =	ssyncadd.s32 $0xFFFFE000  }
0xcd: {  	_ =	swait.ge [sflag:s10], $0x2000  }
0xce: {  	[sflag:s10] =	ssyncset.done $0x0  }
0xcf: {  	s15 =	simm.s32 $0x5080;
	[sflag:s10] =	ssyncadd.s32 $0xFFFFE000  }
0xd0: {  	[spmem:s2] =	stream.indirect.scatter.add.f32 [tilespmem:s7], [sflag:$0x4], $0x40, s15, s5, $0xb8;
	[tilespmem:$0x1F100] =	vst v63  }
0xd1: {  	_ =	swait.ge [sflag:s10], $0x2000  }
0xd2: {  	[sflag:s10] =	ssyncset.done $0x0  }
0xd3: {  	[sflag:s10] =	ssyncadd.s32 $0xFFFFE000  }
0xd4: {  	[bflag:$0x0] =	sbarrier.arrive $0xFFFF  }
0xd5: {  	[tilespmem:s1], [sflag:$0x5] =	stream.linear.gather [spmem:s8], $0x2000, $0x38;
	[tilespmem:$0x1F100] =	vst v63  }
0xd6: {  	_ =	swait.ge [sflag:s30], $0x2000  }
0xd7: {  	[sflag:s30] =	ssyncset.done $0x0  }
0xd8: {  	s14 =	rddreg [dreg:$0xd];
	[sflag:s30] =	ssyncadd.s32 $0xFFFFE000  }
0xd9: {  	[hbm4b:s14+s4] =	stream.linear.scatter [tilespmem:s1], [sflag:$0x5], $0x2000, $0x38;
	[tilespmem:$0x1F100] =	vst v63  }
0xda: {  	_ =	swait.ge [sflag:s30], $0x2000  }
0xdb: {  	[sflag:s30] =	ssyncset.done $0x0  }
0xdc: {  	[sflag:s30] =	ssyncadd.s32 $0xFFFFE000  }
0xdd: {  	[tilespmem:s0], [sflag:$0x5] =	stream.linear.gather [spmem:s19], $0x2000, $0x38;
	[tilespmem:$0x1F100] =	vst v63  }
0xde: {  	_ =	swait.ge [sflag:s30], $0x2000  }
0xdf: {  	[sflag:s30] =	ssyncset.done $0x0  }
0xe0: {  	s15 =	rddreg [dreg:$0xe];
	[sflag:s30] =	ssyncadd.s32 $0xFFFFE000  }
0xe1: {  	[hbm4b:s15+s4] =	stream.linear.scatter [tilespmem:s0], [sflag:$0x5], $0x2000, $0x38;
	[tilespmem:$0x1F100] =	vst v63  }
0xe2: {  	_ =	swait.ge [sflag:s30], $0x2000  }
0xe3: {  	[sflag:s30] =	ssyncset.done $0x0  }
0xe4: {  	[sflag:s30] =	ssyncadd.s32 $0xFFFFE000  }
0xe5: {  	[tilespmem:s7], [sflag:$0x5] =	stream.linear.gather [spmem:s22], $0x2000, $0x38;
	[tilespmem:$0x1F100] =	vst v63  }
0xe6: {  	_ =	swait.ge [sflag:s30], $0x2000  }
0xe7: {  	[sflag:s30] =	ssyncset.done $0x0  }
0xe8: {  	[sflag:s30] =	ssyncadd.s32 $0xFFFFE000  }
0xe9: {  	[hbm4b:s16+s4] =	stream.linear.scatter [tilespmem:s7], [sflag:$0x5], $0x2000, $0x38;
	[tilespmem:$0x1F100] =	vst v63  }
0xea: {  	_ =	swait.ge [sflag:s30], $0x2000  }
0xeb: {  	[sflag:s30] =	ssyncset.done $0x0  }
0xec: {  	[sflag:s30] =	ssyncadd.s32 $0xFFFFE000  }
0xed: {  	[tilespmem:s1], [sflag:$0x5] =	stream.linear.gather [spmem:s24], $0x2000, $0x38;
	[tilespmem:$0x1F100] =	vst v63  }
0xee: {  	_ =	swait.ge [sflag:s30], $0x2000  }
0xef: {  	[sflag:s30] =	ssyncset.done $0x0  }
0xf0: {  	[sflag:s30] =	ssyncadd.s32 $0xFFFFE000  }
0xf1: {  	[hbm4b:s17+s4] =	stream.linear.scatter [tilespmem:s1], [sflag:$0x5], $0x2000, $0x38;
	[tilespmem:$0x1F100] =	vst v63  }
0xf2: {  	_ =	swait.ge [sflag:s30], $0x2000  }
0xf3: {  	[sflag:s30] =	ssyncset.done $0x0  }
0xf4: {  	[sflag:s30] =	ssyncadd.s32 $0xFFFFE000  }
0xf5: {  	[tilespmem:s0], [sflag:$0x5] =	stream.linear.gather [spmem:s26], $0x2000, $0x38;
	[tilespmem:$0x1F100] =	vst v63  }
0xf6: {  	s12 =	sadd.s32 $0x1, s12;
	_ =	swait.ge [sflag:s30], $0x2000  }
0xf7: {  	p0 =	sne.s32 s12, s29;
	[sflag:s30] =	ssyncset.done $0x0  }
.Ltmp1:
0xf8: {  	[sflag:s30] =	ssyncadd.s32 $0xFFFFE000;
	(pc) =	sbr.rel @p0 .LBB2_1-.Ltmp1, $4  }
0xf9: {  	[hbm4b:s18+s4] =	stream.linear.scatter [tilespmem:s0], [sflag:$0x5], $0x2000, $0x38;
	[tilespmem:$0x1F100] =	vst v63  }
0xfa: {  	_ =	swait.ge [sflag:s30], $0x2000  }
0xfb: {  	[sflag:s30] =	ssyncset.done $0x0  }
0xfc: {  	[sflag:s30] =	ssyncadd.s32 $0xFFFFE000  }
0xfd: {  	_ =	sfence.sel $0x180000  }
0xfe: {  	[bflag:$0x0] =	sbarrier.arrive $0xFFFF  }
0xff: {  	_ =	strace $0x9000004A  }
0x100: {  	s0 =	stileid.u32;
	[bflag:$0x2] =	sbarrier.arrive $0xFFFF  }
0x101: {  	p0 =	sne.s32 s0, $0x0;
	s0 =	rddreg [dreg:$0x4]  }
0x102: {  	s0 =	sadd.s32 @!p0 $0x100000, s0  }
0x103: {  	[sflag:s0] =	ssyncadd.tile.s32 @!p0 $0x1;
	_ =	shalt  }
.Lfunc_end2:
_tile_overlayer_lowered:
.L_overlay_start_2:
0x104: {  	(tag) =	ssettag $0x2  }
0x105: {  	s0 =	rddreg [dreg:$0x0];
	s2 =	stileid.u32  }
0x106: {  	s1 =	rddreg [dreg:$0x1];
	p0 =	sne.s32 s2, $0x0  }
0x107: {  	s3 =	rddreg [dreg:$0x2];
	[bflag:$0x3] =	sbarrier.arrive $0xFFFF;
	s2 =	simm.s32 @!p0 $0x1C05  }
0x108: {  	[timem:s3], [sflag:s2] =	dma.local @!p0 [hbm:s0], s1  }
0x109: {  	s0 =	simm.s32 @!p0 $0x5  }
0x10a: {  	_ =	swait.ge @!p0 [sflag:s0], s1  }
0x10b: {  	s1 =	ssub.s32 @!p0 $0x0, s1;
	[sflag:s0] =	ssyncset.done @!p0 $0x0  }
0x10c: {  	[sflag:s0] =	ssyncadd.s32 @!p0 s1  }
0x10d: {  	[bflag:$0x3] =	sbarrier.arrive $0xFFFF  }
0x10e: {  	_ =	shalt  }

// kernel: kernel.15.cloned.1.call-start
scs
__scs_entry_jumppad:
0x0: {  	(pc) =	sbr.rel $0x88, $3  }
0x1: {  	(tag) =	ssettag $0x0;
	lr =	simm.s32 $0x1  }
0x2: {  	[smem:$0x3F8F] =	sst lr;
	_ =	strace $0xD0000000  }
0x3: {  	_ = 	snop  }
0x4: {  	_ = 	snop  }
0x5: {  	_ = 	snop  }
0x6: {  	_ = 	snop  }
0x7: {  	_ = 	snop  }
__scs_overlays_trampoline_lowered:
0x8: {  	[smem:$0x3F9E] =	sst s0  }
0x9: {  	[smem:$0x3F9F] =	sst s1  }
0xa: {  	[smem:$0x3FA0] =	sst s2  }
0xb: {  	[smem:$0x3FA1] =	sst s3  }
0xc: {  	[smem:$0x3FA2] =	sst s4  }
0xd: {  	[smem:$0x3FA3] =	sst s5  }
0xe: {  	[smem:$0x3FA4] =	sst s6  }
0xf: {  	[smem:$0x3FA5] =	sst s7  }
0x10: {  	[smem:$0x3FA6] =	sst s8  }
0x11: {  	[smem:$0x3FA7] =	sst s9;
	s0 =	simm.s32 @!p0 $0x0  }
0x12: {  	s1 =	sld [smem:$0x3F8D];
	s0 =	simm.s32 @p0 $0x1  }
0x13: {  	[smem:$0x3FA8] =	sst s0;
	s0 =	simm.s32 @!p1 $0x0  }
0x14: {  	s2 =	sld [smem:$0x3F8C];
	s0 =	simm.s32 @p1 $0x1  }
0x15: {  	[smem:$0x3FA9] =	sst s0;
	s0 =	simm.s32 @!p2 $0x0  }
0x16: {  	s3 =	sld [smem:$0x3FDB];
	s0 =	simm.s32 @p2 $0x1  }
0x17: {  	s4 =	simm.s32 $0x1BF5;
	[smem:$0x3FAB] =	sst s0  }
0x18: {  	s0 =	sld [smem:$0x3F8E];
	_ =	swait.ge [sflag:s4], $0x0  }
0x19: {  	s7 =	sld [smem:$0x3F8F]  }
0x1a: {  	s8 =	sadd.s32 $0xFFFFE003, lr  }
0x1b: {  	s9 =	sadd.s32 $0xFFFFFEF7, lr;
	s5 =	simm.s32 $0xFFFFFFFF;
	p2 =	slt.u32 s8, $0xFFFFF086  }
0x1c: {  	p1 =	slt.u32 s9, $0xF7A;
	s5 =	simm.s32 @!p2 $0x0  }
0x1d: {  	s5 =	simm.s32 @p1 $0x1;
	p0 =	seq.s32 s7, s2  }
0x1e: {  	s7 =	smul.u32 @!p0 $0xF7A, s2;
	p2 =	seq.s32 @!p0 s5, $0x0  }
0x1f: {  	s9 =	smul.u32 $0xF7A, s1;
	s8 =	simm.s32 @!p0 $0x1BF5;
	p2 =	por !p2, p0  }
0x20: {  	[sflag:s8] =	ssyncset.s32 @!p0 $0xFFFFF086;
	s6 =	sadd.s32 @!p0 s3, s7;
	s7 =	simm.s32 @!p0 $0x108  }
0x21: {  	s3 =	sadd.s32 s3, s9;
	s6 =	sadd.s32 @!p0 $0x88, s6;
	s7 =	simm.s32 @p2 $0x1082  }
0x22: {  	[simem:s7], [sflag:s8] =	dma.local @!p0 [hbm:s6], $0xF7A  }
0x23: {  	s9 =	sor.u32 $0xD0000000, s2;
	s6 =	simm.s32 $0x108;
	_ =	swait.ge @!p0 [sflag:s8], $0x0  }
0x24: {  	s3 =	sadd.s32 $0x88, s3;
	s6 =	simm.s32 @!p1 $0x1082;
	[sflag:s4] =	ssyncset.s32 $0xFFFFF086  }
0x25: {  	[simem:s6], [sflag:s4] =	dma.local [hbm:s3], $0xF7A  }
0x26: {  	[smem:$0x3F8F] =	sst s1;
	(tag) =	ssettag s2;
	_ =	strace s9  }
0x27: {  	s1 =	sld [smem:$0x3F9F]  }
0x28: {  	s2 =	sld [smem:$0x3FA0]  }
0x29: {  	s4 =	sld [smem:$0x3FA2]  }
0x2a: {  	p0 =	seq.s32 s5, $0x0;
	s5 =	sld [smem:$0x3FA3]  }
0x2b: {  	s6 =	sld [smem:$0x3FA4]  }
0x2c: {  	s7 =	sld [smem:$0x3FA5]  }
0x2d: {  	s3 =	simm.s32 $0x108;
	s8 =	sld [smem:$0x3FA6]  }
0x2e: {  	s3 =	simm.s32 @!p0 $0x1082;
	s9 =	sld [smem:$0x3FA7]  }
0x2f: {  	lr =	sadd.s32 s0, s3;
	s0 =	sld [smem:$0x3F9E]  }
0x30: {  	s3 =	sld [smem:$0x3FA1]  }
0x31: {  	[smem:$0x3FAA] =	sst s10  }
0x32: {  	s10 =	sld [smem:$0x3FA8];
	_ =	sdelay $0x3  }
0x33: {  	p0 =	seq.s32 s10, $0x1;
	s10 =	sld [smem:$0x3FAA];
	_ =	sdelay $0x3  }
0x34: {  	[smem:$0x3FAA] =	sst s10  }
0x35: {  	s10 =	sld [smem:$0x3FA9];
	_ =	sdelay $0x3  }
0x36: {  	p1 =	seq.s32 s10, $0x1;
	s10 =	sld [smem:$0x3FAA];
	_ =	sdelay $0x3  }
0x37: {  	[smem:$0x3FAA] =	sst s10  }
0x38: {  	s10 =	sld [smem:$0x3FAB]  }
0x39: {  	_ = 	snop;
	(pc) =	sbr.ind lr, $3  }
0x3a: {  	_ = 	snop  }
0x3b: {  	_ = 	snop  }
0x3c: {  	p2 =	seq.s32 s10, $0x1;
	s10 =	sld [smem:$0x3FAA]  }
0x3d: {  	_ =	shalt  }
0x3e: {  	_ =	shalt  }
0x3f: {  	_ =	shalt  }
0x40: {  	_ =	shalt  }
0x41: {  	_ =	shalt  }
0x42: {  	_ =	shalt  }
0x43: {  	_ =	shalt  }
0x44: {  	_ =	shalt  }
0x45: {  	_ =	shalt  }
0x46: {  	_ =	shalt  }
0x47: {  	_ =	shalt  }
0x48: {  	_ =	shalt  }
0x49: {  	_ =	shalt  }
0x4a: {  	_ =	shalt  }
0x4b: {  	_ =	shalt  }
0x4c: {  	_ =	shalt  }
0x4d: {  	_ =	shalt  }
0x4e: {  	_ =	shalt  }
0x4f: {  	_ =	shalt  }
0x50: {  	_ =	shalt  }
0x51: {  	_ =	shalt  }
0x52: {  	_ =	shalt  }
0x53: {  	_ =	shalt  }
0x54: {  	_ =	shalt  }
0x55: {  	_ =	shalt  }
0x56: {  	_ =	shalt  }
0x57: {  	_ =	shalt  }
0x58: {  	_ =	shalt  }
0x59: {  	_ =	shalt  }
0x5a: {  	_ =	shalt  }
0x5b: {  	_ =	shalt  }
0x5c: {  	_ =	shalt  }
0x5d: {  	_ =	shalt  }
0x5e: {  	_ =	shalt  }
0x5f: {  	_ =	shalt  }
0x60: {  	_ =	shalt  }
0x61: {  	_ =	shalt  }
0x62: {  	_ =	shalt  }
0x63: {  	_ =	shalt  }
0x64: {  	_ =	shalt  }
0x65: {  	_ =	shalt  }
0x66: {  	_ =	shalt  }
0x67: {  	_ =	shalt  }
0x68: {  	_ =	shalt  }
0x69: {  	_ =	shalt  }
0x6a: {  	_ =	shalt  }
0x6b: {  	_ =	shalt  }
0x6c: {  	_ =	shalt  }
0x6d: {  	_ =	shalt  }
0x6e: {  	_ =	shalt  }
0x6f: {  	_ =	shalt  }
0x70: {  	_ =	shalt  }
0x71: {  	_ =	shalt  }
0x72: {  	_ =	shalt  }
0x73: {  	_ =	shalt  }
0x74: {  	_ =	shalt  }
0x75: {  	_ =	shalt  }
0x76: {  	_ =	shalt  }
0x77: {  	_ =	shalt  }
0x78: {  	_ =	shalt  }
0x79: {  	_ =	shalt  }
0x7a: {  	_ =	shalt  }
0x7b: {  	_ =	shalt  }
0x7c: {  	_ =	shalt  }
0x7d: {  	_ =	shalt  }
0x7e: {  	_ =	shalt  }
0x7f: {  	_ =	shalt  }
0x80: {  	_ =	shalt  }
0x81: {  	_ =	shalt  }
0x82: {  	_ =	shalt  }
0x83: {  	_ =	shalt  }
0x84: {  	_ =	shalt  }
0x85: {  	_ =	shalt  }
0x86: {  	_ =	shalt  }
0x87: {  	_ =	shalt  }
.Lfunc_end0:
.L_simem_size_0:
called_computation.2_lowered:
.L_overlay_start_0:
0x88: {  	s2 =	sld [smem:$0x3FD9]  }
0x89: {  	s3 =	sld [smem:$0x3FFE];
	_ =	sdelay $0x1  }
0x8a: {  	s1 =	srdreg.scid  }
0x8b: {  	s0 =	sand.u32 $0x1, s1  }
0x8c: {  	s14 =	sshll.u32 s0, $0xA;
	s2 =	sadd.s32 s3, s2  }
0x8d: {  	s2 =	sadd.s32 s2, s14  }
0x8e: {  	[smem:$0x3FB6] =	sst s2  }
0x8f: {  	_ = 	snop  }
0x90: {  	s2 =	sld [smem:$0x3FD0];
	_ =	sdelay $0x2  }
0x91: {  	s15 =	simm.s32 $0xA;
	s4 =	simm.s32 $0x10  }
0x92: {  	[smem:s4], [sflag:s15] =	dma.local [hbm:s2], $0x1  }
0x93: {  	_ =	swait.eq [sflag:s15], $0x1  }
0x94: {  	[sflag:s15] =	ssyncset.done $0x0  }
0x95: {  	[sflag:s15] =	ssyncadd.s32 $0xFFFFFFFF  }
0x96: {  	s16 =	sld [smem:$0x10];
	(tm) =	ssettm $0x1  }
0x97: {  	s17 =	sld [smem:$0x3FFB];
	_ =	sdelay $0x3  }
0x98: {  	_ =	strace s17  }
0x99: {  	s3 =	sld [smem:$0x3FFC];
	_ =	sdelay $0x3  }
0x9a: {  	_ =	strace s3  }
0x9b: {  	s3 =	sld [smem:$0x3FFD];
	_ =	sdelay $0x3  }
0x9c: {  	_ =	strace s3  }
0x9d: {  	_ =	strace $0x8FFFFFFF  }
0x9e: {  	s18 =	sld [smem:$0x3FDB];
	_ =	sdelay $0x1  }
0x9f: {  	s19 =	simm.s32 $_scs_section_size  }
0xa0: {  	s5 =	simm.s32 $_size__tile_overlayer_lowered;
	s6 =	simm.s32 $_tile_overlayer_lowered  }
0xa1: {  	s22 =	simm.s32 $0x1BFF;
	s21 =	sshll.u32 s6, $0x1;
	s3 =	sadd.s32 s19, s18  }
0xa2: {  	s7 =	simm.s32 $0x0;
	s20 =	sshll.u32 s5, $0x1;
	s5 =	sadd.s32 s21, s3  }
0xa3: {  	[timem:s7], [sflag:s22] =	dma.local [hbm:s5], s20  }
0xa4: {  	_ =	swait.ge [sflag:s22], s20  }
0xa5: {  	s4 =	ssub.s32 $0x0, s20;
	[sflag:s22] =	ssyncset.done $0x0  }
0xa6: {  	[sflag:s22] =	ssyncadd.s32 s4;
	_ =	sdelay $0x1  }
0xa7: {  	s23 =	simm.s32 $0x1B8B  }
0xa8: {  	_ =	swait.ge [sflag:s23], $0x1  }
0xa9: {  	[sflag:s23] =	ssyncset.done $0x0  }
0xaa: {  	s25 =	simm.s32 $0x1B8E;
	s24 =	sld [smem:$0x3FFE];
	[sflag:s23] =	ssyncadd.s32 $0xFFFFFFFF  }
0xab: {  	s26 =	simm.s32 $execute0_lowered;
	[smem:$0x3FD2] =	sst s25  }
0xac: {  	s5 =	sshll.u32 s26, $0x1;
	_ =	strace $0x8000004C;
	[dreg:$0x1] =	wrdreg $0xFFFFFFFF  }
0xad: {  	s28 =	simm.s32 $_size_execute0_lowered;
	s3 =	sadd.s32 s3, s5;
	[dreg:$0x0] =	wrdreg $0x0  }
0xae: {  	s5 =	sshll.u32 s28, $0x1;
	[dreg:$0x2] =	wrdreg s3  }
0xaf: {  	[dreg:$0x3] =	wrdreg s5  }
0xb0: {  	[dreg:$0x4] =	wrdreg $0xC0  }
0xb1: {  	_ =	task [dreg:s7], $0x5FFFF  }
0xb2: {  	[dreg:$0x1] =	wrdreg $0xFFFFFFFF  }
0xb3: {  	[dreg:$0x0] =	wrdreg $0x60  }
0xb4: {  	[dreg:$0x2] =	wrdreg s24  }
0xb5: {  	[dreg:$0x3] =	wrdreg s16  }
0xb6: {  	[dreg:$0x4] =	wrdreg $0xB1000  }
0xb7: {  	[dreg:$0x5] =	wrdreg $0x151000  }
0xb8: {  	[dreg:$0x6] =	wrdreg $0x9  }
0xb9: {  	_ =	task.clear_ibuf [dreg:s7], $0x7FFFF;
	_ =	strace $0x9000004C  }
0xba: {  	s29 =	simm.s32 $0x9;
	_ =	strace $0x8000004E  }
0xbb: {  	_ =	swait.ge [sflag:s29], $0x1  }
0xbc: {  	[sflag:s29] =	ssyncadd.s32 $0xFFFFFFFF  }
0xbd: {  	_ =	strace $0x9000004E  }
0xbe: {  	_ =	sfence  }
0xbf: {  	s30 =	sld [smem:$0x0];
	_ =	sdelay $0x2  }
0xc0: {  	s31 =	sshll.u32 s1, $0xD;
	s1 =	sshrl.u32 s1, $0x2  }
0xc1: {  	s3 =	sand.u32 $0x4000, s31;
	s1 =	sadd.s32 s1, s30  }
0xc2: {  	s0 =	sor.u32 s3, s0;
	s1 =	sshll.u32 s1, $0x11  }
0xc3: {  	s0 =	sor.u32 s1, s0  }
0xc4: {  	s0 =	sadd.s32 $0x8F2B, s0  }
0xc5: {  	[sflag:s0] =	ssyncadd.remote.s32 $0x1  }
0xc6: {  	_ =	sfence.sel $0xFFFF  }
0xc7: {  	[dreg:$0x0] =	wrdreg $0xFFFFFFFF;
	(pc) =	sbr.abs _section_cstart, $3  }
0xc8: {  	[dreg:$0x1] =	wrdreg $0xFFFFFFFF  }
0xc9: {  	_ =	task.clear_ibuf [dreg:s7], $0x2FFFF;
	_ =	strace $0x9FFFFFFF  }
0xca: {  	(tm) =	ssettm $0x7FFFFFFF  }
0xcb: {  	_ =	shalt  }
tec
execute0_lowered:
.L_overlay_start_1:
0x0: {  	(tag) =	ssettag $0x1  }
0x1: {  	s0 =	rddreg [dreg:$0x0]  }
0x2: {  	s1 =	rddreg [dreg:$0x1]  }
0x3: {  	s2 =	rddreg [dreg:$0x2];
	s4 =	srdreg.scid  }
0x4: {  	s11 =	stileid.u32;
	s3 =	rddreg [dreg:$0x3];
	s30 =	simm.s32 $0x5  }
0x5: {  	s31 =	simm.s32 $0x2880;
	s5 =	sand.u32 $0x1, s4;
	s6 =	sshll.u32 s11, $0x1  }
0x6: {  	s4 =	simm.s32 $0x0;
	s7 =	sadd.s32 $0x3800, s0;
	s11 =	smul.u32 $0xA000, s11  }
0x7: {  	s6 =	sor.u32 s5, s6;
	s8 =	ssub.s32 $0x2, s5;
	s5 =	smul.u32 $0xA0000, s5  }
0x8: {  	s12 =	sadd.s32 $0x49A00, s0;
	[smem:$0x7FF] =	sst s4;
	s6 =	smul.u32 $0x510, s6  }
0x9: {  	_ =	strace $0x8000004D;
	s10 =	sshrl.u32 s8, $0x1;
	[dreg:$0x5] =	wrdreg s12  }
0xa: {  	s17 =	sshrl.u32 s11, $0x3;
	s12 =	sadd.s32 $0x6000, s11;
	s13 =	sadd.s32 $0x8000, s11  }
0xb: {  	s10 =	ssub.s32 s8, s10;
	s8 =	sadd.s32 s11, s2;
	s20 =	sshrl.u32 s12, $0x3  }
0xc: {  	s21 =	sadd.s32 s11, s5;
	s15 =	sshrl.u32 s13, $0x3;
	s26 =	sadd.s32 s5, s12  }
0xd: {  	s28 =	sadd.s32 s13, s3;
	s9 =	sadd.s32 s6, s0;
	s0 =	sadd.s32 $0x17800, s0  }
0xe: {  	s1 =	sadd.s32 s1, s6;
	s6 =	sadd.s32 $0x4000, s11;
	s29 =	smax.u32 s10, $0x1  }
0xf: {  	s10 =	simm.s32 $0x4;
	[dreg:$0x6] =	wrdreg s1;
	s16 =	sadd.s32 $0x3F800, s9  }
0x10: {  	s1 =	sadd.s32 $0x2000, s11;
	s9 =	sadd.s32 s7, s17;
	[dreg:$0x7] =	wrdreg s16  }
0x11: {  	s14 =	sshrl.u32 s6, $0x3;
	s25 =	sadd.s32 s5, s6;
	[dreg:$0x8] =	wrdreg s9  }
0x12: {  	s18 =	sshrl.u32 s1, $0x3;
	s19 =	sadd.s32 s7, s14;
	s22 =	sadd.s32 s5, s1  }
0x13: {  	s5 =	sadd.s32 s5, s13;
	s9 =	sadd.s32 s7, s18;
	[dreg:$0xa] =	wrdreg s19  }
0x14: {  	s14 =	sshrl.u32 s22, $0x3;
	s5 =	sshrl.u32 s5, $0x3;
	s19 =	sadd.s32 s1, s2  }
0x15: {  	s22 =	sadd.s32 s6, s2;
	[dreg:$0x9] =	wrdreg s9;
	s9 =	sadd.s32 s7, s20  }
0x16: {  	s7 =	sadd.s32 s7, s15;
	s24 =	sadd.s32 s0, s14;
	s18 =	sadd.s32 s0, s5  }
0x17: {  	s20 =	sadd.s32 s11, s3;
	s5 =	simm.s32 $0x80;
	[dreg:$0xb] =	wrdreg s9  }
0x18: {  	s11 =	simm.s32 $0x3;
	s9 =	sshrl.u32 s21, $0x3;
	[dreg:$0xc] =	wrdreg s7  }
0x19: {  	[dreg:$0xe] =	wrdreg s24;
	s7 =	sshrl.u32 s25, $0x3;
	s21 =	sadd.s32 s1, s3  }
0x1a: {  	s24 =	sadd.s32 s12, s2;
	s25 =	sadd.s32 s12, s3;
	s1 =	simm.s32 $0x5100  }
0x1b: {  	s12 =	simm.s32 $0x0;
	s23 =	sadd.s32 s0, s9;
	s9 =	sshrl.u32 s26, $0x3  }
0x1c: {  	s16 =	sadd.s32 s0, s7;
	s26 =	sadd.s32 s13, s2;
	s7 =	simm.s32 $0x9100  }
0x1d: {  	[dreg:$0xd] =	wrdreg s23;
	s17 =	sadd.s32 s0, s9;
	s23 =	sadd.s32 s6, s3  }
0x1e: {  	s0 =	simm.s32 $0x7100;
	s6 =	simm.s32 $0x1;
	s9 =	simm.s32 $0x2  }
.LBB2_1:
0x1f: {  	s13 =	rddreg [dreg:$0x6]  }
0x20: {  	[tilespmem:s4], [sflag:$0x5] =	stream.linear.gather [hbm4b:s13+s4], $0x2880, $0x38;
	[tilespmem:$0x1F100] =	vst v63  }
0x21: {  	_ =	swait.ge [sflag:s30], $0x2880  }
0x22: {  	[sflag:s30] =	ssyncset.done $0x0  }
0x23: {  	s15 =	rddreg [dreg:$0x7];
	[sflag:s30] =	ssyncadd.s32 $0xFFFFD780  }
0x24: {  	[tilespmem:s31], [sflag:$0x5] =	stream.linear.gather [hbm4b:s15+s4], $0x2880, $0x38;
	[tilespmem:$0x1F100] =	vst v63  }
0x25: {  	_ =	swait.ge [sflag:s30], $0x2880  }
0x26: {  	[sflag:s30] =	ssyncset.done $0x0  }
0x27: {  	s14 =	rddreg [dreg:$0x5];
	[sflag:s30] =	ssyncadd.s32 $0xFFFFD780  }
0x28: {  	[tilespmem:s1], [sflag:$0x5] =	stream.linear.gather [hbm4b:s14+s4], $0x2000, $0x38;
	[tilespmem:$0x1F100] =	vst v63  }
0x29: {  	_ =	swait.ge [sflag:s30], $0x2000  }
0x2a: {  	[sflag:s30] =	ssyncset.done $0x0  }
0x2b: {  	[sflag:s30] =	ssyncadd.s32 $0xFFFFE000  }
0x2c: {  	[spmem:s8] =	stream.linear.scatter [tilespmem:s1], [sflag:$0x5], $0x2000, $0x38;
	[tilespmem:$0x1F100] =	vst v63  }
0x2d: {  	_ =	swait.ge [sflag:s30], $0x2000  }
0x2e: {  	[sflag:s30] =	ssyncset.done $0x0  }
0x2f: {  	[sflag:s30] =	ssyncadd.s32 $0xFFFFE000  }
0x30: {  	[spmem:s19] =	stream.linear.scatter [tilespmem:s1], [sflag:$0x5], $0x2000, $0x38;
	[tilespmem:$0x1F100] =	vst v63  }
0x31: {  	_ =	swait.ge [sflag:s30], $0x2000  }
0x32: {  	[sflag:s30] =	ssyncset.done $0x0  }
0x33: {  	[sflag:s30] =	ssyncadd.s32 $0xFFFFE000  }
0x34: {  	[spmem:s22] =	stream.linear.scatter [tilespmem:s1], [sflag:$0x5], $0x2000, $0x38;
	[tilespmem:$0x1F100] =	vst v63  }
0x35: {  	_ =	swait.ge [sflag:s30], $0x2000  }
0x36: {  	[sflag:s30] =	ssyncset.done $0x0  }
0x37: {  	[sflag:s30] =	ssyncadd.s32 $0xFFFFE000  }
0x38: {  	[spmem:s24] =	stream.linear.scatter [tilespmem:s1], [sflag:$0x5], $0x2000, $0x38;
	[tilespmem:$0x1F100] =	vst v63  }
0x39: {  	_ =	swait.ge [sflag:s30], $0x2000  }
0x3a: {  	[sflag:s30] =	ssyncset.done $0x0  }
0x3b: {  	[sflag:s30] =	ssyncadd.s32 $0xFFFFE000  }
0x3c: {  	[spmem:s26] =	stream.linear.scatter [tilespmem:s1], [sflag:$0x5], $0x2000, $0x38;
	[tilespmem:$0x1F100] =	vst v63  }
0x3d: {  	_ =	swait.ge [sflag:s30], $0x2000  }
0x3e: {  	[sflag:s30] =	ssyncset.done $0x0  }
0x3f: {  	s15 =	rddreg [dreg:$0x8];
	[sflag:s30] =	ssyncadd.s32 $0xFFFFE000  }
0x40: {  	[tilespmem:s0], [sflag:$0x5] =	stream.linear.gather [hbm4b:s15+s4], $0x2000, $0x38;
	[tilespmem:$0x1F100] =	vst v63  }
0x41: {  	_ =	swait.ge [sflag:s30], $0x2000  }
0x42: {  	[sflag:s30] =	ssyncset.done $0x0  }
0x43: {  	[sflag:s30] =	ssyncadd.s32 $0xFFFFE000  }
0x44: {  	[spmem:s20] =	stream.linear.scatter [tilespmem:s0], [sflag:$0x5], $0x2000, $0x38;
	[tilespmem:$0x1F100] =	vst v63  }
0x45: {  	_ =	swait.ge [sflag:s30], $0x2000  }
0x46: {  	[sflag:s30] =	ssyncset.done $0x0  }
0x47: {  	s14 =	rddreg [dreg:$0x9];
	[sflag:s30] =	ssyncadd.s32 $0xFFFFE000  }
0x48: {  	[tilespmem:s0], [sflag:$0x5] =	stream.linear.gather [hbm4b:s14+s4], $0x2000, $0x38;
	[tilespmem:$0x1F100] =	vst v63  }
0x49: {  	_ =	swait.ge [sflag:s30], $0x2000  }
0x4a: {  	[sflag:s30] =	ssyncset.done $0x0  }
0x4b: {  	[sflag:s30] =	ssyncadd.s32 $0xFFFFE000  }
0x4c: {  	[spmem:s21] =	stream.linear.scatter [tilespmem:s0], [sflag:$0x5], $0x2000, $0x38;
	[tilespmem:$0x1F100] =	vst v63  }
0x4d: {  	_ =	swait.ge [sflag:s30], $0x2000  }
0x4e: {  	[sflag:s30] =	ssyncset.done $0x0  }
0x4f: {  	s15 =	rddreg [dreg:$0xa];
	[sflag:s30] =	ssyncadd.s32 $0xFFFFE000  }
0x50: {  	[tilespmem:s0], [sflag:$0x5] =	stream.linear.gather [hbm4b:s15+s4], $0x2000, $0x38;
	[tilespmem:$0x1F100] =	vst v63  }
0x51: {  	_ =	swait.ge [sflag:s30], $0x2000  }
0x52: {  	[sflag:s30] =	ssyncset.done $0x0  }
0x53: {  	[sflag:s30] =	ssyncadd.s32 $0xFFFFE000  }
0x54: {  	[spmem:s23] =	stream.linear.scatter [tilespmem:s0], [sflag:$0x5], $0x2000, $0x38;
	[tilespmem:$0x1F100] =	vst v63  }
0x55: {  	_ =	swait.ge [sflag:s30], $0x2000  }
0x56: {  	[sflag:s30] =	ssyncset.done $0x0  }
0x57: {  	s14 =	rddreg [dreg:$0xb];
	[sflag:s30] =	ssyncadd.s32 $0xFFFFE000  }
0x58: {  	[tilespmem:s0], [sflag:$0x5] =	stream.linear.gather [hbm4b:s14+s4], $0x2000, $0x38;
	[tilespmem:$0x1F100] =	vst v63  }
0x59: {  	_ =	swait.ge [sflag:s30], $0x2000  }
0x5a: {  	[sflag:s30] =	ssyncset.done $0x0  }
0x5b: {  	[sflag:s30] =	ssyncadd.s32 $0xFFFFE000  }
0x5c: {  	[spmem:s25] =	stream.linear.scatter [tilespmem:s0], [sflag:$0x5], $0x2000, $0x38;
	[tilespmem:$0x1F100] =	vst v63  }
0x5d: {  	_ =	swait.ge [sflag:s30], $0x2000  }
0x5e: {  	[sflag:s30] =	ssyncset.done $0x0  }
0x5f: {  	s15 =	rddreg [dreg:$0xc];
	[sflag:s30] =	ssyncadd.s32 $0xFFFFE000  }
0x60: {  	[tilespmem:s0], [sflag:$0x5] =	stream.linear.gather [hbm4b:s15+s4], $0x2000, $0x38;
	[tilespmem:$0x1F100] =	vst v63  }
0x61: {  	_ =	swait.ge [sflag:s30], $0x2000  }
0x62: {  	[sflag:s30] =	ssyncset.done $0x0  }
0x63: {  	[sflag:s30] =	ssyncadd.s32 $0xFFFFE000  }
0x64: {  	[spmem:s28] =	stream.linear.scatter [tilespmem:s0], [sflag:$0x5], $0x2000, $0x38;
	[tilespmem:$0x1F100] =	vst v63  }
0x65: {  	_ =	swait.ge [sflag:s30], $0x2000  }
0x66: {  	[sflag:s30] =	ssyncset.done $0x0  }
0x67: {  	[sflag:s30] =	ssyncadd.s32 $0xFFFFE000  }
0x68: {  	[bflag:$0x0] =	sbarrier.arrive $0xFFFF  }
0x69: {  	[tilespmem:s1], [sflag:$0x1] =	stream.indirect.gather [spmem:s3], $0x40, s4, s5, $0xb8;
	[tilespmem:$0x1F100] =	vst v63  }
0x6a: {  	_ = 	snop  }
0x6b: {  	[tilespmem:s0], [sflag:$0x2] =	stream.indirect.gather [spmem:s3], $0x40, s5, s5, $0xb8;
	[tilespmem:$0x1F100] =	vst v63  }
0x6c: {  	_ =	swait.ge [sflag:s6], $0x2000  }
0x6d: {  	[sflag:s6] =	ssyncset.done $0x0  }
0x6e: {  	[sflag:s6] =	ssyncadd.s32 $0xFFFFE000  }
0x6f: {  	[spmem:s2] =	stream.indirect.scatter.add.f32 [tilespmem:s1], [sflag:$0x4], $0x40, s31, s5, $0xb8;
	[tilespmem:$0x1F100] =	vst v63  }
0x70: {  	s14 =	simm.s32 $0x100  }
0x71: {  	[tilespmem:s7], [sflag:$0x3] =	stream.indirect.gather [spmem:s3], $0x40, s14, s5, $0xb8;
	[tilespmem:$0x1F100] =	vst v63  }
0x72: {  	_ =	swait.ge [sflag:s9], $0x2000  }
0x73: {  	[sflag:s9] =	ssyncset.done $0x0  }
0x74: {  	[sflag:s9] =	ssyncadd.s32 $0xFFFFE000  }
0x75: {  	_ =	swait.ge [sflag:s10], $0x2000  }
0x76: {  	[sflag:s10] =	ssyncset.done $0x0  }
0x77: {  	s15 =	simm.s32 $0x2900;
	[sflag:s10] =	ssyncadd.s32 $0xFFFFE000  }
0x78: {  	[spmem:s2] =	stream.indirect.scatter.add.f32 [tilespmem:s0], [sflag:$0x4], $0x40, s15, s5, $0xb8;
	[tilespmem:$0x1F100] =	vst v63  }
0x79: {  	s14 =	simm.s32 $0x180  }
0x7a: {  	[tilespmem:s1], [sflag:$0x1] =	stream.indirect.gather [spmem:s3], $0x40, s14, s5, $0xb8;
	[tilespmem:$0x1F100] =	vst v63  }
0x7b: {  	_ =	swait.ge [sflag:s11], $0x2000  }
0x7c: {  	[sflag:s11] =	ssyncset.done $0x0  }
0x7d: {  	[sflag:s11] =	ssyncadd.s32 $0xFFFFE000  }
0x7e: {  	_ =	swait.ge [sflag:s10], $0x2000  }
0x7f: {  	[sflag:s10] =	ssyncset.done $0x0  }
0x80: {  	s15 =	simm.s32 $0x2980;
	[sflag:s10] =	ssyncadd.s32 $0xFFFFE000  }
0x81: {  	[spmem:s2] =	stream.indirect.scatter.add.f32 [tilespmem:s7], [sflag:$0x4], $0x40, s15, s5, $0xb8;
	[tilespmem:$0x1F100] =	vst v63  }
0x82: {  	s14 =	simm.s32 $0x200  }
0x83: {  	[tilespmem:s0], [sflag:$0x2] =	stream.indirect.gather [spmem:s3], $0x40, s14, s5, $0xb8;
	[tilespmem:$0x1F100] =	vst v63  }
0x84: {  	_ =	swait.ge [sflag:s6], $0x2000  }
0x85: {  	[sflag:s6] =	ssyncset.done $0x0  }
0x86: {  	[sflag:s6] =	ssyncadd.s32 $0xFFFFE000  }
0x87: {  	_ =	swait.ge [sflag:s10], $0x2000  }
0x88: {  	[sflag:s10] =	ssyncset.done $0x0  }
0x89: {  	s15 =	simm.s32 $0x2A00;
	[sflag:s10] =	ssyncadd.s32 $0xFFFFE000  }
0x8a: {  	[spmem:s2] =	stream.indirect.scatter.add.f32 [tilespmem:s1], [sflag:$0x4], $0x40, s15, s5, $0xb8;
	[tilespmem:$0x1F100] =	vst v63  }
0x8b: {  	s14 =	simm.s32 $0x280  }
0x8c: {  	[tilespmem:s7], [sflag:$0x3] =	stream.indirect.gather [spmem:s3], $0x40, s14, s5, $0xb8;
	[tilespmem:$0x1F100] =	vst v63  }
0x8d: {  	_ =	swait.ge [sflag:s9], $0x2000  }
0x8e: {  	[sflag:s9] =	ssyncset.done $0x0  }
0x8f: {  	[sflag:s9] =	ssyncadd.s32 $0xFFFFE000  }
0x90: {  	_ =	swait.ge [sflag:s10], $0x2000  }
0x91: {  	[sflag:s10] =	ssyncset.done $0x0  }
0x92: {  	s15 =	simm.s32 $0x2A80;
	[sflag:s10] =	ssyncadd.s32 $0xFFFFE000  }
0x93: {  	[spmem:s2] =	stream.indirect.scatter.add.f32 [tilespmem:s0], [sflag:$0x4], $0x40, s15, s5, $0xb8;
	[tilespmem:$0x1F100] =	vst v63  }
0x94: {  	s14 =	simm.s32 $0x300  }
0x95: {  	[tilespmem:s1], [sflag:$0x1] =	stream.indirect.gather [spmem:s3], $0x40, s14, s5, $0xb8;
	[tilespmem:$0x1F100] =	vst v63  }
0x96: {  	_ =	swait.ge [sflag:s11], $0x2000  }
0x97: {  	[sflag:s11] =	ssyncset.done $0x0  }
0x98: {  	[sflag:s11] =	ssyncadd.s32 $0xFFFFE000  }
0x99: {  	_ =	swait.ge [sflag:s10], $0x2000  }
0x9a: {  	s13 =	simm.s32 $0x600;
	[sflag:s10] =	ssyncset.done $0x0  }
0x9b: {  	s15 =	simm.s32 $0x2B00;
	s14 =	simm.s32 $0x380;
	[sflag:s10] =	ssyncadd.s32 $0xFFFFE000  }
0x9c: {  	[spmem:s2] =	stream.indirect.scatter.add.f32 [tilespmem:s7], [sflag:$0x4], $0x40, s15, s5, $0xb8;
	[tilespmem:$0x1F100] =	vst v63  }
.LBB2_2:
0x9d: {  	[tilespmem:s0], [sflag:$0x2] =	stream.indirect.gather [spmem:s3], $0x40, s14, s5, $0xb8;
	[tilespmem:$0x1F100] =	vst v63  }
0x9e: {  	s14 =	smov.u32 s13  }
0x9f: {  	p0 =	sne.s32 s13, $0x9000;
	s13 =	sadd.s32 $0x600, s13;
	_ =	swait.ge [sflag:s6], $0x2000  }
0xa0: {  	[sflag:s6] =	ssyncset.done $0x0  }
0xa1: {  	[sflag:s6] =	ssyncadd.s32 $0xFFFFE000  }
0xa2: {  	_ =	swait.ge [sflag:s10], $0x2000  }
0xa3: {  	s14 =	sshra.s32 s14, $0x2;
	[sflag:s10] =	ssyncset.done $0x0  }
0xa4: {  	s15 =	sadd.s32 $0x2A00, s14;
	[sflag:s10] =	ssyncadd.s32 $0xFFFFE000  }
0xa5: {  	[spmem:s2] =	stream.indirect.scatter.add.f32 [tilespmem:s1], [sflag:$0x4], $0x40, s15, s5, $0xb8;
	[tilespmem:$0x1F100] =	vst v63  }
0xa6: {  	s15 =	sadd.s32 $0x280, s14  }
0xa7: {  	[tilespmem:s7], [sflag:$0x3] =	stream.indirect.gather [spmem:s3], $0x40, s15, s5, $0xb8;
	[tilespmem:$0x1F100] =	vst v63  }
0xa8: {  	_ =	swait.ge [sflag:s9], $0x2000  }
0xa9: {  	[sflag:s9] =	ssyncset.done $0x0  }
0xaa: {  	[sflag:s9] =	ssyncadd.s32 $0xFFFFE000  }
0xab: {  	_ =	swait.ge [sflag:s10], $0x2000  }
0xac: {  	[sflag:s10] =	ssyncset.done $0x0  }
0xad: {  	s15 =	sadd.s32 $0x2A80, s14;
	[sflag:s10] =	ssyncadd.s32 $0xFFFFE000  }
0xae: {  	[spmem:s2] =	stream.indirect.scatter.add.f32 [tilespmem:s0], [sflag:$0x4], $0x40, s15, s5, $0xb8;
	[tilespmem:$0x1F100] =	vst v63  }
0xaf: {  	s15 =	sadd.s32 $0x300, s14  }
0xb0: {  	[tilespmem:s1], [sflag:$0x1] =	stream.indirect.gather [spmem:s3], $0x40, s15, s5, $0xb8;
	[tilespmem:$0x1F100] =	vst v63  }
0xb1: {  	_ =	swait.ge [sflag:s11], $0x2000  }
0xb2: {  	[sflag:s11] =	ssyncset.done $0x0  }
0xb3: {  	[sflag:s11] =	ssyncadd.s32 $0xFFFFE000  }
.Ltmp0:
0xb4: {  	_ =	swait.ge [sflag:s10], $0x2000;
	(pc) =	sbr.rel @p0 .LBB2_2-.Ltmp0, $4  }
0xb5: {  	[sflag:s10] =	ssyncset.done $0x0  }
0xb6: {  	s15 =	sadd.s32 $0x2B00, s14;
	[sflag:s10] =	ssyncadd.s32 $0xFFFFE000  }
0xb7: {  	[spmem:s2] =	stream.indirect.scatter.add.f32 [tilespmem:s7], [sflag:$0x4], $0x40, s15, s5, $0xb8;
	[tilespmem:$0x1F100] =	vst v63  }
0xb8: {  	s14 =	sadd.s32 $0x380, s14  }
0xb9: {  	[tilespmem:s0], [sflag:$0x2] =	stream.indirect.gather [spmem:s3], $0x40, s14, s5, $0xb8;
	[tilespmem:$0x1F100] =	vst v63  }
0xba: {  	_ =	swait.ge [sflag:s6], $0x2000  }
0xbb: {  	[sflag:s6] =	ssyncset.done $0x0  }
0xbc: {  	[sflag:s6] =	ssyncadd.s32 $0xFFFFE000  }
0xbd: {  	_ =	swait.ge [sflag:s10], $0x2000  }
0xbe: {  	[sflag:s10] =	ssyncset.done $0x0  }
0xbf: {  	s13 =	simm.s32 $0x4F80;
	[sflag:s10] =	ssyncadd.s32 $0xFFFFE000  }
0xc0: {  	[spmem:s2] =	stream.indirect.scatter.add.f32 [tilespmem:s1], [sflag:$0x4], $0x40, s13, s5, $0xb8;
	[tilespmem:$0x1F100] =	vst v63  }
0xc1: {  	s15 =	simm.s32 $0x2800  }
0xc2: {  	[tilespmem:s7], [sflag:$0x3] =	stream.indirect.gather [spmem:s3], $0x40, s15, s5, $0xb8;
	[tilespmem:$0x1F100] =	vst v63  }
0xc3: {  	_ =	swait.ge [sflag:s9], $0x2000  }
0xc4: {  	[sflag:s9] =	ssyncset.done $0x0  }
0xc5: {  	[sflag:s9] =	ssyncadd.s32 $0xFFFFE000  }
0xc6: {  	_ =	swait.ge [sflag:s10], $0x2000  }
0xc7: {  	[sflag:s10] =	ssyncset.done $0x0  }
0xc8: {  	s14 =	simm.s32 $0x5000;
	[sflag:s10] =	ssyncadd.s32 $0xFFFFE000  }
0xc9: {  	[spmem:s2] =	stream.indirect.scatter.add.f32 [tilespmem:s0], [sflag:$0x4], $0x40, s14, s5, $0xb8;
	[tilespmem:$0x1F100] =	vst v63  }
0xca: {  	_ =	swait.ge [sflag:s11], $0x2000  }
0xcb: {  	[sflag:s11] =	ssyncset.done $0x0  }
0xcc: {  	[sflag:s11] =	ssyncadd.s32 $0xFFFFE000  }
0xcd: {  	_ =	swait.ge [sflag:s10], $0x2000  }
0xce: {  	[sflag:s10] =	ssyncset.done $0x0  }
0xcf: {  	s15 =	simm.s32 $0x5080;
	[sflag:s10] =	ssyncadd.s32 $0xFFFFE000  }
0xd0: {  	[spmem:s2] =	stream.indirect.scatter.add.f32 [tilespmem:s7], [sflag:$0x4], $0x40, s15, s5, $0xb8;
	[tilespmem:$0x1F100] =	vst v63  }
0xd1: {  	_ =	swait.ge [sflag:s10], $0x2000  }
0xd2: {  	[sflag:s10] =	ssyncset.done $0x0  }
0xd3: {  	[sflag:s10] =	ssyncadd.s32 $0xFFFFE000  }
0xd4: {  	[bflag:$0x0] =	sbarrier.arrive $0xFFFF  }
0xd5: {  	[tilespmem:s1], [sflag:$0x5] =	stream.linear.gather [spmem:s8], $0x2000, $0x38;
	[tilespmem:$0x1F100] =	vst v63  }
0xd6: {  	_ =	swait.ge [sflag:s30], $0x2000  }
0xd7: {  	[sflag:s30] =	ssyncset.done $0x0  }
0xd8: {  	s14 =	rddreg [dreg:$0xd];
	[sflag:s30] =	ssyncadd.s32 $0xFFFFE000  }
0xd9: {  	[hbm4b:s14+s4] =	stream.linear.scatter [tilespmem:s1], [sflag:$0x5], $0x2000, $0x38;
	[tilespmem:$0x1F100] =	vst v63  }
0xda: {  	_ =	swait.ge [sflag:s30], $0x2000  }
0xdb: {  	[sflag:s30] =	ssyncset.done $0x0  }
0xdc: {  	[sflag:s30] =	ssyncadd.s32 $0xFFFFE000  }
0xdd: {  	[tilespmem:s0], [sflag:$0x5] =	stream.linear.gather [spmem:s19], $0x2000, $0x38;
	[tilespmem:$0x1F100] =	vst v63  }
0xde: {  	_ =	swait.ge [sflag:s30], $0x2000  }
0xdf: {  	[sflag:s30] =	ssyncset.done $0x0  }
0xe0: {  	s15 =	rddreg [dreg:$0xe];
	[sflag:s30] =	ssyncadd.s32 $0xFFFFE000  }
0xe1: {  	[hbm4b:s15+s4] =	stream.linear.scatter [tilespmem:s0], [sflag:$0x5], $0x2000, $0x38;
	[tilespmem:$0x1F100] =	vst v63  }
0xe2: {  	_ =	swait.ge [sflag:s30], $0x2000  }
0xe3: {  	[sflag:s30] =	ssyncset.done $0x0  }
0xe4: {  	[sflag:s30] =	ssyncadd.s32 $0xFFFFE000  }
0xe5: {  	[tilespmem:s7], [sflag:$0x5] =	stream.linear.gather [spmem:s22], $0x2000, $0x38;
	[tilespmem:$0x1F100] =	vst v63  }
0xe6: {  	_ =	swait.ge [sflag:s30], $0x2000  }
0xe7: {  	[sflag:s30] =	ssyncset.done $0x0  }
0xe8: {  	[sflag:s30] =	ssyncadd.s32 $0xFFFFE000  }
0xe9: {  	[hbm4b:s16+s4] =	stream.linear.scatter [tilespmem:s7], [sflag:$0x5], $0x2000, $0x38;
	[tilespmem:$0x1F100] =	vst v63  }
0xea: {  	_ =	swait.ge [sflag:s30], $0x2000  }
0xeb: {  	[sflag:s30] =	ssyncset.done $0x0  }
0xec: {  	[sflag:s30] =	ssyncadd.s32 $0xFFFFE000  }
0xed: {  	[tilespmem:s1], [sflag:$0x5] =	stream.linear.gather [spmem:s24], $0x2000, $0x38;
	[tilespmem:$0x1F100] =	vst v63  }
0xee: {  	_ =	swait.ge [sflag:s30], $0x2000  }
0xef: {  	[sflag:s30] =	ssyncset.done $0x0  }
0xf0: {  	[sflag:s30] =	ssyncadd.s32 $0xFFFFE000  }
0xf1: {  	[hbm4b:s17+s4] =	stream.linear.scatter [tilespmem:s1], [sflag:$0x5], $0x2000, $0x38;
	[tilespmem:$0x1F100] =	vst v63  }
0xf2: {  	_ =	swait.ge [sflag:s30], $0x2000  }
0xf3: {  	[sflag:s30] =	ssyncset.done $0x0  }
0xf4: {  	[sflag:s30] =	ssyncadd.s32 $0xFFFFE000  }
0xf5: {  	[tilespmem:s0], [sflag:$0x5] =	stream.linear.gather [spmem:s26], $0x2000, $0x38;
	[tilespmem:$0x1F100] =	vst v63  }
0xf6: {  	s12 =	sadd.s32 $0x1, s12;
	_ =	swait.ge [sflag:s30], $0x2000  }
0xf7: {  	p0 =	sne.s32 s12, s29;
	[sflag:s30] =	ssyncset.done $0x0  }
.Ltmp1:
0xf8: {  	[sflag:s30] =	ssyncadd.s32 $0xFFFFE000;
	(pc) =	sbr.rel @p0 .LBB2_1-.Ltmp1, $4  }
0xf9: {  	[hbm4b:s18+s4] =	stream.linear.scatter [tilespmem:s0], [sflag:$0x5], $0x2000, $0x38;
	[tilespmem:$0x1F100] =	vst v63  }
0xfa: {  	_ =	swait.ge [sflag:s30], $0x2000  }
0xfb: {  	[sflag:s30] =	ssyncset.done $0x0  }
0xfc: {  	[sflag:s30] =	ssyncadd.s32 $0xFFFFE000  }
0xfd: {  	_ =	sfence.sel $0x180000  }
0xfe: {  	[bflag:$0x0] =	sbarrier.arrive $0xFFFF  }
0xff: {  	_ =	strace $0x9000004D  }
0x100: {  	s0 =	stileid.u32;
	[bflag:$0x2] =	sbarrier.arrive $0xFFFF  }
0x101: {  	p0 =	sne.s32 s0, $0x0;
	s0 =	rddreg [dreg:$0x4]  }
0x102: {  	s0 =	sadd.s32 @!p0 $0x100000, s0  }
0x103: {  	[sflag:s0] =	ssyncadd.tile.s32 @!p0 $0x1;
	_ =	shalt  }
.Lfunc_end2:
_tile_overlayer_lowered:
.L_overlay_start_2:
0x104: {  	(tag) =	ssettag $0x2  }
0x105: {  	s0 =	rddreg [dreg:$0x0];
	s2 =	stileid.u32  }
0x106: {  	s1 =	rddreg [dreg:$0x1];
	p0 =	sne.s32 s2, $0x0  }
0x107: {  	s3 =	rddreg [dreg:$0x2];
	[bflag:$0x3] =	sbarrier.arrive $0xFFFF;
	s2 =	simm.s32 @!p0 $0x1C05  }
0x108: {  	[timem:s3], [sflag:s2] =	dma.local @!p0 [hbm:s0], s1  }
0x109: {  	s0 =	simm.s32 @!p0 $0x5  }
0x10a: {  	_ =	swait.ge @!p0 [sflag:s0], s1  }
0x10b: {  	s1 =	ssub.s32 @!p0 $0x0, s1;
	[sflag:s0] =	ssyncset.done @!p0 $0x0  }
0x10c: {  	[sflag:s0] =	ssyncadd.s32 @!p0 s1  }
0x10d: {  	[bflag:$0x3] =	sbarrier.arrive $0xFFFF  }
0x10e: {  	_ =	shalt  }

// kernel: kernel.9.cloned.1.call-start
scs
__scs_entry_jumppad:
0x0: {  	(pc) =	sbr.rel $0x88, $3  }
0x1: {  	(tag) =	ssettag $0x0;
	lr =	simm.s32 $0x1  }
0x2: {  	[smem:$0x3F8F] =	sst lr;
	_ =	strace $0xD0000000  }
0x3: {  	_ = 	snop  }
0x4: {  	_ = 	snop  }
0x5: {  	_ = 	snop  }
0x6: {  	_ = 	snop  }
0x7: {  	_ = 	snop  }
__scs_overlays_trampoline_lowered:
0x8: {  	[smem:$0x3F9E] =	sst s0  }
0x9: {  	[smem:$0x3F9F] =	sst s1  }
0xa: {  	[smem:$0x3FA0] =	sst s2  }
0xb: {  	[smem:$0x3FA1] =	sst s3  }
0xc: {  	[smem:$0x3FA2] =	sst s4  }
0xd: {  	[smem:$0x3FA3] =	sst s5  }
0xe: {  	[smem:$0x3FA4] =	sst s6  }
0xf: {  	[smem:$0x3FA5] =	sst s7  }
0x10: {  	[smem:$0x3FA6] =	sst s8  }
0x11: {  	[smem:$0x3FA7] =	sst s9;
	s0 =	simm.s32 @!p0 $0x0  }
0x12: {  	s1 =	sld [smem:$0x3F8D];
	s0 =	simm.s32 @p0 $0x1  }
0x13: {  	[smem:$0x3FA8] =	sst s0;
	s0 =	simm.s32 @!p1 $0x0  }
0x14: {  	s2 =	sld [smem:$0x3F8C];
	s0 =	simm.s32 @p1 $0x1  }
0x15: {  	[smem:$0x3FA9] =	sst s0;
	s0 =	simm.s32 @!p2 $0x0  }
0x16: {  	s3 =	sld [smem:$0x3FDB];
	s0 =	simm.s32 @p2 $0x1  }
0x17: {  	s4 =	simm.s32 $0x1BF5;
	[smem:$0x3FAB] =	sst s0  }
0x18: {  	s0 =	sld [smem:$0x3F8E];
	_ =	swait.ge [sflag:s4], $0x0  }
0x19: {  	s7 =	sld [smem:$0x3F8F]  }
0x1a: {  	s8 =	sadd.s32 $0xFFFFE003, lr  }
0x1b: {  	s9 =	sadd.s32 $0xFFFFFEF7, lr;
	s5 =	simm.s32 $0xFFFFFFFF;
	p2 =	slt.u32 s8, $0xFFFFF086  }
0x1c: {  	p1 =	slt.u32 s9, $0xF7A;
	s5 =	simm.s32 @!p2 $0x0  }
0x1d: {  	s5 =	simm.s32 @p1 $0x1;
	p0 =	seq.s32 s7, s2  }
0x1e: {  	s7 =	smul.u32 @!p0 $0xF7A, s2;
	p2 =	seq.s32 @!p0 s5, $0x0  }
0x1f: {  	s9 =	smul.u32 $0xF7A, s1;
	s8 =	simm.s32 @!p0 $0x1BF5;
	p2 =	por !p2, p0  }
0x20: {  	[sflag:s8] =	ssyncset.s32 @!p0 $0xFFFFF086;
	s6 =	sadd.s32 @!p0 s3, s7;
	s7 =	simm.s32 @!p0 $0x108  }
0x21: {  	s3 =	sadd.s32 s3, s9;
	s6 =	sadd.s32 @!p0 $0x88, s6;
	s7 =	simm.s32 @p2 $0x1082  }
0x22: {  	[simem:s7], [sflag:s8] =	dma.local @!p0 [hbm:s6], $0xF7A  }
0x23: {  	s9 =	sor.u32 $0xD0000000, s2;
	s6 =	simm.s32 $0x108;
	_ =	swait.ge @!p0 [sflag:s8], $0x0  }
0x24: {  	s3 =	sadd.s32 $0x88, s3;
	s6 =	simm.s32 @!p1 $0x1082;
	[sflag:s4] =	ssyncset.s32 $0xFFFFF086  }
0x25: {  	[simem:s6], [sflag:s4] =	dma.local [hbm:s3], $0xF7A  }
0x26: {  	[smem:$0x3F8F] =	sst s1;
	(tag) =	ssettag s2;
	_ =	strace s9  }
0x27: {  	s1 =	sld [smem:$0x3F9F]  }
0x28: {  	s2 =	sld [smem:$0x3FA0]  }
0x29: {  	s4 =	sld [smem:$0x3FA2]  }
0x2a: {  	p0 =	seq.s32 s5, $0x0;
	s5 =	sld [smem:$0x3FA3]  }
0x2b: {  	s6 =	sld [smem:$0x3FA4]  }
0x2c: {  	s7 =	sld [smem:$0x3FA5]  }
0x2d: {  	s3 =	simm.s32 $0x108;
	s8 =	sld [smem:$0x3FA6]  }
0x2e: {  	s3 =	simm.s32 @!p0 $0x1082;
	s9 =	sld [smem:$0x3FA7]  }
0x2f: {  	lr =	sadd.s32 s0, s3;
	s0 =	sld [smem:$0x3F9E]  }
0x30: {  	s3 =	sld [smem:$0x3FA1]  }
0x31: {  	[smem:$0x3FAA] =	sst s10  }
0x32: {  	s10 =	sld [smem:$0x3FA8];
	_ =	sdelay $0x3  }
0x33: {  	p0 =	seq.s32 s10, $0x1;
	s10 =	sld [smem:$0x3FAA];
	_ =	sdelay $0x3  }
0x34: {  	[smem:$0x3FAA] =	sst s10  }
0x35: {  	s10 =	sld [smem:$0x3FA9];
	_ =	sdelay $0x3  }
0x36: {  	p1 =	seq.s32 s10, $0x1;
	s10 =	sld [smem:$0x3FAA];
	_ =	sdelay $0x3  }
0x37: {  	[smem:$0x3FAA] =	sst s10  }
0x38: {  	s10 =	sld [smem:$0x3FAB]  }
0x39: {  	_ = 	snop;
	(pc) =	sbr.ind lr, $3  }
0x3a: {  	_ = 	snop  }
0x3b: {  	_ = 	snop  }
0x3c: {  	p2 =	seq.s32 s10, $0x1;
	s10 =	sld [smem:$0x3FAA]  }
0x3d: {  	_ =	shalt  }
0x3e: {  	_ =	shalt  }
0x3f: {  	_ =	shalt  }
0x40: {  	_ =	shalt  }
0x41: {  	_ =	shalt  }
0x42: {  	_ =	shalt  }
0x43: {  	_ =	shalt  }
0x44: {  	_ =	shalt  }
0x45: {  	_ =	shalt  }
0x46: {  	_ =	shalt  }
0x47: {  	_ =	shalt  }
0x48: {  	_ =	shalt  }
0x49: {  	_ =	shalt  }
0x4a: {  	_ =	shalt  }
0x4b: {  	_ =	shalt  }
0x4c: {  	_ =	shalt  }
0x4d: {  	_ =	shalt  }
0x4e: {  	_ =	shalt  }
0x4f: {  	_ =	shalt  }
0x50: {  	_ =	shalt  }
0x51: {  	_ =	shalt  }
0x52: {  	_ =	shalt  }
0x53: {  	_ =	shalt  }
0x54: {  	_ =	shalt  }
0x55: {  	_ =	shalt  }
0x56: {  	_ =	shalt  }
0x57: {  	_ =	shalt  }
0x58: {  	_ =	shalt  }
0x59: {  	_ =	shalt  }
0x5a: {  	_ =	shalt  }
0x5b: {  	_ =	shalt  }
0x5c: {  	_ =	shalt  }
0x5d: {  	_ =	shalt  }
0x5e: {  	_ =	shalt  }
0x5f: {  	_ =	shalt  }
0x60: {  	_ =	shalt  }
0x61: {  	_ =	shalt  }
0x62: {  	_ =	shalt  }
0x63: {  	_ =	shalt  }
0x64: {  	_ =	shalt  }
0x65: {  	_ =	shalt  }
0x66: {  	_ =	shalt  }
0x67: {  	_ =	shalt  }
0x68: {  	_ =	shalt  }
0x69: {  	_ =	shalt  }
0x6a: {  	_ =	shalt  }
0x6b: {  	_ =	shalt  }
0x6c: {  	_ =	shalt  }
0x6d: {  	_ =	shalt  }
0x6e: {  	_ =	shalt  }
0x6f: {  	_ =	shalt  }
0x70: {  	_ =	shalt  }
0x71: {  	_ =	shalt  }
0x72: {  	_ =	shalt  }
0x73: {  	_ =	shalt  }
0x74: {  	_ =	shalt  }
0x75: {  	_ =	shalt  }
0x76: {  	_ =	shalt  }
0x77: {  	_ =	shalt  }
0x78: {  	_ =	shalt  }
0x79: {  	_ =	shalt  }
0x7a: {  	_ =	shalt  }
0x7b: {  	_ =	shalt  }
0x7c: {  	_ =	shalt  }
0x7d: {  	_ =	shalt  }
0x7e: {  	_ =	shalt  }
0x7f: {  	_ =	shalt  }
0x80: {  	_ =	shalt  }
0x81: {  	_ =	shalt  }
0x82: {  	_ =	shalt  }
0x83: {  	_ =	shalt  }
0x84: {  	_ =	shalt  }
0x85: {  	_ =	shalt  }
0x86: {  	_ =	shalt  }
0x87: {  	_ =	shalt  }
.Lfunc_end0:
.L_simem_size_0:
called_computation_lowered:
.L_overlay_start_0:
0x88: {  	s2 =	sld [smem:$0x3FD9]  }
0x89: {  	s3 =	sld [smem:$0x3FFE];
	_ =	sdelay $0x1  }
0x8a: {  	s1 =	srdreg.scid  }
0x8b: {  	s0 =	sand.u32 $0x1, s1  }
0x8c: {  	s14 =	sshll.u32 s0, $0xA;
	s2 =	sadd.s32 s3, s2  }
0x8d: {  	s2 =	sadd.s32 s2, s14  }
0x8e: {  	[smem:$0x3FB6] =	sst s2  }
0x8f: {  	_ = 	snop  }
0x90: {  	s2 =	sld [smem:$0x3FD0];
	_ =	sdelay $0x2  }
0x91: {  	s15 =	simm.s32 $0xA;
	s4 =	simm.s32 $0x10  }
0x92: {  	[smem:s4], [sflag:s15] =	dma.local [hbm:s2], $0x1  }
0x93: {  	_ =	swait.eq [sflag:s15], $0x1  }
0x94: {  	[sflag:s15] =	ssyncset.done $0x0  }
0x95: {  	s16 =	sld [smem:$0x10];
	[sflag:s15] =	ssyncadd.s32 $0xFFFFFFFF  }
0x96: {  	s17 =	sld [smem:$0x11];
	(tm) =	ssettm $0x1  }
0x97: {  	s18 =	sld [smem:$0x3FFB];
	_ =	sdelay $0x3  }
0x98: {  	_ =	strace s18  }
0x99: {  	s4 =	sld [smem:$0x3FFC];
	_ =	sdelay $0x3  }
0x9a: {  	_ =	strace s4  }
0x9b: {  	s4 =	sld [smem:$0x3FFD];
	_ =	sdelay $0x3  }
0x9c: {  	_ =	strace s4  }
0x9d: {  	_ =	strace $0x8FFFFFFF  }
0x9e: {  	s19 =	sld [smem:$0x3FDB];
	_ =	sdelay $0x1  }
0x9f: {  	s5 =	simm.s32 $_scs_section_size  }
0xa0: {  	s6 =	simm.s32 $_size__tile_overlayer_lowered;
	s7 =	simm.s32 $_tile_overlayer_lowered  }
0xa1: {  	s22 =	simm.s32 $0x1BFF;
	s21 =	sshll.u32 s7, $0x1;
	s4 =	sadd.s32 s5, s19  }
0xa2: {  	s8 =	simm.s32 $0x0;
	s20 =	sshll.u32 s6, $0x1;
	s6 =	sadd.s32 s21, s4  }
0xa3: {  	[timem:s8], [sflag:s22] =	dma.local [hbm:s6], s20  }
0xa4: {  	_ =	swait.ge [sflag:s22], s20  }
0xa5: {  	s5 =	ssub.s32 $0x0, s20;
	[sflag:s22] =	ssyncset.done $0x0  }
0xa6: {  	[sflag:s22] =	ssyncadd.s32 s5;
	_ =	sdelay $0x1  }
0xa7: {  	s23 =	simm.s32 $0x1B8B  }
0xa8: {  	_ =	swait.ge [sflag:s23], $0x1  }
0xa9: {  	[sflag:s23] =	ssyncset.done $0x0  }
0xaa: {  	s25 =	simm.s32 $0x1B8E;
	s24 =	sld [smem:$0x3FFE];
	[sflag:s23] =	ssyncadd.s32 $0xFFFFFFFF  }
0xab: {  	s26 =	simm.s32 $execute0_lowered;
	[smem:$0x3FD2] =	sst s25  }
0xac: {  	s6 =	sshll.u32 s26, $0x1;
	_ =	strace $0x80000046;
	[dreg:$0x1] =	wrdreg $0xFFFFFFFF  }
0xad: {  	s28 =	simm.s32 $_size_execute0_lowered;
	s4 =	sadd.s32 s4, s6;
	[dreg:$0x0] =	wrdreg $0x0  }
0xae: {  	s6 =	sshll.u32 s28, $0x1;
	[dreg:$0x2] =	wrdreg s4  }
0xaf: {  	[dreg:$0x3] =	wrdreg s6  }
0xb0: {  	[dreg:$0x4] =	wrdreg $0xC0  }
0xb1: {  	_ =	task [dreg:s8], $0x5FFFF  }
0xb2: {  	[dreg:$0x1] =	wrdreg $0xFFFFFFFF  }
0xb3: {  	[dreg:$0x0] =	wrdreg $0x60  }
0xb4: {  	[dreg:$0x2] =	wrdreg s24  }
0xb5: {  	[dreg:$0x3] =	wrdreg s16  }
0xb6: {  	[dreg:$0x4] =	wrdreg s17  }
0xb7: {  	[dreg:$0x5] =	wrdreg $0xB1000  }
0xb8: {  	[dreg:$0x6] =	wrdreg $0x151000  }
0xb9: {  	[dreg:$0x7] =	wrdreg $0x1F2000  }
0xba: {  	[dreg:$0x8] =	wrdreg $0x9  }
0xbb: {  	_ =	task.clear_ibuf [dreg:s8], $0x9FFFF;
	_ =	strace $0x90000046  }
0xbc: {  	s29 =	simm.s32 $0x9;
	_ =	strace $0x80000048  }
0xbd: {  	_ =	swait.ge [sflag:s29], $0x1  }
0xbe: {  	[sflag:s29] =	ssyncadd.s32 $0xFFFFFFFF  }
0xbf: {  	_ =	strace $0x90000048  }
0xc0: {  	_ =	sfence  }
0xc1: {  	s30 =	sld [smem:$0x0];
	_ =	sdelay $0x2  }
0xc2: {  	s31 =	sshll.u32 s1, $0xD;
	s1 =	sshrl.u32 s1, $0x2  }
0xc3: {  	s3 =	sand.u32 $0x4000, s31;
	s1 =	sadd.s32 s1, s30  }
0xc4: {  	s0 =	sor.u32 s3, s0;
	s1 =	sshll.u32 s1, $0x11  }
0xc5: {  	s0 =	sor.u32 s1, s0  }
0xc6: {  	s0 =	sadd.s32 $0x8F2B, s0  }
0xc7: {  	[sflag:s0] =	ssyncadd.remote.s32 $0x1  }
0xc8: {  	_ =	sfence.sel $0xFFFF  }
0xc9: {  	[dreg:$0x0] =	wrdreg $0xFFFFFFFF;
	(pc) =	sbr.abs _section_cstart, $3  }
0xca: {  	[dreg:$0x1] =	wrdreg $0xFFFFFFFF  }
0xcb: {  	_ =	task.clear_ibuf [dreg:s8], $0x2FFFF;
	_ =	strace $0x9FFFFFFF  }
0xcc: {  	(tm) =	ssettm $0x7FFFFFFF  }
0xcd: {  	_ =	shalt  }
tec
execute0_lowered:
.L_overlay_start_1:
0x0: {  	(tag) =	ssettag $0x1  }
0x1: {  	s1 =	srdreg.scid  }
0x2: {  	s0 =	rddreg [dreg:$0x0];
	s5 =	stileid.u32  }
0x3: {  	s30 =	simm.s32 $0x3;
	s28 =	simm.s32 $0x0;
	s10 =	sand.u32 $0x1, s1  }
0x4: {  	s13 =	sadd.s32 $0x2B800, s0;
	s2 =	sshll.u32 s5, $0x1;
	s3 =	smul.u32 $0x280, s5  }
0x5: {  	s15 =	sadd.s32 $0x4AA00, s0;
	s1 =	ssub.s32 $0x2, s10;
	s14 =	sor.u32 s10, s2  }
0x6: {  	s17 =	smul.u32 $0xA0000, s10;
	s4 =	sshrl.u32 s1, $0x1;
	s6 =	sadd.s32 $0x180, s3  }
0x7: {  	s7 =	sadd.s32 $0x200, s3;
	s2 =	ssub.s32 s1, s4;
	s1 =	smul.u32 $0xA000, s5  }
0x8: {  	s4 =	sadd.s32 $0x80, s3;
	s5 =	sadd.s32 $0x100, s3;
	s9 =	sshll.u32 s6, $0x6  }
0x9: {  	s21 =	sshll.u32 s6, $0x3;
	s18 =	sshll.u32 s7, $0x3;
	s8 =	sshll.u32 s5, $0x6  }
0xa: {  	s19 =	sshll.u32 s4, $0x3;
	s16 =	sshrl.u32 s1, $0x3;
	s24 =	sadd.s32 s17, s8  }
0xb: {  	s16 =	sadd.s32 s13, s16;
	s26 =	sshrl.u32 s24, $0x3;
	s24 =	rddreg [dreg:$0x1]  }
0xc: {  	s20 =	sshll.u32 s5, $0x3;
	[dreg:$0x7] =	wrdreg s16;
	s16 =	sadd.s32 s13, s19  }
0xd: {  	s11 =	sshll.u32 s4, $0x6;
	[dreg:$0x8] =	wrdreg s16;
	s16 =	sadd.s32 s13, s20  }
0xe: {  	s22 =	sadd.s32 s1, s17;
	[dreg:$0x9] =	wrdreg s16;
	s16 =	sadd.s32 s13, s21  }
0xf: {  	s23 =	sadd.s32 s17, s11;
	s13 =	sadd.s32 s13, s18;
	[dreg:$0xa] =	wrdreg s16  }
0x10: {  	[dreg:$0xb] =	wrdreg s13;
	s13 =	sshrl.u32 s22, $0x3;
	s16 =	sadd.s32 s15, s26  }
0x11: {  	s25 =	sshrl.u32 s23, $0x3;
	s13 =	sadd.s32 s15, s13;
	[dreg:$0xe] =	wrdreg s16  }
0x12: {  	s12 =	sshll.u32 s7, $0x6;
	[dreg:$0xc] =	wrdreg s13;
	s13 =	sadd.s32 s15, s25  }
0x13: {  	s19 =	sadd.s32 s17, s12;
	s18 =	sadd.s32 s17, s9;
	[dreg:$0xd] =	wrdreg s13  }
0x14: {  	s13 =	sshrl.u32 s18, $0x3;
	s18 =	smul.u32 $0x2800, s10;
	s10 =	simm.s32 $0x0  }
0x15: {  	s21 =	sshrl.u32 s19, $0x3;
	s20 =	sadd.s32 s15, s13;
	[smem:$0x7FF] =	sst s10  }
0x16: {  	s14 =	smul.u32 $0x510, s14;
	s13 =	sadd.s32 s15, s21;
	[dreg:$0xf] =	wrdreg s20  }
0x17: {  	s2 =	smax.u32 s2, $0x1;
	s23 =	sadd.s32 $0x4A000, s0;
	[dreg:$0x10] =	wrdreg s13  }
0x18: {  	s22 =	sadd.s32 s3, s18;
	s25 =	sadd.s32 s18, s4;
	s26 =	sadd.s32 s18, s5  }
0x19: {  	s19 =	sadd.s32 s18, s6;
	s13 =	sshrl.u32 s22, $0x3;
	s15 =	sshrl.u32 s25, $0x3  }
0x1a: {  	s20 =	sshrl.u32 s19, $0x3;
	s19 =	rddreg [dreg:$0x5];
	s13 =	sadd.s32 s23, s13  }
0x1b: {  	s18 =	sadd.s32 s18, s7;
	s15 =	sadd.s32 s23, s15;
	[dreg:$0x11] =	wrdreg s13  }
0x1c: {  	s17 =	sshrl.u32 s26, $0x3;
	s18 =	sshrl.u32 s18, $0x3;
	[dreg:$0x12] =	wrdreg s15  }
0x1d: {  	s17 =	sadd.s32 s23, s17;
	s20 =	sadd.s32 s23, s20;
	s15 =	rddreg [dreg:$0x3]  }
0x1e: {  	s16 =	sadd.s32 s23, s18;
	s18 =	sadd.s32 $0x49A00, s0;
	[dreg:$0x13] =	wrdreg s17  }
0x1f: {  	s3 =	sadd.s32 s3, s19;
	s4 =	sadd.s32 s4, s19;
	s17 =	rddreg [dreg:$0x4]  }
0x20: {  	s5 =	sadd.s32 s5, s19;
	s6 =	sadd.s32 s6, s19;
	[dreg:$0x14] =	wrdreg s20  }
0x21: {  	s7 =	sadd.s32 s7, s19;
	[dreg:$0x15] =	wrdreg s16;
	s13 =	sadd.s32 s24, s14  }
0x22: {  	s16 =	sadd.s32 s14, s0;
	_ =	strace $0x80000047;
	[dreg:$0x16] =	wrdreg s13  }
0x23: {  	s0 =	sadd.s32 $0x49E00, s0;
	s14 =	simm.s32 $0x7100;
	[dreg:$0x17] =	wrdreg s18  }
0x24: {  	[dreg:$0x18] =	wrdreg s0;
	s20 =	sadd.s32 $0x3F800, s16;
	s26 =	sadd.s32 s1, s15  }
0x25: {  	s21 =	sadd.s32 s1, s17;
	s29 =	sadd.s32 s11, s15;
	[dreg:$0x1f] =	wrdreg s2  }
0x26: {  	s22 =	sadd.s32 s11, s17;
	s31 =	sadd.s32 s8, s15;
	[dreg:$0x19] =	wrdreg s20  }
0x27: {  	s23 =	sadd.s32 s8, s17;
	s0 =	sadd.s32 s9, s15;
	[dreg:$0x1a] =	wrdreg s21  }
0x28: {  	s24 =	sadd.s32 s9, s17;
	s1 =	sadd.s32 s12, s15;
	[dreg:$0x1b] =	wrdreg s22  }
0x29: {  	s25 =	sadd.s32 s12, s17;
	s9 =	simm.s32 $0x5;
	[dreg:$0x1c] =	wrdreg s23  }
0x2a: {  	s11 =	simm.s32 $0x2880;
	s12 =	simm.s32 $0x5100;
	[dreg:$0x1d] =	wrdreg s24  }
0x2b: {  	s16 =	simm.s32 $0x1F180;
	s8 =	simm.s32 $0x5080;
	[dreg:$0x1e] =	wrdreg s25  }
0x2c: {  	s20 =	simm.s32 $0x1F100;
	s21 =	simm.s32 $0x80;
	s22 =	simm.s32 $0x1  }
0x2d: {  	s23 =	simm.s32 $0x9100;
	s24 =	simm.s32 $0x2;
	s25 =	simm.s32 $0x4  }
.LBB2_1:
0x2e: {  	s2 =	rddreg [dreg:$0x16]  }
0x2f: {  	[tilespmem:s10], [sflag:$0x5] =	stream.linear.gather [hbm4b:s2+s10], $0x2880, $0x38;
	[tilespmem:$0x1F480] =	vst v63  }
0x30: {  	_ =	swait.ge [sflag:s9], $0x2880  }
0x31: {  	[sflag:s9] =	ssyncset.done $0x0  }
0x32: {  	s18 =	rddreg [dreg:$0x19];
	[sflag:s9] =	ssyncadd.s32 $0xFFFFD780  }
0x33: {  	[tilespmem:s11], [sflag:$0x5] =	stream.linear.gather [hbm4b:s18+s10], $0x2880, $0x38;
	[tilespmem:$0x1F480] =	vst v63  }
0x34: {  	_ =	swait.ge [sflag:s9], $0x2880  }
0x35: {  	[sflag:s9] =	ssyncset.done $0x0  }
0x36: {  	s13 =	rddreg [dreg:$0x17];
	[sflag:s9] =	ssyncadd.s32 $0xFFFFD780  }
0x37: {  	[tilespmem:s12], [sflag:$0x5] =	stream.linear.gather [hbm4b:s13+s10], $0x2000, $0x38;
	[tilespmem:$0x1F480] =	vst v63  }
0x38: {  	_ =	swait.ge [sflag:s9], $0x2000  }
0x39: {  	[sflag:s9] =	ssyncset.done $0x0  }
0x3a: {  	[sflag:s9] =	ssyncadd.s32 $0xFFFFE000  }
0x3b: {  	[spmem:s26] =	stream.linear.scatter [tilespmem:s12], [sflag:$0x5], $0x2000, $0x38;
	[tilespmem:$0x1F480] =	vst v63  }
0x3c: {  	_ =	swait.ge [sflag:s9], $0x2000  }
0x3d: {  	[sflag:s9] =	ssyncset.done $0x0  }
0x3e: {  	[sflag:s9] =	ssyncadd.s32 $0xFFFFE000  }
0x3f: {  	[spmem:s29] =	stream.linear.scatter [tilespmem:s12], [sflag:$0x5], $0x2000, $0x38;
	[tilespmem:$0x1F480] =	vst v63  }
0x40: {  	_ =	swait.ge [sflag:s9], $0x2000  }
0x41: {  	[sflag:s9] =	ssyncset.done $0x0  }
0x42: {  	[sflag:s9] =	ssyncadd.s32 $0xFFFFE000  }
0x43: {  	[spmem:s31] =	stream.linear.scatter [tilespmem:s12], [sflag:$0x5], $0x2000, $0x38;
	[tilespmem:$0x1F480] =	vst v63  }
0x44: {  	_ =	swait.ge [sflag:s9], $0x2000  }
0x45: {  	[sflag:s9] =	ssyncset.done $0x0  }
0x46: {  	[sflag:s9] =	ssyncadd.s32 $0xFFFFE000  }
0x47: {  	[spmem:s0] =	stream.linear.scatter [tilespmem:s12], [sflag:$0x5], $0x2000, $0x38;
	[tilespmem:$0x1F480] =	vst v63  }
0x48: {  	_ =	swait.ge [sflag:s9], $0x2000  }
0x49: {  	[sflag:s9] =	ssyncset.done $0x0  }
0x4a: {  	[sflag:s9] =	ssyncadd.s32 $0xFFFFE000  }
0x4b: {  	[spmem:s1] =	stream.linear.scatter [tilespmem:s12], [sflag:$0x5], $0x2000, $0x38;
	[tilespmem:$0x1F480] =	vst v63  }
0x4c: {  	_ =	swait.ge [sflag:s9], $0x2000  }
0x4d: {  	[sflag:s9] =	ssyncset.done $0x0  }
0x4e: {  	s18 =	rddreg [dreg:$0x7];
	[sflag:s9] =	ssyncadd.s32 $0xFFFFE000  }
0x4f: {  	[tilespmem:s14], [sflag:$0x5] =	stream.linear.gather [hbm4b:s18+s10], $0x2000, $0x38;
	[tilespmem:$0x1F480] =	vst v63  }
0x50: {  	_ =	swait.ge [sflag:s9], $0x2000  }
0x51: {  	[sflag:s9] =	ssyncset.done $0x0  }
0x52: {  	s13 =	rddreg [dreg:$0x1a];
	[sflag:s9] =	ssyncadd.s32 $0xFFFFE000  }
0x53: {  	[spmem:s13] =	stream.linear.scatter [tilespmem:s14], [sflag:$0x5], $0x2000, $0x38;
	[tilespmem:$0x1F480] =	vst v63  }
0x54: {  	_ =	swait.ge [sflag:s9], $0x2000  }
0x55: {  	[sflag:s9] =	ssyncset.done $0x0  }
0x56: {  	s18 =	rddreg [dreg:$0x8];
	[sflag:s9] =	ssyncadd.s32 $0xFFFFE000  }
0x57: {  	[tilespmem:s14], [sflag:$0x5] =	stream.linear.gather [hbm4b:s18+s10], $0x2000, $0x38;
	[tilespmem:$0x1F480] =	vst v63  }
0x58: {  	_ =	swait.ge [sflag:s9], $0x2000  }
0x59: {  	[sflag:s9] =	ssyncset.done $0x0  }
0x5a: {  	s13 =	rddreg [dreg:$0x1b];
	[sflag:s9] =	ssyncadd.s32 $0xFFFFE000  }
0x5b: {  	[spmem:s13] =	stream.linear.scatter [tilespmem:s14], [sflag:$0x5], $0x2000, $0x38;
	[tilespmem:$0x1F480] =	vst v63  }
0x5c: {  	_ =	swait.ge [sflag:s9], $0x2000  }
0x5d: {  	[sflag:s9] =	ssyncset.done $0x0  }
0x5e: {  	s18 =	rddreg [dreg:$0x9];
	[sflag:s9] =	ssyncadd.s32 $0xFFFFE000  }
0x5f: {  	[tilespmem:s14], [sflag:$0x5] =	stream.linear.gather [hbm4b:s18+s10], $0x2000, $0x38;
	[tilespmem:$0x1F480] =	vst v63  }
0x60: {  	_ =	swait.ge [sflag:s9], $0x2000  }
0x61: {  	[sflag:s9] =	ssyncset.done $0x0  }
0x62: {  	s13 =	rddreg [dreg:$0x1c];
	[sflag:s9] =	ssyncadd.s32 $0xFFFFE000  }
0x63: {  	[spmem:s13] =	stream.linear.scatter [tilespmem:s14], [sflag:$0x5], $0x2000, $0x38;
	[tilespmem:$0x1F480] =	vst v63  }
0x64: {  	_ =	swait.ge [sflag:s9], $0x2000  }
0x65: {  	[sflag:s9] =	ssyncset.done $0x0  }
0x66: {  	s18 =	rddreg [dreg:$0xa];
	[sflag:s9] =	ssyncadd.s32 $0xFFFFE000  }
0x67: {  	[tilespmem:s14], [sflag:$0x5] =	stream.linear.gather [hbm4b:s18+s10], $0x2000, $0x38;
	[tilespmem:$0x1F480] =	vst v63  }
0x68: {  	_ =	swait.ge [sflag:s9], $0x2000  }
0x69: {  	[sflag:s9] =	ssyncset.done $0x0  }
0x6a: {  	s13 =	rddreg [dreg:$0x1d];
	[sflag:s9] =	ssyncadd.s32 $0xFFFFE000  }
0x6b: {  	[spmem:s13] =	stream.linear.scatter [tilespmem:s14], [sflag:$0x5], $0x2000, $0x38;
	[tilespmem:$0x1F480] =	vst v63  }
0x6c: {  	_ =	swait.ge [sflag:s9], $0x2000  }
0x6d: {  	[sflag:s9] =	ssyncset.done $0x0  }
0x6e: {  	s18 =	rddreg [dreg:$0xb];
	[sflag:s9] =	ssyncadd.s32 $0xFFFFE000  }
0x6f: {  	[tilespmem:s14], [sflag:$0x5] =	stream.linear.gather [hbm4b:s18+s10], $0x2000, $0x38;
	[tilespmem:$0x1F480] =	vst v63  }
0x70: {  	_ =	swait.ge [sflag:s9], $0x2000  }
0x71: {  	[sflag:s9] =	ssyncset.done $0x0  }
0x72: {  	s13 =	rddreg [dreg:$0x1e];
	[sflag:s9] =	ssyncadd.s32 $0xFFFFE000  }
0x73: {  	[spmem:s13] =	stream.linear.scatter [tilespmem:s14], [sflag:$0x5], $0x2000, $0x38;
	[tilespmem:$0x1F480] =	vst v63  }
0x74: {  	_ =	swait.ge [sflag:s9], $0x2000  }
0x75: {  	[sflag:s9] =	ssyncset.done $0x0  }
0x76: {  	[sflag:s9] =	ssyncadd.s32 $0xFFFFE000  }
0x77: {  	s18 =	rddreg [dreg:$0x2]  }
0x78: {  	[tilespmem:s16], [sflag:$0x5] =	stream.linear.gather [hbm4b:s18+s10], $0x80, $0x38;
	[tilespmem:$0x1F480] =	vst v63  }
0x79: {  	_ =	swait.ge [sflag:s9], $0x80  }
0x7a: {  	[sflag:s9] =	ssyncset.done $0x0  }
0x7b: {  	[sflag:s9] =	ssyncadd.s32 $0xFFFFFF80  }
0x7c: {  	[spmem:s3] =	stream.linear.scatter [tilespmem:s16], [sflag:$0x5], $0x80, $0x38;
	[tilespmem:$0x1F480] =	vst v63  }
0x7d: {  	_ =	swait.ge [sflag:s9], $0x80  }
0x7e: {  	[sflag:s9] =	ssyncset.done $0x0  }
0x7f: {  	[sflag:s9] =	ssyncadd.s32 $0xFFFFFF80  }
0x80: {  	[spmem:s4] =	stream.linear.scatter [tilespmem:s16], [sflag:$0x5], $0x80, $0x38;
	[tilespmem:$0x1F480] =	vst v63  }
0x81: {  	_ =	swait.ge [sflag:s9], $0x80  }
0x82: {  	[sflag:s9] =	ssyncset.done $0x0  }
0x83: {  	[sflag:s9] =	ssyncadd.s32 $0xFFFFFF80  }
0x84: {  	[spmem:s5] =	stream.linear.scatter [tilespmem:s16], [sflag:$0x5], $0x80, $0x38;
	[tilespmem:$0x1F480] =	vst v63  }
0x85: {  	_ =	swait.ge [sflag:s9], $0x80  }
0x86: {  	[sflag:s9] =	ssyncset.done $0x0  }
0x87: {  	[sflag:s9] =	ssyncadd.s32 $0xFFFFFF80  }
0x88: {  	[spmem:s6] =	stream.linear.scatter [tilespmem:s16], [sflag:$0x5], $0x80, $0x38;
	[tilespmem:$0x1F480] =	vst v63  }
0x89: {  	_ =	swait.ge [sflag:s9], $0x80  }
0x8a: {  	[sflag:s9] =	ssyncset.done $0x0  }
0x8b: {  	[sflag:s9] =	ssyncadd.s32 $0xFFFFFF80  }
0x8c: {  	[spmem:s7] =	stream.linear.scatter [tilespmem:s16], [sflag:$0x5], $0x80, $0x38;
	[tilespmem:$0x1F480] =	vst v63  }
0x8d: {  	_ =	swait.ge [sflag:s9], $0x80  }
0x8e: {  	[sflag:s9] =	ssyncset.done $0x0  }
0x8f: {  	s13 =	rddreg [dreg:$0x18];
	[sflag:s9] =	ssyncadd.s32 $0xFFFFFF80  }
0x90: {  	[tilespmem:s20], [sflag:$0x5] =	stream.linear.gather [hbm4b:s13+s10], $0x80, $0x38;
	[tilespmem:$0x1F480] =	vst v63  }
0x91: {  	_ =	swait.ge [sflag:s9], $0x80  }
0x92: {  	[sflag:s9] =	ssyncset.done $0x0  }
0x93: {  	[sflag:s9] =	ssyncadd.s32 $0xFFFFFF80  }
0x94: {  	[bflag:$0x0] =	sbarrier.arrive $0xFFFF  }
0x95: {  	[tilespmem:s12], [sflag:$0x1] =	stream.indirect.gather [spmem:s17], $0x40, s10, s21, $0xb8;
	[tilespmem:$0x1F480] =	vst v63  }
0x96: {  	_ = 	snop  }
0x97: {  	[tilespmem:s14], [sflag:$0x2] =	stream.indirect.gather [spmem:s17], $0x40, s21, s21, $0xb8;
	[tilespmem:$0x1F480] =	vst v63  }
0x98: {  	_ =	swait.ge [sflag:s22], $0x2000  }
0x99: {  	[sflag:s22] =	ssyncset.done $0x0  }
0x9a: {  	[sflag:s22] =	ssyncadd.s32 $0xFFFFE000  }
0x9b: {  	[spmem:s15] =	stream.indirect.scatter.add.f32 [tilespmem:s12], [sflag:$0x4], $0x40, s11, s21, $0xb8;
	[tilespmem:$0x1F480] =	vst v63  }
0x9c: {  	_ = 	snop  }
0x9d: {  	[spmem:s19] =	stream.indirect.scatter.add.f32 [tilespmem:s20], [sflag:$0x5], $0x1, s11, s21, $0xb8;
	[tilespmem:$0x1F480] =	vst v63  }
0x9e: {  	_ =	swait.ge [sflag:s9], $0x80  }
0x9f: {  	[sflag:s9] =	ssyncset.done $0x0  }
0xa0: {  	s18 =	simm.s32 $0x100;
	[sflag:s9] =	ssyncadd.s32 $0xFFFFFF80  }
0xa1: {  	[tilespmem:s23], [sflag:$0x3] =	stream.indirect.gather [spmem:s17], $0x40, s18, s21, $0xb8;
	[tilespmem:$0x1F480] =	vst v63  }
0xa2: {  	_ =	swait.ge [sflag:s24], $0x2000  }
0xa3: {  	[sflag:s24] =	ssyncset.done $0x0  }
0xa4: {  	[sflag:s24] =	ssyncadd.s32 $0xFFFFE000  }
0xa5: {  	_ =	swait.ge [sflag:s25], $0x2000  }
0xa6: {  	[sflag:s25] =	ssyncset.done $0x0  }
0xa7: {  	s13 =	simm.s32 $0x2900;
	[sflag:s25] =	ssyncadd.s32 $0xFFFFE000  }
0xa8: {  	[spmem:s15] =	stream.indirect.scatter.add.f32 [tilespmem:s14], [sflag:$0x4], $0x40, s13, s21, $0xb8;
	[tilespmem:$0x1F480] =	vst v63  }
0xa9: {  	_ = 	snop  }
0xaa: {  	[spmem:s19] =	stream.indirect.scatter.add.f32 [tilespmem:s20], [sflag:$0x5], $0x1, s13, s21, $0xb8;
	[tilespmem:$0x1F480] =	vst v63  }
0xab: {  	_ =	swait.ge [sflag:s9], $0x80  }
0xac: {  	[sflag:s9] =	ssyncset.done $0x0  }
0xad: {  	s18 =	simm.s32 $0x180;
	[sflag:s9] =	ssyncadd.s32 $0xFFFFFF80  }
0xae: {  	[tilespmem:s12], [sflag:$0x1] =	stream.indirect.gather [spmem:s17], $0x40, s18, s21, $0xb8;
	[tilespmem:$0x1F480] =	vst v63  }
0xaf: {  	_ =	swait.ge [sflag:s30], $0x2000  }
0xb0: {  	[sflag:s30] =	ssyncset.done $0x0  }
0xb1: {  	[sflag:s30] =	ssyncadd.s32 $0xFFFFE000  }
0xb2: {  	_ =	swait.ge [sflag:s25], $0x2000  }
0xb3: {  	[sflag:s25] =	ssyncset.done $0x0  }
0xb4: {  	s13 =	simm.s32 $0x2980;
	[sflag:s25] =	ssyncadd.s32 $0xFFFFE000  }
0xb5: {  	[spmem:s15] =	stream.indirect.scatter.add.f32 [tilespmem:s23], [sflag:$0x4], $0x40, s13, s21, $0xb8;
	[tilespmem:$0x1F480] =	vst v63  }
0xb6: {  	_ = 	snop  }
0xb7: {  	[spmem:s19] =	stream.indirect.scatter.add.f32 [tilespmem:s20], [sflag:$0x5], $0x1, s13, s21, $0xb8;
	[tilespmem:$0x1F480] =	vst v63  }
0xb8: {  	_ =	swait.ge [sflag:s9], $0x80  }
0xb9: {  	[sflag:s9] =	ssyncset.done $0x0  }
0xba: {  	s18 =	simm.s32 $0x200;
	[sflag:s9] =	ssyncadd.s32 $0xFFFFFF80  }
0xbb: {  	[tilespmem:s14], [sflag:$0x2] =	stream.indirect.gather [spmem:s17], $0x40, s18, s21, $0xb8;
	[tilespmem:$0x1F480] =	vst v63  }
0xbc: {  	_ =	swait.ge [sflag:s22], $0x2000  }
0xbd: {  	[sflag:s22] =	ssyncset.done $0x0  }
0xbe: {  	[sflag:s22] =	ssyncadd.s32 $0xFFFFE000  }
0xbf: {  	_ =	swait.ge [sflag:s25], $0x2000  }
0xc0: {  	[sflag:s25] =	ssyncset.done $0x0  }
0xc1: {  	s13 =	simm.s32 $0x2A00;
	[sflag:s25] =	ssyncadd.s32 $0xFFFFE000  }
0xc2: {  	[spmem:s15] =	stream.indirect.scatter.add.f32 [tilespmem:s12], [sflag:$0x4], $0x40, s13, s21, $0xb8;
	[tilespmem:$0x1F480] =	vst v63  }
0xc3: {  	_ = 	snop  }
0xc4: {  	[spmem:s19] =	stream.indirect.scatter.add.f32 [tilespmem:s20], [sflag:$0x5], $0x1, s13, s21, $0xb8;
	[tilespmem:$0x1F480] =	vst v63  }
0xc5: {  	_ =	swait.ge [sflag:s9], $0x80  }
0xc6: {  	[sflag:s9] =	ssyncset.done $0x0  }
0xc7: {  	s2 =	simm.s32 $0x280;
	[sflag:s9] =	ssyncadd.s32 $0xFFFFFF80  }
0xc8: {  	[tilespmem:s23], [sflag:$0x3] =	stream.indirect.gather [spmem:s17], $0x40, s2, s21, $0xb8;
	[tilespmem:$0x1F480] =	vst v63  }
0xc9: {  	_ =	swait.ge [sflag:s24], $0x2000  }
0xca: {  	[sflag:s24] =	ssyncset.done $0x0  }
0xcb: {  	[sflag:s24] =	ssyncadd.s32 $0xFFFFE000  }
0xcc: {  	_ =	swait.ge [sflag:s25], $0x2000  }
0xcd: {  	[sflag:s25] =	ssyncset.done $0x0  }
0xce: {  	s18 =	simm.s32 $0x2A80;
	[sflag:s25] =	ssyncadd.s32 $0xFFFFE000  }
0xcf: {  	[spmem:s15] =	stream.indirect.scatter.add.f32 [tilespmem:s14], [sflag:$0x4], $0x40, s18, s21, $0xb8;
	[tilespmem:$0x1F480] =	vst v63  }
0xd0: {  	_ = 	snop  }
0xd1: {  	[spmem:s19] =	stream.indirect.scatter.add.f32 [tilespmem:s20], [sflag:$0x5], $0x1, s18, s21, $0xb8;
	[tilespmem:$0x1F480] =	vst v63  }
0xd2: {  	_ =	swait.ge [sflag:s9], $0x80  }
0xd3: {  	[sflag:s9] =	ssyncset.done $0x0  }
0xd4: {  	s2 =	simm.s32 $0x300;
	[sflag:s9] =	ssyncadd.s32 $0xFFFFFF80  }
0xd5: {  	[tilespmem:s12], [sflag:$0x1] =	stream.indirect.gather [spmem:s17], $0x40, s2, s21, $0xb8;
	[tilespmem:$0x1F480] =	vst v63  }
0xd6: {  	_ =	swait.ge [sflag:s30], $0x2000  }
0xd7: {  	[sflag:s30] =	ssyncset.done $0x0  }
0xd8: {  	[sflag:s30] =	ssyncadd.s32 $0xFFFFE000  }
0xd9: {  	_ =	swait.ge [sflag:s25], $0x2000  }
0xda: {  	[sflag:s25] =	ssyncset.done $0x0  }
0xdb: {  	s18 =	simm.s32 $0x2B00;
	[sflag:s25] =	ssyncadd.s32 $0xFFFFE000  }
0xdc: {  	[spmem:s15] =	stream.indirect.scatter.add.f32 [tilespmem:s23], [sflag:$0x4], $0x40, s18, s21, $0xb8;
	[tilespmem:$0x1F480] =	vst v63  }
0xdd: {  	_ = 	snop  }
0xde: {  	[spmem:s19] =	stream.indirect.scatter.add.f32 [tilespmem:s20], [sflag:$0x5], $0x1, s18, s21, $0xb8;
	[tilespmem:$0x1F480] =	vst v63  }
0xdf: {  	_ =	swait.ge [sflag:s9], $0x80  }
0xe0: {  	[sflag:s9] =	ssyncset.done $0x0  }
0xe1: {  	s13 =	simm.s32 $0x380;
	s18 =	simm.s32 $0x600;
	[sflag:s9] =	ssyncadd.s32 $0xFFFFFF80  }
.LBB2_2:
0xe2: {  	[tilespmem:s14], [sflag:$0x2] =	stream.indirect.gather [spmem:s17], $0x40, s13, s21, $0xb8;
	[tilespmem:$0x1F480] =	vst v63  }
0xe3: {  	s13 =	smov.u32 s18  }
0xe4: {  	p0 =	sne.s32 s18, $0x9000;
	s18 =	sadd.s32 $0x600, s18;
	_ =	swait.ge [sflag:s22], $0x2000  }
0xe5: {  	[sflag:s22] =	ssyncset.done $0x0  }
0xe6: {  	[sflag:s22] =	ssyncadd.s32 $0xFFFFE000  }
0xe7: {  	_ =	swait.ge [sflag:s25], $0x2000  }
0xe8: {  	s13 =	sshra.s32 s13, $0x2;
	[sflag:s25] =	ssyncset.done $0x0  }
0xe9: {  	s2 =	sadd.s32 $0x2A00, s13;
	[sflag:s25] =	ssyncadd.s32 $0xFFFFE000  }
0xea: {  	[spmem:s15] =	stream.indirect.scatter.add.f32 [tilespmem:s12], [sflag:$0x4], $0x40, s2, s21, $0xb8;
	[tilespmem:$0x1F480] =	vst v63  }
0xeb: {  	_ = 	snop  }
0xec: {  	[spmem:s19] =	stream.indirect.scatter.add.f32 [tilespmem:s20], [sflag:$0x5], $0x1, s2, s21, $0xb8;
	[tilespmem:$0x1F480] =	vst v63  }
0xed: {  	_ =	swait.ge [sflag:s9], $0x80  }
0xee: {  	[sflag:s9] =	ssyncset.done $0x0  }
0xef: {  	s2 =	sadd.s32 $0x280, s13;
	[sflag:s9] =	ssyncadd.s32 $0xFFFFFF80  }
0xf0: {  	[tilespmem:s23], [sflag:$0x3] =	stream.indirect.gather [spmem:s17], $0x40, s2, s21, $0xb8;
	[tilespmem:$0x1F480] =	vst v63  }
0xf1: {  	_ =	swait.ge [sflag:s24], $0x2000  }
0xf2: {  	[sflag:s24] =	ssyncset.done $0x0  }
0xf3: {  	[sflag:s24] =	ssyncadd.s32 $0xFFFFE000  }
0xf4: {  	_ =	swait.ge [sflag:s25], $0x2000  }
0xf5: {  	[sflag:s25] =	ssyncset.done $0x0  }
0xf6: {  	s2 =	sadd.s32 $0x2A80, s13;
	[sflag:s25] =	ssyncadd.s32 $0xFFFFE000  }
0xf7: {  	[spmem:s15] =	stream.indirect.scatter.add.f32 [tilespmem:s14], [sflag:$0x4], $0x40, s2, s21, $0xb8;
	[tilespmem:$0x1F480] =	vst v63  }
0xf8: {  	_ = 	snop  }
0xf9: {  	[spmem:s19] =	stream.indirect.scatter.add.f32 [tilespmem:s20], [sflag:$0x5], $0x1, s2, s21, $0xb8;
	[tilespmem:$0x1F480] =	vst v63  }
0xfa: {  	_ =	swait.ge [sflag:s9], $0x80  }
0xfb: {  	[sflag:s9] =	ssyncset.done $0x0  }
0xfc: {  	s2 =	sadd.s32 $0x300, s13;
	[sflag:s9] =	ssyncadd.s32 $0xFFFFFF80  }
0xfd: {  	[tilespmem:s12], [sflag:$0x1] =	stream.indirect.gather [spmem:s17], $0x40, s2, s21, $0xb8;
	[tilespmem:$0x1F480] =	vst v63  }
0xfe: {  	_ =	swait.ge [sflag:s30], $0x2000  }
0xff: {  	[sflag:s30] =	ssyncset.done $0x0  }
0x100: {  	[sflag:s30] =	ssyncadd.s32 $0xFFFFE000  }
0x101: {  	_ =	swait.ge [sflag:s25], $0x2000  }
0x102: {  	[sflag:s25] =	ssyncset.done $0x0  }
0x103: {  	s2 =	sadd.s32 $0x2B00, s13;
	[sflag:s25] =	ssyncadd.s32 $0xFFFFE000  }
0x104: {  	[spmem:s15] =	stream.indirect.scatter.add.f32 [tilespmem:s23], [sflag:$0x4], $0x40, s2, s21, $0xb8;
	[tilespmem:$0x1F480] =	vst v63  }
.Ltmp0:
0x105: {  	(pc) =	sbr.rel @p0 .LBB2_2-.Ltmp0, $4  }
0x106: {  	[spmem:s19] =	stream.indirect.scatter.add.f32 [tilespmem:s20], [sflag:$0x5], $0x1, s2, s21, $0xb8;
	[tilespmem:$0x1F480] =	vst v63  }
0x107: {  	_ =	swait.ge [sflag:s9], $0x80  }
0x108: {  	[sflag:s9] =	ssyncset.done $0x0  }
0x109: {  	s13 =	sadd.s32 $0x380, s13;
	[sflag:s9] =	ssyncadd.s32 $0xFFFFFF80  }
0x10a: {  	[tilespmem:s14], [sflag:$0x2] =	stream.indirect.gather [spmem:s17], $0x40, s13, s21, $0xb8;
	[tilespmem:$0x1F480] =	vst v63  }
0x10b: {  	_ =	swait.ge [sflag:s22], $0x2000  }
0x10c: {  	[sflag:s22] =	ssyncset.done $0x0  }
0x10d: {  	[sflag:s22] =	ssyncadd.s32 $0xFFFFE000  }
0x10e: {  	_ =	swait.ge [sflag:s25], $0x2000  }
0x10f: {  	[sflag:s25] =	ssyncset.done $0x0  }
0x110: {  	s2 =	simm.s32 $0x4F80;
	[sflag:s25] =	ssyncadd.s32 $0xFFFFE000  }
0x111: {  	[spmem:s15] =	stream.indirect.scatter.add.f32 [tilespmem:s12], [sflag:$0x4], $0x40, s2, s21, $0xb8;
	[tilespmem:$0x1F480] =	vst v63  }
0x112: {  	_ = 	snop  }
0x113: {  	[spmem:s19] =	stream.indirect.scatter.add.f32 [tilespmem:s20], [sflag:$0x5], $0x1, s2, s21, $0xb8;
	[tilespmem:$0x1F480] =	vst v63  }
0x114: {  	_ =	swait.ge [sflag:s9], $0x80  }
0x115: {  	[sflag:s9] =	ssyncset.done $0x0  }
0x116: {  	s18 =	simm.s32 $0x2800;
	[sflag:s9] =	ssyncadd.s32 $0xFFFFFF80  }
0x117: {  	[tilespmem:s23], [sflag:$0x3] =	stream.indirect.gather [spmem:s17], $0x40, s18, s21, $0xb8;
	[tilespmem:$0x1F480] =	vst v63  }
0x118: {  	_ =	swait.ge [sflag:s24], $0x2000  }
0x119: {  	[sflag:s24] =	ssyncset.done $0x0  }
0x11a: {  	[sflag:s24] =	ssyncadd.s32 $0xFFFFE000  }
0x11b: {  	_ =	swait.ge [sflag:s25], $0x2000  }
0x11c: {  	[sflag:s25] =	ssyncset.done $0x0  }
0x11d: {  	s13 =	simm.s32 $0x5000;
	[sflag:s25] =	ssyncadd.s32 $0xFFFFE000  }
0x11e: {  	[spmem:s15] =	stream.indirect.scatter.add.f32 [tilespmem:s14], [sflag:$0x4], $0x40, s13, s21, $0xb8;
	[tilespmem:$0x1F480] =	vst v63  }
0x11f: {  	_ = 	snop  }
0x120: {  	[spmem:s19] =	stream.indirect.scatter.add.f32 [tilespmem:s20], [sflag:$0x5], $0x1, s13, s21, $0xb8;
	[tilespmem:$0x1F480] =	vst v63  }
0x121: {  	_ =	swait.ge [sflag:s9], $0x80  }
0x122: {  	[sflag:s9] =	ssyncset.done $0x0  }
0x123: {  	[sflag:s9] =	ssyncadd.s32 $0xFFFFFF80  }
0x124: {  	_ =	swait.ge [sflag:s30], $0x2000  }
0x125: {  	[sflag:s30] =	ssyncset.done $0x0  }
0x126: {  	[sflag:s30] =	ssyncadd.s32 $0xFFFFE000  }
0x127: {  	_ =	swait.ge [sflag:s25], $0x2000  }
0x128: {  	[sflag:s25] =	ssyncset.done $0x0  }
0x129: {  	[sflag:s25] =	ssyncadd.s32 $0xFFFFE000  }
0x12a: {  	[spmem:s15] =	stream.indirect.scatter.add.f32 [tilespmem:s23], [sflag:$0x4], $0x40, s8, s21, $0xb8;
	[tilespmem:$0x1F480] =	vst v63  }
0x12b: {  	_ = 	snop  }
0x12c: {  	[spmem:s19] =	stream.indirect.scatter.add.f32 [tilespmem:s20], [sflag:$0x5], $0x1, s8, s21, $0xb8;
	[tilespmem:$0x1F480] =	vst v63  }
0x12d: {  	_ =	swait.ge [sflag:s9], $0x80  }
0x12e: {  	[sflag:s9] =	ssyncset.done $0x0  }
0x12f: {  	[sflag:s9] =	ssyncadd.s32 $0xFFFFFF80  }
0x130: {  	_ =	swait.ge [sflag:s25], $0x2000  }
0x131: {  	[sflag:s25] =	ssyncset.done $0x0  }
0x132: {  	[sflag:s25] =	ssyncadd.s32 $0xFFFFE000  }
0x133: {  	[bflag:$0x0] =	sbarrier.arrive $0xFFFF  }
0x134: {  	[tilespmem:s12], [sflag:$0x5] =	stream.linear.gather [spmem:s26], $0x2000, $0x38;
	[tilespmem:$0x1F480] =	vst v63  }
0x135: {  	_ =	swait.ge [sflag:s9], $0x2000  }
0x136: {  	[sflag:s9] =	ssyncset.done $0x0  }
0x137: {  	s18 =	rddreg [dreg:$0xc];
	[sflag:s9] =	ssyncadd.s32 $0xFFFFE000  }
0x138: {  	[hbm4b:s18+s10] =	stream.linear.scatter [tilespmem:s12], [sflag:$0x5], $0x2000, $0x38;
	[tilespmem:$0x1F480] =	vst v63  }
0x139: {  	_ =	swait.ge [sflag:s9], $0x2000  }
0x13a: {  	[sflag:s9] =	ssyncset.done $0x0  }
0x13b: {  	[sflag:s9] =	ssyncadd.s32 $0xFFFFE000  }
0x13c: {  	[tilespmem:s14], [sflag:$0x5] =	stream.linear.gather [spmem:s29], $0x2000, $0x38;
	[tilespmem:$0x1F480] =	vst v63  }
0x13d: {  	_ =	swait.ge [sflag:s9], $0x2000  }
0x13e: {  	[sflag:s9] =	ssyncset.done $0x0  }
0x13f: {  	s13 =	rddreg [dreg:$0xd];
	[sflag:s9] =	ssyncadd.s32 $0xFFFFE000  }
0x140: {  	[hbm4b:s13+s10] =	stream.linear.scatter [tilespmem:s14], [sflag:$0x5], $0x2000, $0x38;
	[tilespmem:$0x1F480] =	vst v63  }
0x141: {  	_ =	swait.ge [sflag:s9], $0x2000  }
0x142: {  	[sflag:s9] =	ssyncset.done $0x0  }
0x143: {  	[sflag:s9] =	ssyncadd.s32 $0xFFFFE000  }
0x144: {  	[tilespmem:s23], [sflag:$0x5] =	stream.linear.gather [spmem:s31], $0x2000, $0x38;
	[tilespmem:$0x1F480] =	vst v63  }
0x145: {  	_ =	swait.ge [sflag:s9], $0x2000  }
0x146: {  	[sflag:s9] =	ssyncset.done $0x0  }
0x147: {  	s18 =	rddreg [dreg:$0xe];
	[sflag:s9] =	ssyncadd.s32 $0xFFFFE000  }
0x148: {  	[hbm4b:s18+s10] =	stream.linear.scatter [tilespmem:s23], [sflag:$0x5], $0x2000, $0x38;
	[tilespmem:$0x1F480] =	vst v63  }
0x149: {  	_ =	swait.ge [sflag:s9], $0x2000  }
0x14a: {  	[sflag:s9] =	ssyncset.done $0x0  }
0x14b: {  	[sflag:s9] =	ssyncadd.s32 $0xFFFFE000  }
0x14c: {  	[tilespmem:s12], [sflag:$0x5] =	stream.linear.gather [spmem:s0], $0x2000, $0x38;
	[tilespmem:$0x1F480] =	vst v63  }
0x14d: {  	_ =	swait.ge [sflag:s9], $0x2000  }
0x14e: {  	[sflag:s9] =	ssyncset.done $0x0  }
0x14f: {  	s13 =	rddreg [dreg:$0xf];
	[sflag:s9] =	ssyncadd.s32 $0xFFFFE000  }
0x150: {  	[hbm4b:s13+s10] =	stream.linear.scatter [tilespmem:s12], [sflag:$0x5], $0x2000, $0x38;
	[tilespmem:$0x1F480] =	vst v63  }
0x151: {  	_ =	swait.ge [sflag:s9], $0x2000  }
0x152: {  	[sflag:s9] =	ssyncset.done $0x0  }
0x153: {  	[sflag:s9] =	ssyncadd.s32 $0xFFFFE000  }
0x154: {  	[tilespmem:s14], [sflag:$0x5] =	stream.linear.gather [spmem:s1], $0x2000, $0x38;
	[tilespmem:$0x1F480] =	vst v63  }
0x155: {  	_ =	swait.ge [sflag:s9], $0x2000  }
0x156: {  	[sflag:s9] =	ssyncset.done $0x0  }
0x157: {  	s18 =	rddreg [dreg:$0x10];
	[sflag:s9] =	ssyncadd.s32 $0xFFFFE000  }
0x158: {  	[hbm4b:s18+s10] =	stream.linear.scatter [tilespmem:s14], [sflag:$0x5], $0x2000, $0x38;
	[tilespmem:$0x1F480] =	vst v63  }
0x159: {  	_ =	swait.ge [sflag:s9], $0x2000  }
0x15a: {  	[sflag:s9] =	ssyncset.done $0x0  }
0x15b: {  	[sflag:s9] =	ssyncadd.s32 $0xFFFFE000  }
0x15c: {  	[tilespmem:s16], [sflag:$0x5] =	stream.linear.gather [spmem:s3], $0x80, $0x38;
	[tilespmem:$0x1F480] =	vst v63  }
0x15d: {  	_ =	swait.ge [sflag:s9], $0x80  }
0x15e: {  	[sflag:s9] =	ssyncset.done $0x0  }
0x15f: {  	s13 =	rddreg [dreg:$0x11];
	[sflag:s9] =	ssyncadd.s32 $0xFFFFFF80  }
0x160: {  	[hbm4b:s13+s10] =	stream.linear.scatter [tilespmem:s16], [sflag:$0x5], $0x80, $0x38;
	[tilespmem:$0x1F480] =	vst v63  }
0x161: {  	_ =	swait.ge [sflag:s9], $0x80  }
0x162: {  	[sflag:s9] =	ssyncset.done $0x0  }
0x163: {  	[sflag:s9] =	ssyncadd.s32 $0xFFFFFF80  }
0x164: {  	[tilespmem:s16], [sflag:$0x5] =	stream.linear.gather [spmem:s4], $0x80, $0x38;
	[tilespmem:$0x1F480] =	vst v63  }
0x165: {  	_ =	swait.ge [sflag:s9], $0x80  }
0x166: {  	[sflag:s9] =	ssyncset.done $0x0  }
0x167: {  	s18 =	rddreg [dreg:$0x12];
	[sflag:s9] =	ssyncadd.s32 $0xFFFFFF80  }
0x168: {  	[hbm4b:s18+s10] =	stream.linear.scatter [tilespmem:s16], [sflag:$0x5], $0x80, $0x38;
	[tilespmem:$0x1F480] =	vst v63  }
0x169: {  	_ =	swait.ge [sflag:s9], $0x80  }
0x16a: {  	[sflag:s9] =	ssyncset.done $0x0  }
0x16b: {  	[sflag:s9] =	ssyncadd.s32 $0xFFFFFF80  }
0x16c: {  	[tilespmem:s16], [sflag:$0x5] =	stream.linear.gather [spmem:s5], $0x80, $0x38;
	[tilespmem:$0x1F480] =	vst v63  }
0x16d: {  	_ =	swait.ge [sflag:s9], $0x80  }
0x16e: {  	[sflag:s9] =	ssyncset.done $0x0  }
0x16f: {  	s13 =	rddreg [dreg:$0x13];
	[sflag:s9] =	ssyncadd.s32 $0xFFFFFF80  }
0x170: {  	[hbm4b:s13+s10] =	stream.linear.scatter [tilespmem:s16], [sflag:$0x5], $0x80, $0x38;
	[tilespmem:$0x1F480] =	vst v63  }
0x171: {  	_ =	swait.ge [sflag:s9], $0x80  }
0x172: {  	[sflag:s9] =	ssyncset.done $0x0  }
0x173: {  	[sflag:s9] =	ssyncadd.s32 $0xFFFFFF80  }
0x174: {  	[tilespmem:s16], [sflag:$0x5] =	stream.linear.gather [spmem:s6], $0x80, $0x38;
	[tilespmem:$0x1F480] =	vst v63  }
0x175: {  	_ =	swait.ge [sflag:s9], $0x80  }
0x176: {  	[sflag:s9] =	ssyncset.done $0x0  }
0x177: {  	s18 =	rddreg [dreg:$0x14];
	[sflag:s9] =	ssyncadd.s32 $0xFFFFFF80  }
0x178: {  	[hbm4b:s18+s10] =	stream.linear.scatter [tilespmem:s16], [sflag:$0x5], $0x80, $0x38;
	[tilespmem:$0x1F480] =	vst v63  }
0x179: {  	_ =	swait.ge [sflag:s9], $0x80  }
0x17a: {  	[sflag:s9] =	ssyncset.done $0x0  }
0x17b: {  	[sflag:s9] =	ssyncadd.s32 $0xFFFFFF80  }
0x17c: {  	[tilespmem:s16], [sflag:$0x5] =	stream.linear.gather [spmem:s7], $0x80, $0x38;
	[tilespmem:$0x1F480] =	vst v63  }
0x17d: {  	_ =	swait.ge [sflag:s9], $0x80  }
0x17e: {  	[sflag:s9] =	ssyncset.done $0x0  }
0x17f: {  	s13 =	rddreg [dreg:$0x15];
	[sflag:s9] =	ssyncadd.s32 $0xFFFFFF80  }
0x180: {  	[hbm4b:s13+s10] =	stream.linear.scatter [tilespmem:s16], [sflag:$0x5], $0x80, $0x38;
	[tilespmem:$0x1F480] =	vst v63  }
0x181: {  	_ =	swait.ge [sflag:s9], $0x80  }
0x182: {  	s28 =	sadd.s32 $0x1, s28;
	s18 =	rddreg [dreg:$0x1f]  }
0x183: {  	p0 =	sne.s32 s28, s18  }
.Ltmp1:
0x184: {  	_ = 	snop;
	(pc) =	sbr.rel @p0 .LBB2_1-.Ltmp1, $3  }
0x185: {  	_ =	sdelay $0x1  }
0x186: {  	[sflag:s9] =	ssyncset.done $0x0  }
0x187: {  	[sflag:s9] =	ssyncadd.s32 $0xFFFFFF80  }
0x188: {  	_ =	sfence.sel $0x180000  }
0x189: {  	[bflag:$0x0] =	sbarrier.arrive $0xFFFF  }
0x18a: {  	_ =	strace $0x90000047  }
0x18b: {  	s0 =	stileid.u32;
	[bflag:$0x2] =	sbarrier.arrive $0xFFFF  }
0x18c: {  	p0 =	sne.s32 s0, $0x0;
	s0 =	rddreg [dreg:$0x6]  }
0x18d: {  	s0 =	sadd.s32 @!p0 $0x100000, s0  }
0x18e: {  	[sflag:s0] =	ssyncadd.tile.s32 @!p0 $0x1;
	_ =	shalt  }
.Lfunc_end2:
_tile_overlayer_lowered:
.L_overlay_start_2:
0x18f: {  	(tag) =	ssettag $0x2  }
0x190: {  	s0 =	rddreg [dreg:$0x0];
	s2 =	stileid.u32  }
0x191: {  	s1 =	rddreg [dreg:$0x1];
	p0 =	sne.s32 s2, $0x0  }
0x192: {  	s3 =	rddreg [dreg:$0x2];
	[bflag:$0x3] =	sbarrier.arrive $0xFFFF;
	s2 =	simm.s32 @!p0 $0x1C05  }
0x193: {  	[timem:s3], [sflag:s2] =	dma.local @!p0 [hbm:s0], s1  }
0x194: {  	s0 =	simm.s32 @!p0 $0x5  }
0x195: {  	_ =	swait.ge @!p0 [sflag:s0], s1  }
0x196: {  	s1 =	ssub.s32 @!p0 $0x0, s1;
	[sflag:s0] =	ssyncset.done @!p0 $0x0  }
0x197: {  	[sflag:s0] =	ssyncadd.s32 @!p0 s1  }
0x198: {  	[bflag:$0x3] =	sbarrier.arrive $0xFFFF  }
0x199: {  	_ =	shalt  }

</sc_bundles>
